<compile_context>
chip_gen: v7x
topology: tpu7x:2x2x1
jax: 0.10.2.dev20260603
libtpu: 0.0.44.dev20260713+nightly
codegen_flags: <defaults>
</compile_context>

<pallas_src>
import functools

import jax
import jax.numpy as jnp
from jax import lax
from jax.experimental import pallas as pl
from jax.experimental.pallas import tpu as pltpu
from jax.experimental.pallas import tpu_sc as plsc

N = 10000
E = 320000
DH = 128
G = 64
C = 19

NC = 2
NS = 16
B = 128
NB = 160
NBUF = 5
KLA = NBUF - 2
ZB = 64
EP = NS * B * NB
HD = DH // NC
QW = 32
NQ = 4
NPAD = 10240
ROWS_PER_TILE = NPAD // NS
RCH = ROWS_PER_TILE // B

_sc_mesh = plsc.VectorSubcoreMesh(
    core_axis_name="c", subcore_axis_name="s", num_cores=NC, num_subcores=NS)


def _fill_rows(ref, nrows, width, value):
  vec = jnp.full((16,), value, jnp.float32)

  def row(i, _):
    for k in range(width // 16):
      ref[i, pl.ds(k * 16, 16)] = vec
    return 0

  lax.fori_loop(0, nrows, row, 0, unroll=False)


def _make_sc_agg():
  out_type = [jax.ShapeDtypeStruct((NPAD, DH), jnp.float32)]

  scratch = [
      pltpu.VMEM((NB + NBUF, B), jnp.int32),
      pltpu.VMEM((NB, B), jnp.int32),
      [pltpu.VMEM((B, QW), jnp.float32) for _ in range(NBUF)],
      pltpu.VMEM((ZB, QW), jnp.float32),
      pltpu.VMEM_SHARED((NPAD, QW), jnp.float32),
      pltpu.VMEM_SHARED((NPAD, QW), jnp.float32),
      [pltpu.SemaphoreType.DMA for _ in range(NBUF)],
      [pltpu.SemaphoreType.DMA for _ in range(NBUF)],
  ]

  def body(m4_hbm, src_hbm, dst_hbm, out_hbm,
           srcv, dstv, bufs, zbuf, mS, aggS, gsems, ssems):
    c = lax.axis_index("c")
    s = lax.axis_index("s")

    pltpu.sync_copy(src_hbm.at[s], srcv)
    pltpu.sync_copy(dst_hbm.at[s], dstv)
    _fill_rows(zbuf, ZB, QW, 0.0)

    def gather(j, bi):
      pltpu.make_async_copy(mS.at[srcv.at[j]], bufs[bi], gsems[bi]).start()

    def gwait(j, bi):
      pltpu.make_async_copy(mS.at[srcv.at[j]], bufs[bi], gsems[bi]).wait()

    def sstart(j, bi):
      pltpu.async_copy(bufs[bi], aggS.at[dstv.at[j]], ssems[bi], add=True)

    def swait(bi):
      pltpu.make_async_copy(bufs[bi], aggS.at[dstv.at[0]], ssems[bi]).wait()

    def stepj(j, bi, first):
      gwait(j, bi)
      sstart(j, bi)
      sw = (bi + KLA) % NBUF
      if not first:
        swait(sw)
      gather(j + KLA, sw)

    for p in range(2):
      qc = 2 * p + c
      for t in range(ROWS_PER_TILE // ZB):
        pltpu.sync_copy(zbuf, aggS.at[pl.ds(s * ROWS_PER_TILE + t * ZB, ZB)])
      pltpu.sync_copy(
          m4_hbm.at[pl.ds(s * ROWS_PER_TILE, ROWS_PER_TILE),
                    pl.ds(qc * QW, QW)],
          mS.at[pl.ds(s * ROWS_PER_TILE, ROWS_PER_TILE)])
      plsc.subcore_barrier()

      for j in range(KLA):
        gather(j, j)
      for j in range(NBUF):
        stepj(j, j, j < NBUF - KLA)

      def step(g, _):
        for bi in range(NBUF):
          stepj(g * NBUF + bi, bi, False)
        return 0

      lax.fori_loop(1, NB // NBUF, step, 0, unroll=False)
      for i in range(KLA):
        gwait(NB + i, i)
      swait(NBUF - 2)
      swait(NBUF - 1)
      plsc.subcore_barrier()

      for t in range(RCH):
        r = (s * RCH + t) * B
        pltpu.sync_copy(aggS.at[pl.ds(r, B)],
                        out_hbm.at[pl.ds(r, B), pl.ds(qc * QW, QW)])

  return pl.kernel(
      body, out_type=out_type, mesh=_sc_mesh, scratch_types=scratch,
      compiler_params=pltpu.CompilerParams(use_tc_tiling_on_sc=False))


NBD = EP // (NC * NS * B)


def _make_sc_deg():
  out_type = [jax.ShapeDtypeStruct((NC, NPAD, 16), jnp.float32)]
  scratch = [
      pltpu.VMEM((NBD, B), jnp.int32),
      pltpu.VMEM((B, 16), jnp.float32),
      pltpu.VMEM((B, 16), jnp.float32),
      pltpu.VMEM_SHARED((NPAD, 16), jnp.float32),
  ]

  def body(dst_hbm, out_hbm, dstv, onesv, z16, degS):
    c = lax.axis_index("c")
    s = lax.axis_index("s")
    w = c * NS + s

    pltpu.sync_copy(dst_hbm.at[w], dstv)
    _fill_rows(onesv, B, 16, 1.0)
    _fill_rows(z16, B, 16, 0.0)
    for t in range(RCH):
      pltpu.sync_copy(z16, degS.at[pl.ds((s * RCH + t) * B, B)])
    plsc.subcore_barrier()

    def step(j, _):
      pltpu.sync_copy(onesv, degS.at[dstv.at[j]], add=True)
      return 0

    lax.fori_loop(0, NBD, step, 0, unroll=False)
    plsc.subcore_barrier()

    for t in range(RCH):
      r = (s * RCH + t) * B
      pltpu.sync_copy(degS.at[pl.ds(r, B)], out_hbm.at[c, pl.ds(r, B)])

  return pl.kernel(
      body, out_type=out_type, mesh=_sc_mesh, scratch_types=scratch,
      compiler_params=pltpu.CompilerParams(use_tc_tiling_on_sc=False))


_sc_agg = _make_sc_agg()
_sc_deg = _make_sc_deg()

BLK = 1000
NBLK = N // BLK


def _tc1_body(x_ref, wn_ref, ws_ref, m_ref, s_ref):
  xb = x_ref[...]
  m_ref[...] = jnp.dot(xb, wn_ref[...], preferred_element_type=jnp.float32)
  s_ref[...] = jnp.dot(xb, ws_ref[...], preferred_element_type=jnp.float32)


def _tc1(x, wn, ws):
  return pl.pallas_call(
      _tc1_body,
      grid=(NBLK,),
      in_specs=[
          pl.BlockSpec((BLK, DH), lambda i: (i, 0)),
          pl.BlockSpec((DH, DH), lambda i: (0, 0)),
          pl.BlockSpec((DH, DH), lambda i: (0, 0)),
      ],
      out_specs=[
          pl.BlockSpec((BLK, DH), lambda i: (i, 0)),
          pl.BlockSpec((BLK, DH), lambda i: (i, 0)),
      ],
      out_shape=[
          jax.ShapeDtypeStruct((NPAD, DH), jnp.float32),
          jax.ShapeDtypeStruct((N, DH), jnp.float32),
      ],
  )(x, wn, ws)


def _combine(s_ref, a_ref, d_ref):
  deg = d_ref[0, :, 0:1] + d_ref[1, :, 0:1]
  h = s_ref[...] + a_ref[...] / jnp.maximum(deg, 1.0)
  return jnp.where(h > 0, h, jnp.exp(h) - 1.0)


def _tc2_body(s_ref, a_ref, d_ref, wn_ref, ws_ref, m_ref, o_ref):
  h = _combine(s_ref, a_ref, d_ref)
  m_ref[...] = jnp.dot(h, wn_ref[...], preferred_element_type=jnp.float32)
  o_ref[...] = jnp.dot(h, ws_ref[...], preferred_element_type=jnp.float32)


def _tc2(s1, agg1, degw, wn, ws):
  return pl.pallas_call(
      _tc2_body,
      grid=(NBLK,),
      in_specs=[
          pl.BlockSpec((BLK, DH), lambda i: (i, 0)),
          pl.BlockSpec((BLK, DH), lambda i: (i, 0)),
          pl.BlockSpec((NC, BLK, 16), lambda i: (0, i, 0)),
          pl.BlockSpec((DH, DH), lambda i: (0, 0)),
          pl.BlockSpec((DH, DH), lambda i: (0, 0)),
      ],
      out_specs=[
          pl.BlockSpec((BLK, DH), lambda i: (i, 0)),
          pl.BlockSpec((BLK, DH), lambda i: (i, 0)),
      ],
      out_shape=[
          jax.ShapeDtypeStruct((NPAD, DH), jnp.float32),
          jax.ShapeDtypeStruct((N, DH), jnp.float32),
      ],
  )(s1, agg1, degw, wn, ws)


def _tc3_body(gid_ref, s_ref, a_ref, d_ref, emb_ref, sent_ref):
  i = pl.program_id(0)
  emb = _combine(s_ref, a_ref, d_ref)
  emb_ref[...] = emb

  @pl.when(i == 0)
  def _():
    sent_ref[...] = jnp.full((G, DH), -jnp.inf, jnp.float32)

  gid = gid_ref[...]
  gmin = jnp.min(gid)
  gmax = jnp.max(gid)

  def gbody(g, _):
    v = jnp.max(jnp.where(gid == g, emb, -jnp.inf), axis=0, keepdims=True)
    cur = sent_ref[pl.ds(g, 1), :]
    sent_ref[pl.ds(g, 1), :] = jnp.maximum(cur, v)
    return 0

  lax.fori_loop(gmin, gmax + 1, gbody, 0, unroll=False)


def _tc3(gid2d, s2, agg2, degw):
  return pl.pallas_call(
      _tc3_body,
      grid=(NBLK,),
      in_specs=[
          pl.BlockSpec((BLK, 1), lambda i: (i, 0)),
          pl.BlockSpec((BLK, DH), lambda i: (i, 0)),
          pl.BlockSpec((BLK, DH), lambda i: (i, 0)),
          pl.BlockSpec((NC, BLK, 16), lambda i: (0, i, 0)),
      ],
      out_specs=[
          pl.BlockSpec((BLK, DH), lambda i: (i, 0)),
          pl.BlockSpec((G, DH), lambda i: (0, 0)),
      ],
      out_shape=[
          jax.ShapeDtypeStruct((N, DH), jnp.float32),
          jax.ShapeDtypeStruct((G, DH), jnp.float32),
      ],
  )(gid2d, s2, agg2, degw)


def _tc4_body(e1_ref, e2_ref, sent_ref, emb_ref, tgt_ref, wl_ref, bl_ref,
              pred_ref, loss_ref):
  emb = emb_ref[...]
  nodes = lax.broadcasted_iota(jnp.int32, (G, N), 1)
  oh1 = (nodes == e1_ref[...]).astype(jnp.float32)
  oh2 = (nodes == e2_ref[...]).astype(jnp.float32)
  e1rows = jnp.dot(oh1, emb, preferred_element_type=jnp.float32)
  e2rows = jnp.dot(oh2, emb, preferred_element_type=jnp.float32)
  h = jnp.concatenate([sent_ref[...], e1rows, e2rows], axis=1)
  logits = jnp.dot(h, wl_ref[...], preferred_element_type=jnp.float32)
  logits = logits + bl_ref[...]
  mx = jnp.max(logits, axis=1, keepdims=True)
  lse = mx + jnp.log(jnp.sum(jnp.exp(logits - mx), axis=1, keepdims=True))
  logp = logits - lse
  cols = lax.broadcasted_iota(jnp.int32, (G, C), 1)
  onehot = cols == tgt_ref[...]
  picked = jnp.sum(jnp.where(onehot, logp, 0.0), axis=1)
  ce = -jnp.mean(picked)
  loss = ce + 0.003 * jnp.mean(jnp.sum(h * h, axis=1))
  loss_ref[...] = jnp.reshape(loss, (1, 1))
  pred = jnp.min(jnp.where(logits == mx, cols, C), axis=1)
  pred_ref[...] = pred.reshape(G, 1)


def _tc4(e1_idx, e2_idx, sent, emb, tgt2d, wl, bl2d):
  return pl.pallas_call(
      _tc4_body,
      in_specs=[
          pl.BlockSpec((G, 1), lambda: (0, 0)),
          pl.BlockSpec((G, 1), lambda: (0, 0)),
          pl.BlockSpec((G, DH), lambda: (0, 0)),
          pl.BlockSpec((N, DH), lambda: (0, 0)),
          pl.BlockSpec((G, 1), lambda: (0, 0)),
          pl.BlockSpec((3 * DH, C), lambda: (0, 0)),
          pl.BlockSpec((1, C), lambda: (0, 0)),
      ],
      out_specs=[
          pl.BlockSpec((G, 1), lambda: (0, 0)),
          pl.BlockSpec((1, 1), lambda: (0, 0)),
      ],
      out_shape=[
          jax.ShapeDtypeStruct((G, 1), jnp.int32),
          jax.ShapeDtypeStruct((1, 1), jnp.float32),
      ],
  )(e1_idx, e2_idx, sent, emb, tgt2d, wl, bl2d)


def kernel(x, edge_index, graph_ids, e1_idx, e2_idx, tgt,
           W_self1, W_neigh1, W_self2, W_neigh2, W_lin, b_lin):
  src = edge_index[0]
  dst = edge_index[1]
  pad = EP - E
  srcp = jnp.concatenate([src, jnp.zeros((pad,), jnp.int32)])
  dstp = jnp.concatenate([dst, jnp.full((pad,), N, jnp.int32)])
  src3 = jnp.concatenate(
      [srcp.reshape(NS, NB, B),
       jnp.zeros((NS, NBUF, B), jnp.int32)], axis=1)
  dst3 = dstp.reshape(NS, NB, B)
  dst4 = dstp.reshape(NC * NS, NBD, B)
  gid2d = graph_ids.reshape(N, 1)
  tgt2d = tgt.reshape(G, 1).astype(jnp.int32)
  bl2d = b_lin.reshape(1, C)

  m1, s1 = _tc1(x, W_neigh1, W_self1)
  degw, = _sc_deg(dst4)
  agg1, = _sc_agg(m1, src3, dst3)
  m2, s2 = _tc2(s1, agg1, degw, W_neigh2, W_self2)
  agg2, = _sc_agg(m2, src3, dst3)
  emb, sent = _tc3(gid2d, s2, agg2, degw)
  pred2, loss2 = _tc4(e1_idx.reshape(G, 1), e2_idx.reshape(G, 1),
                      sent, emb, tgt2d, W_lin, bl2d)
  return pred2[:, 0], loss2[0, 0]

# --- scband reference (transcript-rebuilt; emitter-appended) ---
"""Pipeline reference for scband-word2tag-45543833207020 (READ-ONLY COPY).

The authoritative reference and input builder live on the scoring server;
editing this copy changes nothing except your own understanding.
"""

import jax, jax.numpy as jnp
import numpy as np

N = 10000      # total nodes in batched graph
E = 320000     # total edges
D = 128        # init_hidden_size (input feat dim)
H = 128        # hidden_size (gnn output dim)
G = 64         # number of graphs in the batch
C = 19         # num_class


def setup_inputs(seed: int = 0) -> dict:
    key = jax.random.key(seed)
    ks = jax.random.split(key, 12)
    x = jax.random.normal(ks[0], (N, D), dtype=jnp.float32)
    edge_index = jax.random.randint(ks[1], (2, E), 0, N, dtype=jnp.int32)
    graph_ids = jnp.sort(jax.random.randint(ks[2], (N,), 0, G, dtype=jnp.int32))
    e1_idx = jax.random.randint(ks[3], (G,), 0, N, dtype=jnp.int32)
    e2_idx = jax.random.randint(ks[4], (G,), 0, N, dtype=jnp.int32)
    tgt = jax.random.randint(ks[5], (G,), 0, C, dtype=jnp.int32)
    s1 = 1.0 / np.sqrt(D)
    s2 = 1.0 / np.sqrt(H)
    W_self1 = jax.random.normal(ks[6], (D, H), dtype=jnp.float32) * s1
    W_neigh1 = jax.random.normal(ks[7], (D, H), dtype=jnp.float32) * s1
    W_self2 = jax.random.normal(ks[8], (H, H), dtype=jnp.float32) * s2
    W_neigh2 = jax.random.normal(ks[9], (H, H), dtype=jnp.float32) * s2
    W_lin = jax.random.normal(ks[10], (3 * H, C), dtype=jnp.float32) * (1.0 / np.sqrt(3 * H))
    b_lin = jnp.zeros((C,), dtype=jnp.float32)
    return {"x": x, "edge_index": edge_index, "graph_ids": graph_ids,
            "e1_idx": e1_idx, "e2_idx": e2_idx, "tgt": tgt,
            "W_self1": W_self1, "W_neigh1": W_neigh1,
            "W_self2": W_self2, "W_neigh2": W_neigh2,
            "W_lin": W_lin, "b_lin": b_lin}


def reference(x, edge_index, graph_ids, e1_idx, e2_idx, tgt,
              W_self1, W_neigh1, W_self2, W_neigh2, W_lin, b_lin):
    src = edge_index[0]
    dst = edge_index[1]

    def sage_layer(h, Ws, Wn):
        # GraphSAGE with mean aggregator: gather source feats, scatter-add to dst,
        # normalize by in-degree, combine with self transform, elu activation.
        msgs = jnp.take(h, src, axis=0)
        agg = jax.ops.segment_sum(msgs, dst, num_segments=N)
        deg = jax.ops.segment_sum(jnp.ones((E,), dtype=jnp.float32), dst, num_segments=N)
        agg = agg / jnp.maximum(deg, 1.0)[:, None]
        return jax.nn.elu(h @ Ws + agg @ Wn)

    h1 = sage_layer(x, W_self1, W_neigh1)
    node_emb = sage_layer(h1, W_self2, W_neigh2)

    # per-graph max pooling (sentence repr) + entity reps gathered by position
    sent = jax.ops.segment_max(node_emb, graph_ids, num_segments=G)
    e1 = jnp.take(node_emb, e1_idx, axis=0)
    e2 = jnp.take(node_emb, e2_idx, axis=0)
    h = jnp.concatenate([sent, e1, e2], axis=1)  # [G, 3H]

    logits = h @ W_lin + b_lin
    logp = jax.nn.log_softmax(logits, axis=1)
    ce = -jnp.mean(jnp.take_along_axis(logp, tgt[:, None].astype(jnp.int32), axis=1))
    loss = ce + 0.003 * jnp.mean(jnp.sum(h ** 2, axis=1))
    pred = jnp.argmax(logits, axis=1)
    return (pred, loss)

if __name__ == "__main__":
    import jax
    _d = setup_inputs()
    print(jax.jit(kernel)(*tuple(_d.values())))

</pallas_src>

<mosaic_0001>
#map = affine_map<(d0, d1) -> (0, 0, 0)>
module attributes {stable_mosaic.version = 14 : i64} {
  func.func @body(%arg0: i32, %arg1: i32, %arg2: memref<32x80x128xi32, #tpu.memory_space<hbm>>, %arg3: memref<2x10240x16xf32, #tpu.memory_space<hbm>>, %arg4: memref<80x128xi32, #tpu.memory_space<vmem>>, %arg5: memref<128x16xf32, #tpu.memory_space<vmem>>, %arg6: memref<128x16xf32, #tpu.memory_space<vmem>>, %arg7: memref<10240x16xf32, #tpu.memory_space<vmem_shared>>) attributes {dimension_semantics = [#tpu.dimension_semantics<core_parallel>, #tpu.dimension_semantics<subcore_parallel>], iteration_bounds = array<i64: 2, 16>, scalar_prefetch = 0 : i64, scratch_operands = 4 : i64, tpu.core_type = #tpu.core_type<sc_vector_subcore>, window_params = [{transform_indices = #map}, {transform_indices = #map}]} {
    %mul3A = arith.constant 16 : i32
    %mul3A_0 = arith.muli %arg0, %mul3A : i32
    %add3A = arith.addi %mul3A_0, %arg1 : i32
    "tpu.region"() ({
      %run_scoped3A = tpu.sem_alloc : memref<!tpu.dma_semaphore, #tpu.memory_space<semaphore_mem>>
      %dma_start3A = arith.constant 0 : i32
      %dma_start3A_85 = arith.constant 0 : i32
      %dma_start3A_86 = tpu.memref_slice %arg2[%add3A, %dma_start3A, %dma_start3A_85] : memref<32x80x128xi32, #tpu.memory_space<hbm>> -> memref<1x80x128xi32, #tpu.memory_space<hbm>>
      %dma_start3A_87 = tpu.memref_squeeze %dma_start3A_86 : memref<1x80x128xi32, #tpu.memory_space<hbm>> -> memref<80x128xi32, #tpu.memory_space<hbm>>
      %dma_start3A_88 = arith.constant 0 : i32
      %dma_start3A_89 = arith.constant 0 : i32
      %dma_start3A_90 = tpu.memref_slice %arg2[%add3A, %dma_start3A_88, %dma_start3A_89] : memref<32x80x128xi32, #tpu.memory_space<hbm>> -> memref<1x80x128xi32, #tpu.memory_space<hbm>>
      %dma_start3A_91 = tpu.memref_squeeze %dma_start3A_90 : memref<1x80x128xi32, #tpu.memory_space<hbm>> -> memref<80x128xi32, #tpu.memory_space<hbm>>
      tpu.enqueue_dma source(%dma_start3A_91 : memref<80x128xi32, #tpu.memory_space<hbm>>) target(%arg4 : memref<80x128xi32, #tpu.memory_space<vmem>>) target_semaphore(%run_scoped3A : memref<!tpu.dma_semaphore, #tpu.memory_space<semaphore_mem>>)
      %dma_wait3A = arith.constant 0 : i32
      %dma_wait3A_92 = arith.constant 0 : i32
      %dma_wait3A_93 = tpu.memref_slice %arg2[%add3A, %dma_wait3A, %dma_wait3A_92] : memref<32x80x128xi32, #tpu.memory_space<hbm>> -> memref<1x80x128xi32, #tpu.memory_space<hbm>>
      %dma_wait3A_94 = tpu.memref_squeeze %dma_wait3A_93 : memref<1x80x128xi32, #tpu.memory_space<hbm>> -> memref<80x128xi32, #tpu.memory_space<hbm>>
      %dma_wait3A_95 = arith.constant 0 : i32
      %dma_wait3A_96 = arith.constant 0 : i32
      %dma_wait3A_97 = tpu.memref_slice %arg2[%add3A, %dma_wait3A_95, %dma_wait3A_96] : memref<32x80x128xi32, #tpu.memory_space<hbm>> -> memref<1x80x128xi32, #tpu.memory_space<hbm>>
      %dma_wait3A_98 = tpu.memref_squeeze %dma_wait3A_97 : memref<1x80x128xi32, #tpu.memory_space<hbm>> -> memref<80x128xi32, #tpu.memory_space<hbm>>
      tpu.wait_dma2 semaphore(%run_scoped3A : memref<!tpu.dma_semaphore, #tpu.memory_space<semaphore_mem>>) src(%dma_wait3A_98 : memref<80x128xi32, #tpu.memory_space<hbm>>) dst(%arg4 : memref<80x128xi32, #tpu.memory_space<vmem>>)
      tpu.yield
    }) : () -> ()
    %broadcast_in_dim3A = arith.constant 1.000000e+00 : f32
    %broadcast_in_dim3A_1 = vector.broadcast %broadcast_in_dim3A : f32 to vector<16xf32>
    %scan3A = arith.constant 0 : i32
    %scan3A_2 = arith.constant 0 : i32
    %scan3A_3 = arith.constant 128 : i32
    %scan3A_4 = arith.addi %scan3A_2, %scan3A_3 : i32
    %scan3A_5 = arith.constant 1 : i32
    %scan3A_6 = scf.for %scan3A_85 = %scan3A_2 to %scan3A_4 step %scan3A_5 iter_args(%scan3A_86 = %scan3A) -> (i32)  : i32 {
      %swap3A = arith.index_cast %scan3A_85 : i32 to index
      %swap3A_87 = arith.constant 0 : index
      %swap3A_88 = tpu.vector_load %arg5[%swap3A, %swap3A_87] {strides = array<i32>} : memref<128x16xf32, #tpu.memory_space<vmem>>, vector<1x16xf32>,
      %swap3A_89 = vector.shape_cast %swap3A_88 : vector<1x16xf32> to vector<16xf32>
      %swap3A_90 = vector.shape_cast %broadcast_in_dim3A_1 : vector<16xf32> to vector<1x16xf32>
      tpu.vector_store %arg5[%swap3A, %swap3A_87], %swap3A_90 {strides = array<i32>} : memref<128x16xf32, #tpu.memory_space<vmem>>, vector<1x16xf32>,
      %scan3A_91 = arith.constant 0 : i32
      scf.yield %scan3A_91 : i32
    }
    %scan3A_7 = arith.constant 128 : i32
    %broadcast_in_dim3A_8 = arith.constant 0.000000e+00 : f32
    %broadcast_in_dim3A_9 = vector.broadcast %broadcast_in_dim3A_8 : f32 to vector<16xf32>
    %scan3A_10 = arith.constant 0 : i32
    %scan3A_11 = arith.constant 0 : i32
    %scan3A_12 = arith.constant 128 : i32
    %scan3A_13 = arith.addi %scan3A_11, %scan3A_12 : i32
    %scan3A_14 = arith.constant 1 : i32
    %scan3A_15 = scf.for %scan3A_85 = %scan3A_11 to %scan3A_13 step %scan3A_14 iter_args(%scan3A_86 = %scan3A_10) -> (i32)  : i32 {
      %swap3A = arith.index_cast %scan3A_85 : i32 to index
      %swap3A_87 = arith.constant 0 : index
      %swap3A_88 = tpu.vector_load %arg6[%swap3A, %swap3A_87] {strides = array<i32>} : memref<128x16xf32, #tpu.memory_space<vmem>>, vector<1x16xf32>,
      %swap3A_89 = vector.shape_cast %swap3A_88 : vector<1x16xf32> to vector<16xf32>
      %swap3A_90 = vector.shape_cast %broadcast_in_dim3A_9 : vector<16xf32> to vector<1x16xf32>
      tpu.vector_store %arg6[%swap3A, %swap3A_87], %swap3A_90 {strides = array<i32>} : memref<128x16xf32, #tpu.memory_space<vmem>>, vector<1x16xf32>,
      %scan3A_91 = arith.constant 0 : i32
      scf.yield %scan3A_91 : i32
    }
    %scan3A_16 = arith.constant 128 : i32
    %mul3A_17 = arith.constant 5 : i32
    %mul3A_18 = arith.muli %arg1, %mul3A_17 : i32
    %add3A_19 = arith.constant 0 : i32
    %add3A_20 = arith.addi %mul3A_18, %add3A_19 : i32
    %mul3A_21 = arith.constant 128 : i32
    %mul3A_22 = arith.muli %add3A_20, %mul3A_21 : i32
    "tpu.region"() ({
      %run_scoped3A = tpu.sem_alloc : memref<!tpu.dma_semaphore, #tpu.memory_space<semaphore_mem>>
      %dma_start3A = arith.constant 0 : i32
      %dma_start3A_85 = tpu.memref_slice %arg7[%mul3A_22, %dma_start3A] : memref<10240x16xf32, #tpu.memory_space<vmem_shared>> -> memref<128x16xf32, #tpu.memory_space<vmem_shared>>
      %dma_start3A_86 = arith.constant 0 : i32
      %dma_start3A_87 = tpu.memref_slice %arg7[%mul3A_22, %dma_start3A_86] : memref<10240x16xf32, #tpu.memory_space<vmem_shared>> -> memref<128x16xf32, #tpu.memory_space<vmem_shared>>
      tpu.enqueue_dma source(%arg6 : memref<128x16xf32, #tpu.memory_space<vmem>>) target(%dma_start3A_87 : memref<128x16xf32, #tpu.memory_space<vmem_shared>>) target_semaphore(%run_scoped3A : memref<!tpu.dma_semaphore, #tpu.memory_space<semaphore_mem>>)
      %dma_wait3A = arith.constant 0 : i32
      %dma_wait3A_88 = tpu.memref_slice %arg7[%mul3A_22, %dma_wait3A] : memref<10240x16xf32, #tpu.memory_space<vmem_shared>> -> memref<128x16xf32, #tpu.memory_space<vmem_shared>>
      %dma_wait3A_89 = arith.constant 0 : i32
      %dma_wait3A_90 = tpu.memref_slice %arg7[%mul3A_22, %dma_wait3A_89] : memref<10240x16xf32, #tpu.memory_space<vmem_shared>> -> memref<128x16xf32, #tpu.memory_space<vmem_shared>>
      tpu.wait_dma2 semaphore(%run_scoped3A : memref<!tpu.dma_semaphore, #tpu.memory_space<semaphore_mem>>) src(%arg6 : memref<128x16xf32, #tpu.memory_space<vmem>>) dst(%dma_wait3A_90 : memref<128x16xf32, #tpu.memory_space<vmem_shared>>)
      tpu.yield
    }) : () -> ()
    %mul3A_23 = arith.constant 5 : i32
    %mul3A_24 = arith.muli %arg1, %mul3A_23 : i32
    %add3A_25 = arith.constant 1 : i32
    %add3A_26 = arith.addi %mul3A_24, %add3A_25 : i32
    %mul3A_27 = arith.constant 128 : i32
    %mul3A_28 = arith.muli %add3A_26, %mul3A_27 : i32
    "tpu.region"() ({
      %run_scoped3A = tpu.sem_alloc : memref<!tpu.dma_semaphore, #tpu.memory_space<semaphore_mem>>
      %dma_start3A = arith.constant 0 : i32
      %dma_start3A_85 = tpu.memref_slice %arg7[%mul3A_28, %dma_start3A] : memref<10240x16xf32, #tpu.memory_space<vmem_shared>> -> memref<128x16xf32, #tpu.memory_space<vmem_shared>>
      %dma_start3A_86 = arith.constant 0 : i32
      %dma_start3A_87 = tpu.memref_slice %arg7[%mul3A_28, %dma_start3A_86] : memref<10240x16xf32, #tpu.memory_space<vmem_shared>> -> memref<128x16xf32, #tpu.memory_space<vmem_shared>>
      tpu.enqueue_dma source(%arg6 : memref<128x16xf32, #tpu.memory_space<vmem>>) target(%dma_start3A_87 : memref<128x16xf32, #tpu.memory_space<vmem_shared>>) target_semaphore(%run_scoped3A : memref<!tpu.dma_semaphore, #tpu.memory_space<semaphore_mem>>)
      %dma_wait3A = arith.constant 0 : i32
      %dma_wait3A_88 = tpu.memref_slice %arg7[%mul3A_28, %dma_wait3A] : memref<10240x16xf32, #tpu.memory_space<vmem_shared>> -> memref<128x16xf32, #tpu.memory_space<vmem_shared>>
      %dma_wait3A_89 = arith.constant 0 : i32
      %dma_wait3A_90 = tpu.memref_slice %arg7[%mul3A_28, %dma_wait3A_89] : memref<10240x16xf32, #tpu.memory_space<vmem_shared>> -> memref<128x16xf32, #tpu.memory_space<vmem_shared>>
      tpu.wait_dma2 semaphore(%run_scoped3A : memref<!tpu.dma_semaphore, #tpu.memory_space<semaphore_mem>>) src(%arg6 : memref<128x16xf32, #tpu.memory_space<vmem>>) dst(%dma_wait3A_90 : memref<128x16xf32, #tpu.memory_space<vmem_shared>>)
      tpu.yield
    }) : () -> ()
    %mul3A_29 = arith.constant 5 : i32
    %mul3A_30 = arith.muli %arg1, %mul3A_29 : i32
    %add3A_31 = arith.constant 2 : i32
    %add3A_32 = arith.addi %mul3A_30, %add3A_31 : i32
    %mul3A_33 = arith.constant 128 : i32
    %mul3A_34 = arith.muli %add3A_32, %mul3A_33 : i32
    "tpu.region"() ({
      %run_scoped3A = tpu.sem_alloc : memref<!tpu.dma_semaphore, #tpu.memory_space<semaphore_mem>>
      %dma_start3A = arith.constant 0 : i32
      %dma_start3A_85 = tpu.memref_slice %arg7[%mul3A_34, %dma_start3A] : memref<10240x16xf32, #tpu.memory_space<vmem_shared>> -> memref<128x16xf32, #tpu.memory_space<vmem_shared>>
      %dma_start3A_86 = arith.constant 0 : i32
      %dma_start3A_87 = tpu.memref_slice %arg7[%mul3A_34, %dma_start3A_86] : memref<10240x16xf32, #tpu.memory_space<vmem_shared>> -> memref<128x16xf32, #tpu.memory_space<vmem_shared>>
      tpu.enqueue_dma source(%arg6 : memref<128x16xf32, #tpu.memory_space<vmem>>) target(%dma_start3A_87 : memref<128x16xf32, #tpu.memory_space<vmem_shared>>) target_semaphore(%run_scoped3A : memref<!tpu.dma_semaphore, #tpu.memory_space<semaphore_mem>>)
      %dma_wait3A = arith.constant 0 : i32
      %dma_wait3A_88 = tpu.memref_slice %arg7[%mul3A_34, %dma_wait3A] : memref<10240x16xf32, #tpu.memory_space<vmem_shared>> -> memref<128x16xf32, #tpu.memory_space<vmem_shared>>
      %dma_wait3A_89 = arith.constant 0 : i32
      %dma_wait3A_90 = tpu.memref_slice %arg7[%mul3A_34, %dma_wait3A_89] : memref<10240x16xf32, #tpu.memory_space<vmem_shared>> -> memref<128x16xf32, #tpu.memory_space<vmem_shared>>
      tpu.wait_dma2 semaphore(%run_scoped3A : memref<!tpu.dma_semaphore, #tpu.memory_space<semaphore_mem>>) src(%arg6 : memref<128x16xf32, #tpu.memory_space<vmem>>) dst(%dma_wait3A_90 : memref<128x16xf32, #tpu.memory_space<vmem_shared>>)
      tpu.yield
    }) : () -> ()
    %mul3A_35 = arith.constant 5 : i32
    %mul3A_36 = arith.muli %arg1, %mul3A_35 : i32
    %add3A_37 = arith.constant 3 : i32
    %add3A_38 = arith.addi %mul3A_36, %add3A_37 : i32
    %mul3A_39 = arith.constant 128 : i32
    %mul3A_40 = arith.muli %add3A_38, %mul3A_39 : i32
    "tpu.region"() ({
      %run_scoped3A = tpu.sem_alloc : memref<!tpu.dma_semaphore, #tpu.memory_space<semaphore_mem>>
      %dma_start3A = arith.constant 0 : i32
      %dma_start3A_85 = tpu.memref_slice %arg7[%mul3A_40, %dma_start3A] : memref<10240x16xf32, #tpu.memory_space<vmem_shared>> -> memref<128x16xf32, #tpu.memory_space<vmem_shared>>
      %dma_start3A_86 = arith.constant 0 : i32
      %dma_start3A_87 = tpu.memref_slice %arg7[%mul3A_40, %dma_start3A_86] : memref<10240x16xf32, #tpu.memory_space<vmem_shared>> -> memref<128x16xf32, #tpu.memory_space<vmem_shared>>
      tpu.enqueue_dma source(%arg6 : memref<128x16xf32, #tpu.memory_space<vmem>>) target(%dma_start3A_87 : memref<128x16xf32, #tpu.memory_space<vmem_shared>>) target_semaphore(%run_scoped3A : memref<!tpu.dma_semaphore, #tpu.memory_space<semaphore_mem>>)
      %dma_wait3A = arith.constant 0 : i32
      %dma_wait3A_88 = tpu.memref_slice %arg7[%mul3A_40, %dma_wait3A] : memref<10240x16xf32, #tpu.memory_space<vmem_shared>> -> memref<128x16xf32, #tpu.memory_space<vmem_shared>>
      %dma_wait3A_89 = arith.constant 0 : i32
      %dma_wait3A_90 = tpu.memref_slice %arg7[%mul3A_40, %dma_wait3A_89] : memref<10240x16xf32, #tpu.memory_space<vmem_shared>> -> memref<128x16xf32, #tpu.memory_space<vmem_shared>>
      tpu.wait_dma2 semaphore(%run_scoped3A : memref<!tpu.dma_semaphore, #tpu.memory_space<semaphore_mem>>) src(%arg6 : memref<128x16xf32, #tpu.memory_space<vmem>>) dst(%dma_wait3A_90 : memref<128x16xf32, #tpu.memory_space<vmem_shared>>)
      tpu.yield
    }) : () -> ()
    %mul3A_41 = arith.constant 5 : i32
    %mul3A_42 = arith.muli %arg1, %mul3A_41 : i32
    %add3A_43 = arith.constant 4 : i32
    %add3A_44 = arith.addi %mul3A_42, %add3A_43 : i32
    %mul3A_45 = arith.constant 128 : i32
    %mul3A_46 = arith.muli %add3A_44, %mul3A_45 : i32
    "tpu.region"() ({
      %run_scoped3A = tpu.sem_alloc : memref<!tpu.dma_semaphore, #tpu.memory_space<semaphore_mem>>
      %dma_start3A = arith.constant 0 : i32
      %dma_start3A_85 = tpu.memref_slice %arg7[%mul3A_46, %dma_start3A] : memref<10240x16xf32, #tpu.memory_space<vmem_shared>> -> memref<128x16xf32, #tpu.memory_space<vmem_shared>>
      %dma_start3A_86 = arith.constant 0 : i32
      %dma_start3A_87 = tpu.memref_slice %arg7[%mul3A_46, %dma_start3A_86] : memref<10240x16xf32, #tpu.memory_space<vmem_shared>> -> memref<128x16xf32, #tpu.memory_space<vmem_shared>>
      tpu.enqueue_dma source(%arg6 : memref<128x16xf32, #tpu.memory_space<vmem>>) target(%dma_start3A_87 : memref<128x16xf32, #tpu.memory_space<vmem_shared>>) target_semaphore(%run_scoped3A : memref<!tpu.dma_semaphore, #tpu.memory_space<semaphore_mem>>)
      %dma_wait3A = arith.constant 0 : i32
      %dma_wait3A_88 = tpu.memref_slice %arg7[%mul3A_46, %dma_wait3A] : memref<10240x16xf32, #tpu.memory_space<vmem_shared>> -> memref<128x16xf32, #tpu.memory_space<vmem_shared>>
      %dma_wait3A_89 = arith.constant 0 : i32
      %dma_wait3A_90 = tpu.memref_slice %arg7[%mul3A_46, %dma_wait3A_89] : memref<10240x16xf32, #tpu.memory_space<vmem_shared>> -> memref<128x16xf32, #tpu.memory_space<vmem_shared>>
      tpu.wait_dma2 semaphore(%run_scoped3A : memref<!tpu.dma_semaphore, #tpu.memory_space<semaphore_mem>>) src(%arg6 : memref<128x16xf32, #tpu.memory_space<vmem>>) dst(%dma_wait3A_90 : memref<128x16xf32, #tpu.memory_space<vmem_shared>>)
      tpu.yield
    }) : () -> ()
    %barrier3A = arith.constant 0 : index
    tpu.barrier barrier_id(%barrier3A)
    %scan3A_47 = arith.constant 0 : i32
    %scan3A_48 = arith.constant 0 : i32
    %scan3A_49 = arith.constant 80 : i32
    %scan3A_50 = arith.addi %scan3A_48, %scan3A_49 : i32
    %scan3A_51 = arith.constant 1 : i32
    %scan3A_52 = scf.for %scan3A_85 = %scan3A_48 to %scan3A_50 step %scan3A_51 iter_args(%scan3A_86 = %scan3A_47) -> (i32)  : i32 {
      "tpu.region"() ({
        %run_scoped3A = tpu.sem_alloc : memref<!tpu.dma_semaphore, #tpu.memory_space<semaphore_mem>>
        %dma_start3A = arith.constant 0 : i32
        %dma_start3A_88 = tpu.memref_slice %arg4[%scan3A_85, %dma_start3A] : memref<80x128xi32, #tpu.memory_space<vmem>> -> memref<1x128xi32, #tpu.memory_space<vmem>>
        %dma_start3A_89 = tpu.memref_squeeze %dma_start3A_88 : memref<1x128xi32, #tpu.memory_space<vmem>> -> memref<128xi32, #tpu.memory_space<vmem>>
        %dma_start3A_90 = arith.constant 0 : i32
        %dma_start3A_91 = arith.constant 0 : i32
        %dma_start3A_92 = tpu.memref_slice %arg7[%dma_start3A_90, %dma_start3A_91] : memref<10240x16xf32, #tpu.memory_space<vmem_shared>> -> memref<10240x16xf32, #tpu.memory_space<vmem_shared>>
        tpu.enqueue_indirect_dma source(%arg5 : memref<128x16xf32, #tpu.memory_space<vmem>>) target(%dma_start3A_92 : memref<10240x16xf32, #tpu.memory_space<vmem_shared>>) offsets(%dma_start3A_89 : memref<128xi32, #tpu.memory_space<vmem>>) semaphore(%run_scoped3A : memref<!tpu.dma_semaphore, #tpu.memory_space<semaphore_mem>>) {add = true}
        %dma_wait3A = arith.constant 0 : i32
        %dma_wait3A_93 = tpu.memref_slice %arg4[%scan3A_85, %dma_wait3A] : memref<80x128xi32, #tpu.memory_space<vmem>> -> memref<1x128xi32, #tpu.memory_space<vmem>>
        %dma_wait3A_94 = tpu.memref_squeeze %dma_wait3A_93 : memref<1x128xi32, #tpu.memory_space<vmem>> -> memref<128xi32, #tpu.memory_space<vmem>>
        %dma_wait3A_95 = arith.constant 0 : i32
        %dma_wait3A_96 = arith.constant 0 : i32
        %dma_wait3A_97 = tpu.memref_slice %arg7[%dma_wait3A_95, %dma_wait3A_96] : memref<10240x16xf32, #tpu.memory_space<vmem_shared>> -> memref<10240x16xf32, #tpu.memory_space<vmem_shared>>
        tpu.wait_indirect_dma semaphore(%run_scoped3A : memref<!tpu.dma_semaphore, #tpu.memory_space<semaphore_mem>>) src(%arg5 : memref<128x16xf32, #tpu.memory_space<vmem>>) dst(%dma_wait3A_97 : memref<10240x16xf32, #tpu.memory_space<vmem_shared>>)
        tpu.yield
      }) : () -> ()
      %scan3A_87 = arith.constant 0 : i32
      scf.yield %scan3A_87 : i32
    }
    %scan3A_53 = arith.constant 80 : i32
    %barrier3A_54 = arith.constant 0 : index
    tpu.barrier barrier_id(%barrier3A_54)
    %mul3A_55 = arith.constant 5 : i32
    %mul3A_56 = arith.muli %arg1, %mul3A_55 : i32
    %add3A_57 = arith.constant 0 : i32
    %add3A_58 = arith.addi %mul3A_56, %add3A_57 : i32
    %mul3A_59 = arith.constant 128 : i32
    %mul3A_60 = arith.muli %add3A_58, %mul3A_59 : i32
    "tpu.region"() ({
      %run_scoped3A = tpu.sem_alloc : memref<!tpu.dma_semaphore, #tpu.memory_space<semaphore_mem>>
      %dma_start3A = arith.constant 0 : i32
      %dma_start3A_85 = tpu.memref_slice %arg3[%arg0, %mul3A_60, %dma_start3A] : memref<2x10240x16xf32, #tpu.memory_space<hbm>> -> memref<1x128x16xf32, #tpu.memory_space<hbm>>
      %dma_start3A_86 = tpu.memref_squeeze %dma_start3A_85 : memref<1x128x16xf32, #tpu.memory_space<hbm>> -> memref<128x16xf32, #tpu.memory_space<hbm>>
      %dma_start3A_87 = arith.constant 0 : i32
      %dma_start3A_88 = tpu.memref_slice %arg7[%mul3A_60, %dma_start3A_87] : memref<10240x16xf32, #tpu.memory_space<vmem_shared>> -> memref<128x16xf32, #tpu.memory_space<vmem_shared>>
      tpu.enqueue_dma source(%dma_start3A_88 : memref<128x16xf32, #tpu.memory_space<vmem_shared>>) target(%dma_start3A_86 : memref<128x16xf32, #tpu.memory_space<hbm>>) target_semaphore(%run_scoped3A : memref<!tpu.dma_semaphore, #tpu.memory_space<semaphore_mem>>)
      %dma_wait3A = arith.constant 0 : i32
      %dma_wait3A_89 = tpu.memref_slice %arg3[%arg0, %mul3A_60, %dma_wait3A] : memref<2x10240x16xf32, #tpu.memory_space<hbm>> -> memref<1x128x16xf32, #tpu.memory_space<hbm>>
      %dma_wait3A_90 = tpu.memref_squeeze %dma_wait3A_89 : memref<1x128x16xf32, #tpu.memory_space<hbm>> -> memref<128x16xf32, #tpu.memory_space<hbm>>
      %dma_wait3A_91 = arith.constant 0 : i32
      %dma_wait3A_92 = tpu.memref_slice %arg7[%mul3A_60, %dma_wait3A_91] : memref<10240x16xf32, #tpu.memory_space<vmem_shared>> -> memref<128x16xf32, #tpu.memory_space<vmem_shared>>
      tpu.wait_dma2 semaphore(%run_scoped3A : memref<!tpu.dma_semaphore, #tpu.memory_space<semaphore_mem>>) src(%dma_wait3A_92 : memref<128x16xf32, #tpu.memory_space<vmem_shared>>) dst(%dma_wait3A_90 : memref<128x16xf32, #tpu.memory_space<hbm>>)
      tpu.yield
    }) : () -> ()
    %mul3A_61 = arith.constant 5 : i32
    %mul3A_62 = arith.muli %arg1, %mul3A_61 : i32
    %add3A_63 = arith.constant 1 : i32
    %add3A_64 = arith.addi %mul3A_62, %add3A_63 : i32
    %mul3A_65 = arith.constant 128 : i32
    %mul3A_66 = arith.muli %add3A_64, %mul3A_65 : i32
    "tpu.region"() ({
      %run_scoped3A = tpu.sem_alloc : memref<!tpu.dma_semaphore, #tpu.memory_space<semaphore_mem>>
      %dma_start3A = arith.constant 0 : i32
      %dma_start3A_85 = tpu.memref_slice %arg3[%arg0, %mul3A_66, %dma_start3A] : memref<2x10240x16xf32, #tpu.memory_space<hbm>> -> memref<1x128x16xf32, #tpu.memory_space<hbm>>
      %dma_start3A_86 = tpu.memref_squeeze %dma_start3A_85 : memref<1x128x16xf32, #tpu.memory_space<hbm>> -> memref<128x16xf32, #tpu.memory_space<hbm>>
      %dma_start3A_87 = arith.constant 0 : i32
      %dma_start3A_88 = tpu.memref_slice %arg7[%mul3A_66, %dma_start3A_87] : memref<10240x16xf32, #tpu.memory_space<vmem_shared>> -> memref<128x16xf32, #tpu.memory_space<vmem_shared>>
      tpu.enqueue_dma source(%dma_start3A_88 : memref<128x16xf32, #tpu.memory_space<vmem_shared>>) target(%dma_start3A_86 : memref<128x16xf32, #tpu.memory_space<hbm>>) target_semaphore(%run_scoped3A : memref<!tpu.dma_semaphore, #tpu.memory_space<semaphore_mem>>)
      %dma_wait3A = arith.constant 0 : i32
      %dma_wait3A_89 = tpu.memref_slice %arg3[%arg0, %mul3A_66, %dma_wait3A] : memref<2x10240x16xf32, #tpu.memory_space<hbm>> -> memref<1x128x16xf32, #tpu.memory_space<hbm>>
      %dma_wait3A_90 = tpu.memref_squeeze %dma_wait3A_89 : memref<1x128x16xf32, #tpu.memory_space<hbm>> -> memref<128x16xf32, #tpu.memory_space<hbm>>
      %dma_wait3A_91 = arith.constant 0 : i32
      %dma_wait3A_92 = tpu.memref_slice %arg7[%mul3A_66, %dma_wait3A_91] : memref<10240x16xf32, #tpu.memory_space<vmem_shared>> -> memref<128x16xf32, #tpu.memory_space<vmem_shared>>
      tpu.wait_dma2 semaphore(%run_scoped3A : memref<!tpu.dma_semaphore, #tpu.memory_space<semaphore_mem>>) src(%dma_wait3A_92 : memref<128x16xf32, #tpu.memory_space<vmem_shared>>) dst(%dma_wait3A_90 : memref<128x16xf32, #tpu.memory_space<hbm>>)
      tpu.yield
    }) : () -> ()
    %mul3A_67 = arith.constant 5 : i32
    %mul3A_68 = arith.muli %arg1, %mul3A_67 : i32
    %add3A_69 = arith.constant 2 : i32
    %add3A_70 = arith.addi %mul3A_68, %add3A_69 : i32
    %mul3A_71 = arith.constant 128 : i32
    %mul3A_72 = arith.muli %add3A_70, %mul3A_71 : i32
    "tpu.region"() ({
      %run_scoped3A = tpu.sem_alloc : memref<!tpu.dma_semaphore, #tpu.memory_space<semaphore_mem>>
      %dma_start3A = arith.constant 0 : i32
      %dma_start3A_85 = tpu.memref_slice %arg3[%arg0, %mul3A_72, %dma_start3A] : memref<2x10240x16xf32, #tpu.memory_space<hbm>> -> memref<1x128x16xf32, #tpu.memory_space<hbm>>
      %dma_start3A_86 = tpu.memref_squeeze %dma_start3A_85 : memref<1x128x16xf32, #tpu.memory_space<hbm>> -> memref<128x16xf32, #tpu.memory_space<hbm>>
      %dma_start3A_87 = arith.constant 0 : i32
      %dma_start3A_88 = tpu.memref_slice %arg7[%mul3A_72, %dma_start3A_87] : memref<10240x16xf32, #tpu.memory_space<vmem_shared>> -> memref<128x16xf32, #tpu.memory_space<vmem_shared>>
      tpu.enqueue_dma source(%dma_start3A_88 : memref<128x16xf32, #tpu.memory_space<vmem_shared>>) target(%dma_start3A_86 : memref<128x16xf32, #tpu.memory_space<hbm>>) target_semaphore(%run_scoped3A : memref<!tpu.dma_semaphore, #tpu.memory_space<semaphore_mem>>)
      %dma_wait3A = arith.constant 0 : i32
      %dma_wait3A_89 = tpu.memref_slice %arg3[%arg0, %mul3A_72, %dma_wait3A] : memref<2x10240x16xf32, #tpu.memory_space<hbm>> -> memref<1x128x16xf32, #tpu.memory_space<hbm>>
      %dma_wait3A_90 = tpu.memref_squeeze %dma_wait3A_89 : memref<1x128x16xf32, #tpu.memory_space<hbm>> -> memref<128x16xf32, #tpu.memory_space<hbm>>
      %dma_wait3A_91 = arith.constant 0 : i32
      %dma_wait3A_92 = tpu.memref_slice %arg7[%mul3A_72, %dma_wait3A_91] : memref<10240x16xf32, #tpu.memory_space<vmem_shared>> -> memref<128x16xf32, #tpu.memory_space<vmem_shared>>
      tpu.wait_dma2 semaphore(%run_scoped3A : memref<!tpu.dma_semaphore, #tpu.memory_space<semaphore_mem>>) src(%dma_wait3A_92 : memref<128x16xf32, #tpu.memory_space<vmem_shared>>) dst(%dma_wait3A_90 : memref<128x16xf32, #tpu.memory_space<hbm>>)
      tpu.yield
    }) : () -> ()
    %mul3A_73 = arith.constant 5 : i32
    %mul3A_74 = arith.muli %arg1, %mul3A_73 : i32
    %add3A_75 = arith.constant 3 : i32
    %add3A_76 = arith.addi %mul3A_74, %add3A_75 : i32
    %mul3A_77 = arith.constant 128 : i32
    %mul3A_78 = arith.muli %add3A_76, %mul3A_77 : i32
    "tpu.region"() ({
      %run_scoped3A = tpu.sem_alloc : memref<!tpu.dma_semaphore, #tpu.memory_space<semaphore_mem>>
      %dma_start3A = arith.constant 0 : i32
      %dma_start3A_85 = tpu.memref_slice %arg3[%arg0, %mul3A_78, %dma_start3A] : memref<2x10240x16xf32, #tpu.memory_space<hbm>> -> memref<1x128x16xf32, #tpu.memory_space<hbm>>
      %dma_start3A_86 = tpu.memref_squeeze %dma_start3A_85 : memref<1x128x16xf32, #tpu.memory_space<hbm>> -> memref<128x16xf32, #tpu.memory_space<hbm>>
      %dma_start3A_87 = arith.constant 0 : i32
      %dma_start3A_88 = tpu.memref_slice %arg7[%mul3A_78, %dma_start3A_87] : memref<10240x16xf32, #tpu.memory_space<vmem_shared>> -> memref<128x16xf32, #tpu.memory_space<vmem_shared>>
      tpu.enqueue_dma source(%dma_start3A_88 : memref<128x16xf32, #tpu.memory_space<vmem_shared>>) target(%dma_start3A_86 : memref<128x16xf32, #tpu.memory_space<hbm>>) target_semaphore(%run_scoped3A : memref<!tpu.dma_semaphore, #tpu.memory_space<semaphore_mem>>)
      %dma_wait3A = arith.constant 0 : i32
      %dma_wait3A_89 = tpu.memref_slice %arg3[%arg0, %mul3A_78, %dma_wait3A] : memref<2x10240x16xf32, #tpu.memory_space<hbm>> -> memref<1x128x16xf32, #tpu.memory_space<hbm>>
      %dma_wait3A_90 = tpu.memref_squeeze %dma_wait3A_89 : memref<1x128x16xf32, #tpu.memory_space<hbm>> -> memref<128x16xf32, #tpu.memory_space<hbm>>
      %dma_wait3A_91 = arith.constant 0 : i32
      %dma_wait3A_92 = tpu.memref_slice %arg7[%mul3A_78, %dma_wait3A_91] : memref<10240x16xf32, #tpu.memory_space<vmem_shared>> -> memref<128x16xf32, #tpu.memory_space<vmem_shared>>
      tpu.wait_dma2 semaphore(%run_scoped3A : memref<!tpu.dma_semaphore, #tpu.memory_space<semaphore_mem>>) src(%dma_wait3A_92 : memref<128x16xf32, #tpu.memory_space<vmem_shared>>) dst(%dma_wait3A_90 : memref<128x16xf32, #tpu.memory_space<hbm>>)
      tpu.yield
    }) : () -> ()
    %mul3A_79 = arith.constant 5 : i32
    %mul3A_80 = arith.muli %arg1, %mul3A_79 : i32
    %add3A_81 = arith.constant 4 : i32
    %add3A_82 = arith.addi %mul3A_80, %add3A_81 : i32
    %mul3A_83 = arith.constant 128 : i32
    %mul3A_84 = arith.muli %add3A_82, %mul3A_83 : i32
    "tpu.region"() ({
      %run_scoped3A = tpu.sem_alloc : memref<!tpu.dma_semaphore, #tpu.memory_space<semaphore_mem>>
      %dma_start3A = arith.constant 0 : i32
      %dma_start3A_85 = tpu.memref_slice %arg3[%arg0, %mul3A_84, %dma_start3A] : memref<2x10240x16xf32, #tpu.memory_space<hbm>> -> memref<1x128x16xf32, #tpu.memory_space<hbm>>
      %dma_start3A_86 = tpu.memref_squeeze %dma_start3A_85 : memref<1x128x16xf32, #tpu.memory_space<hbm>> -> memref<128x16xf32, #tpu.memory_space<hbm>>
      %dma_start3A_87 = arith.constant 0 : i32
      %dma_start3A_88 = tpu.memref_slice %arg7[%mul3A_84, %dma_start3A_87] : memref<10240x16xf32, #tpu.memory_space<vmem_shared>> -> memref<128x16xf32, #tpu.memory_space<vmem_shared>>
      tpu.enqueue_dma source(%dma_start3A_88 : memref<128x16xf32, #tpu.memory_space<vmem_shared>>) target(%dma_start3A_86 : memref<128x16xf32, #tpu.memory_space<hbm>>) target_semaphore(%run_scoped3A : memref<!tpu.dma_semaphore, #tpu.memory_space<semaphore_mem>>)
      %dma_wait3A = arith.constant 0 : i32
      %dma_wait3A_89 = tpu.memref_slice %arg3[%arg0, %mul3A_84, %dma_wait3A] : memref<2x10240x16xf32, #tpu.memory_space<hbm>> -> memref<1x128x16xf32, #tpu.memory_space<hbm>>
      %dma_wait3A_90 = tpu.memref_squeeze %dma_wait3A_89 : memref<1x128x16xf32, #tpu.memory_space<hbm>> -> memref<128x16xf32, #tpu.memory_space<hbm>>
      %dma_wait3A_91 = arith.constant 0 : i32
      %dma_wait3A_92 = tpu.memref_slice %arg7[%mul3A_84, %dma_wait3A_91] : memref<10240x16xf32, #tpu.memory_space<vmem_shared>> -> memref<128x16xf32, #tpu.memory_space<vmem_shared>>
      tpu.wait_dma2 semaphore(%run_scoped3A : memref<!tpu.dma_semaphore, #tpu.memory_space<semaphore_mem>>) src(%dma_wait3A_92 : memref<128x16xf32, #tpu.memory_space<vmem_shared>>) dst(%dma_wait3A_90 : memref<128x16xf32, #tpu.memory_space<hbm>>)
      tpu.yield
    }) : () -> ()
    return
  }
}

#map = affine_map<(d0, d1) -> (0, 0)>
#map1 = affine_map<(d0, d1) -> (0, 0, 0)>
module attributes {stable_mosaic.version = 14 : i64} {
  func.func @body(%arg0: i32, %arg1: i32, %arg2: memref<10240x128xf32, #tpu.memory_space<hbm>>, %arg3: memref<16x165x128xi32, #tpu.memory_space<hbm>>, %arg4: memref<16x160x128xi32, #tpu.memory_space<hbm>>, %arg5: memref<10240x128xf32, #tpu.memory_space<hbm>>, %arg6: memref<165x128xi32, #tpu.memory_space<vmem>>, %arg7: memref<160x128xi32, #tpu.memory_space<vmem>>, %arg8: memref<128x32xf32, #tpu.memory_space<vmem>>, %arg9: memref<128x32xf32, #tpu.memory_space<vmem>>, %arg10: memref<128x32xf32, #tpu.memory_space<vmem>>, %arg11: memref<128x32xf32, #tpu.memory_space<vmem>>, %arg12: memref<128x32xf32, #tpu.memory_space<vmem>>, %arg13: memref<64x32xf32, #tpu.memory_space<vmem>>, %arg14: memref<10240x32xf32, #tpu.memory_space<vmem_shared>>, %arg15: memref<10240x32xf32, #tpu.memory_space<vmem_shared>>, %arg16: memref<!tpu.dma_semaphore, #tpu.memory_space<semaphore_mem>>, %arg17: memref<!tpu.dma_semaphore, #tpu.memory_space<semaphore_mem>>, %arg18: memref<!tpu.dma_semaphore, #tpu.memory_space<semaphore_mem>>, %arg19: memref<!tpu.dma_semaphore, #tpu.memory_space<semaphore_mem>>, %arg20: memref<!tpu.dma_semaphore, #tpu.memory_space<semaphore_mem>>, %arg21: memref<!tpu.dma_semaphore, #tpu.memory_space<semaphore_mem>>, %arg22: memref<!tpu.dma_semaphore, #tpu.memory_space<semaphore_mem>>, %arg23: memref<!tpu.dma_semaphore, #tpu.memory_space<semaphore_mem>>, %arg24: memref<!tpu.dma_semaphore, #tpu.memory_space<semaphore_mem>>, %arg25: memref<!tpu.dma_semaphore, #tpu.memory_space<semaphore_mem>>) attributes {dimension_semantics = [#tpu.dimension_semantics<core_parallel>, #tpu.dimension_semantics<subcore_parallel>], iteration_bounds = array<i64: 2, 16>, scalar_prefetch = 0 : i64, scratch_operands = 20 : i64, tpu.core_type = #tpu.core_type<sc_vector_subcore>, window_params = [{transform_indices = #map}, {transform_indices = #map1}, {transform_indices = #map1}, {transform_indices = #map}]} {
    "tpu.region"() ({
      %run_scoped3A = tpu.sem_alloc : memref<!tpu.dma_semaphore, #tpu.memory_space<semaphore_mem>>
      %dma_start3A_560 = arith.constant 0 : i32
      %dma_start3A_561 = arith.constant 0 : i32
      %dma_start3A_562 = tpu.memref_slice %arg3[%arg1, %dma_start3A_560, %dma_start3A_561] : memref<16x165x128xi32, #tpu.memory_space<hbm>> -> memref<1x165x128xi32, #tpu.memory_space<hbm>>
      %dma_start3A_563 = tpu.memref_squeeze %dma_start3A_562 : memref<1x165x128xi32, #tpu.memory_space<hbm>> -> memref<165x128xi32, #tpu.memory_space<hbm>>
      %dma_start3A_564 = arith.constant 0 : i32
      %dma_start3A_565 = arith.constant 0 : i32
      %dma_start3A_566 = tpu.memref_slice %arg3[%arg1, %dma_start3A_564, %dma_start3A_565] : memref<16x165x128xi32, #tpu.memory_space<hbm>> -> memref<1x165x128xi32, #tpu.memory_space<hbm>>
      %dma_start3A_567 = tpu.memref_squeeze %dma_start3A_566 : memref<1x165x128xi32, #tpu.memory_space<hbm>> -> memref<165x128xi32, #tpu.memory_space<hbm>>
      tpu.enqueue_dma source(%dma_start3A_567 : memref<165x128xi32, #tpu.memory_space<hbm>>) target(%arg6 : memref<165x128xi32, #tpu.memory_space<vmem>>) target_semaphore(%run_scoped3A : memref<!tpu.dma_semaphore, #tpu.memory_space<semaphore_mem>>)
      %dma_wait3A_568 = arith.constant 0 : i32
      %dma_wait3A_569 = arith.constant 0 : i32
      %dma_wait3A_570 = tpu.memref_slice %arg3[%arg1, %dma_wait3A_568, %dma_wait3A_569] : memref<16x165x128xi32, #tpu.memory_space<hbm>> -> memref<1x165x128xi32, #tpu.memory_space<hbm>>
      %dma_wait3A_571 = tpu.memref_squeeze %dma_wait3A_570 : memref<1x165x128xi32, #tpu.memory_space<hbm>> -> memref<165x128xi32, #tpu.memory_space<hbm>>
      %dma_wait3A_572 = arith.constant 0 : i32
      %dma_wait3A_573 = arith.constant 0 : i32
      %dma_wait3A_574 = tpu.memref_slice %arg3[%arg1, %dma_wait3A_572, %dma_wait3A_573] : memref<16x165x128xi32, #tpu.memory_space<hbm>> -> memref<1x165x128xi32, #tpu.memory_space<hbm>>
      %dma_wait3A_575 = tpu.memref_squeeze %dma_wait3A_574 : memref<1x165x128xi32, #tpu.memory_space<hbm>> -> memref<165x128xi32, #tpu.memory_space<hbm>>
      tpu.wait_dma2 semaphore(%run_scoped3A : memref<!tpu.dma_semaphore, #tpu.memory_space<semaphore_mem>>) src(%dma_wait3A_575 : memref<165x128xi32, #tpu.memory_space<hbm>>) dst(%arg6 : memref<165x128xi32, #tpu.memory_space<vmem>>)
      tpu.yield
    }) : () -> ()
    "tpu.region"() ({
      %run_scoped3A = tpu.sem_alloc : memref<!tpu.dma_semaphore, #tpu.memory_space<semaphore_mem>>
      %dma_start3A_560 = arith.constant 0 : i32
      %dma_start3A_561 = arith.constant 0 : i32
      %dma_start3A_562 = tpu.memref_slice %arg4[%arg1, %dma_start3A_560, %dma_start3A_561] : memref<16x160x128xi32, #tpu.memory_space<hbm>> -> memref<1x160x128xi32, #tpu.memory_space<hbm>>
      %dma_start3A_563 = tpu.memref_squeeze %dma_start3A_562 : memref<1x160x128xi32, #tpu.memory_space<hbm>> -> memref<160x128xi32, #tpu.memory_space<hbm>>
      %dma_start3A_564 = arith.constant 0 : i32
      %dma_start3A_565 = arith.constant 0 : i32
      %dma_start3A_566 = tpu.memref_slice %arg4[%arg1, %dma_start3A_564, %dma_start3A_565] : memref<16x160x128xi32, #tpu.memory_space<hbm>> -> memref<1x160x128xi32, #tpu.memory_space<hbm>>
      %dma_start3A_567 = tpu.memref_squeeze %dma_start3A_566 : memref<1x160x128xi32, #tpu.memory_space<hbm>> -> memref<160x128xi32, #tpu.memory_space<hbm>>
      tpu.enqueue_dma source(%dma_start3A_567 : memref<160x128xi32, #tpu.memory_space<hbm>>) target(%arg7 : memref<160x128xi32, #tpu.memory_space<vmem>>) target_semaphore(%run_scoped3A : memref<!tpu.dma_semaphore, #tpu.memory_space<semaphore_mem>>)
      %dma_wait3A_568 = arith.constant 0 : i32
      %dma_wait3A_569 = arith.constant 0 : i32
      %dma_wait3A_570 = tpu.memref_slice %arg4[%arg1, %dma_wait3A_568, %dma_wait3A_569] : memref<16x160x128xi32, #tpu.memory_space<hbm>> -> memref<1x160x128xi32, #tpu.memory_space<hbm>>
      %dma_wait3A_571 = tpu.memref_squeeze %dma_wait3A_570 : memref<1x160x128xi32, #tpu.memory_space<hbm>> -> memref<160x128xi32, #tpu.memory_space<hbm>>
      %dma_wait3A_572 = arith.constant 0 : i32
      %dma_wait3A_573 = arith.constant 0 : i32
      %dma_wait3A_574 = tpu.memref_slice %arg4[%arg1, %dma_wait3A_572, %dma_wait3A_573] : memref<16x160x128xi32, #tpu.memory_space<hbm>> -> memref<1x160x128xi32, #tpu.memory_space<hbm>>
      %dma_wait3A_575 = tpu.memref_squeeze %dma_wait3A_574 : memref<1x160x128xi32, #tpu.memory_space<hbm>> -> memref<160x128xi32, #tpu.memory_space<hbm>>
      tpu.wait_dma2 semaphore(%run_scoped3A : memref<!tpu.dma_semaphore, #tpu.memory_space<semaphore_mem>>) src(%dma_wait3A_575 : memref<160x128xi32, #tpu.memory_space<hbm>>) dst(%arg7 : memref<160x128xi32, #tpu.memory_space<vmem>>)
      tpu.yield
    }) : () -> ()
    %broadcast_in_dim3A = arith.constant 0.000000e+00 : f32
    %broadcast_in_dim3A_0 = vector.broadcast %broadcast_in_dim3A : f32 to vector<16xf32>
    %scan3A = arith.constant 0 : i32
    %scan3A_1 = arith.constant 0 : i32
    %scan3A_2 = arith.constant 64 : i32
    %scan3A_3 = arith.addi %scan3A_1, %scan3A_2 : i32
    %scan3A_4 = arith.constant 1 : i32
    %scan3A_5 = scf.for %scan3A_560 = %scan3A_1 to %scan3A_3 step %scan3A_4 iter_args(%scan3A_561 = %scan3A) -> (i32)  : i32 {
      %swap3A = arith.index_cast %scan3A_560 : i32 to index
      %swap3A_562 = arith.constant 0 : index
      %swap3A_563 = tpu.vector_load %arg13[%swap3A, %swap3A_562] {strides = array<i32>} : memref<64x32xf32, #tpu.memory_space<vmem>>, vector<1x16xf32>,
      %swap3A_564 = vector.shape_cast %swap3A_563 : vector<1x16xf32> to vector<16xf32>
      %swap3A_565 = vector.shape_cast %broadcast_in_dim3A_0 : vector<16xf32> to vector<1x16xf32>
      tpu.vector_store %arg13[%swap3A, %swap3A_562], %swap3A_565 {strides = array<i32>} : memref<64x32xf32, #tpu.memory_space<vmem>>, vector<1x16xf32>,
      %swap3A_566 = arith.index_cast %scan3A_560 : i32 to index
      %swap3A_567 = arith.constant 16 : index
      %swap3A_568 = tpu.vector_load %arg13[%swap3A_566, %swap3A_567] {strides = array<i32>} : memref<64x32xf32, #tpu.memory_space<vmem>>, vector<1x16xf32>,
      %swap3A_569 = vector.shape_cast %swap3A_568 : vector<1x16xf32> to vector<16xf32>
      %swap3A_570 = vector.shape_cast %broadcast_in_dim3A_0 : vector<16xf32> to vector<1x16xf32>
      tpu.vector_store %arg13[%swap3A_566, %swap3A_567], %swap3A_570 {strides = array<i32>} : memref<64x32xf32, #tpu.memory_space<vmem>>, vector<1x16xf32>,
      %scan3A_571 = arith.constant 0 : i32
      scf.yield %scan3A_571 : i32
    }
    %scan3A_6 = arith.constant 64 : i32
    %add3A = arith.constant 0 : i32
    %add3A_7 = arith.addi %add3A, %arg0 : i32
    %mul3A = arith.constant 640 : i32
    %mul3A_8 = arith.muli %arg1, %mul3A : i32
    %add3A_9 = arith.constant 0 : i32
    %add3A_10 = arith.addi %mul3A_8, %add3A_9 : i32
    "tpu.region"() ({
      %run_scoped3A = tpu.sem_alloc : memref<!tpu.dma_semaphore, #tpu.memory_space<semaphore_mem>>
      %dma_start3A_560 = arith.constant 0 : i32
      %dma_start3A_561 = tpu.memref_slice %arg15[%add3A_10, %dma_start3A_560] : memref<10240x32xf32, #tpu.memory_space<vmem_shared>> -> memref<64x32xf32, #tpu.memory_space<vmem_shared>>
      %dma_start3A_562 = arith.constant 0 : i32
      %dma_start3A_563 = tpu.memref_slice %arg15[%add3A_10, %dma_start3A_562] : memref<10240x32xf32, #tpu.memory_space<vmem_shared>> -> memref<64x32xf32, #tpu.memory_space<vmem_shared>>
      tpu.enqueue_dma source(%arg13 : memref<64x32xf32, #tpu.memory_space<vmem>>) target(%dma_start3A_563 : memref<64x32xf32, #tpu.memory_space<vmem_shared>>) target_semaphore(%run_scoped3A : memref<!tpu.dma_semaphore, #tpu.memory_space<semaphore_mem>>)
      %dma_wait3A_564 = arith.constant 0 : i32
      %dma_wait3A_565 = tpu.memref_slice %arg15[%add3A_10, %dma_wait3A_564] : memref<10240x32xf32, #tpu.memory_space<vmem_shared>> -> memref<64x32xf32, #tpu.memory_space<vmem_shared>>
      %dma_wait3A_566 = arith.constant 0 : i32
      %dma_wait3A_567 = tpu.memref_slice %arg15[%add3A_10, %dma_wait3A_566] : memref<10240x32xf32, #tpu.memory_space<vmem_shared>> -> memref<64x32xf32, #tpu.memory_space<vmem_shared>>
      tpu.wait_dma2 semaphore(%run_scoped3A : memref<!tpu.dma_semaphore, #tpu.memory_space<semaphore_mem>>) src(%arg13 : memref<64x32xf32, #tpu.memory_space<vmem>>) dst(%dma_wait3A_567 : memref<64x32xf32, #tpu.memory_space<vmem_shared>>)
      tpu.yield
    }) : () -> ()
    %mul3A_11 = arith.constant 640 : i32
    %mul3A_12 = arith.muli %arg1, %mul3A_11 : i32
    %add3A_13 = arith.constant 64 : i32
    %add3A_14 = arith.addi %mul3A_12, %add3A_13 : i32
    "tpu.region"() ({
      %run_scoped3A = tpu.sem_alloc : memref<!tpu.dma_semaphore, #tpu.memory_space<semaphore_mem>>
      %dma_start3A_560 = arith.constant 0 : i32
      %dma_start3A_561 = tpu.memref_slice %arg15[%add3A_14, %dma_start3A_560] : memref<10240x32xf32, #tpu.memory_space<vmem_shared>> -> memref<64x32xf32, #tpu.memory_space<vmem_shared>>
      %dma_start3A_562 = arith.constant 0 : i32
      %dma_start3A_563 = tpu.memref_slice %arg15[%add3A_14, %dma_start3A_562] : memref<10240x32xf32, #tpu.memory_space<vmem_shared>> -> memref<64x32xf32, #tpu.memory_space<vmem_shared>>
      tpu.enqueue_dma source(%arg13 : memref<64x32xf32, #tpu.memory_space<vmem>>) target(%dma_start3A_563 : memref<64x32xf32, #tpu.memory_space<vmem_shared>>) target_semaphore(%run_scoped3A : memref<!tpu.dma_semaphore, #tpu.memory_space<semaphore_mem>>)
      %dma_wait3A_564 = arith.constant 0 : i32
      %dma_wait3A_565 = tpu.memref_slice %arg15[%add3A_14, %dma_wait3A_564] : memref<10240x32xf32, #tpu.memory_space<vmem_shared>> -> memref<64x32xf32, #tpu.memory_space<vmem_shared>>
      %dma_wait3A_566 = arith.constant 0 : i32
      %dma_wait3A_567 = tpu.memref_slice %arg15[%add3A_14, %dma_wait3A_566] : memref<10240x32xf32, #tpu.memory_space<vmem_shared>> -> memref<64x32xf32, #tpu.memory_space<vmem_shared>>
      tpu.wait_dma2 semaphore(%run_scoped3A : memref<!tpu.dma_semaphore, #tpu.memory_space<semaphore_mem>>) src(%arg13 : memref<64x32xf32, #tpu.memory_space<vmem>>) dst(%dma_wait3A_567 : memref<64x32xf32, #tpu.memory_space<vmem_shared>>)
      tpu.yield
    }) : () -> ()
    %mul3A_15 = arith.constant 640 : i32
    %mul3A_16 = arith.muli %arg1, %mul3A_15 : i32
    %add3A_17 = arith.constant 128 : i32
    %add3A_18 = arith.addi %mul3A_16, %add3A_17 : i32
    "tpu.region"() ({
      %run_scoped3A = tpu.sem_alloc : memref<!tpu.dma_semaphore, #tpu.memory_space<semaphore_mem>>
      %dma_start3A_560 = arith.constant 0 : i32
      %dma_start3A_561 = tpu.memref_slice %arg15[%add3A_18, %dma_start3A_560] : memref<10240x32xf32, #tpu.memory_space<vmem_shared>> -> memref<64x32xf32, #tpu.memory_space<vmem_shared>>
      %dma_start3A_562 = arith.constant 0 : i32
      %dma_start3A_563 = tpu.memref_slice %arg15[%add3A_18, %dma_start3A_562] : memref<10240x32xf32, #tpu.memory_space<vmem_shared>> -> memref<64x32xf32, #tpu.memory_space<vmem_shared>>
      tpu.enqueue_dma source(%arg13 : memref<64x32xf32, #tpu.memory_space<vmem>>) target(%dma_start3A_563 : memref<64x32xf32, #tpu.memory_space<vmem_shared>>) target_semaphore(%run_scoped3A : memref<!tpu.dma_semaphore, #tpu.memory_space<semaphore_mem>>)
      %dma_wait3A_564 = arith.constant 0 : i32
      %dma_wait3A_565 = tpu.memref_slice %arg15[%add3A_18, %dma_wait3A_564] : memref<10240x32xf32, #tpu.memory_space<vmem_shared>> -> memref<64x32xf32, #tpu.memory_space<vmem_shared>>
      %dma_wait3A_566 = arith.constant 0 : i32
      %dma_wait3A_567 = tpu.memref_slice %arg15[%add3A_18, %dma_wait3A_566] : memref<10240x32xf32, #tpu.memory_space<vmem_shared>> -> memref<64x32xf32, #tpu.memory_space<vmem_shared>>
      tpu.wait_dma2 semaphore(%run_scoped3A : memref<!tpu.dma_semaphore, #tpu.memory_space<semaphore_mem>>) src(%arg13 : memref<64x32xf32, #tpu.memory_space<vmem>>) dst(%dma_wait3A_567 : memref<64x32xf32, #tpu.memory_space<vmem_shared>>)
      tpu.yield
    }) : () -> ()
    %mul3A_19 = arith.constant 640 : i32
    %mul3A_20 = arith.muli %arg1, %mul3A_19 : i32
    %add3A_21 = arith.constant 192 : i32
    %add3A_22 = arith.addi %mul3A_20, %add3A_21 : i32
    "tpu.region"() ({
      %run_scoped3A = tpu.sem_alloc : memref<!tpu.dma_semaphore, #tpu.memory_space<semaphore_mem>>
      %dma_start3A_560 = arith.constant 0 : i32
      %dma_start3A_561 = tpu.memref_slice %arg15[%add3A_22, %dma_start3A_560] : memref<10240x32xf32, #tpu.memory_space<vmem_shared>> -> memref<64x32xf32, #tpu.memory_space<vmem_shared>>
      %dma_start3A_562 = arith.constant 0 : i32
      %dma_start3A_563 = tpu.memref_slice %arg15[%add3A_22, %dma_start3A_562] : memref<10240x32xf32, #tpu.memory_space<vmem_shared>> -> memref<64x32xf32, #tpu.memory_space<vmem_shared>>
      tpu.enqueue_dma source(%arg13 : memref<64x32xf32, #tpu.memory_space<vmem>>) target(%dma_start3A_563 : memref<64x32xf32, #tpu.memory_space<vmem_shared>>) target_semaphore(%run_scoped3A : memref<!tpu.dma_semaphore, #tpu.memory_space<semaphore_mem>>)
      %dma_wait3A_564 = arith.constant 0 : i32
      %dma_wait3A_565 = tpu.memref_slice %arg15[%add3A_22, %dma_wait3A_564] : memref<10240x32xf32, #tpu.memory_space<vmem_shared>> -> memref<64x32xf32, #tpu.memory_space<vmem_shared>>
      %dma_wait3A_566 = arith.constant 0 : i32
      %dma_wait3A_567 = tpu.memref_slice %arg15[%add3A_22, %dma_wait3A_566] : memref<10240x32xf32, #tpu.memory_space<vmem_shared>> -> memref<64x32xf32, #tpu.memory_space<vmem_shared>>
      tpu.wait_dma2 semaphore(%run_scoped3A : memref<!tpu.dma_semaphore, #tpu.memory_space<semaphore_mem>>) src(%arg13 : memref<64x32xf32, #tpu.memory_space<vmem>>) dst(%dma_wait3A_567 : memref<64x32xf32, #tpu.memory_space<vmem_shared>>)
      tpu.yield
    }) : () -> ()
    %mul3A_23 = arith.constant 640 : i32
    %mul3A_24 = arith.muli %arg1, %mul3A_23 : i32
    %add3A_25 = arith.constant 256 : i32
    %add3A_26 = arith.addi %mul3A_24, %add3A_25 : i32
    "tpu.region"() ({
      %run_scoped3A = tpu.sem_alloc : memref<!tpu.dma_semaphore, #tpu.memory_space<semaphore_mem>>
      %dma_start3A_560 = arith.constant 0 : i32
      %dma_start3A_561 = tpu.memref_slice %arg15[%add3A_26, %dma_start3A_560] : memref<10240x32xf32, #tpu.memory_space<vmem_shared>> -> memref<64x32xf32, #tpu.memory_space<vmem_shared>>
      %dma_start3A_562 = arith.constant 0 : i32
      %dma_start3A_563 = tpu.memref_slice %arg15[%add3A_26, %dma_start3A_562] : memref<10240x32xf32, #tpu.memory_space<vmem_shared>> -> memref<64x32xf32, #tpu.memory_space<vmem_shared>>
      tpu.enqueue_dma source(%arg13 : memref<64x32xf32, #tpu.memory_space<vmem>>) target(%dma_start3A_563 : memref<64x32xf32, #tpu.memory_space<vmem_shared>>) target_semaphore(%run_scoped3A : memref<!tpu.dma_semaphore, #tpu.memory_space<semaphore_mem>>)
      %dma_wait3A_564 = arith.constant 0 : i32
      %dma_wait3A_565 = tpu.memref_slice %arg15[%add3A_26, %dma_wait3A_564] : memref<10240x32xf32, #tpu.memory_space<vmem_shared>> -> memref<64x32xf32, #tpu.memory_space<vmem_shared>>
      %dma_wait3A_566 = arith.constant 0 : i32
      %dma_wait3A_567 = tpu.memref_slice %arg15[%add3A_26, %dma_wait3A_566] : memref<10240x32xf32, #tpu.memory_space<vmem_shared>> -> memref<64x32xf32, #tpu.memory_space<vmem_shared>>
      tpu.wait_dma2 semaphore(%run_scoped3A : memref<!tpu.dma_semaphore, #tpu.memory_space<semaphore_mem>>) src(%arg13 : memref<64x32xf32, #tpu.memory_space<vmem>>) dst(%dma_wait3A_567 : memref<64x32xf32, #tpu.memory_space<vmem_shared>>)
      tpu.yield
    }) : () -> ()
    %mul3A_27 = arith.constant 640 : i32
    %mul3A_28 = arith.muli %arg1, %mul3A_27 : i32
    %add3A_29 = arith.constant 320 : i32
    %add3A_30 = arith.addi %mul3A_28, %add3A_29 : i32
    "tpu.region"() ({
      %run_scoped3A = tpu.sem_alloc : memref<!tpu.dma_semaphore, #tpu.memory_space<semaphore_mem>>
      %dma_start3A_560 = arith.constant 0 : i32
      %dma_start3A_561 = tpu.memref_slice %arg15[%add3A_30, %dma_start3A_560] : memref<10240x32xf32, #tpu.memory_space<vmem_shared>> -> memref<64x32xf32, #tpu.memory_space<vmem_shared>>
      %dma_start3A_562 = arith.constant 0 : i32
      %dma_start3A_563 = tpu.memref_slice %arg15[%add3A_30, %dma_start3A_562] : memref<10240x32xf32, #tpu.memory_space<vmem_shared>> -> memref<64x32xf32, #tpu.memory_space<vmem_shared>>
      tpu.enqueue_dma source(%arg13 : memref<64x32xf32, #tpu.memory_space<vmem>>) target(%dma_start3A_563 : memref<64x32xf32, #tpu.memory_space<vmem_shared>>) target_semaphore(%run_scoped3A : memref<!tpu.dma_semaphore, #tpu.memory_space<semaphore_mem>>)
      %dma_wait3A_564 = arith.constant 0 : i32
      %dma_wait3A_565 = tpu.memref_slice %arg15[%add3A_30, %dma_wait3A_564] : memref<10240x32xf32, #tpu.memory_space<vmem_shared>> -> memref<64x32xf32, #tpu.memory_space<vmem_shared>>
      %dma_wait3A_566 = arith.constant 0 : i32
      %dma_wait3A_567 = tpu.memref_slice %arg15[%add3A_30, %dma_wait3A_566] : memref<10240x32xf32, #tpu.memory_space<vmem_shared>> -> memref<64x32xf32, #tpu.memory_space<vmem_shared>>
      tpu.wait_dma2 semaphore(%run_scoped3A : memref<!tpu.dma_semaphore, #tpu.memory_space<semaphore_mem>>) src(%arg13 : memref<64x32xf32, #tpu.memory_space<vmem>>) dst(%dma_wait3A_567 : memref<64x32xf32, #tpu.memory_space<vmem_shared>>)
      tpu.yield
    }) : () -> ()
    %mul3A_31 = arith.constant 640 : i32
    %mul3A_32 = arith.muli %arg1, %mul3A_31 : i32
    %add3A_33 = arith.constant 384 : i32
    %add3A_34 = arith.addi %mul3A_32, %add3A_33 : i32
    "tpu.region"() ({
      %run_scoped3A = tpu.sem_alloc : memref<!tpu.dma_semaphore, #tpu.memory_space<semaphore_mem>>
      %dma_start3A_560 = arith.constant 0 : i32
      %dma_start3A_561 = tpu.memref_slice %arg15[%add3A_34, %dma_start3A_560] : memref<10240x32xf32, #tpu.memory_space<vmem_shared>> -> memref<64x32xf32, #tpu.memory_space<vmem_shared>>
      %dma_start3A_562 = arith.constant 0 : i32
      %dma_start3A_563 = tpu.memref_slice %arg15[%add3A_34, %dma_start3A_562] : memref<10240x32xf32, #tpu.memory_space<vmem_shared>> -> memref<64x32xf32, #tpu.memory_space<vmem_shared>>
      tpu.enqueue_dma source(%arg13 : memref<64x32xf32, #tpu.memory_space<vmem>>) target(%dma_start3A_563 : memref<64x32xf32, #tpu.memory_space<vmem_shared>>) target_semaphore(%run_scoped3A : memref<!tpu.dma_semaphore, #tpu.memory_space<semaphore_mem>>)
      %dma_wait3A_564 = arith.constant 0 : i32
      %dma_wait3A_565 = tpu.memref_slice %arg15[%add3A_34, %dma_wait3A_564] : memref<10240x32xf32, #tpu.memory_space<vmem_shared>> -> memref<64x32xf32, #tpu.memory_space<vmem_shared>>
      %dma_wait3A_566 = arith.constant 0 : i32
      %dma_wait3A_567 = tpu.memref_slice %arg15[%add3A_34, %dma_wait3A_566] : memref<10240x32xf32, #tpu.memory_space<vmem_shared>> -> memref<64x32xf32, #tpu.memory_space<vmem_shared>>
      tpu.wait_dma2 semaphore(%run_scoped3A : memref<!tpu.dma_semaphore, #tpu.memory_space<semaphore_mem>>) src(%arg13 : memref<64x32xf32, #tpu.memory_space<vmem>>) dst(%dma_wait3A_567 : memref<64x32xf32, #tpu.memory_space<vmem_shared>>)
      tpu.yield
    }) : () -> ()
    %mul3A_35 = arith.constant 640 : i32
    %mul3A_36 = arith.muli %arg1, %mul3A_35 : i32
    %add3A_37 = arith.constant 448 : i32
    %add3A_38 = arith.addi %mul3A_36, %add3A_37 : i32
    "tpu.region"() ({
      %run_scoped3A = tpu.sem_alloc : memref<!tpu.dma_semaphore, #tpu.memory_space<semaphore_mem>>
      %dma_start3A_560 = arith.constant 0 : i32
      %dma_start3A_561 = tpu.memref_slice %arg15[%add3A_38, %dma_start3A_560] : memref<10240x32xf32, #tpu.memory_space<vmem_shared>> -> memref<64x32xf32, #tpu.memory_space<vmem_shared>>
      %dma_start3A_562 = arith.constant 0 : i32
      %dma_start3A_563 = tpu.memref_slice %arg15[%add3A_38, %dma_start3A_562] : memref<10240x32xf32, #tpu.memory_space<vmem_shared>> -> memref<64x32xf32, #tpu.memory_space<vmem_shared>>
      tpu.enqueue_dma source(%arg13 : memref<64x32xf32, #tpu.memory_space<vmem>>) target(%dma_start3A_563 : memref<64x32xf32, #tpu.memory_space<vmem_shared>>) target_semaphore(%run_scoped3A : memref<!tpu.dma_semaphore, #tpu.memory_space<semaphore_mem>>)
      %dma_wait3A_564 = arith.constant 0 : i32
      %dma_wait3A_565 = tpu.memref_slice %arg15[%add3A_38, %dma_wait3A_564] : memref<10240x32xf32, #tpu.memory_space<vmem_shared>> -> memref<64x32xf32, #tpu.memory_space<vmem_shared>>
      %dma_wait3A_566 = arith.constant 0 : i32
      %dma_wait3A_567 = tpu.memref_slice %arg15[%add3A_38, %dma_wait3A_566] : memref<10240x32xf32, #tpu.memory_space<vmem_shared>> -> memref<64x32xf32, #tpu.memory_space<vmem_shared>>
      tpu.wait_dma2 semaphore(%run_scoped3A : memref<!tpu.dma_semaphore, #tpu.memory_space<semaphore_mem>>) src(%arg13 : memref<64x32xf32, #tpu.memory_space<vmem>>) dst(%dma_wait3A_567 : memref<64x32xf32, #tpu.memory_space<vmem_shared>>)
      tpu.yield
    }) : () -> ()
    %mul3A_39 = arith.constant 640 : i32
    %mul3A_40 = arith.muli %arg1, %mul3A_39 : i32
    %add3A_41 = arith.constant 512 : i32
    %add3A_42 = arith.addi %mul3A_40, %add3A_41 : i32
    "tpu.region"() ({
      %run_scoped3A = tpu.sem_alloc : memref<!tpu.dma_semaphore, #tpu.memory_space<semaphore_mem>>
      %dma_start3A_560 = arith.constant 0 : i32
      %dma_start3A_561 = tpu.memref_slice %arg15[%add3A_42, %dma_start3A_560] : memref<10240x32xf32, #tpu.memory_space<vmem_shared>> -> memref<64x32xf32, #tpu.memory_space<vmem_shared>>
      %dma_start3A_562 = arith.constant 0 : i32
      %dma_start3A_563 = tpu.memref_slice %arg15[%add3A_42, %dma_start3A_562] : memref<10240x32xf32, #tpu.memory_space<vmem_shared>> -> memref<64x32xf32, #tpu.memory_space<vmem_shared>>
      tpu.enqueue_dma source(%arg13 : memref<64x32xf32, #tpu.memory_space<vmem>>) target(%dma_start3A_563 : memref<64x32xf32, #tpu.memory_space<vmem_shared>>) target_semaphore(%run_scoped3A : memref<!tpu.dma_semaphore, #tpu.memory_space<semaphore_mem>>)
      %dma_wait3A_564 = arith.constant 0 : i32
      %dma_wait3A_565 = tpu.memref_slice %arg15[%add3A_42, %dma_wait3A_564] : memref<10240x32xf32, #tpu.memory_space<vmem_shared>> -> memref<64x32xf32, #tpu.memory_space<vmem_shared>>
      %dma_wait3A_566 = arith.constant 0 : i32
      %dma_wait3A_567 = tpu.memref_slice %arg15[%add3A_42, %dma_wait3A_566] : memref<10240x32xf32, #tpu.memory_space<vmem_shared>> -> memref<64x32xf32, #tpu.memory_space<vmem_shared>>
      tpu.wait_dma2 semaphore(%run_scoped3A : memref<!tpu.dma_semaphore, #tpu.memory_space<semaphore_mem>>) src(%arg13 : memref<64x32xf32, #tpu.memory_space<vmem>>) dst(%dma_wait3A_567 : memref<64x32xf32, #tpu.memory_space<vmem_shared>>)
      tpu.yield
    }) : () -> ()
    %mul3A_43 = arith.constant 640 : i32
    %mul3A_44 = arith.muli %arg1, %mul3A_43 : i32
    %add3A_45 = arith.constant 576 : i32
    %add3A_46 = arith.addi %mul3A_44, %add3A_45 : i32
    "tpu.region"() ({
      %run_scoped3A = tpu.sem_alloc : memref<!tpu.dma_semaphore, #tpu.memory_space<semaphore_mem>>
      %dma_start3A_560 = arith.constant 0 : i32
      %dma_start3A_561 = tpu.memref_slice %arg15[%add3A_46, %dma_start3A_560] : memref<10240x32xf32, #tpu.memory_space<vmem_shared>> -> memref<64x32xf32, #tpu.memory_space<vmem_shared>>
      %dma_start3A_562 = arith.constant 0 : i32
      %dma_start3A_563 = tpu.memref_slice %arg15[%add3A_46, %dma_start3A_562] : memref<10240x32xf32, #tpu.memory_space<vmem_shared>> -> memref<64x32xf32, #tpu.memory_space<vmem_shared>>
      tpu.enqueue_dma source(%arg13 : memref<64x32xf32, #tpu.memory_space<vmem>>) target(%dma_start3A_563 : memref<64x32xf32, #tpu.memory_space<vmem_shared>>) target_semaphore(%run_scoped3A : memref<!tpu.dma_semaphore, #tpu.memory_space<semaphore_mem>>)
      %dma_wait3A_564 = arith.constant 0 : i32
      %dma_wait3A_565 = tpu.memref_slice %arg15[%add3A_46, %dma_wait3A_564] : memref<10240x32xf32, #tpu.memory_space<vmem_shared>> -> memref<64x32xf32, #tpu.memory_space<vmem_shared>>
      %dma_wait3A_566 = arith.constant 0 : i32
      %dma_wait3A_567 = tpu.memref_slice %arg15[%add3A_46, %dma_wait3A_566] : memref<10240x32xf32, #tpu.memory_space<vmem_shared>> -> memref<64x32xf32, #tpu.memory_space<vmem_shared>>
      tpu.wait_dma2 semaphore(%run_scoped3A : memref<!tpu.dma_semaphore, #tpu.memory_space<semaphore_mem>>) src(%arg13 : memref<64x32xf32, #tpu.memory_space<vmem>>) dst(%dma_wait3A_567 : memref<64x32xf32, #tpu.memory_space<vmem_shared>>)
      tpu.yield
    }) : () -> ()
    %mul3A_47 = arith.constant 640 : i32
    %mul3A_48 = arith.muli %arg1, %mul3A_47 : i32
    %mul3A_49 = arith.constant 32 : i32
    %mul3A_50 = arith.muli %add3A_7, %mul3A_49 : i32
    %mul3A_51 = arith.constant 640 : i32
    %mul3A_52 = arith.muli %arg1, %mul3A_51 : i32
    "tpu.region"() ({
      %run_scoped3A = tpu.sem_alloc : memref<!tpu.dma_semaphore, #tpu.memory_space<semaphore_mem>>
      %dma_start3A_560 = arith.constant 0 : i32
      %dma_start3A_561 = tpu.memref_slice %arg14[%mul3A_52, %dma_start3A_560] : memref<10240x32xf32, #tpu.memory_space<vmem_shared>> -> memref<640x32xf32, #tpu.memory_space<vmem_shared>>
      %dma_start3A_562 = tpu.memref_slice %arg2[%mul3A_48, %mul3A_50] : memref<10240x128xf32, #tpu.memory_space<hbm>> -> memref<640x32xf32, #tpu.memory_space<hbm>>
      tpu.enqueue_dma source(%dma_start3A_562 : memref<640x32xf32, #tpu.memory_space<hbm>>) target(%dma_start3A_561 : memref<640x32xf32, #tpu.memory_space<vmem_shared>>) target_semaphore(%run_scoped3A : memref<!tpu.dma_semaphore, #tpu.memory_space<semaphore_mem>>)
      %dma_wait3A_563 = arith.constant 0 : i32
      %dma_wait3A_564 = tpu.memref_slice %arg14[%mul3A_52, %dma_wait3A_563] : memref<10240x32xf32, #tpu.memory_space<vmem_shared>> -> memref<640x32xf32, #tpu.memory_space<vmem_shared>>
      %dma_wait3A_565 = tpu.memref_slice %arg2[%mul3A_48, %mul3A_50] : memref<10240x128xf32, #tpu.memory_space<hbm>> -> memref<640x32xf32, #tpu.memory_space<hbm>>
      tpu.wait_dma2 semaphore(%run_scoped3A : memref<!tpu.dma_semaphore, #tpu.memory_space<semaphore_mem>>) src(%dma_wait3A_565 : memref<640x32xf32, #tpu.memory_space<hbm>>) dst(%dma_wait3A_564 : memref<640x32xf32, #tpu.memory_space<vmem_shared>>)
      tpu.yield
    }) : () -> ()
    %barrier3A = arith.constant 0 : index
    tpu.barrier barrier_id(%barrier3A)
    %dma_start3A = arith.constant 0 : i32
    %dma_start3A_53 = arith.constant 0 : i32
    %dma_start3A_54 = tpu.memref_slice %arg6[%dma_start3A, %dma_start3A_53] : memref<165x128xi32, #tpu.memory_space<vmem>> -> memref<1x128xi32, #tpu.memory_space<vmem>>
    %dma_start3A_55 = tpu.memref_squeeze %dma_start3A_54 : memref<1x128xi32, #tpu.memory_space<vmem>> -> memref<128xi32, #tpu.memory_space<vmem>>
    %dma_start3A_56 = arith.constant 0 : i32
    %dma_start3A_57 = arith.constant 0 : i32
    %dma_start3A_58 = tpu.memref_slice %arg14[%dma_start3A_56, %dma_start3A_57] : memref<10240x32xf32, #tpu.memory_space<vmem_shared>> -> memref<10240x32xf32, #tpu.memory_space<vmem_shared>>
    tpu.enqueue_indirect_dma source(%dma_start3A_58 : memref<10240x32xf32, #tpu.memory_space<vmem_shared>>) target(%arg8 : memref<128x32xf32, #tpu.memory_space<vmem>>) offsets(%dma_start3A_55 : memref<128xi32, #tpu.memory_space<vmem>>) semaphore(%arg16 : memref<!tpu.dma_semaphore, #tpu.memory_space<semaphore_mem>>)
    %dma_start3A_59 = arith.constant 1 : i32
    %dma_start3A_60 = arith.constant 0 : i32
    %dma_start3A_61 = tpu.memref_slice %arg6[%dma_start3A_59, %dma_start3A_60] : memref<165x128xi32, #tpu.memory_space<vmem>> -> memref<1x128xi32, #tpu.memory_space<vmem>>
    %dma_start3A_62 = tpu.memref_squeeze %dma_start3A_61 : memref<1x128xi32, #tpu.memory_space<vmem>> -> memref<128xi32, #tpu.memory_space<vmem>>
    %dma_start3A_63 = arith.constant 0 : i32
    %dma_start3A_64 = arith.constant 0 : i32
    %dma_start3A_65 = tpu.memref_slice %arg14[%dma_start3A_63, %dma_start3A_64] : memref<10240x32xf32, #tpu.memory_space<vmem_shared>> -> memref<10240x32xf32, #tpu.memory_space<vmem_shared>>
    tpu.enqueue_indirect_dma source(%dma_start3A_65 : memref<10240x32xf32, #tpu.memory_space<vmem_shared>>) target(%arg9 : memref<128x32xf32, #tpu.memory_space<vmem>>) offsets(%dma_start3A_62 : memref<128xi32, #tpu.memory_space<vmem>>) semaphore(%arg17 : memref<!tpu.dma_semaphore, #tpu.memory_space<semaphore_mem>>)
    %dma_start3A_66 = arith.constant 2 : i32
    %dma_start3A_67 = arith.constant 0 : i32
    %dma_start3A_68 = tpu.memref_slice %arg6[%dma_start3A_66, %dma_start3A_67] : memref<165x128xi32, #tpu.memory_space<vmem>> -> memref<1x128xi32, #tpu.memory_space<vmem>>
    %dma_start3A_69 = tpu.memref_squeeze %dma_start3A_68 : memref<1x128xi32, #tpu.memory_space<vmem>> -> memref<128xi32, #tpu.memory_space<vmem>>
    %dma_start3A_70 = arith.constant 0 : i32
    %dma_start3A_71 = arith.constant 0 : i32
    %dma_start3A_72 = tpu.memref_slice %arg14[%dma_start3A_70, %dma_start3A_71] : memref<10240x32xf32, #tpu.memory_space<vmem_shared>> -> memref<10240x32xf32, #tpu.memory_space<vmem_shared>>
    tpu.enqueue_indirect_dma source(%dma_start3A_72 : memref<10240x32xf32, #tpu.memory_space<vmem_shared>>) target(%arg10 : memref<128x32xf32, #tpu.memory_space<vmem>>) offsets(%dma_start3A_69 : memref<128xi32, #tpu.memory_space<vmem>>) semaphore(%arg18 : memref<!tpu.dma_semaphore, #tpu.memory_space<semaphore_mem>>)
    %dma_wait3A = arith.constant 0 : i32
    %dma_wait3A_73 = arith.constant 0 : i32
    %dma_wait3A_74 = tpu.memref_slice %arg6[%dma_wait3A, %dma_wait3A_73] : memref<165x128xi32, #tpu.memory_space<vmem>> -> memref<1x128xi32, #tpu.memory_space<vmem>>
    %dma_wait3A_75 = tpu.memref_squeeze %dma_wait3A_74 : memref<1x128xi32, #tpu.memory_space<vmem>> -> memref<128xi32, #tpu.memory_space<vmem>>
    %dma_wait3A_76 = arith.constant 0 : i32
    %dma_wait3A_77 = arith.constant 0 : i32
    %dma_wait3A_78 = tpu.memref_slice %arg14[%dma_wait3A_76, %dma_wait3A_77] : memref<10240x32xf32, #tpu.memory_space<vmem_shared>> -> memref<10240x32xf32, #tpu.memory_space<vmem_shared>>
    tpu.wait_indirect_dma semaphore(%arg16 : memref<!tpu.dma_semaphore, #tpu.memory_space<semaphore_mem>>) src(%dma_wait3A_78 : memref<10240x32xf32, #tpu.memory_space<vmem_shared>>) dst(%arg8 : memref<128x32xf32, #tpu.memory_space<vmem>>)
    %dma_start3A_79 = arith.constant 0 : i32
    %dma_start3A_80 = arith.constant 0 : i32
    %dma_start3A_81 = tpu.memref_slice %arg7[%dma_start3A_79, %dma_start3A_80] : memref<160x128xi32, #tpu.memory_space<vmem>> -> memref<1x128xi32, #tpu.memory_space<vmem>>
    %dma_start3A_82 = tpu.memref_squeeze %dma_start3A_81 : memref<1x128xi32, #tpu.memory_space<vmem>> -> memref<128xi32, #tpu.memory_space<vmem>>
    %dma_start3A_83 = arith.constant 0 : i32
    %dma_start3A_84 = arith.constant 0 : i32
    %dma_start3A_85 = tpu.memref_slice %arg15[%dma_start3A_83, %dma_start3A_84] : memref<10240x32xf32, #tpu.memory_space<vmem_shared>> -> memref<10240x32xf32, #tpu.memory_space<vmem_shared>>
    tpu.enqueue_indirect_dma source(%arg8 : memref<128x32xf32, #tpu.memory_space<vmem>>) target(%dma_start3A_85 : memref<10240x32xf32, #tpu.memory_space<vmem_shared>>) offsets(%dma_start3A_82 : memref<128xi32, #tpu.memory_space<vmem>>) semaphore(%arg21 : memref<!tpu.dma_semaphore, #tpu.memory_space<semaphore_mem>>) {add = true}
    %dma_start3A_86 = arith.constant 3 : i32
    %dma_start3A_87 = arith.constant 0 : i32
    %dma_start3A_88 = tpu.memref_slice %arg6[%dma_start3A_86, %dma_start3A_87] : memref<165x128xi32, #tpu.memory_space<vmem>> -> memref<1x128xi32, #tpu.memory_space<vmem>>
    %dma_start3A_89 = tpu.memref_squeeze %dma_start3A_88 : memref<1x128xi32, #tpu.memory_space<vmem>> -> memref<128xi32, #tpu.memory_space<vmem>>
    %dma_start3A_90 = arith.constant 0 : i32
    %dma_start3A_91 = arith.constant 0 : i32
    %dma_start3A_92 = tpu.memref_slice %arg14[%dma_start3A_90, %dma_start3A_91] : memref<10240x32xf32, #tpu.memory_space<vmem_shared>> -> memref<10240x32xf32, #tpu.memory_space<vmem_shared>>
    tpu.enqueue_indirect_dma source(%dma_start3A_92 : memref<10240x32xf32, #tpu.memory_space<vmem_shared>>) target(%arg11 : memref<128x32xf32, #tpu.memory_space<vmem>>) offsets(%dma_start3A_89 : memref<128xi32, #tpu.memory_space<vmem>>) semaphore(%arg19 : memref<!tpu.dma_semaphore, #tpu.memory_space<semaphore_mem>>)
    %dma_wait3A_93 = arith.constant 1 : i32
    %dma_wait3A_94 = arith.constant 0 : i32
    %dma_wait3A_95 = tpu.memref_slice %arg6[%dma_wait3A_93, %dma_wait3A_94] : memref<165x128xi32, #tpu.memory_space<vmem>> -> memref<1x128xi32, #tpu.memory_space<vmem>>
    %dma_wait3A_96 = tpu.memref_squeeze %dma_wait3A_95 : memref<1x128xi32, #tpu.memory_space<vmem>> -> memref<128xi32, #tpu.memory_space<vmem>>
    %dma_wait3A_97 = arith.constant 0 : i32
    %dma_wait3A_98 = arith.constant 0 : i32
    %dma_wait3A_99 = tpu.memref_slice %arg14[%dma_wait3A_97, %dma_wait3A_98] : memref<10240x32xf32, #tpu.memory_space<vmem_shared>> -> memref<10240x32xf32, #tpu.memory_space<vmem_shared>>
    tpu.wait_indirect_dma semaphore(%arg17 : memref<!tpu.dma_semaphore, #tpu.memory_space<semaphore_mem>>) src(%dma_wait3A_99 : memref<10240x32xf32, #tpu.memory_space<vmem_shared>>) dst(%arg9 : memref<128x32xf32, #tpu.memory_space<vmem>>)
    %dma_start3A_100 = arith.constant 1 : i32
    %dma_start3A_101 = arith.constant 0 : i32
    %dma_start3A_102 = tpu.memref_slice %arg7[%dma_start3A_100, %dma_start3A_101] : memref<160x128xi32, #tpu.memory_space<vmem>> -> memref<1x128xi32, #tpu.memory_space<vmem>>
    %dma_start3A_103 = tpu.memref_squeeze %dma_start3A_102 : memref<1x128xi32, #tpu.memory_space<vmem>> -> memref<128xi32, #tpu.memory_space<vmem>>
    %dma_start3A_104 = arith.constant 0 : i32
    %dma_start3A_105 = arith.constant 0 : i32
    %dma_start3A_106 = tpu.memref_slice %arg15[%dma_start3A_104, %dma_start3A_105] : memref<10240x32xf32, #tpu.memory_space<vmem_shared>> -> memref<10240x32xf32, #tpu.memory_space<vmem_shared>>
    tpu.enqueue_indirect_dma source(%arg9 : memref<128x32xf32, #tpu.memory_space<vmem>>) target(%dma_start3A_106 : memref<10240x32xf32, #tpu.memory_space<vmem_shared>>) offsets(%dma_start3A_103 : memref<128xi32, #tpu.memory_space<vmem>>) semaphore(%arg22 : memref<!tpu.dma_semaphore, #tpu.memory_space<semaphore_mem>>) {add = true}
    %dma_start3A_107 = arith.constant 4 : i32
    %dma_start3A_108 = arith.constant 0 : i32
    %dma_start3A_109 = tpu.memref_slice %arg6[%dma_start3A_107, %dma_start3A_108] : memref<165x128xi32, #tpu.memory_space<vmem>> -> memref<1x128xi32, #tpu.memory_space<vmem>>
    %dma_start3A_110 = tpu.memref_squeeze %dma_start3A_109 : memref<1x128xi32, #tpu.memory_space<vmem>> -> memref<128xi32, #tpu.memory_space<vmem>>
    %dma_start3A_111 = arith.constant 0 : i32
    %dma_start3A_112 = arith.constant 0 : i32
    %dma_start3A_113 = tpu.memref_slice %arg14[%dma_start3A_111, %dma_start3A_112] : memref<10240x32xf32, #tpu.memory_space<vmem_shared>> -> memref<10240x32xf32, #tpu.memory_space<vmem_shared>>
    tpu.enqueue_indirect_dma source(%dma_start3A_113 : memref<10240x32xf32, #tpu.memory_space<vmem_shared>>) target(%arg12 : memref<128x32xf32, #tpu.memory_space<vmem>>) offsets(%dma_start3A_110 : memref<128xi32, #tpu.memory_space<vmem>>) semaphore(%arg20 : memref<!tpu.dma_semaphore, #tpu.memory_space<semaphore_mem>>)
    %dma_wait3A_114 = arith.constant 2 : i32
    %dma_wait3A_115 = arith.constant 0 : i32
    %dma_wait3A_116 = tpu.memref_slice %arg6[%dma_wait3A_114, %dma_wait3A_115] : memref<165x128xi32, #tpu.memory_space<vmem>> -> memref<1x128xi32, #tpu.memory_space<vmem>>
    %dma_wait3A_117 = tpu.memref_squeeze %dma_wait3A_116 : memref<1x128xi32, #tpu.memory_space<vmem>> -> memref<128xi32, #tpu.memory_space<vmem>>
    %dma_wait3A_118 = arith.constant 0 : i32
    %dma_wait3A_119 = arith.constant 0 : i32
    %dma_wait3A_120 = tpu.memref_slice %arg14[%dma_wait3A_118, %dma_wait3A_119] : memref<10240x32xf32, #tpu.memory_space<vmem_shared>> -> memref<10240x32xf32, #tpu.memory_space<vmem_shared>>
    tpu.wait_indirect_dma semaphore(%arg18 : memref<!tpu.dma_semaphore, #tpu.memory_space<semaphore_mem>>) src(%dma_wait3A_120 : memref<10240x32xf32, #tpu.memory_space<vmem_shared>>) dst(%arg10 : memref<128x32xf32, #tpu.memory_space<vmem>>)
    %dma_start3A_121 = arith.constant 2 : i32
    %dma_start3A_122 = arith.constant 0 : i32
    %dma_start3A_123 = tpu.memref_slice %arg7[%dma_start3A_121, %dma_start3A_122] : memref<160x128xi32, #tpu.memory_space<vmem>> -> memref<1x128xi32, #tpu.memory_space<vmem>>
    %dma_start3A_124 = tpu.memref_squeeze %dma_start3A_123 : memref<1x128xi32, #tpu.memory_space<vmem>> -> memref<128xi32, #tpu.memory_space<vmem>>
    %dma_start3A_125 = arith.constant 0 : i32
    %dma_start3A_126 = arith.constant 0 : i32
    %dma_start3A_127 = tpu.memref_slice %arg15[%dma_start3A_125, %dma_start3A_126] : memref<10240x32xf32, #tpu.memory_space<vmem_shared>> -> memref<10240x32xf32, #tpu.memory_space<vmem_shared>>
    tpu.enqueue_indirect_dma source(%arg10 : memref<128x32xf32, #tpu.memory_space<vmem>>) target(%dma_start3A_127 : memref<10240x32xf32, #tpu.memory_space<vmem_shared>>) offsets(%dma_start3A_124 : memref<128xi32, #tpu.memory_space<vmem>>) semaphore(%arg23 : memref<!tpu.dma_semaphore, #tpu.memory_space<semaphore_mem>>) {add = true}
    %dma_wait3A_128 = arith.constant 0 : i32
    %dma_wait3A_129 = arith.constant 0 : i32
    %dma_wait3A_130 = tpu.memref_slice %arg7[%dma_wait3A_128, %dma_wait3A_129] : memref<160x128xi32, #tpu.memory_space<vmem>> -> memref<1x128xi32, #tpu.memory_space<vmem>>
    %dma_wait3A_131 = tpu.memref_squeeze %dma_wait3A_130 : memref<1x128xi32, #tpu.memory_space<vmem>> -> memref<128xi32, #tpu.memory_space<vmem>>
    %dma_wait3A_132 = arith.constant 0 : i32
    %dma_wait3A_133 = arith.constant 0 : i32
    %dma_wait3A_134 = tpu.memref_slice %arg15[%dma_wait3A_132, %dma_wait3A_133] : memref<10240x32xf32, #tpu.memory_space<vmem_shared>> -> memref<10240x32xf32, #tpu.memory_space<vmem_shared>>
    tpu.wait_indirect_dma semaphore(%arg21 : memref<!tpu.dma_semaphore, #tpu.memory_space<semaphore_mem>>) src(%arg8 : memref<128x32xf32, #tpu.memory_space<vmem>>) dst(%dma_wait3A_134 : memref<10240x32xf32, #tpu.memory_space<vmem_shared>>)
    %dma_start3A_135 = arith.constant 5 : i32
    %dma_start3A_136 = arith.constant 0 : i32
    %dma_start3A_137 = tpu.memref_slice %arg6[%dma_start3A_135, %dma_start3A_136] : memref<165x128xi32, #tpu.memory_space<vmem>> -> memref<1x128xi32, #tpu.memory_space<vmem>>
    %dma_start3A_138 = tpu.memref_squeeze %dma_start3A_137 : memref<1x128xi32, #tpu.memory_space<vmem>> -> memref<128xi32, #tpu.memory_space<vmem>>
    %dma_start3A_139 = arith.constant 0 : i32
    %dma_start3A_140 = arith.constant 0 : i32
    %dma_start3A_141 = tpu.memref_slice %arg14[%dma_start3A_139, %dma_start3A_140] : memref<10240x32xf32, #tpu.memory_space<vmem_shared>> -> memref<10240x32xf32, #tpu.memory_space<vmem_shared>>
    tpu.enqueue_indirect_dma source(%dma_start3A_141 : memref<10240x32xf32, #tpu.memory_space<vmem_shared>>) target(%arg8 : memref<128x32xf32, #tpu.memory_space<vmem>>) offsets(%dma_start3A_138 : memref<128xi32, #tpu.memory_space<vmem>>) semaphore(%arg16 : memref<!tpu.dma_semaphore, #tpu.memory_space<semaphore_mem>>)
    %dma_wait3A_142 = arith.constant 3 : i32
    %dma_wait3A_143 = arith.constant 0 : i32
    %dma_wait3A_144 = tpu.memref_slice %arg6[%dma_wait3A_142, %dma_wait3A_143] : memref<165x128xi32, #tpu.memory_space<vmem>> -> memref<1x128xi32, #tpu.memory_space<vmem>>
    %dma_wait3A_145 = tpu.memref_squeeze %dma_wait3A_144 : memref<1x128xi32, #tpu.memory_space<vmem>> -> memref<128xi32, #tpu.memory_space<vmem>>
    %dma_wait3A_146 = arith.constant 0 : i32
    %dma_wait3A_147 = arith.constant 0 : i32
    %dma_wait3A_148 = tpu.memref_slice %arg14[%dma_wait3A_146, %dma_wait3A_147] : memref<10240x32xf32, #tpu.memory_space<vmem_shared>> -> memref<10240x32xf32, #tpu.memory_space<vmem_shared>>
    tpu.wait_indirect_dma semaphore(%arg19 : memref<!tpu.dma_semaphore, #tpu.memory_space<semaphore_mem>>) src(%dma_wait3A_148 : memref<10240x32xf32, #tpu.memory_space<vmem_shared>>) dst(%arg11 : memref<128x32xf32, #tpu.memory_space<vmem>>)
    %dma_start3A_149 = arith.constant 3 : i32
    %dma_start3A_150 = arith.constant 0 : i32
    %dma_start3A_151 = tpu.memref_slice %arg7[%dma_start3A_149, %dma_start3A_150] : memref<160x128xi32, #tpu.memory_space<vmem>> -> memref<1x128xi32, #tpu.memory_space<vmem>>
    %dma_start3A_152 = tpu.memref_squeeze %dma_start3A_151 : memref<1x128xi32, #tpu.memory_space<vmem>> -> memref<128xi32, #tpu.memory_space<vmem>>
    %dma_start3A_153 = arith.constant 0 : i32
    %dma_start3A_154 = arith.constant 0 : i32
    %dma_start3A_155 = tpu.memref_slice %arg15[%dma_start3A_153, %dma_start3A_154] : memref<10240x32xf32, #tpu.memory_space<vmem_shared>> -> memref<10240x32xf32, #tpu.memory_space<vmem_shared>>
    tpu.enqueue_indirect_dma source(%arg11 : memref<128x32xf32, #tpu.memory_space<vmem>>) target(%dma_start3A_155 : memref<10240x32xf32, #tpu.memory_space<vmem_shared>>) offsets(%dma_start3A_152 : memref<128xi32, #tpu.memory_space<vmem>>) semaphore(%arg24 : memref<!tpu.dma_semaphore, #tpu.memory_space<semaphore_mem>>) {add = true}
    %dma_wait3A_156 = arith.constant 0 : i32
    %dma_wait3A_157 = arith.constant 0 : i32
    %dma_wait3A_158 = tpu.memref_slice %arg7[%dma_wait3A_156, %dma_wait3A_157] : memref<160x128xi32, #tpu.memory_space<vmem>> -> memref<1x128xi32, #tpu.memory_space<vmem>>
    %dma_wait3A_159 = tpu.memref_squeeze %dma_wait3A_158 : memref<1x128xi32, #tpu.memory_space<vmem>> -> memref<128xi32, #tpu.memory_space<vmem>>
    %dma_wait3A_160 = arith.constant 0 : i32
    %dma_wait3A_161 = arith.constant 0 : i32
    %dma_wait3A_162 = tpu.memref_slice %arg15[%dma_wait3A_160, %dma_wait3A_161] : memref<10240x32xf32, #tpu.memory_space<vmem_shared>> -> memref<10240x32xf32, #tpu.memory_space<vmem_shared>>
    tpu.wait_indirect_dma semaphore(%arg22 : memref<!tpu.dma_semaphore, #tpu.memory_space<semaphore_mem>>) src(%arg9 : memref<128x32xf32, #tpu.memory_space<vmem>>) dst(%dma_wait3A_162 : memref<10240x32xf32, #tpu.memory_space<vmem_shared>>)
    %dma_start3A_163 = arith.constant 6 : i32
    %dma_start3A_164 = arith.constant 0 : i32
    %dma_start3A_165 = tpu.memref_slice %arg6[%dma_start3A_163, %dma_start3A_164] : memref<165x128xi32, #tpu.memory_space<vmem>> -> memref<1x128xi32, #tpu.memory_space<vmem>>
    %dma_start3A_166 = tpu.memref_squeeze %dma_start3A_165 : memref<1x128xi32, #tpu.memory_space<vmem>> -> memref<128xi32, #tpu.memory_space<vmem>>
    %dma_start3A_167 = arith.constant 0 : i32
    %dma_start3A_168 = arith.constant 0 : i32
    %dma_start3A_169 = tpu.memref_slice %arg14[%dma_start3A_167, %dma_start3A_168] : memref<10240x32xf32, #tpu.memory_space<vmem_shared>> -> memref<10240x32xf32, #tpu.memory_space<vmem_shared>>
    tpu.enqueue_indirect_dma source(%dma_start3A_169 : memref<10240x32xf32, #tpu.memory_space<vmem_shared>>) target(%arg9 : memref<128x32xf32, #tpu.memory_space<vmem>>) offsets(%dma_start3A_166 : memref<128xi32, #tpu.memory_space<vmem>>) semaphore(%arg17 : memref<!tpu.dma_semaphore, #tpu.memory_space<semaphore_mem>>)
    %dma_wait3A_170 = arith.constant 4 : i32
    %dma_wait3A_171 = arith.constant 0 : i32
    %dma_wait3A_172 = tpu.memref_slice %arg6[%dma_wait3A_170, %dma_wait3A_171] : memref<165x128xi32, #tpu.memory_space<vmem>> -> memref<1x128xi32, #tpu.memory_space<vmem>>
    %dma_wait3A_173 = tpu.memref_squeeze %dma_wait3A_172 : memref<1x128xi32, #tpu.memory_space<vmem>> -> memref<128xi32, #tpu.memory_space<vmem>>
    %dma_wait3A_174 = arith.constant 0 : i32
    %dma_wait3A_175 = arith.constant 0 : i32
    %dma_wait3A_176 = tpu.memref_slice %arg14[%dma_wait3A_174, %dma_wait3A_175] : memref<10240x32xf32, #tpu.memory_space<vmem_shared>> -> memref<10240x32xf32, #tpu.memory_space<vmem_shared>>
    tpu.wait_indirect_dma semaphore(%arg20 : memref<!tpu.dma_semaphore, #tpu.memory_space<semaphore_mem>>) src(%dma_wait3A_176 : memref<10240x32xf32, #tpu.memory_space<vmem_shared>>) dst(%arg12 : memref<128x32xf32, #tpu.memory_space<vmem>>)
    %dma_start3A_177 = arith.constant 4 : i32
    %dma_start3A_178 = arith.constant 0 : i32
    %dma_start3A_179 = tpu.memref_slice %arg7[%dma_start3A_177, %dma_start3A_178] : memref<160x128xi32, #tpu.memory_space<vmem>> -> memref<1x128xi32, #tpu.memory_space<vmem>>
    %dma_start3A_180 = tpu.memref_squeeze %dma_start3A_179 : memref<1x128xi32, #tpu.memory_space<vmem>> -> memref<128xi32, #tpu.memory_space<vmem>>
    %dma_start3A_181 = arith.constant 0 : i32
    %dma_start3A_182 = arith.constant 0 : i32
    %dma_start3A_183 = tpu.memref_slice %arg15[%dma_start3A_181, %dma_start3A_182] : memref<10240x32xf32, #tpu.memory_space<vmem_shared>> -> memref<10240x32xf32, #tpu.memory_space<vmem_shared>>
    tpu.enqueue_indirect_dma source(%arg12 : memref<128x32xf32, #tpu.memory_space<vmem>>) target(%dma_start3A_183 : memref<10240x32xf32, #tpu.memory_space<vmem_shared>>) offsets(%dma_start3A_180 : memref<128xi32, #tpu.memory_space<vmem>>) semaphore(%arg25 : memref<!tpu.dma_semaphore, #tpu.memory_space<semaphore_mem>>) {add = true}
    %dma_wait3A_184 = arith.constant 0 : i32
    %dma_wait3A_185 = arith.constant 0 : i32
    %dma_wait3A_186 = tpu.memref_slice %arg7[%dma_wait3A_184, %dma_wait3A_185] : memref<160x128xi32, #tpu.memory_space<vmem>> -> memref<1x128xi32, #tpu.memory_space<vmem>>
    %dma_wait3A_187 = tpu.memref_squeeze %dma_wait3A_186 : memref<1x128xi32, #tpu.memory_space<vmem>> -> memref<128xi32, #tpu.memory_space<vmem>>
    %dma_wait3A_188 = arith.constant 0 : i32
    %dma_wait3A_189 = arith.constant 0 : i32
    %dma_wait3A_190 = tpu.memref_slice %arg15[%dma_wait3A_188, %dma_wait3A_189] : memref<10240x32xf32, #tpu.memory_space<vmem_shared>> -> memref<10240x32xf32, #tpu.memory_space<vmem_shared>>
    tpu.wait_indirect_dma semaphore(%arg23 : memref<!tpu.dma_semaphore, #tpu.memory_space<semaphore_mem>>) src(%arg10 : memref<128x32xf32, #tpu.memory_space<vmem>>) dst(%dma_wait3A_190 : memref<10240x32xf32, #tpu.memory_space<vmem_shared>>)
    %dma_start3A_191 = arith.constant 7 : i32
    %dma_start3A_192 = arith.constant 0 : i32
    %dma_start3A_193 = tpu.memref_slice %arg6[%dma_start3A_191, %dma_start3A_192] : memref<165x128xi32, #tpu.memory_space<vmem>> -> memref<1x128xi32, #tpu.memory_space<vmem>>
    %dma_start3A_194 = tpu.memref_squeeze %dma_start3A_193 : memref<1x128xi32, #tpu.memory_space<vmem>> -> memref<128xi32, #tpu.memory_space<vmem>>
    %dma_start3A_195 = arith.constant 0 : i32
    %dma_start3A_196 = arith.constant 0 : i32
    %dma_start3A_197 = tpu.memref_slice %arg14[%dma_start3A_195, %dma_start3A_196] : memref<10240x32xf32, #tpu.memory_space<vmem_shared>> -> memref<10240x32xf32, #tpu.memory_space<vmem_shared>>
    tpu.enqueue_indirect_dma source(%dma_start3A_197 : memref<10240x32xf32, #tpu.memory_space<vmem_shared>>) target(%arg10 : memref<128x32xf32, #tpu.memory_space<vmem>>) offsets(%dma_start3A_194 : memref<128xi32, #tpu.memory_space<vmem>>) semaphore(%arg18 : memref<!tpu.dma_semaphore, #tpu.memory_space<semaphore_mem>>)
    %scan3A_198 = arith.constant 0 : i32
    %scan3A_199 = arith.constant 1 : i32
    %scan3A_200 = arith.constant 31 : i32
    %scan3A_201 = arith.addi %scan3A_199, %scan3A_200 : i32
    %scan3A_202 = arith.constant 1 : i32
    %scan3A_203 = scf.for %scan3A_560 = %scan3A_199 to %scan3A_201 step %scan3A_202 iter_args(%scan3A_561 = %scan3A_198) -> (i32)  : i32 {
      %mul3A_562 = arith.constant 5 : i32
      %mul3A_563 = arith.muli %scan3A_560, %mul3A_562 : i32
      %add3A_564 = arith.constant 0 : i32
      %add3A_565 = arith.addi %mul3A_563, %add3A_564 : i32
      %dma_wait3A_566 = arith.constant 0 : i32
      %dma_wait3A_567 = tpu.memref_slice %arg6[%add3A_565, %dma_wait3A_566] : memref<165x128xi32, #tpu.memory_space<vmem>> -> memref<1x128xi32, #tpu.memory_space<vmem>>
      %dma_wait3A_568 = tpu.memref_squeeze %dma_wait3A_567 : memref<1x128xi32, #tpu.memory_space<vmem>> -> memref<128xi32, #tpu.memory_space<vmem>>
      %dma_wait3A_569 = arith.constant 0 : i32
      %dma_wait3A_570 = arith.constant 0 : i32
      %dma_wait3A_571 = tpu.memref_slice %arg14[%dma_wait3A_569, %dma_wait3A_570] : memref<10240x32xf32, #tpu.memory_space<vmem_shared>> -> memref<10240x32xf32, #tpu.memory_space<vmem_shared>>
      tpu.wait_indirect_dma semaphore(%arg16 : memref<!tpu.dma_semaphore, #tpu.memory_space<semaphore_mem>>) src(%dma_wait3A_571 : memref<10240x32xf32, #tpu.memory_space<vmem_shared>>) dst(%arg8 : memref<128x32xf32, #tpu.memory_space<vmem>>)
      %dma_start3A_572 = arith.constant 0 : i32
      %dma_start3A_573 = tpu.memref_slice %arg7[%add3A_565, %dma_start3A_572] : memref<160x128xi32, #tpu.memory_space<vmem>> -> memref<1x128xi32, #tpu.memory_space<vmem>>
      %dma_start3A_574 = tpu.memref_squeeze %dma_start3A_573 : memref<1x128xi32, #tpu.memory_space<vmem>> -> memref<128xi32, #tpu.memory_space<vmem>>
      %dma_start3A_575 = arith.constant 0 : i32
      %dma_start3A_576 = arith.constant 0 : i32
      %dma_start3A_577 = tpu.memref_slice %arg15[%dma_start3A_575, %dma_start3A_576] : memref<10240x32xf32, #tpu.memory_space<vmem_shared>> -> memref<10240x32xf32, #tpu.memory_space<vmem_shared>>
      tpu.enqueue_indirect_dma source(%arg8 : memref<128x32xf32, #tpu.memory_space<vmem>>) target(%dma_start3A_577 : memref<10240x32xf32, #tpu.memory_space<vmem_shared>>) offsets(%dma_start3A_574 : memref<128xi32, #tpu.memory_space<vmem>>) semaphore(%arg21 : memref<!tpu.dma_semaphore, #tpu.memory_space<semaphore_mem>>) {add = true}
      %dma_wait3A_578 = arith.constant 0 : i32
      %dma_wait3A_579 = arith.constant 0 : i32
      %dma_wait3A_580 = tpu.memref_slice %arg7[%dma_wait3A_578, %dma_wait3A_579] : memref<160x128xi32, #tpu.memory_space<vmem>> -> memref<1x128xi32, #tpu.memory_space<vmem>>
      %dma_wait3A_581 = tpu.memref_squeeze %dma_wait3A_580 : memref<1x128xi32, #tpu.memory_space<vmem>> -> memref<128xi32, #tpu.memory_space<vmem>>
      %dma_wait3A_582 = arith.constant 0 : i32
      %dma_wait3A_583 = arith.constant 0 : i32
      %dma_wait3A_584 = tpu.memref_slice %arg15[%dma_wait3A_582, %dma_wait3A_583] : memref<10240x32xf32, #tpu.memory_space<vmem_shared>> -> memref<10240x32xf32, #tpu.memory_space<vmem_shared>>
      tpu.wait_indirect_dma semaphore(%arg24 : memref<!tpu.dma_semaphore, #tpu.memory_space<semaphore_mem>>) src(%arg11 : memref<128x32xf32, #tpu.memory_space<vmem>>) dst(%dma_wait3A_584 : memref<10240x32xf32, #tpu.memory_space<vmem_shared>>)
      %add3A_585 = arith.constant 3 : i32
      %add3A_586 = arith.addi %add3A_565, %add3A_585 : i32
      %dma_start3A_587 = arith.constant 0 : i32
      %dma_start3A_588 = tpu.memref_slice %arg6[%add3A_586, %dma_start3A_587] : memref<165x128xi32, #tpu.memory_space<vmem>> -> memref<1x128xi32, #tpu.memory_space<vmem>>
      %dma_start3A_589 = tpu.memref_squeeze %dma_start3A_588 : memref<1x128xi32, #tpu.memory_space<vmem>> -> memref<128xi32, #tpu.memory_space<vmem>>
      %dma_start3A_590 = arith.constant 0 : i32
      %dma_start3A_591 = arith.constant 0 : i32
      %dma_start3A_592 = tpu.memref_slice %arg14[%dma_start3A_590, %dma_start3A_591] : memref<10240x32xf32, #tpu.memory_space<vmem_shared>> -> memref<10240x32xf32, #tpu.memory_space<vmem_shared>>
      tpu.enqueue_indirect_dma source(%dma_start3A_592 : memref<10240x32xf32, #tpu.memory_space<vmem_shared>>) target(%arg11 : memref<128x32xf32, #tpu.memory_space<vmem>>) offsets(%dma_start3A_589 : memref<128xi32, #tpu.memory_space<vmem>>) semaphore(%arg19 : memref<!tpu.dma_semaphore, #tpu.memory_space<semaphore_mem>>)
      %mul3A_593 = arith.constant 5 : i32
      %mul3A_594 = arith.muli %scan3A_560, %mul3A_593 : i32
      %add3A_595 = arith.constant 1 : i32
      %add3A_596 = arith.addi %mul3A_594, %add3A_595 : i32
      %dma_wait3A_597 = arith.constant 0 : i32
      %dma_wait3A_598 = tpu.memref_slice %arg6[%add3A_596, %dma_wait3A_597] : memref<165x128xi32, #tpu.memory_space<vmem>> -> memref<1x128xi32, #tpu.memory_space<vmem>>
      %dma_wait3A_599 = tpu.memref_squeeze %dma_wait3A_598 : memref<1x128xi32, #tpu.memory_space<vmem>> -> memref<128xi32, #tpu.memory_space<vmem>>
      %dma_wait3A_600 = arith.constant 0 : i32
      %dma_wait3A_601 = arith.constant 0 : i32
      %dma_wait3A_602 = tpu.memref_slice %arg14[%dma_wait3A_600, %dma_wait3A_601] : memref<10240x32xf32, #tpu.memory_space<vmem_shared>> -> memref<10240x32xf32, #tpu.memory_space<vmem_shared>>
      tpu.wait_indirect_dma semaphore(%arg17 : memref<!tpu.dma_semaphore, #tpu.memory_space<semaphore_mem>>) src(%dma_wait3A_602 : memref<10240x32xf32, #tpu.memory_space<vmem_shared>>) dst(%arg9 : memref<128x32xf32, #tpu.memory_space<vmem>>)
      %dma_start3A_603 = arith.constant 0 : i32
      %dma_start3A_604 = tpu.memref_slice %arg7[%add3A_596, %dma_start3A_603] : memref<160x128xi32, #tpu.memory_space<vmem>> -> memref<1x128xi32, #tpu.memory_space<vmem>>
      %dma_start3A_605 = tpu.memref_squeeze %dma_start3A_604 : memref<1x128xi32, #tpu.memory_space<vmem>> -> memref<128xi32, #tpu.memory_space<vmem>>
      %dma_start3A_606 = arith.constant 0 : i32
      %dma_start3A_607 = arith.constant 0 : i32
      %dma_start3A_608 = tpu.memref_slice %arg15[%dma_start3A_606, %dma_start3A_607] : memref<10240x32xf32, #tpu.memory_space<vmem_shared>> -> memref<10240x32xf32, #tpu.memory_space<vmem_shared>>
      tpu.enqueue_indirect_dma source(%arg9 : memref<128x32xf32, #tpu.memory_space<vmem>>) target(%dma_start3A_608 : memref<10240x32xf32, #tpu.memory_space<vmem_shared>>) offsets(%dma_start3A_605 : memref<128xi32, #tpu.memory_space<vmem>>) semaphore(%arg22 : memref<!tpu.dma_semaphore, #tpu.memory_space<semaphore_mem>>) {add = true}
      %dma_wait3A_609 = arith.constant 0 : i32
      %dma_wait3A_610 = arith.constant 0 : i32
      %dma_wait3A_611 = tpu.memref_slice %arg7[%dma_wait3A_609, %dma_wait3A_610] : memref<160x128xi32, #tpu.memory_space<vmem>> -> memref<1x128xi32, #tpu.memory_space<vmem>>
      %dma_wait3A_612 = tpu.memref_squeeze %dma_wait3A_611 : memref<1x128xi32, #tpu.memory_space<vmem>> -> memref<128xi32, #tpu.memory_space<vmem>>
      %dma_wait3A_613 = arith.constant 0 : i32
      %dma_wait3A_614 = arith.constant 0 : i32
      %dma_wait3A_615 = tpu.memref_slice %arg15[%dma_wait3A_613, %dma_wait3A_614] : memref<10240x32xf32, #tpu.memory_space<vmem_shared>> -> memref<10240x32xf32, #tpu.memory_space<vmem_shared>>
      tpu.wait_indirect_dma semaphore(%arg25 : memref<!tpu.dma_semaphore, #tpu.memory_space<semaphore_mem>>) src(%arg12 : memref<128x32xf32, #tpu.memory_space<vmem>>) dst(%dma_wait3A_615 : memref<10240x32xf32, #tpu.memory_space<vmem_shared>>)
      %add3A_616 = arith.constant 3 : i32
      %add3A_617 = arith.addi %add3A_596, %add3A_616 : i32
      %dma_start3A_618 = arith.constant 0 : i32
      %dma_start3A_619 = tpu.memref_slice %arg6[%add3A_617, %dma_start3A_618] : memref<165x128xi32, #tpu.memory_space<vmem>> -> memref<1x128xi32, #tpu.memory_space<vmem>>
      %dma_start3A_620 = tpu.memref_squeeze %dma_start3A_619 : memref<1x128xi32, #tpu.memory_space<vmem>> -> memref<128xi32, #tpu.memory_space<vmem>>
      %dma_start3A_621 = arith.constant 0 : i32
      %dma_start3A_622 = arith.constant 0 : i32
      %dma_start3A_623 = tpu.memref_slice %arg14[%dma_start3A_621, %dma_start3A_622] : memref<10240x32xf32, #tpu.memory_space<vmem_shared>> -> memref<10240x32xf32, #tpu.memory_space<vmem_shared>>
      tpu.enqueue_indirect_dma source(%dma_start3A_623 : memref<10240x32xf32, #tpu.memory_space<vmem_shared>>) target(%arg12 : memref<128x32xf32, #tpu.memory_space<vmem>>) offsets(%dma_start3A_620 : memref<128xi32, #tpu.memory_space<vmem>>) semaphore(%arg20 : memref<!tpu.dma_semaphore, #tpu.memory_space<semaphore_mem>>)
      %mul3A_624 = arith.constant 5 : i32
      %mul3A_625 = arith.muli %scan3A_560, %mul3A_624 : i32
      %add3A_626 = arith.constant 2 : i32
      %add3A_627 = arith.addi %mul3A_625, %add3A_626 : i32
      %dma_wait3A_628 = arith.constant 0 : i32
      %dma_wait3A_629 = tpu.memref_slice %arg6[%add3A_627, %dma_wait3A_628] : memref<165x128xi32, #tpu.memory_space<vmem>> -> memref<1x128xi32, #tpu.memory_space<vmem>>
      %dma_wait3A_630 = tpu.memref_squeeze %dma_wait3A_629 : memref<1x128xi32, #tpu.memory_space<vmem>> -> memref<128xi32, #tpu.memory_space<vmem>>
      %dma_wait3A_631 = arith.constant 0 : i32
      %dma_wait3A_632 = arith.constant 0 : i32
      %dma_wait3A_633 = tpu.memref_slice %arg14[%dma_wait3A_631, %dma_wait3A_632] : memref<10240x32xf32, #tpu.memory_space<vmem_shared>> -> memref<10240x32xf32, #tpu.memory_space<vmem_shared>>
      tpu.wait_indirect_dma semaphore(%arg18 : memref<!tpu.dma_semaphore, #tpu.memory_space<semaphore_mem>>) src(%dma_wait3A_633 : memref<10240x32xf32, #tpu.memory_space<vmem_shared>>) dst(%arg10 : memref<128x32xf32, #tpu.memory_space<vmem>>)
      %dma_start3A_634 = arith.constant 0 : i32
      %dma_start3A_635 = tpu.memref_slice %arg7[%add3A_627, %dma_start3A_634] : memref<160x128xi32, #tpu.memory_space<vmem>> -> memref<1x128xi32, #tpu.memory_space<vmem>>
      %dma_start3A_636 = tpu.memref_squeeze %dma_start3A_635 : memref<1x128xi32, #tpu.memory_space<vmem>> -> memref<128xi32, #tpu.memory_space<vmem>>
      %dma_start3A_637 = arith.constant 0 : i32
      %dma_start3A_638 = arith.constant 0 : i32
      %dma_start3A_639 = tpu.memref_slice %arg15[%dma_start3A_637, %dma_start3A_638] : memref<10240x32xf32, #tpu.memory_space<vmem_shared>> -> memref<10240x32xf32, #tpu.memory_space<vmem_shared>>
      tpu.enqueue_indirect_dma source(%arg10 : memref<128x32xf32, #tpu.memory_space<vmem>>) target(%dma_start3A_639 : memref<10240x32xf32, #tpu.memory_space<vmem_shared>>) offsets(%dma_start3A_636 : memref<128xi32, #tpu.memory_space<vmem>>) semaphore(%arg23 : memref<!tpu.dma_semaphore, #tpu.memory_space<semaphore_mem>>) {add = true}
      %dma_wait3A_640 = arith.constant 0 : i32
      %dma_wait3A_641 = arith.constant 0 : i32
      %dma_wait3A_642 = tpu.memref_slice %arg7[%dma_wait3A_640, %dma_wait3A_641] : memref<160x128xi32, #tpu.memory_space<vmem>> -> memref<1x128xi32, #tpu.memory_space<vmem>>
      %dma_wait3A_643 = tpu.memref_squeeze %dma_wait3A_642 : memref<1x128xi32, #tpu.memory_space<vmem>> -> memref<128xi32, #tpu.memory_space<vmem>>
      %dma_wait3A_644 = arith.constant 0 : i32
      %dma_wait3A_645 = arith.constant 0 : i32
      %dma_wait3A_646 = tpu.memref_slice %arg15[%dma_wait3A_644, %dma_wait3A_645] : memref<10240x32xf32, #tpu.memory_space<vmem_shared>> -> memref<10240x32xf32, #tpu.memory_space<vmem_shared>>
      tpu.wait_indirect_dma semaphore(%arg21 : memref<!tpu.dma_semaphore, #tpu.memory_space<semaphore_mem>>) src(%arg8 : memref<128x32xf32, #tpu.memory_space<vmem>>) dst(%dma_wait3A_646 : memref<10240x32xf32, #tpu.memory_space<vmem_shared>>)
      %add3A_647 = arith.constant 3 : i32
      %add3A_648 = arith.addi %add3A_627, %add3A_647 : i32
      %dma_start3A_649 = arith.constant 0 : i32
      %dma_start3A_650 = tpu.memref_slice %arg6[%add3A_648, %dma_start3A_649] : memref<165x128xi32, #tpu.memory_space<vmem>> -> memref<1x128xi32, #tpu.memory_space<vmem>>
      %dma_start3A_651 = tpu.memref_squeeze %dma_start3A_650 : memref<1x128xi32, #tpu.memory_space<vmem>> -> memref<128xi32, #tpu.memory_space<vmem>>
      %dma_start3A_652 = arith.constant 0 : i32
      %dma_start3A_653 = arith.constant 0 : i32
      %dma_start3A_654 = tpu.memref_slice %arg14[%dma_start3A_652, %dma_start3A_653] : memref<10240x32xf32, #tpu.memory_space<vmem_shared>> -> memref<10240x32xf32, #tpu.memory_space<vmem_shared>>
      tpu.enqueue_indirect_dma source(%dma_start3A_654 : memref<10240x32xf32, #tpu.memory_space<vmem_shared>>) target(%arg8 : memref<128x32xf32, #tpu.memory_space<vmem>>) offsets(%dma_start3A_651 : memref<128xi32, #tpu.memory_space<vmem>>) semaphore(%arg16 : memref<!tpu.dma_semaphore, #tpu.memory_space<semaphore_mem>>)
      %mul3A_655 = arith.constant 5 : i32
      %mul3A_656 = arith.muli %scan3A_560, %mul3A_655 : i32
      %add3A_657 = arith.constant 3 : i32
      %add3A_658 = arith.addi %mul3A_656, %add3A_657 : i32
      %dma_wait3A_659 = arith.constant 0 : i32
      %dma_wait3A_660 = tpu.memref_slice %arg6[%add3A_658, %dma_wait3A_659] : memref<165x128xi32, #tpu.memory_space<vmem>> -> memref<1x128xi32, #tpu.memory_space<vmem>>
      %dma_wait3A_661 = tpu.memref_squeeze %dma_wait3A_660 : memref<1x128xi32, #tpu.memory_space<vmem>> -> memref<128xi32, #tpu.memory_space<vmem>>
      %dma_wait3A_662 = arith.constant 0 : i32
      %dma_wait3A_663 = arith.constant 0 : i32
      %dma_wait3A_664 = tpu.memref_slice %arg14[%dma_wait3A_662, %dma_wait3A_663] : memref<10240x32xf32, #tpu.memory_space<vmem_shared>> -> memref<10240x32xf32, #tpu.memory_space<vmem_shared>>
      tpu.wait_indirect_dma semaphore(%arg19 : memref<!tpu.dma_semaphore, #tpu.memory_space<semaphore_mem>>) src(%dma_wait3A_664 : memref<10240x32xf32, #tpu.memory_space<vmem_shared>>) dst(%arg11 : memref<128x32xf32, #tpu.memory_space<vmem>>)
      %dma_start3A_665 = arith.constant 0 : i32
      %dma_start3A_666 = tpu.memref_slice %arg7[%add3A_658, %dma_start3A_665] : memref<160x128xi32, #tpu.memory_space<vmem>> -> memref<1x128xi32, #tpu.memory_space<vmem>>
      %dma_start3A_667 = tpu.memref_squeeze %dma_start3A_666 : memref<1x128xi32, #tpu.memory_space<vmem>> -> memref<128xi32, #tpu.memory_space<vmem>>
      %dma_start3A_668 = arith.constant 0 : i32
      %dma_start3A_669 = arith.constant 0 : i32
      %dma_start3A_670 = tpu.memref_slice %arg15[%dma_start3A_668, %dma_start3A_669] : memref<10240x32xf32, #tpu.memory_space<vmem_shared>> -> memref<10240x32xf32, #tpu.memory_space<vmem_shared>>
      tpu.enqueue_indirect_dma source(%arg11 : memref<128x32xf32, #tpu.memory_space<vmem>>) target(%dma_start3A_670 : memref<10240x32xf32, #tpu.memory_space<vmem_shared>>) offsets(%dma_start3A_667 : memref<128xi32, #tpu.memory_space<vmem>>) semaphore(%arg24 : memref<!tpu.dma_semaphore, #tpu.memory_space<semaphore_mem>>) {add = true}
      %dma_wait3A_671 = arith.constant 0 : i32
      %dma_wait3A_672 = arith.constant 0 : i32
      %dma_wait3A_673 = tpu.memref_slice %arg7[%dma_wait3A_671, %dma_wait3A_672] : memref<160x128xi32, #tpu.memory_space<vmem>> -> memref<1x128xi32, #tpu.memory_space<vmem>>
      %dma_wait3A_674 = tpu.memref_squeeze %dma_wait3A_673 : memref<1x128xi32, #tpu.memory_space<vmem>> -> memref<128xi32, #tpu.memory_space<vmem>>
      %dma_wait3A_675 = arith.constant 0 : i32
      %dma_wait3A_676 = arith.constant 0 : i32
      %dma_wait3A_677 = tpu.memref_slice %arg15[%dma_wait3A_675, %dma_wait3A_676] : memref<10240x32xf32, #tpu.memory_space<vmem_shared>> -> memref<10240x32xf32, #tpu.memory_space<vmem_shared>>
      tpu.wait_indirect_dma semaphore(%arg22 : memref<!tpu.dma_semaphore, #tpu.memory_space<semaphore_mem>>) src(%arg9 : memref<128x32xf32, #tpu.memory_space<vmem>>) dst(%dma_wait3A_677 : memref<10240x32xf32, #tpu.memory_space<vmem_shared>>)
      %add3A_678 = arith.constant 3 : i32
      %add3A_679 = arith.addi %add3A_658, %add3A_678 : i32
      %dma_start3A_680 = arith.constant 0 : i32
      %dma_start3A_681 = tpu.memref_slice %arg6[%add3A_679, %dma_start3A_680] : memref<165x128xi32, #tpu.memory_space<vmem>> -> memref<1x128xi32, #tpu.memory_space<vmem>>
      %dma_start3A_682 = tpu.memref_squeeze %dma_start3A_681 : memref<1x128xi32, #tpu.memory_space<vmem>> -> memref<128xi32, #tpu.memory_space<vmem>>
      %dma_start3A_683 = arith.constant 0 : i32
      %dma_start3A_684 = arith.constant 0 : i32
      %dma_start3A_685 = tpu.memref_slice %arg14[%dma_start3A_683, %dma_start3A_684] : memref<10240x32xf32, #tpu.memory_space<vmem_shared>> -> memref<10240x32xf32, #tpu.memory_space<vmem_shared>>
      tpu.enqueue_indirect_dma source(%dma_start3A_685 : memref<10240x32xf32, #tpu.memory_space<vmem_shared>>) target(%arg9 : memref<128x32xf32, #tpu.memory_space<vmem>>) offsets(%dma_start3A_682 : memref<128xi32, #tpu.memory_space<vmem>>) semaphore(%arg17 : memref<!tpu.dma_semaphore, #tpu.memory_space<semaphore_mem>>)
      %mul3A_686 = arith.constant 5 : i32
      %mul3A_687 = arith.muli %scan3A_560, %mul3A_686 : i32
      %add3A_688 = arith.constant 4 : i32
      %add3A_689 = arith.addi %mul3A_687, %add3A_688 : i32
      %dma_wait3A_690 = arith.constant 0 : i32
      %dma_wait3A_691 = tpu.memref_slice %arg6[%add3A_689, %dma_wait3A_690] : memref<165x128xi32, #tpu.memory_space<vmem>> -> memref<1x128xi32, #tpu.memory_space<vmem>>
      %dma_wait3A_692 = tpu.memref_squeeze %dma_wait3A_691 : memref<1x128xi32, #tpu.memory_space<vmem>> -> memref<128xi32, #tpu.memory_space<vmem>>
      %dma_wait3A_693 = arith.constant 0 : i32
      %dma_wait3A_694 = arith.constant 0 : i32
      %dma_wait3A_695 = tpu.memref_slice %arg14[%dma_wait3A_693, %dma_wait3A_694] : memref<10240x32xf32, #tpu.memory_space<vmem_shared>> -> memref<10240x32xf32, #tpu.memory_space<vmem_shared>>
      tpu.wait_indirect_dma semaphore(%arg20 : memref<!tpu.dma_semaphore, #tpu.memory_space<semaphore_mem>>) src(%dma_wait3A_695 : memref<10240x32xf32, #tpu.memory_space<vmem_shared>>) dst(%arg12 : memref<128x32xf32, #tpu.memory_space<vmem>>)
      %dma_start3A_696 = arith.constant 0 : i32
      %dma_start3A_697 = tpu.memref_slice %arg7[%add3A_689, %dma_start3A_696] : memref<160x128xi32, #tpu.memory_space<vmem>> -> memref<1x128xi32, #tpu.memory_space<vmem>>
      %dma_start3A_698 = tpu.memref_squeeze %dma_start3A_697 : memref<1x128xi32, #tpu.memory_space<vmem>> -> memref<128xi32, #tpu.memory_space<vmem>>
      %dma_start3A_699 = arith.constant 0 : i32
      %dma_start3A_700 = arith.constant 0 : i32
      %dma_start3A_701 = tpu.memref_slice %arg15[%dma_start3A_699, %dma_start3A_700] : memref<10240x32xf32, #tpu.memory_space<vmem_shared>> -> memref<10240x32xf32, #tpu.memory_space<vmem_shared>>
      tpu.enqueue_indirect_dma source(%arg12 : memref<128x32xf32, #tpu.memory_space<vmem>>) target(%dma_start3A_701 : memref<10240x32xf32, #tpu.memory_space<vmem_shared>>) offsets(%dma_start3A_698 : memref<128xi32, #tpu.memory_space<vmem>>) semaphore(%arg25 : memref<!tpu.dma_semaphore, #tpu.memory_space<semaphore_mem>>) {add = true}
      %dma_wait3A_702 = arith.constant 0 : i32
      %dma_wait3A_703 = arith.constant 0 : i32
      %dma_wait3A_704 = tpu.memref_slice %arg7[%dma_wait3A_702, %dma_wait3A_703] : memref<160x128xi32, #tpu.memory_space<vmem>> -> memref<1x128xi32, #tpu.memory_space<vmem>>
      %dma_wait3A_705 = tpu.memref_squeeze %dma_wait3A_704 : memref<1x128xi32, #tpu.memory_space<vmem>> -> memref<128xi32, #tpu.memory_space<vmem>>
      %dma_wait3A_706 = arith.constant 0 : i32
      %dma_wait3A_707 = arith.constant 0 : i32
      %dma_wait3A_708 = tpu.memref_slice %arg15[%dma_wait3A_706, %dma_wait3A_707] : memref<10240x32xf32, #tpu.memory_space<vmem_shared>> -> memref<10240x32xf32, #tpu.memory_space<vmem_shared>>
      tpu.wait_indirect_dma semaphore(%arg23 : memref<!tpu.dma_semaphore, #tpu.memory_space<semaphore_mem>>) src(%arg10 : memref<128x32xf32, #tpu.memory_space<vmem>>) dst(%dma_wait3A_708 : memref<10240x32xf32, #tpu.memory_space<vmem_shared>>)
      %add3A_709 = arith.constant 3 : i32
      %add3A_710 = arith.addi %add3A_689, %add3A_709 : i32
      %dma_start3A_711 = arith.constant 0 : i32
      %dma_start3A_712 = tpu.memref_slice %arg6[%add3A_710, %dma_start3A_711] : memref<165x128xi32, #tpu.memory_space<vmem>> -> memref<1x128xi32, #tpu.memory_space<vmem>>
      %dma_start3A_713 = tpu.memref_squeeze %dma_start3A_712 : memref<1x128xi32, #tpu.memory_space<vmem>> -> memref<128xi32, #tpu.memory_space<vmem>>
      %dma_start3A_714 = arith.constant 0 : i32
      %dma_start3A_715 = arith.constant 0 : i32
      %dma_start3A_716 = tpu.memref_slice %arg14[%dma_start3A_714, %dma_start3A_715] : memref<10240x32xf32, #tpu.memory_space<vmem_shared>> -> memref<10240x32xf32, #tpu.memory_space<vmem_shared>>
      tpu.enqueue_indirect_dma source(%dma_start3A_716 : memref<10240x32xf32, #tpu.memory_space<vmem_shared>>) target(%arg10 : memref<128x32xf32, #tpu.memory_space<vmem>>) offsets(%dma_start3A_713 : memref<128xi32, #tpu.memory_space<vmem>>) semaphore(%arg18 : memref<!tpu.dma_semaphore, #tpu.memory_space<semaphore_mem>>)
      %scan3A_717 = arith.constant 0 : i32
      scf.yield %scan3A_717 : i32
    }
    %scan3A_204 = arith.constant 31 : i32
    %dma_wait3A_205 = arith.constant 160 : i32
    %dma_wait3A_206 = arith.constant 0 : i32
    %dma_wait3A_207 = tpu.memref_slice %arg6[%dma_wait3A_205, %dma_wait3A_206] : memref<165x128xi32, #tpu.memory_space<vmem>> -> memref<1x128xi32, #tpu.memory_space<vmem>>
    %dma_wait3A_208 = tpu.memref_squeeze %dma_wait3A_207 : memref<1x128xi32, #tpu.memory_space<vmem>> -> memref<128xi32, #tpu.memory_space<vmem>>
    %dma_wait3A_209 = arith.constant 0 : i32
    %dma_wait3A_210 = arith.constant 0 : i32
    %dma_wait3A_211 = tpu.memref_slice %arg14[%dma_wait3A_209, %dma_wait3A_210] : memref<10240x32xf32, #tpu.memory_space<vmem_shared>> -> memref<10240x32xf32, #tpu.memory_space<vmem_shared>>
    tpu.wait_indirect_dma semaphore(%arg16 : memref<!tpu.dma_semaphore, #tpu.memory_space<semaphore_mem>>) src(%dma_wait3A_211 : memref<10240x32xf32, #tpu.memory_space<vmem_shared>>) dst(%arg8 : memref<128x32xf32, #tpu.memory_space<vmem>>)
    %dma_wait3A_212 = arith.constant 161 : i32
    %dma_wait3A_213 = arith.constant 0 : i32
    %dma_wait3A_214 = tpu.memref_slice %arg6[%dma_wait3A_212, %dma_wait3A_213] : memref<165x128xi32, #tpu.memory_space<vmem>> -> memref<1x128xi32, #tpu.memory_space<vmem>>
    %dma_wait3A_215 = tpu.memref_squeeze %dma_wait3A_214 : memref<1x128xi32, #tpu.memory_space<vmem>> -> memref<128xi32, #tpu.memory_space<vmem>>
    %dma_wait3A_216 = arith.constant 0 : i32
    %dma_wait3A_217 = arith.constant 0 : i32
    %dma_wait3A_218 = tpu.memref_slice %arg14[%dma_wait3A_216, %dma_wait3A_217] : memref<10240x32xf32, #tpu.memory_space<vmem_shared>> -> memref<10240x32xf32, #tpu.memory_space<vmem_shared>>
    tpu.wait_indirect_dma semaphore(%arg17 : memref<!tpu.dma_semaphore, #tpu.memory_space<semaphore_mem>>) src(%dma_wait3A_218 : memref<10240x32xf32, #tpu.memory_space<vmem_shared>>) dst(%arg9 : memref<128x32xf32, #tpu.memory_space<vmem>>)
    %dma_wait3A_219 = arith.constant 162 : i32
    %dma_wait3A_220 = arith.constant 0 : i32
    %dma_wait3A_221 = tpu.memref_slice %arg6[%dma_wait3A_219, %dma_wait3A_220] : memref<165x128xi32, #tpu.memory_space<vmem>> -> memref<1x128xi32, #tpu.memory_space<vmem>>
    %dma_wait3A_222 = tpu.memref_squeeze %dma_wait3A_221 : memref<1x128xi32, #tpu.memory_space<vmem>> -> memref<128xi32, #tpu.memory_space<vmem>>
    %dma_wait3A_223 = arith.constant 0 : i32
    %dma_wait3A_224 = arith.constant 0 : i32
    %dma_wait3A_225 = tpu.memref_slice %arg14[%dma_wait3A_223, %dma_wait3A_224] : memref<10240x32xf32, #tpu.memory_space<vmem_shared>> -> memref<10240x32xf32, #tpu.memory_space<vmem_shared>>
    tpu.wait_indirect_dma semaphore(%arg18 : memref<!tpu.dma_semaphore, #tpu.memory_space<semaphore_mem>>) src(%dma_wait3A_225 : memref<10240x32xf32, #tpu.memory_space<vmem_shared>>) dst(%arg10 : memref<128x32xf32, #tpu.memory_space<vmem>>)
    %dma_wait3A_226 = arith.constant 0 : i32
    %dma_wait3A_227 = arith.constant 0 : i32
    %dma_wait3A_228 = tpu.memref_slice %arg7[%dma_wait3A_226, %dma_wait3A_227] : memref<160x128xi32, #tpu.memory_space<vmem>> -> memref<1x128xi32, #tpu.memory_space<vmem>>
    %dma_wait3A_229 = tpu.memref_squeeze %dma_wait3A_228 : memref<1x128xi32, #tpu.memory_space<vmem>> -> memref<128xi32, #tpu.memory_space<vmem>>
    %dma_wait3A_230 = arith.constant 0 : i32
    %dma_wait3A_231 = arith.constant 0 : i32
    %dma_wait3A_232 = tpu.memref_slice %arg15[%dma_wait3A_230, %dma_wait3A_231] : memref<10240x32xf32, #tpu.memory_space<vmem_shared>> -> memref<10240x32xf32, #tpu.memory_space<vmem_shared>>
    tpu.wait_indirect_dma semaphore(%arg24 : memref<!tpu.dma_semaphore, #tpu.memory_space<semaphore_mem>>) src(%arg11 : memref<128x32xf32, #tpu.memory_space<vmem>>) dst(%dma_wait3A_232 : memref<10240x32xf32, #tpu.memory_space<vmem_shared>>)
    %dma_wait3A_233 = arith.constant 0 : i32
    %dma_wait3A_234 = arith.constant 0 : i32
    %dma_wait3A_235 = tpu.memref_slice %arg7[%dma_wait3A_233, %dma_wait3A_234] : memref<160x128xi32, #tpu.memory_space<vmem>> -> memref<1x128xi32, #tpu.memory_space<vmem>>
    %dma_wait3A_236 = tpu.memref_squeeze %dma_wait3A_235 : memref<1x128xi32, #tpu.memory_space<vmem>> -> memref<128xi32, #tpu.memory_space<vmem>>
    %dma_wait3A_237 = arith.constant 0 : i32
    %dma_wait3A_238 = arith.constant 0 : i32
    %dma_wait3A_239 = tpu.memref_slice %arg15[%dma_wait3A_237, %dma_wait3A_238] : memref<10240x32xf32, #tpu.memory_space<vmem_shared>> -> memref<10240x32xf32, #tpu.memory_space<vmem_shared>>
    tpu.wait_indirect_dma semaphore(%arg25 : memref<!tpu.dma_semaphore, #tpu.memory_space<semaphore_mem>>) src(%arg12 : memref<128x32xf32, #tpu.memory_space<vmem>>) dst(%dma_wait3A_239 : memref<10240x32xf32, #tpu.memory_space<vmem_shared>>)
    %barrier3A_240 = arith.constant 0 : index
    tpu.barrier barrier_id(%barrier3A_240)
    %mul3A_241 = arith.constant 5 : i32
    %mul3A_242 = arith.muli %arg1, %mul3A_241 : i32
    %add3A_243 = arith.constant 0 : i32
    %add3A_244 = arith.addi %mul3A_242, %add3A_243 : i32
    %mul3A_245 = arith.constant 128 : i32
    %mul3A_246 = arith.muli %add3A_244, %mul3A_245 : i32
    %mul3A_247 = arith.constant 32 : i32
    %mul3A_248 = arith.muli %add3A_7, %mul3A_247 : i32
    "tpu.region"() ({
      %run_scoped3A = tpu.sem_alloc : memref<!tpu.dma_semaphore, #tpu.memory_space<semaphore_mem>>
      %dma_start3A_560 = tpu.memref_slice %arg5[%mul3A_246, %mul3A_248] : memref<10240x128xf32, #tpu.memory_space<hbm>> -> memref<128x32xf32, #tpu.memory_space<hbm>>
      %dma_start3A_561 = arith.constant 0 : i32
      %dma_start3A_562 = tpu.memref_slice %arg15[%mul3A_246, %dma_start3A_561] : memref<10240x32xf32, #tpu.memory_space<vmem_shared>> -> memref<128x32xf32, #tpu.memory_space<vmem_shared>>
      tpu.enqueue_dma source(%dma_start3A_562 : memref<128x32xf32, #tpu.memory_space<vmem_shared>>) target(%dma_start3A_560 : memref<128x32xf32, #tpu.memory_space<hbm>>) target_semaphore(%run_scoped3A : memref<!tpu.dma_semaphore, #tpu.memory_space<semaphore_mem>>)
      %dma_wait3A_563 = tpu.memref_slice %arg5[%mul3A_246, %mul3A_248] : memref<10240x128xf32, #tpu.memory_space<hbm>> -> memref<128x32xf32, #tpu.memory_space<hbm>>
      %dma_wait3A_564 = arith.constant 0 : i32
      %dma_wait3A_565 = tpu.memref_slice %arg15[%mul3A_246, %dma_wait3A_564] : memref<10240x32xf32, #tpu.memory_space<vmem_shared>> -> memref<128x32xf32, #tpu.memory_space<vmem_shared>>
      tpu.wait_dma2 semaphore(%run_scoped3A : memref<!tpu.dma_semaphore, #tpu.memory_space<semaphore_mem>>) src(%dma_wait3A_565 : memref<128x32xf32, #tpu.memory_space<vmem_shared>>) dst(%dma_wait3A_563 : memref<128x32xf32, #tpu.memory_space<hbm>>)
      tpu.yield
    }) : () -> ()
    %mul3A_249 = arith.constant 5 : i32
    %mul3A_250 = arith.muli %arg1, %mul3A_249 : i32
    %add3A_251 = arith.constant 1 : i32
    %add3A_252 = arith.addi %mul3A_250, %add3A_251 : i32
    %mul3A_253 = arith.constant 128 : i32
    %mul3A_254 = arith.muli %add3A_252, %mul3A_253 : i32
    %mul3A_255 = arith.constant 32 : i32
    %mul3A_256 = arith.muli %add3A_7, %mul3A_255 : i32
    "tpu.region"() ({
      %run_scoped3A = tpu.sem_alloc : memref<!tpu.dma_semaphore, #tpu.memory_space<semaphore_mem>>
      %dma_start3A_560 = tpu.memref_slice %arg5[%mul3A_254, %mul3A_256] : memref<10240x128xf32, #tpu.memory_space<hbm>> -> memref<128x32xf32, #tpu.memory_space<hbm>>
      %dma_start3A_561 = arith.constant 0 : i32
      %dma_start3A_562 = tpu.memref_slice %arg15[%mul3A_254, %dma_start3A_561] : memref<10240x32xf32, #tpu.memory_space<vmem_shared>> -> memref<128x32xf32, #tpu.memory_space<vmem_shared>>
      tpu.enqueue_dma source(%dma_start3A_562 : memref<128x32xf32, #tpu.memory_space<vmem_shared>>) target(%dma_start3A_560 : memref<128x32xf32, #tpu.memory_space<hbm>>) target_semaphore(%run_scoped3A : memref<!tpu.dma_semaphore, #tpu.memory_space<semaphore_mem>>)
      %dma_wait3A_563 = tpu.memref_slice %arg5[%mul3A_254, %mul3A_256] : memref<10240x128xf32, #tpu.memory_space<hbm>> -> memref<128x32xf32, #tpu.memory_space<hbm>>
      %dma_wait3A_564 = arith.constant 0 : i32
      %dma_wait3A_565 = tpu.memref_slice %arg15[%mul3A_254, %dma_wait3A_564] : memref<10240x32xf32, #tpu.memory_space<vmem_shared>> -> memref<128x32xf32, #tpu.memory_space<vmem_shared>>
      tpu.wait_dma2 semaphore(%run_scoped3A : memref<!tpu.dma_semaphore, #tpu.memory_space<semaphore_mem>>) src(%dma_wait3A_565 : memref<128x32xf32, #tpu.memory_space<vmem_shared>>) dst(%dma_wait3A_563 : memref<128x32xf32, #tpu.memory_space<hbm>>)
      tpu.yield
    }) : () -> ()
    %mul3A_257 = arith.constant 5 : i32
    %mul3A_258 = arith.muli %arg1, %mul3A_257 : i32
    %add3A_259 = arith.constant 2 : i32
    %add3A_260 = arith.addi %mul3A_258, %add3A_259 : i32
    %mul3A_261 = arith.constant 128 : i32
    %mul3A_262 = arith.muli %add3A_260, %mul3A_261 : i32
    %mul3A_263 = arith.constant 32 : i32
    %mul3A_264 = arith.muli %add3A_7, %mul3A_263 : i32
    "tpu.region"() ({
      %run_scoped3A = tpu.sem_alloc : memref<!tpu.dma_semaphore, #tpu.memory_space<semaphore_mem>>
      %dma_start3A_560 = tpu.memref_slice %arg5[%mul3A_262, %mul3A_264] : memref<10240x128xf32, #tpu.memory_space<hbm>> -> memref<128x32xf32, #tpu.memory_space<hbm>>
      %dma_start3A_561 = arith.constant 0 : i32
      %dma_start3A_562 = tpu.memref_slice %arg15[%mul3A_262, %dma_start3A_561] : memref<10240x32xf32, #tpu.memory_space<vmem_shared>> -> memref<128x32xf32, #tpu.memory_space<vmem_shared>>
      tpu.enqueue_dma source(%dma_start3A_562 : memref<128x32xf32, #tpu.memory_space<vmem_shared>>) target(%dma_start3A_560 : memref<128x32xf32, #tpu.memory_space<hbm>>) target_semaphore(%run_scoped3A : memref<!tpu.dma_semaphore, #tpu.memory_space<semaphore_mem>>)
      %dma_wait3A_563 = tpu.memref_slice %arg5[%mul3A_262, %mul3A_264] : memref<10240x128xf32, #tpu.memory_space<hbm>> -> memref<128x32xf32, #tpu.memory_space<hbm>>
      %dma_wait3A_564 = arith.constant 0 : i32
      %dma_wait3A_565 = tpu.memref_slice %arg15[%mul3A_262, %dma_wait3A_564] : memref<10240x32xf32, #tpu.memory_space<vmem_shared>> -> memref<128x32xf32, #tpu.memory_space<vmem_shared>>
      tpu.wait_dma2 semaphore(%run_scoped3A : memref<!tpu.dma_semaphore, #tpu.memory_space<semaphore_mem>>) src(%dma_wait3A_565 : memref<128x32xf32, #tpu.memory_space<vmem_shared>>) dst(%dma_wait3A_563 : memref<128x32xf32, #tpu.memory_space<hbm>>)
      tpu.yield
    }) : () -> ()
    %mul3A_265 = arith.constant 5 : i32
    %mul3A_266 = arith.muli %arg1, %mul3A_265 : i32
    %add3A_267 = arith.constant 3 : i32
    %add3A_268 = arith.addi %mul3A_266, %add3A_267 : i32
    %mul3A_269 = arith.constant 128 : i32
    %mul3A_270 = arith.muli %add3A_268, %mul3A_269 : i32
    %mul3A_271 = arith.constant 32 : i32
    %mul3A_272 = arith.muli %add3A_7, %mul3A_271 : i32
    "tpu.region"() ({
      %run_scoped3A = tpu.sem_alloc : memref<!tpu.dma_semaphore, #tpu.memory_space<semaphore_mem>>
      %dma_start3A_560 = tpu.memref_slice %arg5[%mul3A_270, %mul3A_272] : memref<10240x128xf32, #tpu.memory_space<hbm>> -> memref<128x32xf32, #tpu.memory_space<hbm>>
      %dma_start3A_561 = arith.constant 0 : i32
      %dma_start3A_562 = tpu.memref_slice %arg15[%mul3A_270, %dma_start3A_561] : memref<10240x32xf32, #tpu.memory_space<vmem_shared>> -> memref<128x32xf32, #tpu.memory_space<vmem_shared>>
      tpu.enqueue_dma source(%dma_start3A_562 : memref<128x32xf32, #tpu.memory_space<vmem_shared>>) target(%dma_start3A_560 : memref<128x32xf32, #tpu.memory_space<hbm>>) target_semaphore(%run_scoped3A : memref<!tpu.dma_semaphore, #tpu.memory_space<semaphore_mem>>)
      %dma_wait3A_563 = tpu.memref_slice %arg5[%mul3A_270, %mul3A_272] : memref<10240x128xf32, #tpu.memory_space<hbm>> -> memref<128x32xf32, #tpu.memory_space<hbm>>
      %dma_wait3A_564 = arith.constant 0 : i32
      %dma_wait3A_565 = tpu.memref_slice %arg15[%mul3A_270, %dma_wait3A_564] : memref<10240x32xf32, #tpu.memory_space<vmem_shared>> -> memref<128x32xf32, #tpu.memory_space<vmem_shared>>
      tpu.wait_dma2 semaphore(%run_scoped3A : memref<!tpu.dma_semaphore, #tpu.memory_space<semaphore_mem>>) src(%dma_wait3A_565 : memref<128x32xf32, #tpu.memory_space<vmem_shared>>) dst(%dma_wait3A_563 : memref<128x32xf32, #tpu.memory_space<hbm>>)
      tpu.yield
    }) : () -> ()
    %mul3A_273 = arith.constant 5 : i32
    %mul3A_274 = arith.muli %arg1, %mul3A_273 : i32
    %add3A_275 = arith.constant 4 : i32
    %add3A_276 = arith.addi %mul3A_274, %add3A_275 : i32
    %mul3A_277 = arith.constant 128 : i32
    %mul3A_278 = arith.muli %add3A_276, %mul3A_277 : i32
    %mul3A_279 = arith.constant 32 : i32
    %mul3A_280 = arith.muli %add3A_7, %mul3A_279 : i32
    "tpu.region"() ({
      %run_scoped3A = tpu.sem_alloc : memref<!tpu.dma_semaphore, #tpu.memory_space<semaphore_mem>>
      %dma_start3A_560 = tpu.memref_slice %arg5[%mul3A_278, %mul3A_280] : memref<10240x128xf32, #tpu.memory_space<hbm>> -> memref<128x32xf32, #tpu.memory_space<hbm>>
      %dma_start3A_561 = arith.constant 0 : i32
      %dma_start3A_562 = tpu.memref_slice %arg15[%mul3A_278, %dma_start3A_561] : memref<10240x32xf32, #tpu.memory_space<vmem_shared>> -> memref<128x32xf32, #tpu.memory_space<vmem_shared>>
      tpu.enqueue_dma source(%dma_start3A_562 : memref<128x32xf32, #tpu.memory_space<vmem_shared>>) target(%dma_start3A_560 : memref<128x32xf32, #tpu.memory_space<hbm>>) target_semaphore(%run_scoped3A : memref<!tpu.dma_semaphore, #tpu.memory_space<semaphore_mem>>)
      %dma_wait3A_563 = tpu.memref_slice %arg5[%mul3A_278, %mul3A_280] : memref<10240x128xf32, #tpu.memory_space<hbm>> -> memref<128x32xf32, #tpu.memory_space<hbm>>
      %dma_wait3A_564 = arith.constant 0 : i32
      %dma_wait3A_565 = tpu.memref_slice %arg15[%mul3A_278, %dma_wait3A_564] : memref<10240x32xf32, #tpu.memory_space<vmem_shared>> -> memref<128x32xf32, #tpu.memory_space<vmem_shared>>
      tpu.wait_dma2 semaphore(%run_scoped3A : memref<!tpu.dma_semaphore, #tpu.memory_space<semaphore_mem>>) src(%dma_wait3A_565 : memref<128x32xf32, #tpu.memory_space<vmem_shared>>) dst(%dma_wait3A_563 : memref<128x32xf32, #tpu.memory_space<hbm>>)
      tpu.yield
    }) : () -> ()
    %add3A_281 = arith.constant 2 : i32
    %add3A_282 = arith.addi %add3A_281, %arg0 : i32
    %mul3A_283 = arith.constant 640 : i32
    %mul3A_284 = arith.muli %arg1, %mul3A_283 : i32
    %add3A_285 = arith.constant 0 : i32
    %add3A_286 = arith.addi %mul3A_284, %add3A_285 : i32
    "tpu.region"() ({
      %run_scoped3A = tpu.sem_alloc : memref<!tpu.dma_semaphore, #tpu.memory_space<semaphore_mem>>
      %dma_start3A_560 = arith.constant 0 : i32
      %dma_start3A_561 = tpu.memref_slice %arg15[%add3A_286, %dma_start3A_560] : memref<10240x32xf32, #tpu.memory_space<vmem_shared>> -> memref<64x32xf32, #tpu.memory_space<vmem_shared>>
      %dma_start3A_562 = arith.constant 0 : i32
      %dma_start3A_563 = tpu.memref_slice %arg15[%add3A_286, %dma_start3A_562] : memref<10240x32xf32, #tpu.memory_space<vmem_shared>> -> memref<64x32xf32, #tpu.memory_space<vmem_shared>>
      tpu.enqueue_dma source(%arg13 : memref<64x32xf32, #tpu.memory_space<vmem>>) target(%dma_start3A_563 : memref<64x32xf32, #tpu.memory_space<vmem_shared>>) target_semaphore(%run_scoped3A : memref<!tpu.dma_semaphore, #tpu.memory_space<semaphore_mem>>)
      %dma_wait3A_564 = arith.constant 0 : i32
      %dma_wait3A_565 = tpu.memref_slice %arg15[%add3A_286, %dma_wait3A_564] : memref<10240x32xf32, #tpu.memory_space<vmem_shared>> -> memref<64x32xf32, #tpu.memory_space<vmem_shared>>
      %dma_wait3A_566 = arith.constant 0 : i32
      %dma_wait3A_567 = tpu.memref_slice %arg15[%add3A_286, %dma_wait3A_566] : memref<10240x32xf32, #tpu.memory_space<vmem_shared>> -> memref<64x32xf32, #tpu.memory_space<vmem_shared>>
      tpu.wait_dma2 semaphore(%run_scoped3A : memref<!tpu.dma_semaphore, #tpu.memory_space<semaphore_mem>>) src(%arg13 : memref<64x32xf32, #tpu.memory_space<vmem>>) dst(%dma_wait3A_567 : memref<64x32xf32, #tpu.memory_space<vmem_shared>>)
      tpu.yield
    }) : () -> ()
    %mul3A_287 = arith.constant 640 : i32
    %mul3A_288 = arith.muli %arg1, %mul3A_287 : i32
    %add3A_289 = arith.constant 64 : i32
    %add3A_290 = arith.addi %mul3A_288, %add3A_289 : i32
    "tpu.region"() ({
      %run_scoped3A = tpu.sem_alloc : memref<!tpu.dma_semaphore, #tpu.memory_space<semaphore_mem>>
      %dma_start3A_560 = arith.constant 0 : i32
      %dma_start3A_561 = tpu.memref_slice %arg15[%add3A_290, %dma_start3A_560] : memref<10240x32xf32, #tpu.memory_space<vmem_shared>> -> memref<64x32xf32, #tpu.memory_space<vmem_shared>>
      %dma_start3A_562 = arith.constant 0 : i32
      %dma_start3A_563 = tpu.memref_slice %arg15[%add3A_290, %dma_start3A_562] : memref<10240x32xf32, #tpu.memory_space<vmem_shared>> -> memref<64x32xf32, #tpu.memory_space<vmem_shared>>
      tpu.enqueue_dma source(%arg13 : memref<64x32xf32, #tpu.memory_space<vmem>>) target(%dma_start3A_563 : memref<64x32xf32, #tpu.memory_space<vmem_shared>>) target_semaphore(%run_scoped3A : memref<!tpu.dma_semaphore, #tpu.memory_space<semaphore_mem>>)
      %dma_wait3A_564 = arith.constant 0 : i32
      %dma_wait3A_565 = tpu.memref_slice %arg15[%add3A_290, %dma_wait3A_564] : memref<10240x32xf32, #tpu.memory_space<vmem_shared>> -> memref<64x32xf32, #tpu.memory_space<vmem_shared>>
      %dma_wait3A_566 = arith.constant 0 : i32
      %dma_wait3A_567 = tpu.memref_slice %arg15[%add3A_290, %dma_wait3A_566] : memref<10240x32xf32, #tpu.memory_space<vmem_shared>> -> memref<64x32xf32, #tpu.memory_space<vmem_shared>>
      tpu.wait_dma2 semaphore(%run_scoped3A : memref<!tpu.dma_semaphore, #tpu.memory_space<semaphore_mem>>) src(%arg13 : memref<64x32xf32, #tpu.memory_space<vmem>>) dst(%dma_wait3A_567 : memref<64x32xf32, #tpu.memory_space<vmem_shared>>)
      tpu.yield
    }) : () -> ()
    %mul3A_291 = arith.constant 640 : i32
    %mul3A_292 = arith.muli %arg1, %mul3A_291 : i32
    %add3A_293 = arith.constant 128 : i32
    %add3A_294 = arith.addi %mul3A_292, %add3A_293 : i32
    "tpu.region"() ({
      %run_scoped3A = tpu.sem_alloc : memref<!tpu.dma_semaphore, #tpu.memory_space<semaphore_mem>>
      %dma_start3A_560 = arith.constant 0 : i32
      %dma_start3A_561 = tpu.memref_slice %arg15[%add3A_294, %dma_start3A_560] : memref<10240x32xf32, #tpu.memory_space<vmem_shared>> -> memref<64x32xf32, #tpu.memory_space<vmem_shared>>
      %dma_start3A_562 = arith.constant 0 : i32
      %dma_start3A_563 = tpu.memref_slice %arg15[%add3A_294, %dma_start3A_562] : memref<10240x32xf32, #tpu.memory_space<vmem_shared>> -> memref<64x32xf32, #tpu.memory_space<vmem_shared>>
      tpu.enqueue_dma source(%arg13 : memref<64x32xf32, #tpu.memory_space<vmem>>) target(%dma_start3A_563 : memref<64x32xf32, #tpu.memory_space<vmem_shared>>) target_semaphore(%run_scoped3A : memref<!tpu.dma_semaphore, #tpu.memory_space<semaphore_mem>>)
      %dma_wait3A_564 = arith.constant 0 : i32
      %dma_wait3A_565 = tpu.memref_slice %arg15[%add3A_294, %dma_wait3A_564] : memref<10240x32xf32, #tpu.memory_space<vmem_shared>> -> memref<64x32xf32, #tpu.memory_space<vmem_shared>>
      %dma_wait3A_566 = arith.constant 0 : i32
      %dma_wait3A_567 = tpu.memref_slice %arg15[%add3A_294, %dma_wait3A_566] : memref<10240x32xf32, #tpu.memory_space<vmem_shared>> -> memref<64x32xf32, #tpu.memory_space<vmem_shared>>
      tpu.wait_dma2 semaphore(%run_scoped3A : memref<!tpu.dma_semaphore, #tpu.memory_space<semaphore_mem>>) src(%arg13 : memref<64x32xf32, #tpu.memory_space<vmem>>) dst(%dma_wait3A_567 : memref<64x32xf32, #tpu.memory_space<vmem_shared>>)
      tpu.yield
    }) : () -> ()
    %mul3A_295 = arith.constant 640 : i32
    %mul3A_296 = arith.muli %arg1, %mul3A_295 : i32
    %add3A_297 = arith.constant 192 : i32
    %add3A_298 = arith.addi %mul3A_296, %add3A_297 : i32
    "tpu.region"() ({
      %run_scoped3A = tpu.sem_alloc : memref<!tpu.dma_semaphore, #tpu.memory_space<semaphore_mem>>
      %dma_start3A_560 = arith.constant 0 : i32
      %dma_start3A_561 = tpu.memref_slice %arg15[%add3A_298, %dma_start3A_560] : memref<10240x32xf32, #tpu.memory_space<vmem_shared>> -> memref<64x32xf32, #tpu.memory_space<vmem_shared>>
      %dma_start3A_562 = arith.constant 0 : i32
      %dma_start3A_563 = tpu.memref_slice %arg15[%add3A_298, %dma_start3A_562] : memref<10240x32xf32, #tpu.memory_space<vmem_shared>> -> memref<64x32xf32, #tpu.memory_space<vmem_shared>>
      tpu.enqueue_dma source(%arg13 : memref<64x32xf32, #tpu.memory_space<vmem>>) target(%dma_start3A_563 : memref<64x32xf32, #tpu.memory_space<vmem_shared>>) target_semaphore(%run_scoped3A : memref<!tpu.dma_semaphore, #tpu.memory_space<semaphore_mem>>)
      %dma_wait3A_564 = arith.constant 0 : i32
      %dma_wait3A_565 = tpu.memref_slice %arg15[%add3A_298, %dma_wait3A_564] : memref<10240x32xf32, #tpu.memory_space<vmem_shared>> -> memref<64x32xf32, #tpu.memory_space<vmem_shared>>
      %dma_wait3A_566 = arith.constant 0 : i32
      %dma_wait3A_567 = tpu.memref_slice %arg15[%add3A_298, %dma_wait3A_566] : memref<10240x32xf32, #tpu.memory_space<vmem_shared>> -> memref<64x32xf32, #tpu.memory_space<vmem_shared>>
      tpu.wait_dma2 semaphore(%run_scoped3A : memref<!tpu.dma_semaphore, #tpu.memory_space<semaphore_mem>>) src(%arg13 : memref<64x32xf32, #tpu.memory_space<vmem>>) dst(%dma_wait3A_567 : memref<64x32xf32, #tpu.memory_space<vmem_shared>>)
      tpu.yield
    }) : () -> ()
    %mul3A_299 = arith.constant 640 : i32
    %mul3A_300 = arith.muli %arg1, %mul3A_299 : i32
    %add3A_301 = arith.constant 256 : i32
    %add3A_302 = arith.addi %mul3A_300, %add3A_301 : i32
    "tpu.region"() ({
      %run_scoped3A = tpu.sem_alloc : memref<!tpu.dma_semaphore, #tpu.memory_space<semaphore_mem>>
      %dma_start3A_560 = arith.constant 0 : i32
      %dma_start3A_561 = tpu.memref_slice %arg15[%add3A_302, %dma_start3A_560] : memref<10240x32xf32, #tpu.memory_space<vmem_shared>> -> memref<64x32xf32, #tpu.memory_space<vmem_shared>>
      %dma_start3A_562 = arith.constant 0 : i32
      %dma_start3A_563 = tpu.memref_slice %arg15[%add3A_302, %dma_start3A_562] : memref<10240x32xf32, #tpu.memory_space<vmem_shared>> -> memref<64x32xf32, #tpu.memory_space<vmem_shared>>
      tpu.enqueue_dma source(%arg13 : memref<64x32xf32, #tpu.memory_space<vmem>>) target(%dma_start3A_563 : memref<64x32xf32, #tpu.memory_space<vmem_shared>>) target_semaphore(%run_scoped3A : memref<!tpu.dma_semaphore, #tpu.memory_space<semaphore_mem>>)
      %dma_wait3A_564 = arith.constant 0 : i32
      %dma_wait3A_565 = tpu.memref_slice %arg15[%add3A_302, %dma_wait3A_564] : memref<10240x32xf32, #tpu.memory_space<vmem_shared>> -> memref<64x32xf32, #tpu.memory_space<vmem_shared>>
      %dma_wait3A_566 = arith.constant 0 : i32
      %dma_wait3A_567 = tpu.memref_slice %arg15[%add3A_302, %dma_wait3A_566] : memref<10240x32xf32, #tpu.memory_space<vmem_shared>> -> memref<64x32xf32, #tpu.memory_space<vmem_shared>>
      tpu.wait_dma2 semaphore(%run_scoped3A : memref<!tpu.dma_semaphore, #tpu.memory_space<semaphore_mem>>) src(%arg13 : memref<64x32xf32, #tpu.memory_space<vmem>>) dst(%dma_wait3A_567 : memref<64x32xf32, #tpu.memory_space<vmem_shared>>)
      tpu.yield
    }) : () -> ()
    %mul3A_303 = arith.constant 640 : i32
    %mul3A_304 = arith.muli %arg1, %mul3A_303 : i32
    %add3A_305 = arith.constant 320 : i32
    %add3A_306 = arith.addi %mul3A_304, %add3A_305 : i32
    "tpu.region"() ({
      %run_scoped3A = tpu.sem_alloc : memref<!tpu.dma_semaphore, #tpu.memory_space<semaphore_mem>>
      %dma_start3A_560 = arith.constant 0 : i32
      %dma_start3A_561 = tpu.memref_slice %arg15[%add3A_306, %dma_start3A_560] : memref<10240x32xf32, #tpu.memory_space<vmem_shared>> -> memref<64x32xf32, #tpu.memory_space<vmem_shared>>
      %dma_start3A_562 = arith.constant 0 : i32
      %dma_start3A_563 = tpu.memref_slice %arg15[%add3A_306, %dma_start3A_562] : memref<10240x32xf32, #tpu.memory_space<vmem_shared>> -> memref<64x32xf32, #tpu.memory_space<vmem_shared>>
      tpu.enqueue_dma source(%arg13 : memref<64x32xf32, #tpu.memory_space<vmem>>) target(%dma_start3A_563 : memref<64x32xf32, #tpu.memory_space<vmem_shared>>) target_semaphore(%run_scoped3A : memref<!tpu.dma_semaphore, #tpu.memory_space<semaphore_mem>>)
      %dma_wait3A_564 = arith.constant 0 : i32
      %dma_wait3A_565 = tpu.memref_slice %arg15[%add3A_306, %dma_wait3A_564] : memref<10240x32xf32, #tpu.memory_space<vmem_shared>> -> memref<64x32xf32, #tpu.memory_space<vmem_shared>>
      %dma_wait3A_566 = arith.constant 0 : i32
      %dma_wait3A_567 = tpu.memref_slice %arg15[%add3A_306, %dma_wait3A_566] : memref<10240x32xf32, #tpu.memory_space<vmem_shared>> -> memref<64x32xf32, #tpu.memory_space<vmem_shared>>
      tpu.wait_dma2 semaphore(%run_scoped3A : memref<!tpu.dma_semaphore, #tpu.memory_space<semaphore_mem>>) src(%arg13 : memref<64x32xf32, #tpu.memory_space<vmem>>) dst(%dma_wait3A_567 : memref<64x32xf32, #tpu.memory_space<vmem_shared>>)
      tpu.yield
    }) : () -> ()
    %mul3A_307 = arith.constant 640 : i32
    %mul3A_308 = arith.muli %arg1, %mul3A_307 : i32
    %add3A_309 = arith.constant 384 : i32
    %add3A_310 = arith.addi %mul3A_308, %add3A_309 : i32
    "tpu.region"() ({
      %run_scoped3A = tpu.sem_alloc : memref<!tpu.dma_semaphore, #tpu.memory_space<semaphore_mem>>
      %dma_start3A_560 = arith.constant 0 : i32
      %dma_start3A_561 = tpu.memref_slice %arg15[%add3A_310, %dma_start3A_560] : memref<10240x32xf32, #tpu.memory_space<vmem_shared>> -> memref<64x32xf32, #tpu.memory_space<vmem_shared>>
      %dma_start3A_562 = arith.constant 0 : i32
      %dma_start3A_563 = tpu.memref_slice %arg15[%add3A_310, %dma_start3A_562] : memref<10240x32xf32, #tpu.memory_space<vmem_shared>> -> memref<64x32xf32, #tpu.memory_space<vmem_shared>>
      tpu.enqueue_dma source(%arg13 : memref<64x32xf32, #tpu.memory_space<vmem>>) target(%dma_start3A_563 : memref<64x32xf32, #tpu.memory_space<vmem_shared>>) target_semaphore(%run_scoped3A : memref<!tpu.dma_semaphore, #tpu.memory_space<semaphore_mem>>)
      %dma_wait3A_564 = arith.constant 0 : i32
      %dma_wait3A_565 = tpu.memref_slice %arg15[%add3A_310, %dma_wait3A_564] : memref<10240x32xf32, #tpu.memory_space<vmem_shared>> -> memref<64x32xf32, #tpu.memory_space<vmem_shared>>
      %dma_wait3A_566 = arith.constant 0 : i32
      %dma_wait3A_567 = tpu.memref_slice %arg15[%add3A_310, %dma_wait3A_566] : memref<10240x32xf32, #tpu.memory_space<vmem_shared>> -> memref<64x32xf32, #tpu.memory_space<vmem_shared>>
      tpu.wait_dma2 semaphore(%run_scoped3A : memref<!tpu.dma_semaphore, #tpu.memory_space<semaphore_mem>>) src(%arg13 : memref<64x32xf32, #tpu.memory_space<vmem>>) dst(%dma_wait3A_567 : memref<64x32xf32, #tpu.memory_space<vmem_shared>>)
      tpu.yield
    }) : () -> ()
    %mul3A_311 = arith.constant 640 : i32
    %mul3A_312 = arith.muli %arg1, %mul3A_311 : i32
    %add3A_313 = arith.constant 448 : i32
    %add3A_314 = arith.addi %mul3A_312, %add3A_313 : i32
    "tpu.region"() ({
      %run_scoped3A = tpu.sem_alloc : memref<!tpu.dma_semaphore, #tpu.memory_space<semaphore_mem>>
      %dma_start3A_560 = arith.constant 0 : i32
      %dma_start3A_561 = tpu.memref_slice %arg15[%add3A_314, %dma_start3A_560] : memref<10240x32xf32, #tpu.memory_space<vmem_shared>> -> memref<64x32xf32, #tpu.memory_space<vmem_shared>>
      %dma_start3A_562 = arith.constant 0 : i32
      %dma_start3A_563 = tpu.memref_slice %arg15[%add3A_314, %dma_start3A_562] : memref<10240x32xf32, #tpu.memory_space<vmem_shared>> -> memref<64x32xf32, #tpu.memory_space<vmem_shared>>
      tpu.enqueue_dma source(%arg13 : memref<64x32xf32, #tpu.memory_space<vmem>>) target(%dma_start3A_563 : memref<64x32xf32, #tpu.memory_space<vmem_shared>>) target_semaphore(%run_scoped3A : memref<!tpu.dma_semaphore, #tpu.memory_space<semaphore_mem>>)
      %dma_wait3A_564 = arith.constant 0 : i32
      %dma_wait3A_565 = tpu.memref_slice %arg15[%add3A_314, %dma_wait3A_564] : memref<10240x32xf32, #tpu.memory_space<vmem_shared>> -> memref<64x32xf32, #tpu.memory_space<vmem_shared>>
      %dma_wait3A_566 = arith.constant 0 : i32
      %dma_wait3A_567 = tpu.memref_slice %arg15[%add3A_314, %dma_wait3A_566] : memref<10240x32xf32, #tpu.memory_space<vmem_shared>> -> memref<64x32xf32, #tpu.memory_space<vmem_shared>>
      tpu.wait_dma2 semaphore(%run_scoped3A : memref<!tpu.dma_semaphore, #tpu.memory_space<semaphore_mem>>) src(%arg13 : memref<64x32xf32, #tpu.memory_space<vmem>>) dst(%dma_wait3A_567 : memref<64x32xf32, #tpu.memory_space<vmem_shared>>)
      tpu.yield
    }) : () -> ()
    %mul3A_315 = arith.constant 640 : i32
    %mul3A_316 = arith.muli %arg1, %mul3A_315 : i32
    %add3A_317 = arith.constant 512 : i32
    %add3A_318 = arith.addi %mul3A_316, %add3A_317 : i32
    "tpu.region"() ({
      %run_scoped3A = tpu.sem_alloc : memref<!tpu.dma_semaphore, #tpu.memory_space<semaphore_mem>>
      %dma_start3A_560 = arith.constant 0 : i32
      %dma_start3A_561 = tpu.memref_slice %arg15[%add3A_318, %dma_start3A_560] : memref<10240x32xf32, #tpu.memory_space<vmem_shared>> -> memref<64x32xf32, #tpu.memory_space<vmem_shared>>
      %dma_start3A_562 = arith.constant 0 : i32
      %dma_start3A_563 = tpu.memref_slice %arg15[%add3A_318, %dma_start3A_562] : memref<10240x32xf32, #tpu.memory_space<vmem_shared>> -> memref<64x32xf32, #tpu.memory_space<vmem_shared>>
      tpu.enqueue_dma source(%arg13 : memref<64x32xf32, #tpu.memory_space<vmem>>) target(%dma_start3A_563 : memref<64x32xf32, #tpu.memory_space<vmem_shared>>) target_semaphore(%run_scoped3A : memref<!tpu.dma_semaphore, #tpu.memory_space<semaphore_mem>>)
      %dma_wait3A_564 = arith.constant 0 : i32
      %dma_wait3A_565 = tpu.memref_slice %arg15[%add3A_318, %dma_wait3A_564] : memref<10240x32xf32, #tpu.memory_space<vmem_shared>> -> memref<64x32xf32, #tpu.memory_space<vmem_shared>>
      %dma_wait3A_566 = arith.constant 0 : i32
      %dma_wait3A_567 = tpu.memref_slice %arg15[%add3A_318, %dma_wait3A_566] : memref<10240x32xf32, #tpu.memory_space<vmem_shared>> -> memref<64x32xf32, #tpu.memory_space<vmem_shared>>
      tpu.wait_dma2 semaphore(%run_scoped3A : memref<!tpu.dma_semaphore, #tpu.memory_space<semaphore_mem>>) src(%arg13 : memref<64x32xf32, #tpu.memory_space<vmem>>) dst(%dma_wait3A_567 : memref<64x32xf32, #tpu.memory_space<vmem_shared>>)
      tpu.yield
    }) : () -> ()
    %mul3A_319 = arith.constant 640 : i32
    %mul3A_320 = arith.muli %arg1, %mul3A_319 : i32
    %add3A_321 = arith.constant 576 : i32
    %add3A_322 = arith.addi %mul3A_320, %add3A_321 : i32
    "tpu.region"() ({
      %run_scoped3A = tpu.sem_alloc : memref<!tpu.dma_semaphore, #tpu.memory_space<semaphore_mem>>
      %dma_start3A_560 = arith.constant 0 : i32
      %dma_start3A_561 = tpu.memref_slice %arg15[%add3A_322, %dma_start3A_560] : memref<10240x32xf32, #tpu.memory_space<vmem_shared>> -> memref<64x32xf32, #tpu.memory_space<vmem_shared>>
      %dma_start3A_562 = arith.constant 0 : i32
      %dma_start3A_563 = tpu.memref_slice %arg15[%add3A_322, %dma_start3A_562] : memref<10240x32xf32, #tpu.memory_space<vmem_shared>> -> memref<64x32xf32, #tpu.memory_space<vmem_shared>>
      tpu.enqueue_dma source(%arg13 : memref<64x32xf32, #tpu.memory_space<vmem>>) target(%dma_start3A_563 : memref<64x32xf32, #tpu.memory_space<vmem_shared>>) target_semaphore(%run_scoped3A : memref<!tpu.dma_semaphore, #tpu.memory_space<semaphore_mem>>)
      %dma_wait3A_564 = arith.constant 0 : i32
      %dma_wait3A_565 = tpu.memref_slice %arg15[%add3A_322, %dma_wait3A_564] : memref<10240x32xf32, #tpu.memory_space<vmem_shared>> -> memref<64x32xf32, #tpu.memory_space<vmem_shared>>
      %dma_wait3A_566 = arith.constant 0 : i32
      %dma_wait3A_567 = tpu.memref_slice %arg15[%add3A_322, %dma_wait3A_566] : memref<10240x32xf32, #tpu.memory_space<vmem_shared>> -> memref<64x32xf32, #tpu.memory_space<vmem_shared>>
      tpu.wait_dma2 semaphore(%run_scoped3A : memref<!tpu.dma_semaphore, #tpu.memory_space<semaphore_mem>>) src(%arg13 : memref<64x32xf32, #tpu.memory_space<vmem>>) dst(%dma_wait3A_567 : memref<64x32xf32, #tpu.memory_space<vmem_shared>>)
      tpu.yield
    }) : () -> ()
    %mul3A_323 = arith.constant 640 : i32
    %mul3A_324 = arith.muli %arg1, %mul3A_323 : i32
    %mul3A_325 = arith.constant 32 : i32
    %mul3A_326 = arith.muli %add3A_282, %mul3A_325 : i32
    %mul3A_327 = arith.constant 640 : i32
    %mul3A_328 = arith.muli %arg1, %mul3A_327 : i32
    "tpu.region"() ({
      %run_scoped3A = tpu.sem_alloc : memref<!tpu.dma_semaphore, #tpu.memory_space<semaphore_mem>>
      %dma_start3A_560 = arith.constant 0 : i32
      %dma_start3A_561 = tpu.memref_slice %arg14[%mul3A_328, %dma_start3A_560] : memref<10240x32xf32, #tpu.memory_space<vmem_shared>> -> memref<640x32xf32, #tpu.memory_space<vmem_shared>>
      %dma_start3A_562 = tpu.memref_slice %arg2[%mul3A_324, %mul3A_326] : memref<10240x128xf32, #tpu.memory_space<hbm>> -> memref<640x32xf32, #tpu.memory_space<hbm>>
      tpu.enqueue_dma source(%dma_start3A_562 : memref<640x32xf32, #tpu.memory_space<hbm>>) target(%dma_start3A_561 : memref<640x32xf32, #tpu.memory_space<vmem_shared>>) target_semaphore(%run_scoped3A : memref<!tpu.dma_semaphore, #tpu.memory_space<semaphore_mem>>)
      %dma_wait3A_563 = arith.constant 0 : i32
      %dma_wait3A_564 = tpu.memref_slice %arg14[%mul3A_328, %dma_wait3A_563] : memref<10240x32xf32, #tpu.memory_space<vmem_shared>> -> memref<640x32xf32, #tpu.memory_space<vmem_shared>>
      %dma_wait3A_565 = tpu.memref_slice %arg2[%mul3A_324, %mul3A_326] : memref<10240x128xf32, #tpu.memory_space<hbm>> -> memref<640x32xf32, #tpu.memory_space<hbm>>
      tpu.wait_dma2 semaphore(%run_scoped3A : memref<!tpu.dma_semaphore, #tpu.memory_space<semaphore_mem>>) src(%dma_wait3A_565 : memref<640x32xf32, #tpu.memory_space<hbm>>) dst(%dma_wait3A_564 : memref<640x32xf32, #tpu.memory_space<vmem_shared>>)
      tpu.yield
    }) : () -> ()
    %barrier3A_329 = arith.constant 0 : index
    tpu.barrier barrier_id(%barrier3A_329)
    %dma_start3A_330 = arith.constant 0 : i32
    %dma_start3A_331 = arith.constant 0 : i32
    %dma_start3A_332 = tpu.memref_slice %arg6[%dma_start3A_330, %dma_start3A_331] : memref<165x128xi32, #tpu.memory_space<vmem>> -> memref<1x128xi32, #tpu.memory_space<vmem>>
    %dma_start3A_333 = tpu.memref_squeeze %dma_start3A_332 : memref<1x128xi32, #tpu.memory_space<vmem>> -> memref<128xi32, #tpu.memory_space<vmem>>
    %dma_start3A_334 = arith.constant 0 : i32
    %dma_start3A_335 = arith.constant 0 : i32
    %dma_start3A_336 = tpu.memref_slice %arg14[%dma_start3A_334, %dma_start3A_335] : memref<10240x32xf32, #tpu.memory_space<vmem_shared>> -> memref<10240x32xf32, #tpu.memory_space<vmem_shared>>
    tpu.enqueue_indirect_dma source(%dma_start3A_336 : memref<10240x32xf32, #tpu.memory_space<vmem_shared>>) target(%arg8 : memref<128x32xf32, #tpu.memory_space<vmem>>) offsets(%dma_start3A_333 : memref<128xi32, #tpu.memory_space<vmem>>) semaphore(%arg16 : memref<!tpu.dma_semaphore, #tpu.memory_space<semaphore_mem>>)
    %dma_start3A_337 = arith.constant 1 : i32
    %dma_start3A_338 = arith.constant 0 : i32
    %dma_start3A_339 = tpu.memref_slice %arg6[%dma_start3A_337, %dma_start3A_338] : memref<165x128xi32, #tpu.memory_space<vmem>> -> memref<1x128xi32, #tpu.memory_space<vmem>>
    %dma_start3A_340 = tpu.memref_squeeze %dma_start3A_339 : memref<1x128xi32, #tpu.memory_space<vmem>> -> memref<128xi32, #tpu.memory_space<vmem>>
    %dma_start3A_341 = arith.constant 0 : i32
    %dma_start3A_342 = arith.constant 0 : i32
    %dma_start3A_343 = tpu.memref_slice %arg14[%dma_start3A_341, %dma_start3A_342] : memref<10240x32xf32, #tpu.memory_space<vmem_shared>> -> memref<10240x32xf32, #tpu.memory_space<vmem_shared>>
    tpu.enqueue_indirect_dma source(%dma_start3A_343 : memref<10240x32xf32, #tpu.memory_space<vmem_shared>>) target(%arg9 : memref<128x32xf32, #tpu.memory_space<vmem>>) offsets(%dma_start3A_340 : memref<128xi32, #tpu.memory_space<vmem>>) semaphore(%arg17 : memref<!tpu.dma_semaphore, #tpu.memory_space<semaphore_mem>>)
    %dma_start3A_344 = arith.constant 2 : i32
    %dma_start3A_345 = arith.constant 0 : i32
    %dma_start3A_346 = tpu.memref_slice %arg6[%dma_start3A_344, %dma_start3A_345] : memref<165x128xi32, #tpu.memory_space<vmem>> -> memref<1x128xi32, #tpu.memory_space<vmem>>
    %dma_start3A_347 = tpu.memref_squeeze %dma_start3A_346 : memref<1x128xi32, #tpu.memory_space<vmem>> -> memref<128xi32, #tpu.memory_space<vmem>>
    %dma_start3A_348 = arith.constant 0 : i32
    %dma_start3A_349 = arith.constant 0 : i32
    %dma_start3A_350 = tpu.memref_slice %arg14[%dma_start3A_348, %dma_start3A_349] : memref<10240x32xf32, #tpu.memory_space<vmem_shared>> -> memref<10240x32xf32, #tpu.memory_space<vmem_shared>>
    tpu.enqueue_indirect_dma source(%dma_start3A_350 : memref<10240x32xf32, #tpu.memory_space<vmem_shared>>) target(%arg10 : memref<128x32xf32, #tpu.memory_space<vmem>>) offsets(%dma_start3A_347 : memref<128xi32, #tpu.memory_space<vmem>>) semaphore(%arg18 : memref<!tpu.dma_semaphore, #tpu.memory_space<semaphore_mem>>)
    %dma_wait3A_351 = arith.constant 0 : i32
    %dma_wait3A_352 = arith.constant 0 : i32
    %dma_wait3A_353 = tpu.memref_slice %arg6[%dma_wait3A_351, %dma_wait3A_352] : memref<165x128xi32, #tpu.memory_space<vmem>> -> memref<1x128xi32, #tpu.memory_space<vmem>>
    %dma_wait3A_354 = tpu.memref_squeeze %dma_wait3A_353 : memref<1x128xi32, #tpu.memory_space<vmem>> -> memref<128xi32, #tpu.memory_space<vmem>>
    %dma_wait3A_355 = arith.constant 0 : i32
    %dma_wait3A_356 = arith.constant 0 : i32
    %dma_wait3A_357 = tpu.memref_slice %arg14[%dma_wait3A_355, %dma_wait3A_356] : memref<10240x32xf32, #tpu.memory_space<vmem_shared>> -> memref<10240x32xf32, #tpu.memory_space<vmem_shared>>
    tpu.wait_indirect_dma semaphore(%arg16 : memref<!tpu.dma_semaphore, #tpu.memory_space<semaphore_mem>>) src(%dma_wait3A_357 : memref<10240x32xf32, #tpu.memory_space<vmem_shared>>) dst(%arg8 : memref<128x32xf32, #tpu.memory_space<vmem>>)
    %dma_start3A_358 = arith.constant 0 : i32
    %dma_start3A_359 = arith.constant 0 : i32
    %dma_start3A_360 = tpu.memref_slice %arg7[%dma_start3A_358, %dma_start3A_359] : memref<160x128xi32, #tpu.memory_space<vmem>> -> memref<1x128xi32, #tpu.memory_space<vmem>>
    %dma_start3A_361 = tpu.memref_squeeze %dma_start3A_360 : memref<1x128xi32, #tpu.memory_space<vmem>> -> memref<128xi32, #tpu.memory_space<vmem>>
    %dma_start3A_362 = arith.constant 0 : i32
    %dma_start3A_363 = arith.constant 0 : i32
    %dma_start3A_364 = tpu.memref_slice %arg15[%dma_start3A_362, %dma_start3A_363] : memref<10240x32xf32, #tpu.memory_space<vmem_shared>> -> memref<10240x32xf32, #tpu.memory_space<vmem_shared>>
    tpu.enqueue_indirect_dma source(%arg8 : memref<128x32xf32, #tpu.memory_space<vmem>>) target(%dma_start3A_364 : memref<10240x32xf32, #tpu.memory_space<vmem_shared>>) offsets(%dma_start3A_361 : memref<128xi32, #tpu.memory_space<vmem>>) semaphore(%arg21 : memref<!tpu.dma_semaphore, #tpu.memory_space<semaphore_mem>>) {add = true}
    %dma_start3A_365 = arith.constant 3 : i32
    %dma_start3A_366 = arith.constant 0 : i32
    %dma_start3A_367 = tpu.memref_slice %arg6[%dma_start3A_365, %dma_start3A_366] : memref<165x128xi32, #tpu.memory_space<vmem>> -> memref<1x128xi32, #tpu.memory_space<vmem>>
    %dma_start3A_368 = tpu.memref_squeeze %dma_start3A_367 : memref<1x128xi32, #tpu.memory_space<vmem>> -> memref<128xi32, #tpu.memory_space<vmem>>
    %dma_start3A_369 = arith.constant 0 : i32
    %dma_start3A_370 = arith.constant 0 : i32
    %dma_start3A_371 = tpu.memref_slice %arg14[%dma_start3A_369, %dma_start3A_370] : memref<10240x32xf32, #tpu.memory_space<vmem_shared>> -> memref<10240x32xf32, #tpu.memory_space<vmem_shared>>
    tpu.enqueue_indirect_dma source(%dma_start3A_371 : memref<10240x32xf32, #tpu.memory_space<vmem_shared>>) target(%arg11 : memref<128x32xf32, #tpu.memory_space<vmem>>) offsets(%dma_start3A_368 : memref<128xi32, #tpu.memory_space<vmem>>) semaphore(%arg19 : memref<!tpu.dma_semaphore, #tpu.memory_space<semaphore_mem>>)
    %dma_wait3A_372 = arith.constant 1 : i32
    %dma_wait3A_373 = arith.constant 0 : i32
    %dma_wait3A_374 = tpu.memref_slice %arg6[%dma_wait3A_372, %dma_wait3A_373] : memref<165x128xi32, #tpu.memory_space<vmem>> -> memref<1x128xi32, #tpu.memory_space<vmem>>
    %dma_wait3A_375 = tpu.memref_squeeze %dma_wait3A_374 : memref<1x128xi32, #tpu.memory_space<vmem>> -> memref<128xi32, #tpu.memory_space<vmem>>
    %dma_wait3A_376 = arith.constant 0 : i32
    %dma_wait3A_377 = arith.constant 0 : i32
    %dma_wait3A_378 = tpu.memref_slice %arg14[%dma_wait3A_376, %dma_wait3A_377] : memref<10240x32xf32, #tpu.memory_space<vmem_shared>> -> memref<10240x32xf32, #tpu.memory_space<vmem_shared>>
    tpu.wait_indirect_dma semaphore(%arg17 : memref<!tpu.dma_semaphore, #tpu.memory_space<semaphore_mem>>) src(%dma_wait3A_378 : memref<10240x32xf32, #tpu.memory_space<vmem_shared>>) dst(%arg9 : memref<128x32xf32, #tpu.memory_space<vmem>>)
    %dma_start3A_379 = arith.constant 1 : i32
    %dma_start3A_380 = arith.constant 0 : i32
    %dma_start3A_381 = tpu.memref_slice %arg7[%dma_start3A_379, %dma_start3A_380] : memref<160x128xi32, #tpu.memory_space<vmem>> -> memref<1x128xi32, #tpu.memory_space<vmem>>
    %dma_start3A_382 = tpu.memref_squeeze %dma_start3A_381 : memref<1x128xi32, #tpu.memory_space<vmem>> -> memref<128xi32, #tpu.memory_space<vmem>>
    %dma_start3A_383 = arith.constant 0 : i32
    %dma_start3A_384 = arith.constant 0 : i32
    %dma_start3A_385 = tpu.memref_slice %arg15[%dma_start3A_383, %dma_start3A_384] : memref<10240x32xf32, #tpu.memory_space<vmem_shared>> -> memref<10240x32xf32, #tpu.memory_space<vmem_shared>>
    tpu.enqueue_indirect_dma source(%arg9 : memref<128x32xf32, #tpu.memory_space<vmem>>) target(%dma_start3A_385 : memref<10240x32xf32, #tpu.memory_space<vmem_shared>>) offsets(%dma_start3A_382 : memref<128xi32, #tpu.memory_space<vmem>>) semaphore(%arg22 : memref<!tpu.dma_semaphore, #tpu.memory_space<semaphore_mem>>) {add = true}
    %dma_start3A_386 = arith.constant 4 : i32
    %dma_start3A_387 = arith.constant 0 : i32
    %dma_start3A_388 = tpu.memref_slice %arg6[%dma_start3A_386, %dma_start3A_387] : memref<165x128xi32, #tpu.memory_space<vmem>> -> memref<1x128xi32, #tpu.memory_space<vmem>>
    %dma_start3A_389 = tpu.memref_squeeze %dma_start3A_388 : memref<1x128xi32, #tpu.memory_space<vmem>> -> memref<128xi32, #tpu.memory_space<vmem>>
    %dma_start3A_390 = arith.constant 0 : i32
    %dma_start3A_391 = arith.constant 0 : i32
    %dma_start3A_392 = tpu.memref_slice %arg14[%dma_start3A_390, %dma_start3A_391] : memref<10240x32xf32, #tpu.memory_space<vmem_shared>> -> memref<10240x32xf32, #tpu.memory_space<vmem_shared>>
    tpu.enqueue_indirect_dma source(%dma_start3A_392 : memref<10240x32xf32, #tpu.memory_space<vmem_shared>>) target(%arg12 : memref<128x32xf32, #tpu.memory_space<vmem>>) offsets(%dma_start3A_389 : memref<128xi32, #tpu.memory_space<vmem>>) semaphore(%arg20 : memref<!tpu.dma_semaphore, #tpu.memory_space<semaphore_mem>>)
    %dma_wait3A_393 = arith.constant 2 : i32
    %dma_wait3A_394 = arith.constant 0 : i32
    %dma_wait3A_395 = tpu.memref_slice %arg6[%dma_wait3A_393, %dma_wait3A_394] : memref<165x128xi32, #tpu.memory_space<vmem>> -> memref<1x128xi32, #tpu.memory_space<vmem>>
    %dma_wait3A_396 = tpu.memref_squeeze %dma_wait3A_395 : memref<1x128xi32, #tpu.memory_space<vmem>> -> memref<128xi32, #tpu.memory_space<vmem>>
    %dma_wait3A_397 = arith.constant 0 : i32
    %dma_wait3A_398 = arith.constant 0 : i32
    %dma_wait3A_399 = tpu.memref_slice %arg14[%dma_wait3A_397, %dma_wait3A_398] : memref<10240x32xf32, #tpu.memory_space<vmem_shared>> -> memref<10240x32xf32, #tpu.memory_space<vmem_shared>>
    tpu.wait_indirect_dma semaphore(%arg18 : memref<!tpu.dma_semaphore, #tpu.memory_space<semaphore_mem>>) src(%dma_wait3A_399 : memref<10240x32xf32, #tpu.memory_space<vmem_shared>>) dst(%arg10 : memref<128x32xf32, #tpu.memory_space<vmem>>)
    %dma_start3A_400 = arith.constant 2 : i32
    %dma_start3A_401 = arith.constant 0 : i32
    %dma_start3A_402 = tpu.memref_slice %arg7[%dma_start3A_400, %dma_start3A_401] : memref<160x128xi32, #tpu.memory_space<vmem>> -> memref<1x128xi32, #tpu.memory_space<vmem>>
    %dma_start3A_403 = tpu.memref_squeeze %dma_start3A_402 : memref<1x128xi32, #tpu.memory_space<vmem>> -> memref<128xi32, #tpu.memory_space<vmem>>
    %dma_start3A_404 = arith.constant 0 : i32
    %dma_start3A_405 = arith.constant 0 : i32
    %dma_start3A_406 = tpu.memref_slice %arg15[%dma_start3A_404, %dma_start3A_405] : memref<10240x32xf32, #tpu.memory_space<vmem_shared>> -> memref<10240x32xf32, #tpu.memory_space<vmem_shared>>
    tpu.enqueue_indirect_dma source(%arg10 : memref<128x32xf32, #tpu.memory_space<vmem>>) target(%dma_start3A_406 : memref<10240x32xf32, #tpu.memory_space<vmem_shared>>) offsets(%dma_start3A_403 : memref<128xi32, #tpu.memory_space<vmem>>) semaphore(%arg23 : memref<!tpu.dma_semaphore, #tpu.memory_space<semaphore_mem>>) {add = true}
    %dma_wait3A_407 = arith.constant 0 : i32
    %dma_wait3A_408 = arith.constant 0 : i32
    %dma_wait3A_409 = tpu.memref_slice %arg7[%dma_wait3A_407, %dma_wait3A_408] : memref<160x128xi32, #tpu.memory_space<vmem>> -> memref<1x128xi32, #tpu.memory_space<vmem>>
    %dma_wait3A_410 = tpu.memref_squeeze %dma_wait3A_409 : memref<1x128xi32, #tpu.memory_space<vmem>> -> memref<128xi32, #tpu.memory_space<vmem>>
    %dma_wait3A_411 = arith.constant 0 : i32
    %dma_wait3A_412 = arith.constant 0 : i32
    %dma_wait3A_413 = tpu.memref_slice %arg15[%dma_wait3A_411, %dma_wait3A_412] : memref<10240x32xf32, #tpu.memory_space<vmem_shared>> -> memref<10240x32xf32, #tpu.memory_space<vmem_shared>>
    tpu.wait_indirect_dma semaphore(%arg21 : memref<!tpu.dma_semaphore, #tpu.memory_space<semaphore_mem>>) src(%arg8 : memref<128x32xf32, #tpu.memory_space<vmem>>) dst(%dma_wait3A_413 : memref<10240x32xf32, #tpu.memory_space<vmem_shared>>)
    %dma_start3A_414 = arith.constant 5 : i32
    %dma_start3A_415 = arith.constant 0 : i32
    %dma_start3A_416 = tpu.memref_slice %arg6[%dma_start3A_414, %dma_start3A_415] : memref<165x128xi32, #tpu.memory_space<vmem>> -> memref<1x128xi32, #tpu.memory_space<vmem>>
    %dma_start3A_417 = tpu.memref_squeeze %dma_start3A_416 : memref<1x128xi32, #tpu.memory_space<vmem>> -> memref<128xi32, #tpu.memory_space<vmem>>
    %dma_start3A_418 = arith.constant 0 : i32
    %dma_start3A_419 = arith.constant 0 : i32
    %dma_start3A_420 = tpu.memref_slice %arg14[%dma_start3A_418, %dma_start3A_419] : memref<10240x32xf32, #tpu.memory_space<vmem_shared>> -> memref<10240x32xf32, #tpu.memory_space<vmem_shared>>
    tpu.enqueue_indirect_dma source(%dma_start3A_420 : memref<10240x32xf32, #tpu.memory_space<vmem_shared>>) target(%arg8 : memref<128x32xf32, #tpu.memory_space<vmem>>) offsets(%dma_start3A_417 : memref<128xi32, #tpu.memory_space<vmem>>) semaphore(%arg16 : memref<!tpu.dma_semaphore, #tpu.memory_space<semaphore_mem>>)
    %dma_wait3A_421 = arith.constant 3 : i32
    %dma_wait3A_422 = arith.constant 0 : i32
    %dma_wait3A_423 = tpu.memref_slice %arg6[%dma_wait3A_421, %dma_wait3A_422] : memref<165x128xi32, #tpu.memory_space<vmem>> -> memref<1x128xi32, #tpu.memory_space<vmem>>
    %dma_wait3A_424 = tpu.memref_squeeze %dma_wait3A_423 : memref<1x128xi32, #tpu.memory_space<vmem>> -> memref<128xi32, #tpu.memory_space<vmem>>
    %dma_wait3A_425 = arith.constant 0 : i32
    %dma_wait3A_426 = arith.constant 0 : i32
    %dma_wait3A_427 = tpu.memref_slice %arg14[%dma_wait3A_425, %dma_wait3A_426] : memref<10240x32xf32, #tpu.memory_space<vmem_shared>> -> memref<10240x32xf32, #tpu.memory_space<vmem_shared>>
    tpu.wait_indirect_dma semaphore(%arg19 : memref<!tpu.dma_semaphore, #tpu.memory_space<semaphore_mem>>) src(%dma_wait3A_427 : memref<10240x32xf32, #tpu.memory_space<vmem_shared>>) dst(%arg11 : memref<128x32xf32, #tpu.memory_space<vmem>>)
    %dma_start3A_428 = arith.constant 3 : i32
    %dma_start3A_429 = arith.constant 0 : i32
    %dma_start3A_430 = tpu.memref_slice %arg7[%dma_start3A_428, %dma_start3A_429] : memref<160x128xi32, #tpu.memory_space<vmem>> -> memref<1x128xi32, #tpu.memory_space<vmem>>
    %dma_start3A_431 = tpu.memref_squeeze %dma_start3A_430 : memref<1x128xi32, #tpu.memory_space<vmem>> -> memref<128xi32, #tpu.memory_space<vmem>>
    %dma_start3A_432 = arith.constant 0 : i32
    %dma_start3A_433 = arith.constant 0 : i32
    %dma_start3A_434 = tpu.memref_slice %arg15[%dma_start3A_432, %dma_start3A_433] : memref<10240x32xf32, #tpu.memory_space<vmem_shared>> -> memref<10240x32xf32, #tpu.memory_space<vmem_shared>>
    tpu.enqueue_indirect_dma source(%arg11 : memref<128x32xf32, #tpu.memory_space<vmem>>) target(%dma_start3A_434 : memref<10240x32xf32, #tpu.memory_space<vmem_shared>>) offsets(%dma_start3A_431 : memref<128xi32, #tpu.memory_space<vmem>>) semaphore(%arg24 : memref<!tpu.dma_semaphore, #tpu.memory_space<semaphore_mem>>) {add = true}
    %dma_wait3A_435 = arith.constant 0 : i32
    %dma_wait3A_436 = arith.constant 0 : i32
    %dma_wait3A_437 = tpu.memref_slice %arg7[%dma_wait3A_435, %dma_wait3A_436] : memref<160x128xi32, #tpu.memory_space<vmem>> -> memref<1x128xi32, #tpu.memory_space<vmem>>
    %dma_wait3A_438 = tpu.memref_squeeze %dma_wait3A_437 : memref<1x128xi32, #tpu.memory_space<vmem>> -> memref<128xi32, #tpu.memory_space<vmem>>
    %dma_wait3A_439 = arith.constant 0 : i32
    %dma_wait3A_440 = arith.constant 0 : i32
    %dma_wait3A_441 = tpu.memref_slice %arg15[%dma_wait3A_439, %dma_wait3A_440] : memref<10240x32xf32, #tpu.memory_space<vmem_shared>> -> memref<10240x32xf32, #tpu.memory_space<vmem_shared>>
    tpu.wait_indirect_dma semaphore(%arg22 : memref<!tpu.dma_semaphore, #tpu.memory_space<semaphore_mem>>) src(%arg9 : memref<128x32xf32, #tpu.memory_space<vmem>>) dst(%dma_wait3A_441 : memref<10240x32xf32, #tpu.memory_space<vmem_shared>>)
    %dma_start3A_442 = arith.constant 6 : i32
    %dma_start3A_443 = arith.constant 0 : i32
    %dma_start3A_444 = tpu.memref_slice %arg6[%dma_start3A_442, %dma_start3A_443] : memref<165x128xi32, #tpu.memory_space<vmem>> -> memref<1x128xi32, #tpu.memory_space<vmem>>
    %dma_start3A_445 = tpu.memref_squeeze %dma_start3A_444 : memref<1x128xi32, #tpu.memory_space<vmem>> -> memref<128xi32, #tpu.memory_space<vmem>>
    %dma_start3A_446 = arith.constant 0 : i32
    %dma_start3A_447 = arith.constant 0 : i32
    %dma_start3A_448 = tpu.memref_slice %arg14[%dma_start3A_446, %dma_start3A_447] : memref<10240x32xf32, #tpu.memory_space<vmem_shared>> -> memref<10240x32xf32, #tpu.memory_space<vmem_shared>>
    tpu.enqueue_indirect_dma source(%dma_start3A_448 : memref<10240x32xf32, #tpu.memory_space<vmem_shared>>) target(%arg9 : memref<128x32xf32, #tpu.memory_space<vmem>>) offsets(%dma_start3A_445 : memref<128xi32, #tpu.memory_space<vmem>>) semaphore(%arg17 : memref<!tpu.dma_semaphore, #tpu.memory_space<semaphore_mem>>)
    %dma_wait3A_449 = arith.constant 4 : i32
    %dma_wait3A_450 = arith.constant 0 : i32
    %dma_wait3A_451 = tpu.memref_slice %arg6[%dma_wait3A_449, %dma_wait3A_450] : memref<165x128xi32, #tpu.memory_space<vmem>> -> memref<1x128xi32, #tpu.memory_space<vmem>>
    %dma_wait3A_452 = tpu.memref_squeeze %dma_wait3A_451 : memref<1x128xi32, #tpu.memory_space<vmem>> -> memref<128xi32, #tpu.memory_space<vmem>>
    %dma_wait3A_453 = arith.constant 0 : i32
    %dma_wait3A_454 = arith.constant 0 : i32
    %dma_wait3A_455 = tpu.memref_slice %arg14[%dma_wait3A_453, %dma_wait3A_454] : memref<10240x32xf32, #tpu.memory_space<vmem_shared>> -> memref<10240x32xf32, #tpu.memory_space<vmem_shared>>
    tpu.wait_indirect_dma semaphore(%arg20 : memref<!tpu.dma_semaphore, #tpu.memory_space<semaphore_mem>>) src(%dma_wait3A_455 : memref<10240x32xf32, #tpu.memory_space<vmem_shared>>) dst(%arg12 : memref<128x32xf32, #tpu.memory_space<vmem>>)
    %dma_start3A_456 = arith.constant 4 : i32
    %dma_start3A_457 = arith.constant 0 : i32
    %dma_start3A_458 = tpu.memref_slice %arg7[%dma_start3A_456, %dma_start3A_457] : memref<160x128xi32, #tpu.memory_space<vmem>> -> memref<1x128xi32, #tpu.memory_space<vmem>>
    %dma_start3A_459 = tpu.memref_squeeze %dma_start3A_458 : memref<1x128xi32, #tpu.memory_space<vmem>> -> memref<128xi32, #tpu.memory_space<vmem>>
    %dma_start3A_460 = arith.constant 0 : i32
    %dma_start3A_461 = arith.constant 0 : i32
    %dma_start3A_462 = tpu.memref_slice %arg15[%dma_start3A_460, %dma_start3A_461] : memref<10240x32xf32, #tpu.memory_space<vmem_shared>> -> memref<10240x32xf32, #tpu.memory_space<vmem_shared>>
    tpu.enqueue_indirect_dma source(%arg12 : memref<128x32xf32, #tpu.memory_space<vmem>>) target(%dma_start3A_462 : memref<10240x32xf32, #tpu.memory_space<vmem_shared>>) offsets(%dma_start3A_459 : memref<128xi32, #tpu.memory_space<vmem>>) semaphore(%arg25 : memref<!tpu.dma_semaphore, #tpu.memory_space<semaphore_mem>>) {add = true}
    %dma_wait3A_463 = arith.constant 0 : i32
    %dma_wait3A_464 = arith.constant 0 : i32
    %dma_wait3A_465 = tpu.memref_slice %arg7[%dma_wait3A_463, %dma_wait3A_464] : memref<160x128xi32, #tpu.memory_space<vmem>> -> memref<1x128xi32, #tpu.memory_space<vmem>>
    %dma_wait3A_466 = tpu.memref_squeeze %dma_wait3A_465 : memref<1x128xi32, #tpu.memory_space<vmem>> -> memref<128xi32, #tpu.memory_space<vmem>>
    %dma_wait3A_467 = arith.constant 0 : i32
    %dma_wait3A_468 = arith.constant 0 : i32
    %dma_wait3A_469 = tpu.memref_slice %arg15[%dma_wait3A_467, %dma_wait3A_468] : memref<10240x32xf32, #tpu.memory_space<vmem_shared>> -> memref<10240x32xf32, #tpu.memory_space<vmem_shared>>
    tpu.wait_indirect_dma semaphore(%arg23 : memref<!tpu.dma_semaphore, #tpu.memory_space<semaphore_mem>>) src(%arg10 : memref<128x32xf32, #tpu.memory_space<vmem>>) dst(%dma_wait3A_469 : memref<10240x32xf32, #tpu.memory_space<vmem_shared>>)
    %dma_start3A_470 = arith.constant 7 : i32
    %dma_start3A_471 = arith.constant 0 : i32
    %dma_start3A_472 = tpu.memref_slice %arg6[%dma_start3A_470, %dma_start3A_471] : memref<165x128xi32, #tpu.memory_space<vmem>> -> memref<1x128xi32, #tpu.memory_space<vmem>>
    %dma_start3A_473 = tpu.memref_squeeze %dma_start3A_472 : memref<1x128xi32, #tpu.memory_space<vmem>> -> memref<128xi32, #tpu.memory_space<vmem>>
    %dma_start3A_474 = arith.constant 0 : i32
    %dma_start3A_475 = arith.constant 0 : i32
    %dma_start3A_476 = tpu.memref_slice %arg14[%dma_start3A_474, %dma_start3A_475] : memref<10240x32xf32, #tpu.memory_space<vmem_shared>> -> memref<10240x32xf32, #tpu.memory_space<vmem_shared>>
    tpu.enqueue_indirect_dma source(%dma_start3A_476 : memref<10240x32xf32, #tpu.memory_space<vmem_shared>>) target(%arg10 : memref<128x32xf32, #tpu.memory_space<vmem>>) offsets(%dma_start3A_473 : memref<128xi32, #tpu.memory_space<vmem>>) semaphore(%arg18 : memref<!tpu.dma_semaphore, #tpu.memory_space<semaphore_mem>>)
    %scan3A_477 = arith.constant 0 : i32
    %scan3A_478 = arith.constant 1 : i32
    %scan3A_479 = arith.constant 31 : i32
    %scan3A_480 = arith.addi %scan3A_478, %scan3A_479 : i32
    %scan3A_481 = arith.constant 1 : i32
    %scan3A_482 = scf.for %scan3A_560 = %scan3A_478 to %scan3A_480 step %scan3A_481 iter_args(%scan3A_561 = %scan3A_477) -> (i32)  : i32 {
      %mul3A_562 = arith.constant 5 : i32
      %mul3A_563 = arith.muli %scan3A_560, %mul3A_562 : i32
      %add3A_564 = arith.constant 0 : i32
      %add3A_565 = arith.addi %mul3A_563, %add3A_564 : i32
      %dma_wait3A_566 = arith.constant 0 : i32
      %dma_wait3A_567 = tpu.memref_slice %arg6[%add3A_565, %dma_wait3A_566] : memref<165x128xi32, #tpu.memory_space<vmem>> -> memref<1x128xi32, #tpu.memory_space<vmem>>
      %dma_wait3A_568 = tpu.memref_squeeze %dma_wait3A_567 : memref<1x128xi32, #tpu.memory_space<vmem>> -> memref<128xi32, #tpu.memory_space<vmem>>
      %dma_wait3A_569 = arith.constant 0 : i32
      %dma_wait3A_570 = arith.constant 0 : i32
      %dma_wait3A_571 = tpu.memref_slice %arg14[%dma_wait3A_569, %dma_wait3A_570] : memref<10240x32xf32, #tpu.memory_space<vmem_shared>> -> memref<10240x32xf32, #tpu.memory_space<vmem_shared>>
      tpu.wait_indirect_dma semaphore(%arg16 : memref<!tpu.dma_semaphore, #tpu.memory_space<semaphore_mem>>) src(%dma_wait3A_571 : memref<10240x32xf32, #tpu.memory_space<vmem_shared>>) dst(%arg8 : memref<128x32xf32, #tpu.memory_space<vmem>>)
      %dma_start3A_572 = arith.constant 0 : i32
      %dma_start3A_573 = tpu.memref_slice %arg7[%add3A_565, %dma_start3A_572] : memref<160x128xi32, #tpu.memory_space<vmem>> -> memref<1x128xi32, #tpu.memory_space<vmem>>
      %dma_start3A_574 = tpu.memref_squeeze %dma_start3A_573 : memref<1x128xi32, #tpu.memory_space<vmem>> -> memref<128xi32, #tpu.memory_space<vmem>>
      %dma_start3A_575 = arith.constant 0 : i32
      %dma_start3A_576 = arith.constant 0 : i32
      %dma_start3A_577 = tpu.memref_slice %arg15[%dma_start3A_575, %dma_start3A_576] : memref<10240x32xf32, #tpu.memory_space<vmem_shared>> -> memref<10240x32xf32, #tpu.memory_space<vmem_shared>>
      tpu.enqueue_indirect_dma source(%arg8 : memref<128x32xf32, #tpu.memory_space<vmem>>) target(%dma_start3A_577 : memref<10240x32xf32, #tpu.memory_space<vmem_shared>>) offsets(%dma_start3A_574 : memref<128xi32, #tpu.memory_space<vmem>>) semaphore(%arg21 : memref<!tpu.dma_semaphore, #tpu.memory_space<semaphore_mem>>) {add = true}
      %dma_wait3A_578 = arith.constant 0 : i32
      %dma_wait3A_579 = arith.constant 0 : i32
      %dma_wait3A_580 = tpu.memref_slice %arg7[%dma_wait3A_578, %dma_wait3A_579] : memref<160x128xi32, #tpu.memory_space<vmem>> -> memref<1x128xi32, #tpu.memory_space<vmem>>
      %dma_wait3A_581 = tpu.memref_squeeze %dma_wait3A_580 : memref<1x128xi32, #tpu.memory_space<vmem>> -> memref<128xi32, #tpu.memory_space<vmem>>
      %dma_wait3A_582 = arith.constant 0 : i32
      %dma_wait3A_583 = arith.constant 0 : i32
      %dma_wait3A_584 = tpu.memref_slice %arg15[%dma_wait3A_582, %dma_wait3A_583] : memref<10240x32xf32, #tpu.memory_space<vmem_shared>> -> memref<10240x32xf32, #tpu.memory_space<vmem_shared>>
      tpu.wait_indirect_dma semaphore(%arg24 : memref<!tpu.dma_semaphore, #tpu.memory_space<semaphore_mem>>) src(%arg11 : memref<128x32xf32, #tpu.memory_space<vmem>>) dst(%dma_wait3A_584 : memref<10240x32xf32, #tpu.memory_space<vmem_shared>>)
      %add3A_585 = arith.constant 3 : i32
      %add3A_586 = arith.addi %add3A_565, %add3A_585 : i32
      %dma_start3A_587 = arith.constant 0 : i32
      %dma_start3A_588 = tpu.memref_slice %arg6[%add3A_586, %dma_start3A_587] : memref<165x128xi32, #tpu.memory_space<vmem>> -> memref<1x128xi32, #tpu.memory_space<vmem>>
      %dma_start3A_589 = tpu.memref_squeeze %dma_start3A_588 : memref<1x128xi32, #tpu.memory_space<vmem>> -> memref<128xi32, #tpu.memory_space<vmem>>
      %dma_start3A_590 = arith.constant 0 : i32
      %dma_start3A_591 = arith.constant 0 : i32
      %dma_start3A_592 = tpu.memref_slice %arg14[%dma_start3A_590, %dma_start3A_591] : memref<10240x32xf32, #tpu.memory_space<vmem_shared>> -> memref<10240x32xf32, #tpu.memory_space<vmem_shared>>
      tpu.enqueue_indirect_dma source(%dma_start3A_592 : memref<10240x32xf32, #tpu.memory_space<vmem_shared>>) target(%arg11 : memref<128x32xf32, #tpu.memory_space<vmem>>) offsets(%dma_start3A_589 : memref<128xi32, #tpu.memory_space<vmem>>) semaphore(%arg19 : memref<!tpu.dma_semaphore, #tpu.memory_space<semaphore_mem>>)
      %mul3A_593 = arith.constant 5 : i32
      %mul3A_594 = arith.muli %scan3A_560, %mul3A_593 : i32
      %add3A_595 = arith.constant 1 : i32
      %add3A_596 = arith.addi %mul3A_594, %add3A_595 : i32
      %dma_wait3A_597 = arith.constant 0 : i32
      %dma_wait3A_598 = tpu.memref_slice %arg6[%add3A_596, %dma_wait3A_597] : memref<165x128xi32, #tpu.memory_space<vmem>> -> memref<1x128xi32, #tpu.memory_space<vmem>>
      %dma_wait3A_599 = tpu.memref_squeeze %dma_wait3A_598 : memref<1x128xi32, #tpu.memory_space<vmem>> -> memref<128xi32, #tpu.memory_space<vmem>>
      %dma_wait3A_600 = arith.constant 0 : i32
      %dma_wait3A_601 = arith.constant 0 : i32
      %dma_wait3A_602 = tpu.memref_slice %arg14[%dma_wait3A_600, %dma_wait3A_601] : memref<10240x32xf32, #tpu.memory_space<vmem_shared>> -> memref<10240x32xf32, #tpu.memory_space<vmem_shared>>
      tpu.wait_indirect_dma semaphore(%arg17 : memref<!tpu.dma_semaphore, #tpu.memory_space<semaphore_mem>>) src(%dma_wait3A_602 : memref<10240x32xf32, #tpu.memory_space<vmem_shared>>) dst(%arg9 : memref<128x32xf32, #tpu.memory_space<vmem>>)
      %dma_start3A_603 = arith.constant 0 : i32
      %dma_start3A_604 = tpu.memref_slice %arg7[%add3A_596, %dma_start3A_603] : memref<160x128xi32, #tpu.memory_space<vmem>> -> memref<1x128xi32, #tpu.memory_space<vmem>>
      %dma_start3A_605 = tpu.memref_squeeze %dma_start3A_604 : memref<1x128xi32, #tpu.memory_space<vmem>> -> memref<128xi32, #tpu.memory_space<vmem>>
      %dma_start3A_606 = arith.constant 0 : i32
      %dma_start3A_607 = arith.constant 0 : i32
      %dma_start3A_608 = tpu.memref_slice %arg15[%dma_start3A_606, %dma_start3A_607] : memref<10240x32xf32, #tpu.memory_space<vmem_shared>> -> memref<10240x32xf32, #tpu.memory_space<vmem_shared>>
      tpu.enqueue_indirect_dma source(%arg9 : memref<128x32xf32, #tpu.memory_space<vmem>>) target(%dma_start3A_608 : memref<10240x32xf32, #tpu.memory_space<vmem_shared>>) offsets(%dma_start3A_605 : memref<128xi32, #tpu.memory_space<vmem>>) semaphore(%arg22 : memref<!tpu.dma_semaphore, #tpu.memory_space<semaphore_mem>>) {add = true}
      %dma_wait3A_609 = arith.constant 0 : i32
      %dma_wait3A_610 = arith.constant 0 : i32
      %dma_wait3A_611 = tpu.memref_slice %arg7[%dma_wait3A_609, %dma_wait3A_610] : memref<160x128xi32, #tpu.memory_space<vmem>> -> memref<1x128xi32, #tpu.memory_space<vmem>>
      %dma_wait3A_612 = tpu.memref_squeeze %dma_wait3A_611 : memref<1x128xi32, #tpu.memory_space<vmem>> -> memref<128xi32, #tpu.memory_space<vmem>>
      %dma_wait3A_613 = arith.constant 0 : i32
      %dma_wait3A_614 = arith.constant 0 : i32
      %dma_wait3A_615 = tpu.memref_slice %arg15[%dma_wait3A_613, %dma_wait3A_614] : memref<10240x32xf32, #tpu.memory_space<vmem_shared>> -> memref<10240x32xf32, #tpu.memory_space<vmem_shared>>
      tpu.wait_indirect_dma semaphore(%arg25 : memref<!tpu.dma_semaphore, #tpu.memory_space<semaphore_mem>>) src(%arg12 : memref<128x32xf32, #tpu.memory_space<vmem>>) dst(%dma_wait3A_615 : memref<10240x32xf32, #tpu.memory_space<vmem_shared>>)
      %add3A_616 = arith.constant 3 : i32
      %add3A_617 = arith.addi %add3A_596, %add3A_616 : i32
      %dma_start3A_618 = arith.constant 0 : i32
      %dma_start3A_619 = tpu.memref_slice %arg6[%add3A_617, %dma_start3A_618] : memref<165x128xi32, #tpu.memory_space<vmem>> -> memref<1x128xi32, #tpu.memory_space<vmem>>
      %dma_start3A_620 = tpu.memref_squeeze %dma_start3A_619 : memref<1x128xi32, #tpu.memory_space<vmem>> -> memref<128xi32, #tpu.memory_space<vmem>>
      %dma_start3A_621 = arith.constant 0 : i32
      %dma_start3A_622 = arith.constant 0 : i32
      %dma_start3A_623 = tpu.memref_slice %arg14[%dma_start3A_621, %dma_start3A_622] : memref<10240x32xf32, #tpu.memory_space<vmem_shared>> -> memref<10240x32xf32, #tpu.memory_space<vmem_shared>>
      tpu.enqueue_indirect_dma source(%dma_start3A_623 : memref<10240x32xf32, #tpu.memory_space<vmem_shared>>) target(%arg12 : memref<128x32xf32, #tpu.memory_space<vmem>>) offsets(%dma_start3A_620 : memref<128xi32, #tpu.memory_space<vmem>>) semaphore(%arg20 : memref<!tpu.dma_semaphore, #tpu.memory_space<semaphore_mem>>)
      %mul3A_624 = arith.constant 5 : i32
      %mul3A_625 = arith.muli %scan3A_560, %mul3A_624 : i32
      %add3A_626 = arith.constant 2 : i32
      %add3A_627 = arith.addi %mul3A_625, %add3A_626 : i32
      %dma_wait3A_628 = arith.constant 0 : i32
      %dma_wait3A_629 = tpu.memref_slice %arg6[%add3A_627, %dma_wait3A_628] : memref<165x128xi32, #tpu.memory_space<vmem>> -> memref<1x128xi32, #tpu.memory_space<vmem>>
      %dma_wait3A_630 = tpu.memref_squeeze %dma_wait3A_629 : memref<1x128xi32, #tpu.memory_space<vmem>> -> memref<128xi32, #tpu.memory_space<vmem>>
      %dma_wait3A_631 = arith.constant 0 : i32
      %dma_wait3A_632 = arith.constant 0 : i32
      %dma_wait3A_633 = tpu.memref_slice %arg14[%dma_wait3A_631, %dma_wait3A_632] : memref<10240x32xf32, #tpu.memory_space<vmem_shared>> -> memref<10240x32xf32, #tpu.memory_space<vmem_shared>>
      tpu.wait_indirect_dma semaphore(%arg18 : memref<!tpu.dma_semaphore, #tpu.memory_space<semaphore_mem>>) src(%dma_wait3A_633 : memref<10240x32xf32, #tpu.memory_space<vmem_shared>>) dst(%arg10 : memref<128x32xf32, #tpu.memory_space<vmem>>)
      %dma_start3A_634 = arith.constant 0 : i32
      %dma_start3A_635 = tpu.memref_slice %arg7[%add3A_627, %dma_start3A_634] : memref<160x128xi32, #tpu.memory_space<vmem>> -> memref<1x128xi32, #tpu.memory_space<vmem>>
      %dma_start3A_636 = tpu.memref_squeeze %dma_start3A_635 : memref<1x128xi32, #tpu.memory_space<vmem>> -> memref<128xi32, #tpu.memory_space<vmem>>
      %dma_start3A_637 = arith.constant 0 : i32
      %dma_start3A_638 = arith.constant 0 : i32
      %dma_start3A_639 = tpu.memref_slice %arg15[%dma_start3A_637, %dma_start3A_638] : memref<10240x32xf32, #tpu.memory_space<vmem_shared>> -> memref<10240x32xf32, #tpu.memory_space<vmem_shared>>
      tpu.enqueue_indirect_dma source(%arg10 : memref<128x32xf32, #tpu.memory_space<vmem>>) target(%dma_start3A_639 : memref<10240x32xf32, #tpu.memory_space<vmem_shared>>) offsets(%dma_start3A_636 : memref<128xi32, #tpu.memory_space<vmem>>) semaphore(%arg23 : memref<!tpu.dma_semaphore, #tpu.memory_space<semaphore_mem>>) {add = true}
      %dma_wait3A_640 = arith.constant 0 : i32
      %dma_wait3A_641 = arith.constant 0 : i32
      %dma_wait3A_642 = tpu.memref_slice %arg7[%dma_wait3A_640, %dma_wait3A_641] : memref<160x128xi32, #tpu.memory_space<vmem>> -> memref<1x128xi32, #tpu.memory_space<vmem>>
      %dma_wait3A_643 = tpu.memref_squeeze %dma_wait3A_642 : memref<1x128xi32, #tpu.memory_space<vmem>> -> memref<128xi32, #tpu.memory_space<vmem>>
      %dma_wait3A_644 = arith.constant 0 : i32
      %dma_wait3A_645 = arith.constant 0 : i32
      %dma_wait3A_646 = tpu.memref_slice %arg15[%dma_wait3A_644, %dma_wait3A_645] : memref<10240x32xf32, #tpu.memory_space<vmem_shared>> -> memref<10240x32xf32, #tpu.memory_space<vmem_shared>>
      tpu.wait_indirect_dma semaphore(%arg21 : memref<!tpu.dma_semaphore, #tpu.memory_space<semaphore_mem>>) src(%arg8 : memref<128x32xf32, #tpu.memory_space<vmem>>) dst(%dma_wait3A_646 : memref<10240x32xf32, #tpu.memory_space<vmem_shared>>)
      %add3A_647 = arith.constant 3 : i32
      %add3A_648 = arith.addi %add3A_627, %add3A_647 : i32
      %dma_start3A_649 = arith.constant 0 : i32
      %dma_start3A_650 = tpu.memref_slice %arg6[%add3A_648, %dma_start3A_649] : memref<165x128xi32, #tpu.memory_space<vmem>> -> memref<1x128xi32, #tpu.memory_space<vmem>>
      %dma_start3A_651 = tpu.memref_squeeze %dma_start3A_650 : memref<1x128xi32, #tpu.memory_space<vmem>> -> memref<128xi32, #tpu.memory_space<vmem>>
      %dma_start3A_652 = arith.constant 0 : i32
      %dma_start3A_653 = arith.constant 0 : i32
      %dma_start3A_654 = tpu.memref_slice %arg14[%dma_start3A_652, %dma_start3A_653] : memref<10240x32xf32, #tpu.memory_space<vmem_shared>> -> memref<10240x32xf32, #tpu.memory_space<vmem_shared>>
      tpu.enqueue_indirect_dma source(%dma_start3A_654 : memref<10240x32xf32, #tpu.memory_space<vmem_shared>>) target(%arg8 : memref<128x32xf32, #tpu.memory_space<vmem>>) offsets(%dma_start3A_651 : memref<128xi32, #tpu.memory_space<vmem>>) semaphore(%arg16 : memref<!tpu.dma_semaphore, #tpu.memory_space<semaphore_mem>>)
      %mul3A_655 = arith.constant 5 : i32
      %mul3A_656 = arith.muli %scan3A_560, %mul3A_655 : i32
      %add3A_657 = arith.constant 3 : i32
      %add3A_658 = arith.addi %mul3A_656, %add3A_657 : i32
      %dma_wait3A_659 = arith.constant 0 : i32
      %dma_wait3A_660 = tpu.memref_slice %arg6[%add3A_658, %dma_wait3A_659] : memref<165x128xi32, #tpu.memory_space<vmem>> -> memref<1x128xi32, #tpu.memory_space<vmem>>
      %dma_wait3A_661 = tpu.memref_squeeze %dma_wait3A_660 : memref<1x128xi32, #tpu.memory_space<vmem>> -> memref<128xi32, #tpu.memory_space<vmem>>
      %dma_wait3A_662 = arith.constant 0 : i32
      %dma_wait3A_663 = arith.constant 0 : i32
      %dma_wait3A_664 = tpu.memref_slice %arg14[%dma_wait3A_662, %dma_wait3A_663] : memref<10240x32xf32, #tpu.memory_space<vmem_shared>> -> memref<10240x32xf32, #tpu.memory_space<vmem_shared>>
      tpu.wait_indirect_dma semaphore(%arg19 : memref<!tpu.dma_semaphore, #tpu.memory_space<semaphore_mem>>) src(%dma_wait3A_664 : memref<10240x32xf32, #tpu.memory_space<vmem_shared>>) dst(%arg11 : memref<128x32xf32, #tpu.memory_space<vmem>>)
      %dma_start3A_665 = arith.constant 0 : i32
      %dma_start3A_666 = tpu.memref_slice %arg7[%add3A_658, %dma_start3A_665] : memref<160x128xi32, #tpu.memory_space<vmem>> -> memref<1x128xi32, #tpu.memory_space<vmem>>
      %dma_start3A_667 = tpu.memref_squeeze %dma_start3A_666 : memref<1x128xi32, #tpu.memory_space<vmem>> -> memref<128xi32, #tpu.memory_space<vmem>>
      %dma_start3A_668 = arith.constant 0 : i32
      %dma_start3A_669 = arith.constant 0 : i32
      %dma_start3A_670 = tpu.memref_slice %arg15[%dma_start3A_668, %dma_start3A_669] : memref<10240x32xf32, #tpu.memory_space<vmem_shared>> -> memref<10240x32xf32, #tpu.memory_space<vmem_shared>>
      tpu.enqueue_indirect_dma source(%arg11 : memref<128x32xf32, #tpu.memory_space<vmem>>) target(%dma_start3A_670 : memref<10240x32xf32, #tpu.memory_space<vmem_shared>>) offsets(%dma_start3A_667 : memref<128xi32, #tpu.memory_space<vmem>>) semaphore(%arg24 : memref<!tpu.dma_semaphore, #tpu.memory_space<semaphore_mem>>) {add = true}
      %dma_wait3A_671 = arith.constant 0 : i32
      %dma_wait3A_672 = arith.constant 0 : i32
      %dma_wait3A_673 = tpu.memref_slice %arg7[%dma_wait3A_671, %dma_wait3A_672] : memref<160x128xi32, #tpu.memory_space<vmem>> -> memref<1x128xi32, #tpu.memory_space<vmem>>
      %dma_wait3A_674 = tpu.memref_squeeze %dma_wait3A_673 : memref<1x128xi32, #tpu.memory_space<vmem>> -> memref<128xi32, #tpu.memory_space<vmem>>
      %dma_wait3A_675 = arith.constant 0 : i32
      %dma_wait3A_676 = arith.constant 0 : i32
      %dma_wait3A_677 = tpu.memref_slice %arg15[%dma_wait3A_675, %dma_wait3A_676] : memref<10240x32xf32, #tpu.memory_space<vmem_shared>> -> memref<10240x32xf32, #tpu.memory_space<vmem_shared>>
      tpu.wait_indirect_dma semaphore(%arg22 : memref<!tpu.dma_semaphore, #tpu.memory_space<semaphore_mem>>) src(%arg9 : memref<128x32xf32, #tpu.memory_space<vmem>>) dst(%dma_wait3A_677 : memref<10240x32xf32, #tpu.memory_space<vmem_shared>>)
      %add3A_678 = arith.constant 3 : i32
      %add3A_679 = arith.addi %add3A_658, %add3A_678 : i32
      %dma_start3A_680 = arith.constant 0 : i32
      %dma_start3A_681 = tpu.memref_slice %arg6[%add3A_679, %dma_start3A_680] : memref<165x128xi32, #tpu.memory_space<vmem>> -> memref<1x128xi32, #tpu.memory_space<vmem>>
      %dma_start3A_682 = tpu.memref_squeeze %dma_start3A_681 : memref<1x128xi32, #tpu.memory_space<vmem>> -> memref<128xi32, #tpu.memory_space<vmem>>
      %dma_start3A_683 = arith.constant 0 : i32
      %dma_start3A_684 = arith.constant 0 : i32
      %dma_start3A_685 = tpu.memref_slice %arg14[%dma_start3A_683, %dma_start3A_684] : memref<10240x32xf32, #tpu.memory_space<vmem_shared>> -> memref<10240x32xf32, #tpu.memory_space<vmem_shared>>
      tpu.enqueue_indirect_dma source(%dma_start3A_685 : memref<10240x32xf32, #tpu.memory_space<vmem_shared>>) target(%arg9 : memref<128x32xf32, #tpu.memory_space<vmem>>) offsets(%dma_start3A_682 : memref<128xi32, #tpu.memory_space<vmem>>) semaphore(%arg17 : memref<!tpu.dma_semaphore, #tpu.memory_space<semaphore_mem>>)
      %mul3A_686 = arith.constant 5 : i32
      %mul3A_687 = arith.muli %scan3A_560, %mul3A_686 : i32
      %add3A_688 = arith.constant 4 : i32
      %add3A_689 = arith.addi %mul3A_687, %add3A_688 : i32
      %dma_wait3A_690 = arith.constant 0 : i32
      %dma_wait3A_691 = tpu.memref_slice %arg6[%add3A_689, %dma_wait3A_690] : memref<165x128xi32, #tpu.memory_space<vmem>> -> memref<1x128xi32, #tpu.memory_space<vmem>>
      %dma_wait3A_692 = tpu.memref_squeeze %dma_wait3A_691 : memref<1x128xi32, #tpu.memory_space<vmem>> -> memref<128xi32, #tpu.memory_space<vmem>>
      %dma_wait3A_693 = arith.constant 0 : i32
      %dma_wait3A_694 = arith.constant 0 : i32
      %dma_wait3A_695 = tpu.memref_slice %arg14[%dma_wait3A_693, %dma_wait3A_694] : memref<10240x32xf32, #tpu.memory_space<vmem_shared>> -> memref<10240x32xf32, #tpu.memory_space<vmem_shared>>
      tpu.wait_indirect_dma semaphore(%arg20 : memref<!tpu.dma_semaphore, #tpu.memory_space<semaphore_mem>>) src(%dma_wait3A_695 : memref<10240x32xf32, #tpu.memory_space<vmem_shared>>) dst(%arg12 : memref<128x32xf32, #tpu.memory_space<vmem>>)
      %dma_start3A_696 = arith.constant 0 : i32
      %dma_start3A_697 = tpu.memref_slice %arg7[%add3A_689, %dma_start3A_696] : memref<160x128xi32, #tpu.memory_space<vmem>> -> memref<1x128xi32, #tpu.memory_space<vmem>>
      %dma_start3A_698 = tpu.memref_squeeze %dma_start3A_697 : memref<1x128xi32, #tpu.memory_space<vmem>> -> memref<128xi32, #tpu.memory_space<vmem>>
      %dma_start3A_699 = arith.constant 0 : i32
      %dma_start3A_700 = arith.constant 0 : i32
      %dma_start3A_701 = tpu.memref_slice %arg15[%dma_start3A_699, %dma_start3A_700] : memref<10240x32xf32, #tpu.memory_space<vmem_shared>> -> memref<10240x32xf32, #tpu.memory_space<vmem_shared>>
      tpu.enqueue_indirect_dma source(%arg12 : memref<128x32xf32, #tpu.memory_space<vmem>>) target(%dma_start3A_701 : memref<10240x32xf32, #tpu.memory_space<vmem_shared>>) offsets(%dma_start3A_698 : memref<128xi32, #tpu.memory_space<vmem>>) semaphore(%arg25 : memref<!tpu.dma_semaphore, #tpu.memory_space<semaphore_mem>>) {add = true}
      %dma_wait3A_702 = arith.constant 0 : i32
      %dma_wait3A_703 = arith.constant 0 : i32
      %dma_wait3A_704 = tpu.memref_slice %arg7[%dma_wait3A_702, %dma_wait3A_703] : memref<160x128xi32, #tpu.memory_space<vmem>> -> memref<1x128xi32, #tpu.memory_space<vmem>>
      %dma_wait3A_705 = tpu.memref_squeeze %dma_wait3A_704 : memref<1x128xi32, #tpu.memory_space<vmem>> -> memref<128xi32, #tpu.memory_space<vmem>>
      %dma_wait3A_706 = arith.constant 0 : i32
      %dma_wait3A_707 = arith.constant 0 : i32
      %dma_wait3A_708 = tpu.memref_slice %arg15[%dma_wait3A_706, %dma_wait3A_707] : memref<10240x32xf32, #tpu.memory_space<vmem_shared>> -> memref<10240x32xf32, #tpu.memory_space<vmem_shared>>
      tpu.wait_indirect_dma semaphore(%arg23 : memref<!tpu.dma_semaphore, #tpu.memory_space<semaphore_mem>>) src(%arg10 : memref<128x32xf32, #tpu.memory_space<vmem>>) dst(%dma_wait3A_708 : memref<10240x32xf32, #tpu.memory_space<vmem_shared>>)
      %add3A_709 = arith.constant 3 : i32
      %add3A_710 = arith.addi %add3A_689, %add3A_709 : i32
      %dma_start3A_711 = arith.constant 0 : i32
      %dma_start3A_712 = tpu.memref_slice %arg6[%add3A_710, %dma_start3A_711] : memref<165x128xi32, #tpu.memory_space<vmem>> -> memref<1x128xi32, #tpu.memory_space<vmem>>
      %dma_start3A_713 = tpu.memref_squeeze %dma_start3A_712 : memref<1x128xi32, #tpu.memory_space<vmem>> -> memref<128xi32, #tpu.memory_space<vmem>>
      %dma_start3A_714 = arith.constant 0 : i32
      %dma_start3A_715 = arith.constant 0 : i32
      %dma_start3A_716 = tpu.memref_slice %arg14[%dma_start3A_714, %dma_start3A_715] : memref<10240x32xf32, #tpu.memory_space<vmem_shared>> -> memref<10240x32xf32, #tpu.memory_space<vmem_shared>>
      tpu.enqueue_indirect_dma source(%dma_start3A_716 : memref<10240x32xf32, #tpu.memory_space<vmem_shared>>) target(%arg10 : memref<128x32xf32, #tpu.memory_space<vmem>>) offsets(%dma_start3A_713 : memref<128xi32, #tpu.memory_space<vmem>>) semaphore(%arg18 : memref<!tpu.dma_semaphore, #tpu.memory_space<semaphore_mem>>)
      %scan3A_717 = arith.constant 0 : i32
      scf.yield %scan3A_717 : i32
    }
    %scan3A_483 = arith.constant 31 : i32
    %dma_wait3A_484 = arith.constant 160 : i32
    %dma_wait3A_485 = arith.constant 0 : i32
    %dma_wait3A_486 = tpu.memref_slice %arg6[%dma_wait3A_484, %dma_wait3A_485] : memref<165x128xi32, #tpu.memory_space<vmem>> -> memref<1x128xi32, #tpu.memory_space<vmem>>
    %dma_wait3A_487 = tpu.memref_squeeze %dma_wait3A_486 : memref<1x128xi32, #tpu.memory_space<vmem>> -> memref<128xi32, #tpu.memory_space<vmem>>
    %dma_wait3A_488 = arith.constant 0 : i32
    %dma_wait3A_489 = arith.constant 0 : i32
    %dma_wait3A_490 = tpu.memref_slice %arg14[%dma_wait3A_488, %dma_wait3A_489] : memref<10240x32xf32, #tpu.memory_space<vmem_shared>> -> memref<10240x32xf32, #tpu.memory_space<vmem_shared>>
    tpu.wait_indirect_dma semaphore(%arg16 : memref<!tpu.dma_semaphore, #tpu.memory_space<semaphore_mem>>) src(%dma_wait3A_490 : memref<10240x32xf32, #tpu.memory_space<vmem_shared>>) dst(%arg8 : memref<128x32xf32, #tpu.memory_space<vmem>>)
    %dma_wait3A_491 = arith.constant 161 : i32
    %dma_wait3A_492 = arith.constant 0 : i32
    %dma_wait3A_493 = tpu.memref_slice %arg6[%dma_wait3A_491, %dma_wait3A_492] : memref<165x128xi32, #tpu.memory_space<vmem>> -> memref<1x128xi32, #tpu.memory_space<vmem>>
    %dma_wait3A_494 = tpu.memref_squeeze %dma_wait3A_493 : memref<1x128xi32, #tpu.memory_space<vmem>> -> memref<128xi32, #tpu.memory_space<vmem>>
    %dma_wait3A_495 = arith.constant 0 : i32
    %dma_wait3A_496 = arith.constant 0 : i32
    %dma_wait3A_497 = tpu.memref_slice %arg14[%dma_wait3A_495, %dma_wait3A_496] : memref<10240x32xf32, #tpu.memory_space<vmem_shared>> -> memref<10240x32xf32, #tpu.memory_space<vmem_shared>>
    tpu.wait_indirect_dma semaphore(%arg17 : memref<!tpu.dma_semaphore, #tpu.memory_space<semaphore_mem>>) src(%dma_wait3A_497 : memref<10240x32xf32, #tpu.memory_space<vmem_shared>>) dst(%arg9 : memref<128x32xf32, #tpu.memory_space<vmem>>)
    %dma_wait3A_498 = arith.constant 162 : i32
    %dma_wait3A_499 = arith.constant 0 : i32
    %dma_wait3A_500 = tpu.memref_slice %arg6[%dma_wait3A_498, %dma_wait3A_499] : memref<165x128xi32, #tpu.memory_space<vmem>> -> memref<1x128xi32, #tpu.memory_space<vmem>>
    %dma_wait3A_501 = tpu.memref_squeeze %dma_wait3A_500 : memref<1x128xi32, #tpu.memory_space<vmem>> -> memref<128xi32, #tpu.memory_space<vmem>>
    %dma_wait3A_502 = arith.constant 0 : i32
    %dma_wait3A_503 = arith.constant 0 : i32
    %dma_wait3A_504 = tpu.memref_slice %arg14[%dma_wait3A_502, %dma_wait3A_503] : memref<10240x32xf32, #tpu.memory_space<vmem_shared>> -> memref<10240x32xf32, #tpu.memory_space<vmem_shared>>
    tpu.wait_indirect_dma semaphore(%arg18 : memref<!tpu.dma_semaphore, #tpu.memory_space<semaphore_mem>>) src(%dma_wait3A_504 : memref<10240x32xf32, #tpu.memory_space<vmem_shared>>) dst(%arg10 : memref<128x32xf32, #tpu.memory_space<vmem>>)
    %dma_wait3A_505 = arith.constant 0 : i32
    %dma_wait3A_506 = arith.constant 0 : i32
    %dma_wait3A_507 = tpu.memref_slice %arg7[%dma_wait3A_505, %dma_wait3A_506] : memref<160x128xi32, #tpu.memory_space<vmem>> -> memref<1x128xi32, #tpu.memory_space<vmem>>
    %dma_wait3A_508 = tpu.memref_squeeze %dma_wait3A_507 : memref<1x128xi32, #tpu.memory_space<vmem>> -> memref<128xi32, #tpu.memory_space<vmem>>
    %dma_wait3A_509 = arith.constant 0 : i32
    %dma_wait3A_510 = arith.constant 0 : i32
    %dma_wait3A_511 = tpu.memref_slice %arg15[%dma_wait3A_509, %dma_wait3A_510] : memref<10240x32xf32, #tpu.memory_space<vmem_shared>> -> memref<10240x32xf32, #tpu.memory_space<vmem_shared>>
    tpu.wait_indirect_dma semaphore(%arg24 : memref<!tpu.dma_semaphore, #tpu.memory_space<semaphore_mem>>) src(%arg11 : memref<128x32xf32, #tpu.memory_space<vmem>>) dst(%dma_wait3A_511 : memref<10240x32xf32, #tpu.memory_space<vmem_shared>>)
    %dma_wait3A_512 = arith.constant 0 : i32
    %dma_wait3A_513 = arith.constant 0 : i32
    %dma_wait3A_514 = tpu.memref_slice %arg7[%dma_wait3A_512, %dma_wait3A_513] : memref<160x128xi32, #tpu.memory_space<vmem>> -> memref<1x128xi32, #tpu.memory_space<vmem>>
    %dma_wait3A_515 = tpu.memref_squeeze %dma_wait3A_514 : memref<1x128xi32, #tpu.memory_space<vmem>> -> memref<128xi32, #tpu.memory_space<vmem>>
    %dma_wait3A_516 = arith.constant 0 : i32
    %dma_wait3A_517 = arith.constant 0 : i32
    %dma_wait3A_518 = tpu.memref_slice %arg15[%dma_wait3A_516, %dma_wait3A_517] : memref<10240x32xf32, #tpu.memory_space<vmem_shared>> -> memref<10240x32xf32, #tpu.memory_space<vmem_shared>>
    tpu.wait_indirect_dma semaphore(%arg25 : memref<!tpu.dma_semaphore, #tpu.memory_space<semaphore_mem>>) src(%arg12 : memref<128x32xf32, #tpu.memory_space<vmem>>) dst(%dma_wait3A_518 : memref<10240x32xf32, #tpu.memory_space<vmem_shared>>)
    %barrier3A_519 = arith.constant 0 : index
    tpu.barrier barrier_id(%barrier3A_519)
    %mul3A_520 = arith.constant 5 : i32
    %mul3A_521 = arith.muli %arg1, %mul3A_520 : i32
    %add3A_522 = arith.constant 0 : i32
    %add3A_523 = arith.addi %mul3A_521, %add3A_522 : i32
    %mul3A_524 = arith.constant 128 : i32
    %mul3A_525 = arith.muli %add3A_523, %mul3A_524 : i32
    %mul3A_526 = arith.constant 32 : i32
    %mul3A_527 = arith.muli %add3A_282, %mul3A_526 : i32
    "tpu.region"() ({
      %run_scoped3A = tpu.sem_alloc : memref<!tpu.dma_semaphore, #tpu.memory_space<semaphore_mem>>
      %dma_start3A_560 = tpu.memref_slice %arg5[%mul3A_525, %mul3A_527] : memref<10240x128xf32, #tpu.memory_space<hbm>> -> memref<128x32xf32, #tpu.memory_space<hbm>>
      %dma_start3A_561 = arith.constant 0 : i32
      %dma_start3A_562 = tpu.memref_slice %arg15[%mul3A_525, %dma_start3A_561] : memref<10240x32xf32, #tpu.memory_space<vmem_shared>> -> memref<128x32xf32, #tpu.memory_space<vmem_shared>>
      tpu.enqueue_dma source(%dma_start3A_562 : memref<128x32xf32, #tpu.memory_space<vmem_shared>>) target(%dma_start3A_560 : memref<128x32xf32, #tpu.memory_space<hbm>>) target_semaphore(%run_scoped3A : memref<!tpu.dma_semaphore, #tpu.memory_space<semaphore_mem>>)
      %dma_wait3A_563 = tpu.memref_slice %arg5[%mul3A_525, %mul3A_527] : memref<10240x128xf32, #tpu.memory_space<hbm>> -> memref<128x32xf32, #tpu.memory_space<hbm>>
      %dma_wait3A_564 = arith.constant 0 : i32
      %dma_wait3A_565 = tpu.memref_slice %arg15[%mul3A_525, %dma_wait3A_564] : memref<10240x32xf32, #tpu.memory_space<vmem_shared>> -> memref<128x32xf32, #tpu.memory_space<vmem_shared>>
      tpu.wait_dma2 semaphore(%run_scoped3A : memref<!tpu.dma_semaphore, #tpu.memory_space<semaphore_mem>>) src(%dma_wait3A_565 : memref<128x32xf32, #tpu.memory_space<vmem_shared>>) dst(%dma_wait3A_563 : memref<128x32xf32, #tpu.memory_space<hbm>>)
      tpu.yield
    }) : () -> ()
    %mul3A_528 = arith.constant 5 : i32
    %mul3A_529 = arith.muli %arg1, %mul3A_528 : i32
    %add3A_530 = arith.constant 1 : i32
    %add3A_531 = arith.addi %mul3A_529, %add3A_530 : i32
    %mul3A_532 = arith.constant 128 : i32
    %mul3A_533 = arith.muli %add3A_531, %mul3A_532 : i32
    %mul3A_534 = arith.constant 32 : i32
    %mul3A_535 = arith.muli %add3A_282, %mul3A_534 : i32
    "tpu.region"() ({
      %run_scoped3A = tpu.sem_alloc : memref<!tpu.dma_semaphore, #tpu.memory_space<semaphore_mem>>
      %dma_start3A_560 = tpu.memref_slice %arg5[%mul3A_533, %mul3A_535] : memref<10240x128xf32, #tpu.memory_space<hbm>> -> memref<128x32xf32, #tpu.memory_space<hbm>>
      %dma_start3A_561 = arith.constant 0 : i32
      %dma_start3A_562 = tpu.memref_slice %arg15[%mul3A_533, %dma_start3A_561] : memref<10240x32xf32, #tpu.memory_space<vmem_shared>> -> memref<128x32xf32, #tpu.memory_space<vmem_shared>>
      tpu.enqueue_dma source(%dma_start3A_562 : memref<128x32xf32, #tpu.memory_space<vmem_shared>>) target(%dma_start3A_560 : memref<128x32xf32, #tpu.memory_space<hbm>>) target_semaphore(%run_scoped3A : memref<!tpu.dma_semaphore, #tpu.memory_space<semaphore_mem>>)
      %dma_wait3A_563 = tpu.memref_slice %arg5[%mul3A_533, %mul3A_535] : memref<10240x128xf32, #tpu.memory_space<hbm>> -> memref<128x32xf32, #tpu.memory_space<hbm>>
      %dma_wait3A_564 = arith.constant 0 : i32
      %dma_wait3A_565 = tpu.memref_slice %arg15[%mul3A_533, %dma_wait3A_564] : memref<10240x32xf32, #tpu.memory_space<vmem_shared>> -> memref<128x32xf32, #tpu.memory_space<vmem_shared>>
      tpu.wait_dma2 semaphore(%run_scoped3A : memref<!tpu.dma_semaphore, #tpu.memory_space<semaphore_mem>>) src(%dma_wait3A_565 : memref<128x32xf32, #tpu.memory_space<vmem_shared>>) dst(%dma_wait3A_563 : memref<128x32xf32, #tpu.memory_space<hbm>>)
      tpu.yield
    }) : () -> ()
    %mul3A_536 = arith.constant 5 : i32
    %mul3A_537 = arith.muli %arg1, %mul3A_536 : i32
    %add3A_538 = arith.constant 2 : i32
    %add3A_539 = arith.addi %mul3A_537, %add3A_538 : i32
    %mul3A_540 = arith.constant 128 : i32
    %mul3A_541 = arith.muli %add3A_539, %mul3A_540 : i32
    %mul3A_542 = arith.constant 32 : i32
    %mul3A_543 = arith.muli %add3A_282, %mul3A_542 : i32
    "tpu.region"() ({
      %run_scoped3A = tpu.sem_alloc : memref<!tpu.dma_semaphore, #tpu.memory_space<semaphore_mem>>
      %dma_start3A_560 = tpu.memref_slice %arg5[%mul3A_541, %mul3A_543] : memref<10240x128xf32, #tpu.memory_space<hbm>> -> memref<128x32xf32, #tpu.memory_space<hbm>>
      %dma_start3A_561 = arith.constant 0 : i32
      %dma_start3A_562 = tpu.memref_slice %arg15[%mul3A_541, %dma_start3A_561] : memref<10240x32xf32, #tpu.memory_space<vmem_shared>> -> memref<128x32xf32, #tpu.memory_space<vmem_shared>>
      tpu.enqueue_dma source(%dma_start3A_562 : memref<128x32xf32, #tpu.memory_space<vmem_shared>>) target(%dma_start3A_560 : memref<128x32xf32, #tpu.memory_space<hbm>>) target_semaphore(%run_scoped3A : memref<!tpu.dma_semaphore, #tpu.memory_space<semaphore_mem>>)
      %dma_wait3A_563 = tpu.memref_slice %arg5[%mul3A_541, %mul3A_543] : memref<10240x128xf32, #tpu.memory_space<hbm>> -> memref<128x32xf32, #tpu.memory_space<hbm>>
      %dma_wait3A_564 = arith.constant 0 : i32
      %dma_wait3A_565 = tpu.memref_slice %arg15[%mul3A_541, %dma_wait3A_564] : memref<10240x32xf32, #tpu.memory_space<vmem_shared>> -> memref<128x32xf32, #tpu.memory_space<vmem_shared>>
      tpu.wait_dma2 semaphore(%run_scoped3A : memref<!tpu.dma_semaphore, #tpu.memory_space<semaphore_mem>>) src(%dma_wait3A_565 : memref<128x32xf32, #tpu.memory_space<vmem_shared>>) dst(%dma_wait3A_563 : memref<128x32xf32, #tpu.memory_space<hbm>>)
      tpu.yield
    }) : () -> ()
    %mul3A_544 = arith.constant 5 : i32
    %mul3A_545 = arith.muli %arg1, %mul3A_544 : i32
    %add3A_546 = arith.constant 3 : i32
    %add3A_547 = arith.addi %mul3A_545, %add3A_546 : i32
    %mul3A_548 = arith.constant 128 : i32
    %mul3A_549 = arith.muli %add3A_547, %mul3A_548 : i32
    %mul3A_550 = arith.constant 32 : i32
    %mul3A_551 = arith.muli %add3A_282, %mul3A_550 : i32
    "tpu.region"() ({
      %run_scoped3A = tpu.sem_alloc : memref<!tpu.dma_semaphore, #tpu.memory_space<semaphore_mem>>
      %dma_start3A_560 = tpu.memref_slice %arg5[%mul3A_549, %mul3A_551] : memref<10240x128xf32, #tpu.memory_space<hbm>> -> memref<128x32xf32, #tpu.memory_space<hbm>>
      %dma_start3A_561 = arith.constant 0 : i32
      %dma_start3A_562 = tpu.memref_slice %arg15[%mul3A_549, %dma_start3A_561] : memref<10240x32xf32, #tpu.memory_space<vmem_shared>> -> memref<128x32xf32, #tpu.memory_space<vmem_shared>>
      tpu.enqueue_dma source(%dma_start3A_562 : memref<128x32xf32, #tpu.memory_space<vmem_shared>>) target(%dma_start3A_560 : memref<128x32xf32, #tpu.memory_space<hbm>>) target_semaphore(%run_scoped3A : memref<!tpu.dma_semaphore, #tpu.memory_space<semaphore_mem>>)
      %dma_wait3A_563 = tpu.memref_slice %arg5[%mul3A_549, %mul3A_551] : memref<10240x128xf32, #tpu.memory_space<hbm>> -> memref<128x32xf32, #tpu.memory_space<hbm>>
      %dma_wait3A_564 = arith.constant 0 : i32
      %dma_wait3A_565 = tpu.memref_slice %arg15[%mul3A_549, %dma_wait3A_564] : memref<10240x32xf32, #tpu.memory_space<vmem_shared>> -> memref<128x32xf32, #tpu.memory_space<vmem_shared>>
      tpu.wait_dma2 semaphore(%run_scoped3A : memref<!tpu.dma_semaphore, #tpu.memory_space<semaphore_mem>>) src(%dma_wait3A_565 : memref<128x32xf32, #tpu.memory_space<vmem_shared>>) dst(%dma_wait3A_563 : memref<128x32xf32, #tpu.memory_space<hbm>>)
      tpu.yield
    }) : () -> ()
    %mul3A_552 = arith.constant 5 : i32
    %mul3A_553 = arith.muli %arg1, %mul3A_552 : i32
    %add3A_554 = arith.constant 4 : i32
    %add3A_555 = arith.addi %mul3A_553, %add3A_554 : i32
    %mul3A_556 = arith.constant 128 : i32
    %mul3A_557 = arith.muli %add3A_555, %mul3A_556 : i32
    %mul3A_558 = arith.constant 32 : i32
    %mul3A_559 = arith.muli %add3A_282, %mul3A_558 : i32
    "tpu.region"() ({
      %run_scoped3A = tpu.sem_alloc : memref<!tpu.dma_semaphore, #tpu.memory_space<semaphore_mem>>
      %dma_start3A_560 = tpu.memref_slice %arg5[%mul3A_557, %mul3A_559] : memref<10240x128xf32, #tpu.memory_space<hbm>> -> memref<128x32xf32, #tpu.memory_space<hbm>>
      %dma_start3A_561 = arith.constant 0 : i32
      %dma_start3A_562 = tpu.memref_slice %arg15[%mul3A_557, %dma_start3A_561] : memref<10240x32xf32, #tpu.memory_space<vmem_shared>> -> memref<128x32xf32, #tpu.memory_space<vmem_shared>>
      tpu.enqueue_dma source(%dma_start3A_562 : memref<128x32xf32, #tpu.memory_space<vmem_shared>>) target(%dma_start3A_560 : memref<128x32xf32, #tpu.memory_space<hbm>>) target_semaphore(%run_scoped3A : memref<!tpu.dma_semaphore, #tpu.memory_space<semaphore_mem>>)
      %dma_wait3A_563 = tpu.memref_slice %arg5[%mul3A_557, %mul3A_559] : memref<10240x128xf32, #tpu.memory_space<hbm>> -> memref<128x32xf32, #tpu.memory_space<hbm>>
      %dma_wait3A_564 = arith.constant 0 : i32
      %dma_wait3A_565 = tpu.memref_slice %arg15[%mul3A_557, %dma_wait3A_564] : memref<10240x32xf32, #tpu.memory_space<vmem_shared>> -> memref<128x32xf32, #tpu.memory_space<vmem_shared>>
      tpu.wait_dma2 semaphore(%run_scoped3A : memref<!tpu.dma_semaphore, #tpu.memory_space<semaphore_mem>>) src(%dma_wait3A_565 : memref<128x32xf32, #tpu.memory_space<vmem_shared>>) dst(%dma_wait3A_563 : memref<128x32xf32, #tpu.memory_space<hbm>>)
      tpu.yield
    }) : () -> ()
    return
  }
}

#map = affine_map<(d0, d1) -> (0, 0)>
#map1 = affine_map<(d0, d1) -> (0, 0, 0)>
module attributes {stable_mosaic.version = 14 : i64} {
  func.func @body(%arg0: i32, %arg1: i32, %arg2: memref<10240x128xf32, #tpu.memory_space<hbm>>, %arg3: memref<16x165x128xi32, #tpu.memory_space<hbm>>, %arg4: memref<16x160x128xi32, #tpu.memory_space<hbm>>, %arg5: memref<10240x128xf32, #tpu.memory_space<hbm>>, %arg6: memref<165x128xi32, #tpu.memory_space<vmem>>, %arg7: memref<160x128xi32, #tpu.memory_space<vmem>>, %arg8: memref<128x32xf32, #tpu.memory_space<vmem>>, %arg9: memref<128x32xf32, #tpu.memory_space<vmem>>, %arg10: memref<128x32xf32, #tpu.memory_space<vmem>>, %arg11: memref<128x32xf32, #tpu.memory_space<vmem>>, %arg12: memref<128x32xf32, #tpu.memory_space<vmem>>, %arg13: memref<64x32xf32, #tpu.memory_space<vmem>>, %arg14: memref<10240x32xf32, #tpu.memory_space<vmem_shared>>, %arg15: memref<10240x32xf32, #tpu.memory_space<vmem_shared>>, %arg16: memref<!tpu.dma_semaphore, #tpu.memory_space<semaphore_mem>>, %arg17: memref<!tpu.dma_semaphore, #tpu.memory_space<semaphore_mem>>, %arg18: memref<!tpu.dma_semaphore, #tpu.memory_space<semaphore_mem>>, %arg19: memref<!tpu.dma_semaphore, #tpu.memory_space<semaphore_mem>>, %arg20: memref<!tpu.dma_semaphore, #tpu.memory_space<semaphore_mem>>, %arg21: memref<!tpu.dma_semaphore, #tpu.memory_space<semaphore_mem>>, %arg22: memref<!tpu.dma_semaphore, #tpu.memory_space<semaphore_mem>>, %arg23: memref<!tpu.dma_semaphore, #tpu.memory_space<semaphore_mem>>, %arg24: memref<!tpu.dma_semaphore, #tpu.memory_space<semaphore_mem>>, %arg25: memref<!tpu.dma_semaphore, #tpu.memory_space<semaphore_mem>>) attributes {dimension_semantics = [#tpu.dimension_semantics<core_parallel>, #tpu.dimension_semantics<subcore_parallel>], iteration_bounds = array<i64: 2, 16>, scalar_prefetch = 0 : i64, scratch_operands = 20 : i64, tpu.core_type = #tpu.core_type<sc_vector_subcore>, window_params = [{transform_indices = #map}, {transform_indices = #map1}, {transform_indices = #map1}, {transform_indices = #map}]} {
    "tpu.region"() ({
      %run_scoped3A = tpu.sem_alloc : memref<!tpu.dma_semaphore, #tpu.memory_space<semaphore_mem>>
      %dma_start3A_560 = arith.constant 0 : i32
      %dma_start3A_561 = arith.constant 0 : i32
      %dma_start3A_562 = tpu.memref_slice %arg3[%arg1, %dma_start3A_560, %dma_start3A_561] : memref<16x165x128xi32, #tpu.memory_space<hbm>> -> memref<1x165x128xi32, #tpu.memory_space<hbm>>
      %dma_start3A_563 = tpu.memref_squeeze %dma_start3A_562 : memref<1x165x128xi32, #tpu.memory_space<hbm>> -> memref<165x128xi32, #tpu.memory_space<hbm>>
      %dma_start3A_564 = arith.constant 0 : i32
      %dma_start3A_565 = arith.constant 0 : i32
      %dma_start3A_566 = tpu.memref_slice %arg3[%arg1, %dma_start3A_564, %dma_start3A_565] : memref<16x165x128xi32, #tpu.memory_space<hbm>> -> memref<1x165x128xi32, #tpu.memory_space<hbm>>
      %dma_start3A_567 = tpu.memref_squeeze %dma_start3A_566 : memref<1x165x128xi32, #tpu.memory_space<hbm>> -> memref<165x128xi32, #tpu.memory_space<hbm>>
      tpu.enqueue_dma source(%dma_start3A_567 : memref<165x128xi32, #tpu.memory_space<hbm>>) target(%arg6 : memref<165x128xi32, #tpu.memory_space<vmem>>) target_semaphore(%run_scoped3A : memref<!tpu.dma_semaphore, #tpu.memory_space<semaphore_mem>>)
      %dma_wait3A_568 = arith.constant 0 : i32
      %dma_wait3A_569 = arith.constant 0 : i32
      %dma_wait3A_570 = tpu.memref_slice %arg3[%arg1, %dma_wait3A_568, %dma_wait3A_569] : memref<16x165x128xi32, #tpu.memory_space<hbm>> -> memref<1x165x128xi32, #tpu.memory_space<hbm>>
      %dma_wait3A_571 = tpu.memref_squeeze %dma_wait3A_570 : memref<1x165x128xi32, #tpu.memory_space<hbm>> -> memref<165x128xi32, #tpu.memory_space<hbm>>
      %dma_wait3A_572 = arith.constant 0 : i32
      %dma_wait3A_573 = arith.constant 0 : i32
      %dma_wait3A_574 = tpu.memref_slice %arg3[%arg1, %dma_wait3A_572, %dma_wait3A_573] : memref<16x165x128xi32, #tpu.memory_space<hbm>> -> memref<1x165x128xi32, #tpu.memory_space<hbm>>
      %dma_wait3A_575 = tpu.memref_squeeze %dma_wait3A_574 : memref<1x165x128xi32, #tpu.memory_space<hbm>> -> memref<165x128xi32, #tpu.memory_space<hbm>>
      tpu.wait_dma2 semaphore(%run_scoped3A : memref<!tpu.dma_semaphore, #tpu.memory_space<semaphore_mem>>) src(%dma_wait3A_575 : memref<165x128xi32, #tpu.memory_space<hbm>>) dst(%arg6 : memref<165x128xi32, #tpu.memory_space<vmem>>)
      tpu.yield
    }) : () -> ()
    "tpu.region"() ({
      %run_scoped3A = tpu.sem_alloc : memref<!tpu.dma_semaphore, #tpu.memory_space<semaphore_mem>>
      %dma_start3A_560 = arith.constant 0 : i32
      %dma_start3A_561 = arith.constant 0 : i32
      %dma_start3A_562 = tpu.memref_slice %arg4[%arg1, %dma_start3A_560, %dma_start3A_561] : memref<16x160x128xi32, #tpu.memory_space<hbm>> -> memref<1x160x128xi32, #tpu.memory_space<hbm>>
      %dma_start3A_563 = tpu.memref_squeeze %dma_start3A_562 : memref<1x160x128xi32, #tpu.memory_space<hbm>> -> memref<160x128xi32, #tpu.memory_space<hbm>>
      %dma_start3A_564 = arith.constant 0 : i32
      %dma_start3A_565 = arith.constant 0 : i32
      %dma_start3A_566 = tpu.memref_slice %arg4[%arg1, %dma_start3A_564, %dma_start3A_565] : memref<16x160x128xi32, #tpu.memory_space<hbm>> -> memref<1x160x128xi32, #tpu.memory_space<hbm>>
      %dma_start3A_567 = tpu.memref_squeeze %dma_start3A_566 : memref<1x160x128xi32, #tpu.memory_space<hbm>> -> memref<160x128xi32, #tpu.memory_space<hbm>>
      tpu.enqueue_dma source(%dma_start3A_567 : memref<160x128xi32, #tpu.memory_space<hbm>>) target(%arg7 : memref<160x128xi32, #tpu.memory_space<vmem>>) target_semaphore(%run_scoped3A : memref<!tpu.dma_semaphore, #tpu.memory_space<semaphore_mem>>)
      %dma_wait3A_568 = arith.constant 0 : i32
      %dma_wait3A_569 = arith.constant 0 : i32
      %dma_wait3A_570 = tpu.memref_slice %arg4[%arg1, %dma_wait3A_568, %dma_wait3A_569] : memref<16x160x128xi32, #tpu.memory_space<hbm>> -> memref<1x160x128xi32, #tpu.memory_space<hbm>>
      %dma_wait3A_571 = tpu.memref_squeeze %dma_wait3A_570 : memref<1x160x128xi32, #tpu.memory_space<hbm>> -> memref<160x128xi32, #tpu.memory_space<hbm>>
      %dma_wait3A_572 = arith.constant 0 : i32
      %dma_wait3A_573 = arith.constant 0 : i32
      %dma_wait3A_574 = tpu.memref_slice %arg4[%arg1, %dma_wait3A_572, %dma_wait3A_573] : memref<16x160x128xi32, #tpu.memory_space<hbm>> -> memref<1x160x128xi32, #tpu.memory_space<hbm>>
      %dma_wait3A_575 = tpu.memref_squeeze %dma_wait3A_574 : memref<1x160x128xi32, #tpu.memory_space<hbm>> -> memref<160x128xi32, #tpu.memory_space<hbm>>
      tpu.wait_dma2 semaphore(%run_scoped3A : memref<!tpu.dma_semaphore, #tpu.memory_space<semaphore_mem>>) src(%dma_wait3A_575 : memref<160x128xi32, #tpu.memory_space<hbm>>) dst(%arg7 : memref<160x128xi32, #tpu.memory_space<vmem>>)
      tpu.yield
    }) : () -> ()
    %broadcast_in_dim3A = arith.constant 0.000000e+00 : f32
    %broadcast_in_dim3A_0 = vector.broadcast %broadcast_in_dim3A : f32 to vector<16xf32>
    %scan3A = arith.constant 0 : i32
    %scan3A_1 = arith.constant 0 : i32
    %scan3A_2 = arith.constant 64 : i32
    %scan3A_3 = arith.addi %scan3A_1, %scan3A_2 : i32
    %scan3A_4 = arith.constant 1 : i32
    %scan3A_5 = scf.for %scan3A_560 = %scan3A_1 to %scan3A_3 step %scan3A_4 iter_args(%scan3A_561 = %scan3A) -> (i32)  : i32 {
      %swap3A = arith.index_cast %scan3A_560 : i32 to index
      %swap3A_562 = arith.constant 0 : index
      %swap3A_563 = tpu.vector_load %arg13[%swap3A, %swap3A_562] {strides = array<i32>} : memref<64x32xf32, #tpu.memory_space<vmem>>, vector<1x16xf32>,
      %swap3A_564 = vector.shape_cast %swap3A_563 : vector<1x16xf32> to vector<16xf32>
      %swap3A_565 = vector.shape_cast %broadcast_in_dim3A_0 : vector<16xf32> to vector<1x16xf32>
      tpu.vector_store %arg13[%swap3A, %swap3A_562], %swap3A_565 {strides = array<i32>} : memref<64x32xf32, #tpu.memory_space<vmem>>, vector<1x16xf32>,
      %swap3A_566 = arith.index_cast %scan3A_560 : i32 to index
      %swap3A_567 = arith.constant 16 : index
      %swap3A_568 = tpu.vector_load %arg13[%swap3A_566, %swap3A_567] {strides = array<i32>} : memref<64x32xf32, #tpu.memory_space<vmem>>, vector<1x16xf32>,
      %swap3A_569 = vector.shape_cast %swap3A_568 : vector<1x16xf32> to vector<16xf32>
      %swap3A_570 = vector.shape_cast %broadcast_in_dim3A_0 : vector<16xf32> to vector<1x16xf32>
      tpu.vector_store %arg13[%swap3A_566, %swap3A_567], %swap3A_570 {strides = array<i32>} : memref<64x32xf32, #tpu.memory_space<vmem>>, vector<1x16xf32>,
      %scan3A_571 = arith.constant 0 : i32
      scf.yield %scan3A_571 : i32
    }
    %scan3A_6 = arith.constant 64 : i32
    %add3A = arith.constant 0 : i32
    %add3A_7 = arith.addi %add3A, %arg0 : i32
    %mul3A = arith.constant 640 : i32
    %mul3A_8 = arith.muli %arg1, %mul3A : i32
    %add3A_9 = arith.constant 0 : i32
    %add3A_10 = arith.addi %mul3A_8, %add3A_9 : i32
    "tpu.region"() ({
      %run_scoped3A = tpu.sem_alloc : memref<!tpu.dma_semaphore, #tpu.memory_space<semaphore_mem>>
      %dma_start3A_560 = arith.constant 0 : i32
      %dma_start3A_561 = tpu.memref_slice %arg15[%add3A_10, %dma_start3A_560] : memref<10240x32xf32, #tpu.memory_space<vmem_shared>> -> memref<64x32xf32, #tpu.memory_space<vmem_shared>>
      %dma_start3A_562 = arith.constant 0 : i32
      %dma_start3A_563 = tpu.memref_slice %arg15[%add3A_10, %dma_start3A_562] : memref<10240x32xf32, #tpu.memory_space<vmem_shared>> -> memref<64x32xf32, #tpu.memory_space<vmem_shared>>
      tpu.enqueue_dma source(%arg13 : memref<64x32xf32, #tpu.memory_space<vmem>>) target(%dma_start3A_563 : memref<64x32xf32, #tpu.memory_space<vmem_shared>>) target_semaphore(%run_scoped3A : memref<!tpu.dma_semaphore, #tpu.memory_space<semaphore_mem>>)
      %dma_wait3A_564 = arith.constant 0 : i32
      %dma_wait3A_565 = tpu.memref_slice %arg15[%add3A_10, %dma_wait3A_564] : memref<10240x32xf32, #tpu.memory_space<vmem_shared>> -> memref<64x32xf32, #tpu.memory_space<vmem_shared>>
      %dma_wait3A_566 = arith.constant 0 : i32
      %dma_wait3A_567 = tpu.memref_slice %arg15[%add3A_10, %dma_wait3A_566] : memref<10240x32xf32, #tpu.memory_space<vmem_shared>> -> memref<64x32xf32, #tpu.memory_space<vmem_shared>>
      tpu.wait_dma2 semaphore(%run_scoped3A : memref<!tpu.dma_semaphore, #tpu.memory_space<semaphore_mem>>) src(%arg13 : memref<64x32xf32, #tpu.memory_space<vmem>>) dst(%dma_wait3A_567 : memref<64x32xf32, #tpu.memory_space<vmem_shared>>)
      tpu.yield
    }) : () -> ()
    %mul3A_11 = arith.constant 640 : i32
    %mul3A_12 = arith.muli %arg1, %mul3A_11 : i32
    %add3A_13 = arith.constant 64 : i32
    %add3A_14 = arith.addi %mul3A_12, %add3A_13 : i32
    "tpu.region"() ({
      %run_scoped3A = tpu.sem_alloc : memref<!tpu.dma_semaphore, #tpu.memory_space<semaphore_mem>>
      %dma_start3A_560 = arith.constant 0 : i32
      %dma_start3A_561 = tpu.memref_slice %arg15[%add3A_14, %dma_start3A_560] : memref<10240x32xf32, #tpu.memory_space<vmem_shared>> -> memref<64x32xf32, #tpu.memory_space<vmem_shared>>
      %dma_start3A_562 = arith.constant 0 : i32
      %dma_start3A_563 = tpu.memref_slice %arg15[%add3A_14, %dma_start3A_562] : memref<10240x32xf32, #tpu.memory_space<vmem_shared>> -> memref<64x32xf32, #tpu.memory_space<vmem_shared>>
      tpu.enqueue_dma source(%arg13 : memref<64x32xf32, #tpu.memory_space<vmem>>) target(%dma_start3A_563 : memref<64x32xf32, #tpu.memory_space<vmem_shared>>) target_semaphore(%run_scoped3A : memref<!tpu.dma_semaphore, #tpu.memory_space<semaphore_mem>>)
      %dma_wait3A_564 = arith.constant 0 : i32
      %dma_wait3A_565 = tpu.memref_slice %arg15[%add3A_14, %dma_wait3A_564] : memref<10240x32xf32, #tpu.memory_space<vmem_shared>> -> memref<64x32xf32, #tpu.memory_space<vmem_shared>>
      %dma_wait3A_566 = arith.constant 0 : i32
      %dma_wait3A_567 = tpu.memref_slice %arg15[%add3A_14, %dma_wait3A_566] : memref<10240x32xf32, #tpu.memory_space<vmem_shared>> -> memref<64x32xf32, #tpu.memory_space<vmem_shared>>
      tpu.wait_dma2 semaphore(%run_scoped3A : memref<!tpu.dma_semaphore, #tpu.memory_space<semaphore_mem>>) src(%arg13 : memref<64x32xf32, #tpu.memory_space<vmem>>) dst(%dma_wait3A_567 : memref<64x32xf32, #tpu.memory_space<vmem_shared>>)
      tpu.yield
    }) : () -> ()
    %mul3A_15 = arith.constant 640 : i32
    %mul3A_16 = arith.muli %arg1, %mul3A_15 : i32
    %add3A_17 = arith.constant 128 : i32
    %add3A_18 = arith.addi %mul3A_16, %add3A_17 : i32
    "tpu.region"() ({
      %run_scoped3A = tpu.sem_alloc : memref<!tpu.dma_semaphore, #tpu.memory_space<semaphore_mem>>
      %dma_start3A_560 = arith.constant 0 : i32
      %dma_start3A_561 = tpu.memref_slice %arg15[%add3A_18, %dma_start3A_560] : memref<10240x32xf32, #tpu.memory_space<vmem_shared>> -> memref<64x32xf32, #tpu.memory_space<vmem_shared>>
      %dma_start3A_562 = arith.constant 0 : i32
      %dma_start3A_563 = tpu.memref_slice %arg15[%add3A_18, %dma_start3A_562] : memref<10240x32xf32, #tpu.memory_space<vmem_shared>> -> memref<64x32xf32, #tpu.memory_space<vmem_shared>>
      tpu.enqueue_dma source(%arg13 : memref<64x32xf32, #tpu.memory_space<vmem>>) target(%dma_start3A_563 : memref<64x32xf32, #tpu.memory_space<vmem_shared>>) target_semaphore(%run_scoped3A : memref<!tpu.dma_semaphore, #tpu.memory_space<semaphore_mem>>)
      %dma_wait3A_564 = arith.constant 0 : i32
      %dma_wait3A_565 = tpu.memref_slice %arg15[%add3A_18, %dma_wait3A_564] : memref<10240x32xf32, #tpu.memory_space<vmem_shared>> -> memref<64x32xf32, #tpu.memory_space<vmem_shared>>
      %dma_wait3A_566 = arith.constant 0 : i32
      %dma_wait3A_567 = tpu.memref_slice %arg15[%add3A_18, %dma_wait3A_566] : memref<10240x32xf32, #tpu.memory_space<vmem_shared>> -> memref<64x32xf32, #tpu.memory_space<vmem_shared>>
      tpu.wait_dma2 semaphore(%run_scoped3A : memref<!tpu.dma_semaphore, #tpu.memory_space<semaphore_mem>>) src(%arg13 : memref<64x32xf32, #tpu.memory_space<vmem>>) dst(%dma_wait3A_567 : memref<64x32xf32, #tpu.memory_space<vmem_shared>>)
      tpu.yield
    }) : () -> ()
    %mul3A_19 = arith.constant 640 : i32
    %mul3A_20 = arith.muli %arg1, %mul3A_19 : i32
    %add3A_21 = arith.constant 192 : i32
    %add3A_22 = arith.addi %mul3A_20, %add3A_21 : i32
    "tpu.region"() ({
      %run_scoped3A = tpu.sem_alloc : memref<!tpu.dma_semaphore, #tpu.memory_space<semaphore_mem>>
      %dma_start3A_560 = arith.constant 0 : i32
      %dma_start3A_561 = tpu.memref_slice %arg15[%add3A_22, %dma_start3A_560] : memref<10240x32xf32, #tpu.memory_space<vmem_shared>> -> memref<64x32xf32, #tpu.memory_space<vmem_shared>>
      %dma_start3A_562 = arith.constant 0 : i32
      %dma_start3A_563 = tpu.memref_slice %arg15[%add3A_22, %dma_start3A_562] : memref<10240x32xf32, #tpu.memory_space<vmem_shared>> -> memref<64x32xf32, #tpu.memory_space<vmem_shared>>
      tpu.enqueue_dma source(%arg13 : memref<64x32xf32, #tpu.memory_space<vmem>>) target(%dma_start3A_563 : memref<64x32xf32, #tpu.memory_space<vmem_shared>>) target_semaphore(%run_scoped3A : memref<!tpu.dma_semaphore, #tpu.memory_space<semaphore_mem>>)
      %dma_wait3A_564 = arith.constant 0 : i32
      %dma_wait3A_565 = tpu.memref_slice %arg15[%add3A_22, %dma_wait3A_564] : memref<10240x32xf32, #tpu.memory_space<vmem_shared>> -> memref<64x32xf32, #tpu.memory_space<vmem_shared>>
      %dma_wait3A_566 = arith.constant 0 : i32
      %dma_wait3A_567 = tpu.memref_slice %arg15[%add3A_22, %dma_wait3A_566] : memref<10240x32xf32, #tpu.memory_space<vmem_shared>> -> memref<64x32xf32, #tpu.memory_space<vmem_shared>>
      tpu.wait_dma2 semaphore(%run_scoped3A : memref<!tpu.dma_semaphore, #tpu.memory_space<semaphore_mem>>) src(%arg13 : memref<64x32xf32, #tpu.memory_space<vmem>>) dst(%dma_wait3A_567 : memref<64x32xf32, #tpu.memory_space<vmem_shared>>)
      tpu.yield
    }) : () -> ()
    %mul3A_23 = arith.constant 640 : i32
    %mul3A_24 = arith.muli %arg1, %mul3A_23 : i32
    %add3A_25 = arith.constant 256 : i32
    %add3A_26 = arith.addi %mul3A_24, %add3A_25 : i32
    "tpu.region"() ({
      %run_scoped3A = tpu.sem_alloc : memref<!tpu.dma_semaphore, #tpu.memory_space<semaphore_mem>>
      %dma_start3A_560 = arith.constant 0 : i32
      %dma_start3A_561 = tpu.memref_slice %arg15[%add3A_26, %dma_start3A_560] : memref<10240x32xf32, #tpu.memory_space<vmem_shared>> -> memref<64x32xf32, #tpu.memory_space<vmem_shared>>
      %dma_start3A_562 = arith.constant 0 : i32
      %dma_start3A_563 = tpu.memref_slice %arg15[%add3A_26, %dma_start3A_562] : memref<10240x32xf32, #tpu.memory_space<vmem_shared>> -> memref<64x32xf32, #tpu.memory_space<vmem_shared>>
      tpu.enqueue_dma source(%arg13 : memref<64x32xf32, #tpu.memory_space<vmem>>) target(%dma_start3A_563 : memref<64x32xf32, #tpu.memory_space<vmem_shared>>) target_semaphore(%run_scoped3A : memref<!tpu.dma_semaphore, #tpu.memory_space<semaphore_mem>>)
      %dma_wait3A_564 = arith.constant 0 : i32
      %dma_wait3A_565 = tpu.memref_slice %arg15[%add3A_26, %dma_wait3A_564] : memref<10240x32xf32, #tpu.memory_space<vmem_shared>> -> memref<64x32xf32, #tpu.memory_space<vmem_shared>>
      %dma_wait3A_566 = arith.constant 0 : i32
      %dma_wait3A_567 = tpu.memref_slice %arg15[%add3A_26, %dma_wait3A_566] : memref<10240x32xf32, #tpu.memory_space<vmem_shared>> -> memref<64x32xf32, #tpu.memory_space<vmem_shared>>
      tpu.wait_dma2 semaphore(%run_scoped3A : memref<!tpu.dma_semaphore, #tpu.memory_space<semaphore_mem>>) src(%arg13 : memref<64x32xf32, #tpu.memory_space<vmem>>) dst(%dma_wait3A_567 : memref<64x32xf32, #tpu.memory_space<vmem_shared>>)
      tpu.yield
    }) : () -> ()
    %mul3A_27 = arith.constant 640 : i32
    %mul3A_28 = arith.muli %arg1, %mul3A_27 : i32
    %add3A_29 = arith.constant 320 : i32
    %add3A_30 = arith.addi %mul3A_28, %add3A_29 : i32
    "tpu.region"() ({
      %run_scoped3A = tpu.sem_alloc : memref<!tpu.dma_semaphore, #tpu.memory_space<semaphore_mem>>
      %dma_start3A_560 = arith.constant 0 : i32
      %dma_start3A_561 = tpu.memref_slice %arg15[%add3A_30, %dma_start3A_560] : memref<10240x32xf32, #tpu.memory_space<vmem_shared>> -> memref<64x32xf32, #tpu.memory_space<vmem_shared>>
      %dma_start3A_562 = arith.constant 0 : i32
      %dma_start3A_563 = tpu.memref_slice %arg15[%add3A_30, %dma_start3A_562] : memref<10240x32xf32, #tpu.memory_space<vmem_shared>> -> memref<64x32xf32, #tpu.memory_space<vmem_shared>>
      tpu.enqueue_dma source(%arg13 : memref<64x32xf32, #tpu.memory_space<vmem>>) target(%dma_start3A_563 : memref<64x32xf32, #tpu.memory_space<vmem_shared>>) target_semaphore(%run_scoped3A : memref<!tpu.dma_semaphore, #tpu.memory_space<semaphore_mem>>)
      %dma_wait3A_564 = arith.constant 0 : i32
      %dma_wait3A_565 = tpu.memref_slice %arg15[%add3A_30, %dma_wait3A_564] : memref<10240x32xf32, #tpu.memory_space<vmem_shared>> -> memref<64x32xf32, #tpu.memory_space<vmem_shared>>
      %dma_wait3A_566 = arith.constant 0 : i32
      %dma_wait3A_567 = tpu.memref_slice %arg15[%add3A_30, %dma_wait3A_566] : memref<10240x32xf32, #tpu.memory_space<vmem_shared>> -> memref<64x32xf32, #tpu.memory_space<vmem_shared>>
      tpu.wait_dma2 semaphore(%run_scoped3A : memref<!tpu.dma_semaphore, #tpu.memory_space<semaphore_mem>>) src(%arg13 : memref<64x32xf32, #tpu.memory_space<vmem>>) dst(%dma_wait3A_567 : memref<64x32xf32, #tpu.memory_space<vmem_shared>>)
      tpu.yield
    }) : () -> ()
    %mul3A_31 = arith.constant 640 : i32
    %mul3A_32 = arith.muli %arg1, %mul3A_31 : i32
    %add3A_33 = arith.constant 384 : i32
    %add3A_34 = arith.addi %mul3A_32, %add3A_33 : i32
    "tpu.region"() ({
      %run_scoped3A = tpu.sem_alloc : memref<!tpu.dma_semaphore, #tpu.memory_space<semaphore_mem>>
      %dma_start3A_560 = arith.constant 0 : i32
      %dma_start3A_561 = tpu.memref_slice %arg15[%add3A_34, %dma_start3A_560] : memref<10240x32xf32, #tpu.memory_space<vmem_shared>> -> memref<64x32xf32, #tpu.memory_space<vmem_shared>>
      %dma_start3A_562 = arith.constant 0 : i32
      %dma_start3A_563 = tpu.memref_slice %arg15[%add3A_34, %dma_start3A_562] : memref<10240x32xf32, #tpu.memory_space<vmem_shared>> -> memref<64x32xf32, #tpu.memory_space<vmem_shared>>
      tpu.enqueue_dma source(%arg13 : memref<64x32xf32, #tpu.memory_space<vmem>>) target(%dma_start3A_563 : memref<64x32xf32, #tpu.memory_space<vmem_shared>>) target_semaphore(%run_scoped3A : memref<!tpu.dma_semaphore, #tpu.memory_space<semaphore_mem>>)
      %dma_wait3A_564 = arith.constant 0 : i32
      %dma_wait3A_565 = tpu.memref_slice %arg15[%add3A_34, %dma_wait3A_564] : memref<10240x32xf32, #tpu.memory_space<vmem_shared>> -> memref<64x32xf32, #tpu.memory_space<vmem_shared>>
      %dma_wait3A_566 = arith.constant 0 : i32
      %dma_wait3A_567 = tpu.memref_slice %arg15[%add3A_34, %dma_wait3A_566] : memref<10240x32xf32, #tpu.memory_space<vmem_shared>> -> memref<64x32xf32, #tpu.memory_space<vmem_shared>>
      tpu.wait_dma2 semaphore(%run_scoped3A : memref<!tpu.dma_semaphore, #tpu.memory_space<semaphore_mem>>) src(%arg13 : memref<64x32xf32, #tpu.memory_space<vmem>>) dst(%dma_wait3A_567 : memref<64x32xf32, #tpu.memory_space<vmem_shared>>)
      tpu.yield
    }) : () -> ()
    %mul3A_35 = arith.constant 640 : i32
    %mul3A_36 = arith.muli %arg1, %mul3A_35 : i32
    %add3A_37 = arith.constant 448 : i32
    %add3A_38 = arith.addi %mul3A_36, %add3A_37 : i32
    "tpu.region"() ({
      %run_scoped3A = tpu.sem_alloc : memref<!tpu.dma_semaphore, #tpu.memory_space<semaphore_mem>>
      %dma_start3A_560 = arith.constant 0 : i32
      %dma_start3A_561 = tpu.memref_slice %arg15[%add3A_38, %dma_start3A_560] : memref<10240x32xf32, #tpu.memory_space<vmem_shared>> -> memref<64x32xf32, #tpu.memory_space<vmem_shared>>
      %dma_start3A_562 = arith.constant 0 : i32
      %dma_start3A_563 = tpu.memref_slice %arg15[%add3A_38, %dma_start3A_562] : memref<10240x32xf32, #tpu.memory_space<vmem_shared>> -> memref<64x32xf32, #tpu.memory_space<vmem_shared>>
      tpu.enqueue_dma source(%arg13 : memref<64x32xf32, #tpu.memory_space<vmem>>) target(%dma_start3A_563 : memref<64x32xf32, #tpu.memory_space<vmem_shared>>) target_semaphore(%run_scoped3A : memref<!tpu.dma_semaphore, #tpu.memory_space<semaphore_mem>>)
      %dma_wait3A_564 = arith.constant 0 : i32
      %dma_wait3A_565 = tpu.memref_slice %arg15[%add3A_38, %dma_wait3A_564] : memref<10240x32xf32, #tpu.memory_space<vmem_shared>> -> memref<64x32xf32, #tpu.memory_space<vmem_shared>>
      %dma_wait3A_566 = arith.constant 0 : i32
      %dma_wait3A_567 = tpu.memref_slice %arg15[%add3A_38, %dma_wait3A_566] : memref<10240x32xf32, #tpu.memory_space<vmem_shared>> -> memref<64x32xf32, #tpu.memory_space<vmem_shared>>
      tpu.wait_dma2 semaphore(%run_scoped3A : memref<!tpu.dma_semaphore, #tpu.memory_space<semaphore_mem>>) src(%arg13 : memref<64x32xf32, #tpu.memory_space<vmem>>) dst(%dma_wait3A_567 : memref<64x32xf32, #tpu.memory_space<vmem_shared>>)
      tpu.yield
    }) : () -> ()
    %mul3A_39 = arith.constant 640 : i32
    %mul3A_40 = arith.muli %arg1, %mul3A_39 : i32
    %add3A_41 = arith.constant 512 : i32
    %add3A_42 = arith.addi %mul3A_40, %add3A_41 : i32
    "tpu.region"() ({
      %run_scoped3A = tpu.sem_alloc : memref<!tpu.dma_semaphore, #tpu.memory_space<semaphore_mem>>
      %dma_start3A_560 = arith.constant 0 : i32
      %dma_start3A_561 = tpu.memref_slice %arg15[%add3A_42, %dma_start3A_560] : memref<10240x32xf32, #tpu.memory_space<vmem_shared>> -> memref<64x32xf32, #tpu.memory_space<vmem_shared>>
      %dma_start3A_562 = arith.constant 0 : i32
      %dma_start3A_563 = tpu.memref_slice %arg15[%add3A_42, %dma_start3A_562] : memref<10240x32xf32, #tpu.memory_space<vmem_shared>> -> memref<64x32xf32, #tpu.memory_space<vmem_shared>>
      tpu.enqueue_dma source(%arg13 : memref<64x32xf32, #tpu.memory_space<vmem>>) target(%dma_start3A_563 : memref<64x32xf32, #tpu.memory_space<vmem_shared>>) target_semaphore(%run_scoped3A : memref<!tpu.dma_semaphore, #tpu.memory_space<semaphore_mem>>)
      %dma_wait3A_564 = arith.constant 0 : i32
      %dma_wait3A_565 = tpu.memref_slice %arg15[%add3A_42, %dma_wait3A_564] : memref<10240x32xf32, #tpu.memory_space<vmem_shared>> -> memref<64x32xf32, #tpu.memory_space<vmem_shared>>
      %dma_wait3A_566 = arith.constant 0 : i32
      %dma_wait3A_567 = tpu.memref_slice %arg15[%add3A_42, %dma_wait3A_566] : memref<10240x32xf32, #tpu.memory_space<vmem_shared>> -> memref<64x32xf32, #tpu.memory_space<vmem_shared>>
      tpu.wait_dma2 semaphore(%run_scoped3A : memref<!tpu.dma_semaphore, #tpu.memory_space<semaphore_mem>>) src(%arg13 : memref<64x32xf32, #tpu.memory_space<vmem>>) dst(%dma_wait3A_567 : memref<64x32xf32, #tpu.memory_space<vmem_shared>>)
      tpu.yield
    }) : () -> ()
    %mul3A_43 = arith.constant 640 : i32
    %mul3A_44 = arith.muli %arg1, %mul3A_43 : i32
    %add3A_45 = arith.constant 576 : i32
    %add3A_46 = arith.addi %mul3A_44, %add3A_45 : i32
    "tpu.region"() ({
      %run_scoped3A = tpu.sem_alloc : memref<!tpu.dma_semaphore, #tpu.memory_space<semaphore_mem>>
      %dma_start3A_560 = arith.constant 0 : i32
      %dma_start3A_561 = tpu.memref_slice %arg15[%add3A_46, %dma_start3A_560] : memref<10240x32xf32, #tpu.memory_space<vmem_shared>> -> memref<64x32xf32, #tpu.memory_space<vmem_shared>>
      %dma_start3A_562 = arith.constant 0 : i32
      %dma_start3A_563 = tpu.memref_slice %arg15[%add3A_46, %dma_start3A_562] : memref<10240x32xf32, #tpu.memory_space<vmem_shared>> -> memref<64x32xf32, #tpu.memory_space<vmem_shared>>
      tpu.enqueue_dma source(%arg13 : memref<64x32xf32, #tpu.memory_space<vmem>>) target(%dma_start3A_563 : memref<64x32xf32, #tpu.memory_space<vmem_shared>>) target_semaphore(%run_scoped3A : memref<!tpu.dma_semaphore, #tpu.memory_space<semaphore_mem>>)
      %dma_wait3A_564 = arith.constant 0 : i32
      %dma_wait3A_565 = tpu.memref_slice %arg15[%add3A_46, %dma_wait3A_564] : memref<10240x32xf32, #tpu.memory_space<vmem_shared>> -> memref<64x32xf32, #tpu.memory_space<vmem_shared>>
      %dma_wait3A_566 = arith.constant 0 : i32
      %dma_wait3A_567 = tpu.memref_slice %arg15[%add3A_46, %dma_wait3A_566] : memref<10240x32xf32, #tpu.memory_space<vmem_shared>> -> memref<64x32xf32, #tpu.memory_space<vmem_shared>>
      tpu.wait_dma2 semaphore(%run_scoped3A : memref<!tpu.dma_semaphore, #tpu.memory_space<semaphore_mem>>) src(%arg13 : memref<64x32xf32, #tpu.memory_space<vmem>>) dst(%dma_wait3A_567 : memref<64x32xf32, #tpu.memory_space<vmem_shared>>)
      tpu.yield
    }) : () -> ()
    %mul3A_47 = arith.constant 640 : i32
    %mul3A_48 = arith.muli %arg1, %mul3A_47 : i32
    %mul3A_49 = arith.constant 32 : i32
    %mul3A_50 = arith.muli %add3A_7, %mul3A_49 : i32
    %mul3A_51 = arith.constant 640 : i32
    %mul3A_52 = arith.muli %arg1, %mul3A_51 : i32
    "tpu.region"() ({
      %run_scoped3A = tpu.sem_alloc : memref<!tpu.dma_semaphore, #tpu.memory_space<semaphore_mem>>
      %dma_start3A_560 = arith.constant 0 : i32
      %dma_start3A_561 = tpu.memref_slice %arg14[%mul3A_52, %dma_start3A_560] : memref<10240x32xf32, #tpu.memory_space<vmem_shared>> -> memref<640x32xf32, #tpu.memory_space<vmem_shared>>
      %dma_start3A_562 = tpu.memref_slice %arg2[%mul3A_48, %mul3A_50] : memref<10240x128xf32, #tpu.memory_space<hbm>> -> memref<640x32xf32, #tpu.memory_space<hbm>>
      tpu.enqueue_dma source(%dma_start3A_562 : memref<640x32xf32, #tpu.memory_space<hbm>>) target(%dma_start3A_561 : memref<640x32xf32, #tpu.memory_space<vmem_shared>>) target_semaphore(%run_scoped3A : memref<!tpu.dma_semaphore, #tpu.memory_space<semaphore_mem>>)
      %dma_wait3A_563 = arith.constant 0 : i32
      %dma_wait3A_564 = tpu.memref_slice %arg14[%mul3A_52, %dma_wait3A_563] : memref<10240x32xf32, #tpu.memory_space<vmem_shared>> -> memref<640x32xf32, #tpu.memory_space<vmem_shared>>
      %dma_wait3A_565 = tpu.memref_slice %arg2[%mul3A_48, %mul3A_50] : memref<10240x128xf32, #tpu.memory_space<hbm>> -> memref<640x32xf32, #tpu.memory_space<hbm>>
      tpu.wait_dma2 semaphore(%run_scoped3A : memref<!tpu.dma_semaphore, #tpu.memory_space<semaphore_mem>>) src(%dma_wait3A_565 : memref<640x32xf32, #tpu.memory_space<hbm>>) dst(%dma_wait3A_564 : memref<640x32xf32, #tpu.memory_space<vmem_shared>>)
      tpu.yield
    }) : () -> ()
    %barrier3A = arith.constant 0 : index
    tpu.barrier barrier_id(%barrier3A)
    %dma_start3A = arith.constant 0 : i32
    %dma_start3A_53 = arith.constant 0 : i32
    %dma_start3A_54 = tpu.memref_slice %arg6[%dma_start3A, %dma_start3A_53] : memref<165x128xi32, #tpu.memory_space<vmem>> -> memref<1x128xi32, #tpu.memory_space<vmem>>
    %dma_start3A_55 = tpu.memref_squeeze %dma_start3A_54 : memref<1x128xi32, #tpu.memory_space<vmem>> -> memref<128xi32, #tpu.memory_space<vmem>>
    %dma_start3A_56 = arith.constant 0 : i32
    %dma_start3A_57 = arith.constant 0 : i32
    %dma_start3A_58 = tpu.memref_slice %arg14[%dma_start3A_56, %dma_start3A_57] : memref<10240x32xf32, #tpu.memory_space<vmem_shared>> -> memref<10240x32xf32, #tpu.memory_space<vmem_shared>>
    tpu.enqueue_indirect_dma source(%dma_start3A_58 : memref<10240x32xf32, #tpu.memory_space<vmem_shared>>) target(%arg8 : memref<128x32xf32, #tpu.memory_space<vmem>>) offsets(%dma_start3A_55 : memref<128xi32, #tpu.memory_space<vmem>>) semaphore(%arg16 : memref<!tpu.dma_semaphore, #tpu.memory_space<semaphore_mem>>)
    %dma_start3A_59 = arith.constant 1 : i32
    %dma_start3A_60 = arith.constant 0 : i32
    %dma_start3A_61 = tpu.memref_slice %arg6[%dma_start3A_59, %dma_start3A_60] : memref<165x128xi32, #tpu.memory_space<vmem>> -> memref<1x128xi32, #tpu.memory_space<vmem>>
    %dma_start3A_62 = tpu.memref_squeeze %dma_start3A_61 : memref<1x128xi32, #tpu.memory_space<vmem>> -> memref<128xi32, #tpu.memory_space<vmem>>
    %dma_start3A_63 = arith.constant 0 : i32
    %dma_start3A_64 = arith.constant 0 : i32
    %dma_start3A_65 = tpu.memref_slice %arg14[%dma_start3A_63, %dma_start3A_64] : memref<10240x32xf32, #tpu.memory_space<vmem_shared>> -> memref<10240x32xf32, #tpu.memory_space<vmem_shared>>
    tpu.enqueue_indirect_dma source(%dma_start3A_65 : memref<10240x32xf32, #tpu.memory_space<vmem_shared>>) target(%arg9 : memref<128x32xf32, #tpu.memory_space<vmem>>) offsets(%dma_start3A_62 : memref<128xi32, #tpu.memory_space<vmem>>) semaphore(%arg17 : memref<!tpu.dma_semaphore, #tpu.memory_space<semaphore_mem>>)
    %dma_start3A_66 = arith.constant 2 : i32
    %dma_start3A_67 = arith.constant 0 : i32
    %dma_start3A_68 = tpu.memref_slice %arg6[%dma_start3A_66, %dma_start3A_67] : memref<165x128xi32, #tpu.memory_space<vmem>> -> memref<1x128xi32, #tpu.memory_space<vmem>>
    %dma_start3A_69 = tpu.memref_squeeze %dma_start3A_68 : memref<1x128xi32, #tpu.memory_space<vmem>> -> memref<128xi32, #tpu.memory_space<vmem>>
    %dma_start3A_70 = arith.constant 0 : i32
    %dma_start3A_71 = arith.constant 0 : i32
    %dma_start3A_72 = tpu.memref_slice %arg14[%dma_start3A_70, %dma_start3A_71] : memref<10240x32xf32, #tpu.memory_space<vmem_shared>> -> memref<10240x32xf32, #tpu.memory_space<vmem_shared>>
    tpu.enqueue_indirect_dma source(%dma_start3A_72 : memref<10240x32xf32, #tpu.memory_space<vmem_shared>>) target(%arg10 : memref<128x32xf32, #tpu.memory_space<vmem>>) offsets(%dma_start3A_69 : memref<128xi32, #tpu.memory_space<vmem>>) semaphore(%arg18 : memref<!tpu.dma_semaphore, #tpu.memory_space<semaphore_mem>>)
    %dma_wait3A = arith.constant 0 : i32
    %dma_wait3A_73 = arith.constant 0 : i32
    %dma_wait3A_74 = tpu.memref_slice %arg6[%dma_wait3A, %dma_wait3A_73] : memref<165x128xi32, #tpu.memory_space<vmem>> -> memref<1x128xi32, #tpu.memory_space<vmem>>
    %dma_wait3A_75 = tpu.memref_squeeze %dma_wait3A_74 : memref<1x128xi32, #tpu.memory_space<vmem>> -> memref<128xi32, #tpu.memory_space<vmem>>
    %dma_wait3A_76 = arith.constant 0 : i32
    %dma_wait3A_77 = arith.constant 0 : i32
    %dma_wait3A_78 = tpu.memref_slice %arg14[%dma_wait3A_76, %dma_wait3A_77] : memref<10240x32xf32, #tpu.memory_space<vmem_shared>> -> memref<10240x32xf32, #tpu.memory_space<vmem_shared>>
    tpu.wait_indirect_dma semaphore(%arg16 : memref<!tpu.dma_semaphore, #tpu.memory_space<semaphore_mem>>) src(%dma_wait3A_78 : memref<10240x32xf32, #tpu.memory_space<vmem_shared>>) dst(%arg8 : memref<128x32xf32, #tpu.memory_space<vmem>>)
    %dma_start3A_79 = arith.constant 0 : i32
    %dma_start3A_80 = arith.constant 0 : i32
    %dma_start3A_81 = tpu.memref_slice %arg7[%dma_start3A_79, %dma_start3A_80] : memref<160x128xi32, #tpu.memory_space<vmem>> -> memref<1x128xi32, #tpu.memory_space<vmem>>
    %dma_start3A_82 = tpu.memref_squeeze %dma_start3A_81 : memref<1x128xi32, #tpu.memory_space<vmem>> -> memref<128xi32, #tpu.memory_space<vmem>>
    %dma_start3A_83 = arith.constant 0 : i32
    %dma_start3A_84 = arith.constant 0 : i32
    %dma_start3A_85 = tpu.memref_slice %arg15[%dma_start3A_83, %dma_start3A_84] : memref<10240x32xf32, #tpu.memory_space<vmem_shared>> -> memref<10240x32xf32, #tpu.memory_space<vmem_shared>>
    tpu.enqueue_indirect_dma source(%arg8 : memref<128x32xf32, #tpu.memory_space<vmem>>) target(%dma_start3A_85 : memref<10240x32xf32, #tpu.memory_space<vmem_shared>>) offsets(%dma_start3A_82 : memref<128xi32, #tpu.memory_space<vmem>>) semaphore(%arg21 : memref<!tpu.dma_semaphore, #tpu.memory_space<semaphore_mem>>) {add = true}
    %dma_start3A_86 = arith.constant 3 : i32
    %dma_start3A_87 = arith.constant 0 : i32
    %dma_start3A_88 = tpu.memref_slice %arg6[%dma_start3A_86, %dma_start3A_87] : memref<165x128xi32, #tpu.memory_space<vmem>> -> memref<1x128xi32, #tpu.memory_space<vmem>>
    %dma_start3A_89 = tpu.memref_squeeze %dma_start3A_88 : memref<1x128xi32, #tpu.memory_space<vmem>> -> memref<128xi32, #tpu.memory_space<vmem>>
    %dma_start3A_90 = arith.constant 0 : i32
    %dma_start3A_91 = arith.constant 0 : i32
    %dma_start3A_92 = tpu.memref_slice %arg14[%dma_start3A_90, %dma_start3A_91] : memref<10240x32xf32, #tpu.memory_space<vmem_shared>> -> memref<10240x32xf32, #tpu.memory_space<vmem_shared>>
    tpu.enqueue_indirect_dma source(%dma_start3A_92 : memref<10240x32xf32, #tpu.memory_space<vmem_shared>>) target(%arg11 : memref<128x32xf32, #tpu.memory_space<vmem>>) offsets(%dma_start3A_89 : memref<128xi32, #tpu.memory_space<vmem>>) semaphore(%arg19 : memref<!tpu.dma_semaphore, #tpu.memory_space<semaphore_mem>>)
    %dma_wait3A_93 = arith.constant 1 : i32
    %dma_wait3A_94 = arith.constant 0 : i32
    %dma_wait3A_95 = tpu.memref_slice %arg6[%dma_wait3A_93, %dma_wait3A_94] : memref<165x128xi32, #tpu.memory_space<vmem>> -> memref<1x128xi32, #tpu.memory_space<vmem>>
    %dma_wait3A_96 = tpu.memref_squeeze %dma_wait3A_95 : memref<1x128xi32, #tpu.memory_space<vmem>> -> memref<128xi32, #tpu.memory_space<vmem>>
    %dma_wait3A_97 = arith.constant 0 : i32
    %dma_wait3A_98 = arith.constant 0 : i32
    %dma_wait3A_99 = tpu.memref_slice %arg14[%dma_wait3A_97, %dma_wait3A_98] : memref<10240x32xf32, #tpu.memory_space<vmem_shared>> -> memref<10240x32xf32, #tpu.memory_space<vmem_shared>>
    tpu.wait_indirect_dma semaphore(%arg17 : memref<!tpu.dma_semaphore, #tpu.memory_space<semaphore_mem>>) src(%dma_wait3A_99 : memref<10240x32xf32, #tpu.memory_space<vmem_shared>>) dst(%arg9 : memref<128x32xf32, #tpu.memory_space<vmem>>)
    %dma_start3A_100 = arith.constant 1 : i32
    %dma_start3A_101 = arith.constant 0 : i32
    %dma_start3A_102 = tpu.memref_slice %arg7[%dma_start3A_100, %dma_start3A_101] : memref<160x128xi32, #tpu.memory_space<vmem>> -> memref<1x128xi32, #tpu.memory_space<vmem>>
    %dma_start3A_103 = tpu.memref_squeeze %dma_start3A_102 : memref<1x128xi32, #tpu.memory_space<vmem>> -> memref<128xi32, #tpu.memory_space<vmem>>
    %dma_start3A_104 = arith.constant 0 : i32
    %dma_start3A_105 = arith.constant 0 : i32
    %dma_start3A_106 = tpu.memref_slice %arg15[%dma_start3A_104, %dma_start3A_105] : memref<10240x32xf32, #tpu.memory_space<vmem_shared>> -> memref<10240x32xf32, #tpu.memory_space<vmem_shared>>
    tpu.enqueue_indirect_dma source(%arg9 : memref<128x32xf32, #tpu.memory_space<vmem>>) target(%dma_start3A_106 : memref<10240x32xf32, #tpu.memory_space<vmem_shared>>) offsets(%dma_start3A_103 : memref<128xi32, #tpu.memory_space<vmem>>) semaphore(%arg22 : memref<!tpu.dma_semaphore, #tpu.memory_space<semaphore_mem>>) {add = true}
    %dma_start3A_107 = arith.constant 4 : i32
    %dma_start3A_108 = arith.constant 0 : i32
    %dma_start3A_109 = tpu.memref_slice %arg6[%dma_start3A_107, %dma_start3A_108] : memref<165x128xi32, #tpu.memory_space<vmem>> -> memref<1x128xi32, #tpu.memory_space<vmem>>
    %dma_start3A_110 = tpu.memref_squeeze %dma_start3A_109 : memref<1x128xi32, #tpu.memory_space<vmem>> -> memref<128xi32, #tpu.memory_space<vmem>>
    %dma_start3A_111 = arith.constant 0 : i32
    %dma_start3A_112 = arith.constant 0 : i32
    %dma_start3A_113 = tpu.memref_slice %arg14[%dma_start3A_111, %dma_start3A_112] : memref<10240x32xf32, #tpu.memory_space<vmem_shared>> -> memref<10240x32xf32, #tpu.memory_space<vmem_shared>>
    tpu.enqueue_indirect_dma source(%dma_start3A_113 : memref<10240x32xf32, #tpu.memory_space<vmem_shared>>) target(%arg12 : memref<128x32xf32, #tpu.memory_space<vmem>>) offsets(%dma_start3A_110 : memref<128xi32, #tpu.memory_space<vmem>>) semaphore(%arg20 : memref<!tpu.dma_semaphore, #tpu.memory_space<semaphore_mem>>)
    %dma_wait3A_114 = arith.constant 2 : i32
    %dma_wait3A_115 = arith.constant 0 : i32
    %dma_wait3A_116 = tpu.memref_slice %arg6[%dma_wait3A_114, %dma_wait3A_115] : memref<165x128xi32, #tpu.memory_space<vmem>> -> memref<1x128xi32, #tpu.memory_space<vmem>>
    %dma_wait3A_117 = tpu.memref_squeeze %dma_wait3A_116 : memref<1x128xi32, #tpu.memory_space<vmem>> -> memref<128xi32, #tpu.memory_space<vmem>>
    %dma_wait3A_118 = arith.constant 0 : i32
    %dma_wait3A_119 = arith.constant 0 : i32
    %dma_wait3A_120 = tpu.memref_slice %arg14[%dma_wait3A_118, %dma_wait3A_119] : memref<10240x32xf32, #tpu.memory_space<vmem_shared>> -> memref<10240x32xf32, #tpu.memory_space<vmem_shared>>
    tpu.wait_indirect_dma semaphore(%arg18 : memref<!tpu.dma_semaphore, #tpu.memory_space<semaphore_mem>>) src(%dma_wait3A_120 : memref<10240x32xf32, #tpu.memory_space<vmem_shared>>) dst(%arg10 : memref<128x32xf32, #tpu.memory_space<vmem>>)
    %dma_start3A_121 = arith.constant 2 : i32
    %dma_start3A_122 = arith.constant 0 : i32
    %dma_start3A_123 = tpu.memref_slice %arg7[%dma_start3A_121, %dma_start3A_122] : memref<160x128xi32, #tpu.memory_space<vmem>> -> memref<1x128xi32, #tpu.memory_space<vmem>>
    %dma_start3A_124 = tpu.memref_squeeze %dma_start3A_123 : memref<1x128xi32, #tpu.memory_space<vmem>> -> memref<128xi32, #tpu.memory_space<vmem>>
    %dma_start3A_125 = arith.constant 0 : i32
    %dma_start3A_126 = arith.constant 0 : i32
    %dma_start3A_127 = tpu.memref_slice %arg15[%dma_start3A_125, %dma_start3A_126] : memref<10240x32xf32, #tpu.memory_space<vmem_shared>> -> memref<10240x32xf32, #tpu.memory_space<vmem_shared>>
    tpu.enqueue_indirect_dma source(%arg10 : memref<128x32xf32, #tpu.memory_space<vmem>>) target(%dma_start3A_127 : memref<10240x32xf32, #tpu.memory_space<vmem_shared>>) offsets(%dma_start3A_124 : memref<128xi32, #tpu.memory_space<vmem>>) semaphore(%arg23 : memref<!tpu.dma_semaphore, #tpu.memory_space<semaphore_mem>>) {add = true}
    %dma_wait3A_128 = arith.constant 0 : i32
    %dma_wait3A_129 = arith.constant 0 : i32
    %dma_wait3A_130 = tpu.memref_slice %arg7[%dma_wait3A_128, %dma_wait3A_129] : memref<160x128xi32, #tpu.memory_space<vmem>> -> memref<1x128xi32, #tpu.memory_space<vmem>>
    %dma_wait3A_131 = tpu.memref_squeeze %dma_wait3A_130 : memref<1x128xi32, #tpu.memory_space<vmem>> -> memref<128xi32, #tpu.memory_space<vmem>>
    %dma_wait3A_132 = arith.constant 0 : i32
    %dma_wait3A_133 = arith.constant 0 : i32
    %dma_wait3A_134 = tpu.memref_slice %arg15[%dma_wait3A_132, %dma_wait3A_133] : memref<10240x32xf32, #tpu.memory_space<vmem_shared>> -> memref<10240x32xf32, #tpu.memory_space<vmem_shared>>
    tpu.wait_indirect_dma semaphore(%arg21 : memref<!tpu.dma_semaphore, #tpu.memory_space<semaphore_mem>>) src(%arg8 : memref<128x32xf32, #tpu.memory_space<vmem>>) dst(%dma_wait3A_134 : memref<10240x32xf32, #tpu.memory_space<vmem_shared>>)
    %dma_start3A_135 = arith.constant 5 : i32
    %dma_start3A_136 = arith.constant 0 : i32
    %dma_start3A_137 = tpu.memref_slice %arg6[%dma_start3A_135, %dma_start3A_136] : memref<165x128xi32, #tpu.memory_space<vmem>> -> memref<1x128xi32, #tpu.memory_space<vmem>>
    %dma_start3A_138 = tpu.memref_squeeze %dma_start3A_137 : memref<1x128xi32, #tpu.memory_space<vmem>> -> memref<128xi32, #tpu.memory_space<vmem>>
    %dma_start3A_139 = arith.constant 0 : i32
    %dma_start3A_140 = arith.constant 0 : i32
    %dma_start3A_141 = tpu.memref_slice %arg14[%dma_start3A_139, %dma_start3A_140] : memref<10240x32xf32, #tpu.memory_space<vmem_shared>> -> memref<10240x32xf32, #tpu.memory_space<vmem_shared>>
    tpu.enqueue_indirect_dma source(%dma_start3A_141 : memref<10240x32xf32, #tpu.memory_space<vmem_shared>>) target(%arg8 : memref<128x32xf32, #tpu.memory_space<vmem>>) offsets(%dma_start3A_138 : memref<128xi32, #tpu.memory_space<vmem>>) semaphore(%arg16 : memref<!tpu.dma_semaphore, #tpu.memory_space<semaphore_mem>>)
    %dma_wait3A_142 = arith.constant 3 : i32
    %dma_wait3A_143 = arith.constant 0 : i32
    %dma_wait3A_144 = tpu.memref_slice %arg6[%dma_wait3A_142, %dma_wait3A_143] : memref<165x128xi32, #tpu.memory_space<vmem>> -> memref<1x128xi32, #tpu.memory_space<vmem>>
    %dma_wait3A_145 = tpu.memref_squeeze %dma_wait3A_144 : memref<1x128xi32, #tpu.memory_space<vmem>> -> memref<128xi32, #tpu.memory_space<vmem>>
    %dma_wait3A_146 = arith.constant 0 : i32
    %dma_wait3A_147 = arith.constant 0 : i32
    %dma_wait3A_148 = tpu.memref_slice %arg14[%dma_wait3A_146, %dma_wait3A_147] : memref<10240x32xf32, #tpu.memory_space<vmem_shared>> -> memref<10240x32xf32, #tpu.memory_space<vmem_shared>>
    tpu.wait_indirect_dma semaphore(%arg19 : memref<!tpu.dma_semaphore, #tpu.memory_space<semaphore_mem>>) src(%dma_wait3A_148 : memref<10240x32xf32, #tpu.memory_space<vmem_shared>>) dst(%arg11 : memref<128x32xf32, #tpu.memory_space<vmem>>)
    %dma_start3A_149 = arith.constant 3 : i32
    %dma_start3A_150 = arith.constant 0 : i32
    %dma_start3A_151 = tpu.memref_slice %arg7[%dma_start3A_149, %dma_start3A_150] : memref<160x128xi32, #tpu.memory_space<vmem>> -> memref<1x128xi32, #tpu.memory_space<vmem>>
    %dma_start3A_152 = tpu.memref_squeeze %dma_start3A_151 : memref<1x128xi32, #tpu.memory_space<vmem>> -> memref<128xi32, #tpu.memory_space<vmem>>
    %dma_start3A_153 = arith.constant 0 : i32
    %dma_start3A_154 = arith.constant 0 : i32
    %dma_start3A_155 = tpu.memref_slice %arg15[%dma_start3A_153, %dma_start3A_154] : memref<10240x32xf32, #tpu.memory_space<vmem_shared>> -> memref<10240x32xf32, #tpu.memory_space<vmem_shared>>
    tpu.enqueue_indirect_dma source(%arg11 : memref<128x32xf32, #tpu.memory_space<vmem>>) target(%dma_start3A_155 : memref<10240x32xf32, #tpu.memory_space<vmem_shared>>) offsets(%dma_start3A_152 : memref<128xi32, #tpu.memory_space<vmem>>) semaphore(%arg24 : memref<!tpu.dma_semaphore, #tpu.memory_space<semaphore_mem>>) {add = true}
    %dma_wait3A_156 = arith.constant 0 : i32
    %dma_wait3A_157 = arith.constant 0 : i32
    %dma_wait3A_158 = tpu.memref_slice %arg7[%dma_wait3A_156, %dma_wait3A_157] : memref<160x128xi32, #tpu.memory_space<vmem>> -> memref<1x128xi32, #tpu.memory_space<vmem>>
    %dma_wait3A_159 = tpu.memref_squeeze %dma_wait3A_158 : memref<1x128xi32, #tpu.memory_space<vmem>> -> memref<128xi32, #tpu.memory_space<vmem>>
    %dma_wait3A_160 = arith.constant 0 : i32
    %dma_wait3A_161 = arith.constant 0 : i32
    %dma_wait3A_162 = tpu.memref_slice %arg15[%dma_wait3A_160, %dma_wait3A_161] : memref<10240x32xf32, #tpu.memory_space<vmem_shared>> -> memref<10240x32xf32, #tpu.memory_space<vmem_shared>>
    tpu.wait_indirect_dma semaphore(%arg22 : memref<!tpu.dma_semaphore, #tpu.memory_space<semaphore_mem>>) src(%arg9 : memref<128x32xf32, #tpu.memory_space<vmem>>) dst(%dma_wait3A_162 : memref<10240x32xf32, #tpu.memory_space<vmem_shared>>)
    %dma_start3A_163 = arith.constant 6 : i32
    %dma_start3A_164 = arith.constant 0 : i32
    %dma_start3A_165 = tpu.memref_slice %arg6[%dma_start3A_163, %dma_start3A_164] : memref<165x128xi32, #tpu.memory_space<vmem>> -> memref<1x128xi32, #tpu.memory_space<vmem>>
    %dma_start3A_166 = tpu.memref_squeeze %dma_start3A_165 : memref<1x128xi32, #tpu.memory_space<vmem>> -> memref<128xi32, #tpu.memory_space<vmem>>
    %dma_start3A_167 = arith.constant 0 : i32
    %dma_start3A_168 = arith.constant 0 : i32
    %dma_start3A_169 = tpu.memref_slice %arg14[%dma_start3A_167, %dma_start3A_168] : memref<10240x32xf32, #tpu.memory_space<vmem_shared>> -> memref<10240x32xf32, #tpu.memory_space<vmem_shared>>
    tpu.enqueue_indirect_dma source(%dma_start3A_169 : memref<10240x32xf32, #tpu.memory_space<vmem_shared>>) target(%arg9 : memref<128x32xf32, #tpu.memory_space<vmem>>) offsets(%dma_start3A_166 : memref<128xi32, #tpu.memory_space<vmem>>) semaphore(%arg17 : memref<!tpu.dma_semaphore, #tpu.memory_space<semaphore_mem>>)
    %dma_wait3A_170 = arith.constant 4 : i32
    %dma_wait3A_171 = arith.constant 0 : i32
    %dma_wait3A_172 = tpu.memref_slice %arg6[%dma_wait3A_170, %dma_wait3A_171] : memref<165x128xi32, #tpu.memory_space<vmem>> -> memref<1x128xi32, #tpu.memory_space<vmem>>
    %dma_wait3A_173 = tpu.memref_squeeze %dma_wait3A_172 : memref<1x128xi32, #tpu.memory_space<vmem>> -> memref<128xi32, #tpu.memory_space<vmem>>
    %dma_wait3A_174 = arith.constant 0 : i32
    %dma_wait3A_175 = arith.constant 0 : i32
    %dma_wait3A_176 = tpu.memref_slice %arg14[%dma_wait3A_174, %dma_wait3A_175] : memref<10240x32xf32, #tpu.memory_space<vmem_shared>> -> memref<10240x32xf32, #tpu.memory_space<vmem_shared>>
    tpu.wait_indirect_dma semaphore(%arg20 : memref<!tpu.dma_semaphore, #tpu.memory_space<semaphore_mem>>) src(%dma_wait3A_176 : memref<10240x32xf32, #tpu.memory_space<vmem_shared>>) dst(%arg12 : memref<128x32xf32, #tpu.memory_space<vmem>>)
    %dma_start3A_177 = arith.constant 4 : i32
    %dma_start3A_178 = arith.constant 0 : i32
    %dma_start3A_179 = tpu.memref_slice %arg7[%dma_start3A_177, %dma_start3A_178] : memref<160x128xi32, #tpu.memory_space<vmem>> -> memref<1x128xi32, #tpu.memory_space<vmem>>
    %dma_start3A_180 = tpu.memref_squeeze %dma_start3A_179 : memref<1x128xi32, #tpu.memory_space<vmem>> -> memref<128xi32, #tpu.memory_space<vmem>>
    %dma_start3A_181 = arith.constant 0 : i32
    %dma_start3A_182 = arith.constant 0 : i32
    %dma_start3A_183 = tpu.memref_slice %arg15[%dma_start3A_181, %dma_start3A_182] : memref<10240x32xf32, #tpu.memory_space<vmem_shared>> -> memref<10240x32xf32, #tpu.memory_space<vmem_shared>>
    tpu.enqueue_indirect_dma source(%arg12 : memref<128x32xf32, #tpu.memory_space<vmem>>) target(%dma_start3A_183 : memref<10240x32xf32, #tpu.memory_space<vmem_shared>>) offsets(%dma_start3A_180 : memref<128xi32, #tpu.memory_space<vmem>>) semaphore(%arg25 : memref<!tpu.dma_semaphore, #tpu.memory_space<semaphore_mem>>) {add = true}
    %dma_wait3A_184 = arith.constant 0 : i32
    %dma_wait3A_185 = arith.constant 0 : i32
    %dma_wait3A_186 = tpu.memref_slice %arg7[%dma_wait3A_184, %dma_wait3A_185] : memref<160x128xi32, #tpu.memory_space<vmem>> -> memref<1x128xi32, #tpu.memory_space<vmem>>
    %dma_wait3A_187 = tpu.memref_squeeze %dma_wait3A_186 : memref<1x128xi32, #tpu.memory_space<vmem>> -> memref<128xi32, #tpu.memory_space<vmem>>
    %dma_wait3A_188 = arith.constant 0 : i32
    %dma_wait3A_189 = arith.constant 0 : i32
    %dma_wait3A_190 = tpu.memref_slice %arg15[%dma_wait3A_188, %dma_wait3A_189] : memref<10240x32xf32, #tpu.memory_space<vmem_shared>> -> memref<10240x32xf32, #tpu.memory_space<vmem_shared>>
    tpu.wait_indirect_dma semaphore(%arg23 : memref<!tpu.dma_semaphore, #tpu.memory_space<semaphore_mem>>) src(%arg10 : memref<128x32xf32, #tpu.memory_space<vmem>>) dst(%dma_wait3A_190 : memref<10240x32xf32, #tpu.memory_space<vmem_shared>>)
    %dma_start3A_191 = arith.constant 7 : i32
    %dma_start3A_192 = arith.constant 0 : i32
    %dma_start3A_193 = tpu.memref_slice %arg6[%dma_start3A_191, %dma_start3A_192] : memref<165x128xi32, #tpu.memory_space<vmem>> -> memref<1x128xi32, #tpu.memory_space<vmem>>
    %dma_start3A_194 = tpu.memref_squeeze %dma_start3A_193 : memref<1x128xi32, #tpu.memory_space<vmem>> -> memref<128xi32, #tpu.memory_space<vmem>>
    %dma_start3A_195 = arith.constant 0 : i32
    %dma_start3A_196 = arith.constant 0 : i32
    %dma_start3A_197 = tpu.memref_slice %arg14[%dma_start3A_195, %dma_start3A_196] : memref<10240x32xf32, #tpu.memory_space<vmem_shared>> -> memref<10240x32xf32, #tpu.memory_space<vmem_shared>>
    tpu.enqueue_indirect_dma source(%dma_start3A_197 : memref<10240x32xf32, #tpu.memory_space<vmem_shared>>) target(%arg10 : memref<128x32xf32, #tpu.memory_space<vmem>>) offsets(%dma_start3A_194 : memref<128xi32, #tpu.memory_space<vmem>>) semaphore(%arg18 : memref<!tpu.dma_semaphore, #tpu.memory_space<semaphore_mem>>)
    %scan3A_198 = arith.constant 0 : i32
    %scan3A_199 = arith.constant 1 : i32
    %scan3A_200 = arith.constant 31 : i32
    %scan3A_201 = arith.addi %scan3A_199, %scan3A_200 : i32
    %scan3A_202 = arith.constant 1 : i32
    %scan3A_203 = scf.for %scan3A_560 = %scan3A_199 to %scan3A_201 step %scan3A_202 iter_args(%scan3A_561 = %scan3A_198) -> (i32)  : i32 {
      %mul3A_562 = arith.constant 5 : i32
      %mul3A_563 = arith.muli %scan3A_560, %mul3A_562 : i32
      %add3A_564 = arith.constant 0 : i32
      %add3A_565 = arith.addi %mul3A_563, %add3A_564 : i32
      %dma_wait3A_566 = arith.constant 0 : i32
      %dma_wait3A_567 = tpu.memref_slice %arg6[%add3A_565, %dma_wait3A_566] : memref<165x128xi32, #tpu.memory_space<vmem>> -> memref<1x128xi32, #tpu.memory_space<vmem>>
      %dma_wait3A_568 = tpu.memref_squeeze %dma_wait3A_567 : memref<1x128xi32, #tpu.memory_space<vmem>> -> memref<128xi32, #tpu.memory_space<vmem>>
      %dma_wait3A_569 = arith.constant 0 : i32
      %dma_wait3A_570 = arith.constant 0 : i32
      %dma_wait3A_571 = tpu.memref_slice %arg14[%dma_wait3A_569, %dma_wait3A_570] : memref<10240x32xf32, #tpu.memory_space<vmem_shared>> -> memref<10240x32xf32, #tpu.memory_space<vmem_shared>>
      tpu.wait_indirect_dma semaphore(%arg16 : memref<!tpu.dma_semaphore, #tpu.memory_space<semaphore_mem>>) src(%dma_wait3A_571 : memref<10240x32xf32, #tpu.memory_space<vmem_shared>>) dst(%arg8 : memref<128x32xf32, #tpu.memory_space<vmem>>)
      %dma_start3A_572 = arith.constant 0 : i32
      %dma_start3A_573 = tpu.memref_slice %arg7[%add3A_565, %dma_start3A_572] : memref<160x128xi32, #tpu.memory_space<vmem>> -> memref<1x128xi32, #tpu.memory_space<vmem>>
      %dma_start3A_574 = tpu.memref_squeeze %dma_start3A_573 : memref<1x128xi32, #tpu.memory_space<vmem>> -> memref<128xi32, #tpu.memory_space<vmem>>
      %dma_start3A_575 = arith.constant 0 : i32
      %dma_start3A_576 = arith.constant 0 : i32
      %dma_start3A_577 = tpu.memref_slice %arg15[%dma_start3A_575, %dma_start3A_576] : memref<10240x32xf32, #tpu.memory_space<vmem_shared>> -> memref<10240x32xf32, #tpu.memory_space<vmem_shared>>
      tpu.enqueue_indirect_dma source(%arg8 : memref<128x32xf32, #tpu.memory_space<vmem>>) target(%dma_start3A_577 : memref<10240x32xf32, #tpu.memory_space<vmem_shared>>) offsets(%dma_start3A_574 : memref<128xi32, #tpu.memory_space<vmem>>) semaphore(%arg21 : memref<!tpu.dma_semaphore, #tpu.memory_space<semaphore_mem>>) {add = true}
      %dma_wait3A_578 = arith.constant 0 : i32
      %dma_wait3A_579 = arith.constant 0 : i32
      %dma_wait3A_580 = tpu.memref_slice %arg7[%dma_wait3A_578, %dma_wait3A_579] : memref<160x128xi32, #tpu.memory_space<vmem>> -> memref<1x128xi32, #tpu.memory_space<vmem>>
      %dma_wait3A_581 = tpu.memref_squeeze %dma_wait3A_580 : memref<1x128xi32, #tpu.memory_space<vmem>> -> memref<128xi32, #tpu.memory_space<vmem>>
      %dma_wait3A_582 = arith.constant 0 : i32
      %dma_wait3A_583 = arith.constant 0 : i32
      %dma_wait3A_584 = tpu.memref_slice %arg15[%dma_wait3A_582, %dma_wait3A_583] : memref<10240x32xf32, #tpu.memory_space<vmem_shared>> -> memref<10240x32xf32, #tpu.memory_space<vmem_shared>>
      tpu.wait_indirect_dma semaphore(%arg24 : memref<!tpu.dma_semaphore, #tpu.memory_space<semaphore_mem>>) src(%arg11 : memref<128x32xf32, #tpu.memory_space<vmem>>) dst(%dma_wait3A_584 : memref<10240x32xf32, #tpu.memory_space<vmem_shared>>)
      %add3A_585 = arith.constant 3 : i32
      %add3A_586 = arith.addi %add3A_565, %add3A_585 : i32
      %dma_start3A_587 = arith.constant 0 : i32
      %dma_start3A_588 = tpu.memref_slice %arg6[%add3A_586, %dma_start3A_587] : memref<165x128xi32, #tpu.memory_space<vmem>> -> memref<1x128xi32, #tpu.memory_space<vmem>>
      %dma_start3A_589 = tpu.memref_squeeze %dma_start3A_588 : memref<1x128xi32, #tpu.memory_space<vmem>> -> memref<128xi32, #tpu.memory_space<vmem>>
      %dma_start3A_590 = arith.constant 0 : i32
      %dma_start3A_591 = arith.constant 0 : i32
      %dma_start3A_592 = tpu.memref_slice %arg14[%dma_start3A_590, %dma_start3A_591] : memref<10240x32xf32, #tpu.memory_space<vmem_shared>> -> memref<10240x32xf32, #tpu.memory_space<vmem_shared>>
      tpu.enqueue_indirect_dma source(%dma_start3A_592 : memref<10240x32xf32, #tpu.memory_space<vmem_shared>>) target(%arg11 : memref<128x32xf32, #tpu.memory_space<vmem>>) offsets(%dma_start3A_589 : memref<128xi32, #tpu.memory_space<vmem>>) semaphore(%arg19 : memref<!tpu.dma_semaphore, #tpu.memory_space<semaphore_mem>>)
      %mul3A_593 = arith.constant 5 : i32
      %mul3A_594 = arith.muli %scan3A_560, %mul3A_593 : i32
      %add3A_595 = arith.constant 1 : i32
      %add3A_596 = arith.addi %mul3A_594, %add3A_595 : i32
      %dma_wait3A_597 = arith.constant 0 : i32
      %dma_wait3A_598 = tpu.memref_slice %arg6[%add3A_596, %dma_wait3A_597] : memref<165x128xi32, #tpu.memory_space<vmem>> -> memref<1x128xi32, #tpu.memory_space<vmem>>
      %dma_wait3A_599 = tpu.memref_squeeze %dma_wait3A_598 : memref<1x128xi32, #tpu.memory_space<vmem>> -> memref<128xi32, #tpu.memory_space<vmem>>
      %dma_wait3A_600 = arith.constant 0 : i32
      %dma_wait3A_601 = arith.constant 0 : i32
      %dma_wait3A_602 = tpu.memref_slice %arg14[%dma_wait3A_600, %dma_wait3A_601] : memref<10240x32xf32, #tpu.memory_space<vmem_shared>> -> memref<10240x32xf32, #tpu.memory_space<vmem_shared>>
      tpu.wait_indirect_dma semaphore(%arg17 : memref<!tpu.dma_semaphore, #tpu.memory_space<semaphore_mem>>) src(%dma_wait3A_602 : memref<10240x32xf32, #tpu.memory_space<vmem_shared>>) dst(%arg9 : memref<128x32xf32, #tpu.memory_space<vmem>>)
      %dma_start3A_603 = arith.constant 0 : i32
      %dma_start3A_604 = tpu.memref_slice %arg7[%add3A_596, %dma_start3A_603] : memref<160x128xi32, #tpu.memory_space<vmem>> -> memref<1x128xi32, #tpu.memory_space<vmem>>
      %dma_start3A_605 = tpu.memref_squeeze %dma_start3A_604 : memref<1x128xi32, #tpu.memory_space<vmem>> -> memref<128xi32, #tpu.memory_space<vmem>>
      %dma_start3A_606 = arith.constant 0 : i32
      %dma_start3A_607 = arith.constant 0 : i32
      %dma_start3A_608 = tpu.memref_slice %arg15[%dma_start3A_606, %dma_start3A_607] : memref<10240x32xf32, #tpu.memory_space<vmem_shared>> -> memref<10240x32xf32, #tpu.memory_space<vmem_shared>>
      tpu.enqueue_indirect_dma source(%arg9 : memref<128x32xf32, #tpu.memory_space<vmem>>) target(%dma_start3A_608 : memref<10240x32xf32, #tpu.memory_space<vmem_shared>>) offsets(%dma_start3A_605 : memref<128xi32, #tpu.memory_space<vmem>>) semaphore(%arg22 : memref<!tpu.dma_semaphore, #tpu.memory_space<semaphore_mem>>) {add = true}
      %dma_wait3A_609 = arith.constant 0 : i32
      %dma_wait3A_610 = arith.constant 0 : i32
      %dma_wait3A_611 = tpu.memref_slice %arg7[%dma_wait3A_609, %dma_wait3A_610] : memref<160x128xi32, #tpu.memory_space<vmem>> -> memref<1x128xi32, #tpu.memory_space<vmem>>
      %dma_wait3A_612 = tpu.memref_squeeze %dma_wait3A_611 : memref<1x128xi32, #tpu.memory_space<vmem>> -> memref<128xi32, #tpu.memory_space<vmem>>
      %dma_wait3A_613 = arith.constant 0 : i32
      %dma_wait3A_614 = arith.constant 0 : i32
      %dma_wait3A_615 = tpu.memref_slice %arg15[%dma_wait3A_613, %dma_wait3A_614] : memref<10240x32xf32, #tpu.memory_space<vmem_shared>> -> memref<10240x32xf32, #tpu.memory_space<vmem_shared>>
      tpu.wait_indirect_dma semaphore(%arg25 : memref<!tpu.dma_semaphore, #tpu.memory_space<semaphore_mem>>) src(%arg12 : memref<128x32xf32, #tpu.memory_space<vmem>>) dst(%dma_wait3A_615 : memref<10240x32xf32, #tpu.memory_space<vmem_shared>>)
      %add3A_616 = arith.constant 3 : i32
      %add3A_617 = arith.addi %add3A_596, %add3A_616 : i32
      %dma_start3A_618 = arith.constant 0 : i32
      %dma_start3A_619 = tpu.memref_slice %arg6[%add3A_617, %dma_start3A_618] : memref<165x128xi32, #tpu.memory_space<vmem>> -> memref<1x128xi32, #tpu.memory_space<vmem>>
      %dma_start3A_620 = tpu.memref_squeeze %dma_start3A_619 : memref<1x128xi32, #tpu.memory_space<vmem>> -> memref<128xi32, #tpu.memory_space<vmem>>
      %dma_start3A_621 = arith.constant 0 : i32
      %dma_start3A_622 = arith.constant 0 : i32
      %dma_start3A_623 = tpu.memref_slice %arg14[%dma_start3A_621, %dma_start3A_622] : memref<10240x32xf32, #tpu.memory_space<vmem_shared>> -> memref<10240x32xf32, #tpu.memory_space<vmem_shared>>
      tpu.enqueue_indirect_dma source(%dma_start3A_623 : memref<10240x32xf32, #tpu.memory_space<vmem_shared>>) target(%arg12 : memref<128x32xf32, #tpu.memory_space<vmem>>) offsets(%dma_start3A_620 : memref<128xi32, #tpu.memory_space<vmem>>) semaphore(%arg20 : memref<!tpu.dma_semaphore, #tpu.memory_space<semaphore_mem>>)
      %mul3A_624 = arith.constant 5 : i32
      %mul3A_625 = arith.muli %scan3A_560, %mul3A_624 : i32
      %add3A_626 = arith.constant 2 : i32
      %add3A_627 = arith.addi %mul3A_625, %add3A_626 : i32
      %dma_wait3A_628 = arith.constant 0 : i32
      %dma_wait3A_629 = tpu.memref_slice %arg6[%add3A_627, %dma_wait3A_628] : memref<165x128xi32, #tpu.memory_space<vmem>> -> memref<1x128xi32, #tpu.memory_space<vmem>>
      %dma_wait3A_630 = tpu.memref_squeeze %dma_wait3A_629 : memref<1x128xi32, #tpu.memory_space<vmem>> -> memref<128xi32, #tpu.memory_space<vmem>>
      %dma_wait3A_631 = arith.constant 0 : i32
      %dma_wait3A_632 = arith.constant 0 : i32
      %dma_wait3A_633 = tpu.memref_slice %arg14[%dma_wait3A_631, %dma_wait3A_632] : memref<10240x32xf32, #tpu.memory_space<vmem_shared>> -> memref<10240x32xf32, #tpu.memory_space<vmem_shared>>
      tpu.wait_indirect_dma semaphore(%arg18 : memref<!tpu.dma_semaphore, #tpu.memory_space<semaphore_mem>>) src(%dma_wait3A_633 : memref<10240x32xf32, #tpu.memory_space<vmem_shared>>) dst(%arg10 : memref<128x32xf32, #tpu.memory_space<vmem>>)
      %dma_start3A_634 = arith.constant 0 : i32
      %dma_start3A_635 = tpu.memref_slice %arg7[%add3A_627, %dma_start3A_634] : memref<160x128xi32, #tpu.memory_space<vmem>> -> memref<1x128xi32, #tpu.memory_space<vmem>>
      %dma_start3A_636 = tpu.memref_squeeze %dma_start3A_635 : memref<1x128xi32, #tpu.memory_space<vmem>> -> memref<128xi32, #tpu.memory_space<vmem>>
      %dma_start3A_637 = arith.constant 0 : i32
      %dma_start3A_638 = arith.constant 0 : i32
      %dma_start3A_639 = tpu.memref_slice %arg15[%dma_start3A_637, %dma_start3A_638] : memref<10240x32xf32, #tpu.memory_space<vmem_shared>> -> memref<10240x32xf32, #tpu.memory_space<vmem_shared>>
      tpu.enqueue_indirect_dma source(%arg10 : memref<128x32xf32, #tpu.memory_space<vmem>>) target(%dma_start3A_639 : memref<10240x32xf32, #tpu.memory_space<vmem_shared>>) offsets(%dma_start3A_636 : memref<128xi32, #tpu.memory_space<vmem>>) semaphore(%arg23 : memref<!tpu.dma_semaphore, #tpu.memory_space<semaphore_mem>>) {add = true}
      %dma_wait3A_640 = arith.constant 0 : i32
      %dma_wait3A_641 = arith.constant 0 : i32
      %dma_wait3A_642 = tpu.memref_slice %arg7[%dma_wait3A_640, %dma_wait3A_641] : memref<160x128xi32, #tpu.memory_space<vmem>> -> memref<1x128xi32, #tpu.memory_space<vmem>>
      %dma_wait3A_643 = tpu.memref_squeeze %dma_wait3A_642 : memref<1x128xi32, #tpu.memory_space<vmem>> -> memref<128xi32, #tpu.memory_space<vmem>>
      %dma_wait3A_644 = arith.constant 0 : i32
      %dma_wait3A_645 = arith.constant 0 : i32
      %dma_wait3A_646 = tpu.memref_slice %arg15[%dma_wait3A_644, %dma_wait3A_645] : memref<10240x32xf32, #tpu.memory_space<vmem_shared>> -> memref<10240x32xf32, #tpu.memory_space<vmem_shared>>
      tpu.wait_indirect_dma semaphore(%arg21 : memref<!tpu.dma_semaphore, #tpu.memory_space<semaphore_mem>>) src(%arg8 : memref<128x32xf32, #tpu.memory_space<vmem>>) dst(%dma_wait3A_646 : memref<10240x32xf32, #tpu.memory_space<vmem_shared>>)
      %add3A_647 = arith.constant 3 : i32
      %add3A_648 = arith.addi %add3A_627, %add3A_647 : i32
      %dma_start3A_649 = arith.constant 0 : i32
      %dma_start3A_650 = tpu.memref_slice %arg6[%add3A_648, %dma_start3A_649] : memref<165x128xi32, #tpu.memory_space<vmem>> -> memref<1x128xi32, #tpu.memory_space<vmem>>
      %dma_start3A_651 = tpu.memref_squeeze %dma_start3A_650 : memref<1x128xi32, #tpu.memory_space<vmem>> -> memref<128xi32, #tpu.memory_space<vmem>>
      %dma_start3A_652 = arith.constant 0 : i32
      %dma_start3A_653 = arith.constant 0 : i32
      %dma_start3A_654 = tpu.memref_slice %arg14[%dma_start3A_652, %dma_start3A_653] : memref<10240x32xf32, #tpu.memory_space<vmem_shared>> -> memref<10240x32xf32, #tpu.memory_space<vmem_shared>>
      tpu.enqueue_indirect_dma source(%dma_start3A_654 : memref<10240x32xf32, #tpu.memory_space<vmem_shared>>) target(%arg8 : memref<128x32xf32, #tpu.memory_space<vmem>>) offsets(%dma_start3A_651 : memref<128xi32, #tpu.memory_space<vmem>>) semaphore(%arg16 : memref<!tpu.dma_semaphore, #tpu.memory_space<semaphore_mem>>)
      %mul3A_655 = arith.constant 5 : i32
      %mul3A_656 = arith.muli %scan3A_560, %mul3A_655 : i32
      %add3A_657 = arith.constant 3 : i32
      %add3A_658 = arith.addi %mul3A_656, %add3A_657 : i32
      %dma_wait3A_659 = arith.constant 0 : i32
      %dma_wait3A_660 = tpu.memref_slice %arg6[%add3A_658, %dma_wait3A_659] : memref<165x128xi32, #tpu.memory_space<vmem>> -> memref<1x128xi32, #tpu.memory_space<vmem>>
      %dma_wait3A_661 = tpu.memref_squeeze %dma_wait3A_660 : memref<1x128xi32, #tpu.memory_space<vmem>> -> memref<128xi32, #tpu.memory_space<vmem>>
      %dma_wait3A_662 = arith.constant 0 : i32
      %dma_wait3A_663 = arith.constant 0 : i32
      %dma_wait3A_664 = tpu.memref_slice %arg14[%dma_wait3A_662, %dma_wait3A_663] : memref<10240x32xf32, #tpu.memory_space<vmem_shared>> -> memref<10240x32xf32, #tpu.memory_space<vmem_shared>>
      tpu.wait_indirect_dma semaphore(%arg19 : memref<!tpu.dma_semaphore, #tpu.memory_space<semaphore_mem>>) src(%dma_wait3A_664 : memref<10240x32xf32, #tpu.memory_space<vmem_shared>>) dst(%arg11 : memref<128x32xf32, #tpu.memory_space<vmem>>)
      %dma_start3A_665 = arith.constant 0 : i32
      %dma_start3A_666 = tpu.memref_slice %arg7[%add3A_658, %dma_start3A_665] : memref<160x128xi32, #tpu.memory_space<vmem>> -> memref<1x128xi32, #tpu.memory_space<vmem>>
      %dma_start3A_667 = tpu.memref_squeeze %dma_start3A_666 : memref<1x128xi32, #tpu.memory_space<vmem>> -> memref<128xi32, #tpu.memory_space<vmem>>
      %dma_start3A_668 = arith.constant 0 : i32
      %dma_start3A_669 = arith.constant 0 : i32
      %dma_start3A_670 = tpu.memref_slice %arg15[%dma_start3A_668, %dma_start3A_669] : memref<10240x32xf32, #tpu.memory_space<vmem_shared>> -> memref<10240x32xf32, #tpu.memory_space<vmem_shared>>
      tpu.enqueue_indirect_dma source(%arg11 : memref<128x32xf32, #tpu.memory_space<vmem>>) target(%dma_start3A_670 : memref<10240x32xf32, #tpu.memory_space<vmem_shared>>) offsets(%dma_start3A_667 : memref<128xi32, #tpu.memory_space<vmem>>) semaphore(%arg24 : memref<!tpu.dma_semaphore, #tpu.memory_space<semaphore_mem>>) {add = true}
      %dma_wait3A_671 = arith.constant 0 : i32
      %dma_wait3A_672 = arith.constant 0 : i32
      %dma_wait3A_673 = tpu.memref_slice %arg7[%dma_wait3A_671, %dma_wait3A_672] : memref<160x128xi32, #tpu.memory_space<vmem>> -> memref<1x128xi32, #tpu.memory_space<vmem>>
      %dma_wait3A_674 = tpu.memref_squeeze %dma_wait3A_673 : memref<1x128xi32, #tpu.memory_space<vmem>> -> memref<128xi32, #tpu.memory_space<vmem>>
      %dma_wait3A_675 = arith.constant 0 : i32
      %dma_wait3A_676 = arith.constant 0 : i32
      %dma_wait3A_677 = tpu.memref_slice %arg15[%dma_wait3A_675, %dma_wait3A_676] : memref<10240x32xf32, #tpu.memory_space<vmem_shared>> -> memref<10240x32xf32, #tpu.memory_space<vmem_shared>>
      tpu.wait_indirect_dma semaphore(%arg22 : memref<!tpu.dma_semaphore, #tpu.memory_space<semaphore_mem>>) src(%arg9 : memref<128x32xf32, #tpu.memory_space<vmem>>) dst(%dma_wait3A_677 : memref<10240x32xf32, #tpu.memory_space<vmem_shared>>)
      %add3A_678 = arith.constant 3 : i32
      %add3A_679 = arith.addi %add3A_658, %add3A_678 : i32
      %dma_start3A_680 = arith.constant 0 : i32
      %dma_start3A_681 = tpu.memref_slice %arg6[%add3A_679, %dma_start3A_680] : memref<165x128xi32, #tpu.memory_space<vmem>> -> memref<1x128xi32, #tpu.memory_space<vmem>>
      %dma_start3A_682 = tpu.memref_squeeze %dma_start3A_681 : memref<1x128xi32, #tpu.memory_space<vmem>> -> memref<128xi32, #tpu.memory_space<vmem>>
      %dma_start3A_683 = arith.constant 0 : i32
      %dma_start3A_684 = arith.constant 0 : i32
      %dma_start3A_685 = tpu.memref_slice %arg14[%dma_start3A_683, %dma_start3A_684] : memref<10240x32xf32, #tpu.memory_space<vmem_shared>> -> memref<10240x32xf32, #tpu.memory_space<vmem_shared>>
      tpu.enqueue_indirect_dma source(%dma_start3A_685 : memref<10240x32xf32, #tpu.memory_space<vmem_shared>>) target(%arg9 : memref<128x32xf32, #tpu.memory_space<vmem>>) offsets(%dma_start3A_682 : memref<128xi32, #tpu.memory_space<vmem>>) semaphore(%arg17 : memref<!tpu.dma_semaphore, #tpu.memory_space<semaphore_mem>>)
      %mul3A_686 = arith.constant 5 : i32
      %mul3A_687 = arith.muli %scan3A_560, %mul3A_686 : i32
      %add3A_688 = arith.constant 4 : i32
      %add3A_689 = arith.addi %mul3A_687, %add3A_688 : i32
      %dma_wait3A_690 = arith.constant 0 : i32
      %dma_wait3A_691 = tpu.memref_slice %arg6[%add3A_689, %dma_wait3A_690] : memref<165x128xi32, #tpu.memory_space<vmem>> -> memref<1x128xi32, #tpu.memory_space<vmem>>
      %dma_wait3A_692 = tpu.memref_squeeze %dma_wait3A_691 : memref<1x128xi32, #tpu.memory_space<vmem>> -> memref<128xi32, #tpu.memory_space<vmem>>
      %dma_wait3A_693 = arith.constant 0 : i32
      %dma_wait3A_694 = arith.constant 0 : i32
      %dma_wait3A_695 = tpu.memref_slice %arg14[%dma_wait3A_693, %dma_wait3A_694] : memref<10240x32xf32, #tpu.memory_space<vmem_shared>> -> memref<10240x32xf32, #tpu.memory_space<vmem_shared>>
      tpu.wait_indirect_dma semaphore(%arg20 : memref<!tpu.dma_semaphore, #tpu.memory_space<semaphore_mem>>) src(%dma_wait3A_695 : memref<10240x32xf32, #tpu.memory_space<vmem_shared>>) dst(%arg12 : memref<128x32xf32, #tpu.memory_space<vmem>>)
      %dma_start3A_696 = arith.constant 0 : i32
      %dma_start3A_697 = tpu.memref_slice %arg7[%add3A_689, %dma_start3A_696] : memref<160x128xi32, #tpu.memory_space<vmem>> -> memref<1x128xi32, #tpu.memory_space<vmem>>
      %dma_start3A_698 = tpu.memref_squeeze %dma_start3A_697 : memref<1x128xi32, #tpu.memory_space<vmem>> -> memref<128xi32, #tpu.memory_space<vmem>>
      %dma_start3A_699 = arith.constant 0 : i32
      %dma_start3A_700 = arith.constant 0 : i32
      %dma_start3A_701 = tpu.memref_slice %arg15[%dma_start3A_699, %dma_start3A_700] : memref<10240x32xf32, #tpu.memory_space<vmem_shared>> -> memref<10240x32xf32, #tpu.memory_space<vmem_shared>>
      tpu.enqueue_indirect_dma source(%arg12 : memref<128x32xf32, #tpu.memory_space<vmem>>) target(%dma_start3A_701 : memref<10240x32xf32, #tpu.memory_space<vmem_shared>>) offsets(%dma_start3A_698 : memref<128xi32, #tpu.memory_space<vmem>>) semaphore(%arg25 : memref<!tpu.dma_semaphore, #tpu.memory_space<semaphore_mem>>) {add = true}
      %dma_wait3A_702 = arith.constant 0 : i32
      %dma_wait3A_703 = arith.constant 0 : i32
      %dma_wait3A_704 = tpu.memref_slice %arg7[%dma_wait3A_702, %dma_wait3A_703] : memref<160x128xi32, #tpu.memory_space<vmem>> -> memref<1x128xi32, #tpu.memory_space<vmem>>
      %dma_wait3A_705 = tpu.memref_squeeze %dma_wait3A_704 : memref<1x128xi32, #tpu.memory_space<vmem>> -> memref<128xi32, #tpu.memory_space<vmem>>
      %dma_wait3A_706 = arith.constant 0 : i32
      %dma_wait3A_707 = arith.constant 0 : i32
      %dma_wait3A_708 = tpu.memref_slice %arg15[%dma_wait3A_706, %dma_wait3A_707] : memref<10240x32xf32, #tpu.memory_space<vmem_shared>> -> memref<10240x32xf32, #tpu.memory_space<vmem_shared>>
      tpu.wait_indirect_dma semaphore(%arg23 : memref<!tpu.dma_semaphore, #tpu.memory_space<semaphore_mem>>) src(%arg10 : memref<128x32xf32, #tpu.memory_space<vmem>>) dst(%dma_wait3A_708 : memref<10240x32xf32, #tpu.memory_space<vmem_shared>>)
      %add3A_709 = arith.constant 3 : i32
      %add3A_710 = arith.addi %add3A_689, %add3A_709 : i32
      %dma_start3A_711 = arith.constant 0 : i32
      %dma_start3A_712 = tpu.memref_slice %arg6[%add3A_710, %dma_start3A_711] : memref<165x128xi32, #tpu.memory_space<vmem>> -> memref<1x128xi32, #tpu.memory_space<vmem>>
      %dma_start3A_713 = tpu.memref_squeeze %dma_start3A_712 : memref<1x128xi32, #tpu.memory_space<vmem>> -> memref<128xi32, #tpu.memory_space<vmem>>
      %dma_start3A_714 = arith.constant 0 : i32
      %dma_start3A_715 = arith.constant 0 : i32
      %dma_start3A_716 = tpu.memref_slice %arg14[%dma_start3A_714, %dma_start3A_715] : memref<10240x32xf32, #tpu.memory_space<vmem_shared>> -> memref<10240x32xf32, #tpu.memory_space<vmem_shared>>
      tpu.enqueue_indirect_dma source(%dma_start3A_716 : memref<10240x32xf32, #tpu.memory_space<vmem_shared>>) target(%arg10 : memref<128x32xf32, #tpu.memory_space<vmem>>) offsets(%dma_start3A_713 : memref<128xi32, #tpu.memory_space<vmem>>) semaphore(%arg18 : memref<!tpu.dma_semaphore, #tpu.memory_space<semaphore_mem>>)
      %scan3A_717 = arith.constant 0 : i32
      scf.yield %scan3A_717 : i32
    }
    %scan3A_204 = arith.constant 31 : i32
    %dma_wait3A_205 = arith.constant 160 : i32
    %dma_wait3A_206 = arith.constant 0 : i32
    %dma_wait3A_207 = tpu.memref_slice %arg6[%dma_wait3A_205, %dma_wait3A_206] : memref<165x128xi32, #tpu.memory_space<vmem>> -> memref<1x128xi32, #tpu.memory_space<vmem>>
    %dma_wait3A_208 = tpu.memref_squeeze %dma_wait3A_207 : memref<1x128xi32, #tpu.memory_space<vmem>> -> memref<128xi32, #tpu.memory_space<vmem>>
    %dma_wait3A_209 = arith.constant 0 : i32
    %dma_wait3A_210 = arith.constant 0 : i32
    %dma_wait3A_211 = tpu.memref_slice %arg14[%dma_wait3A_209, %dma_wait3A_210] : memref<10240x32xf32, #tpu.memory_space<vmem_shared>> -> memref<10240x32xf32, #tpu.memory_space<vmem_shared>>
    tpu.wait_indirect_dma semaphore(%arg16 : memref<!tpu.dma_semaphore, #tpu.memory_space<semaphore_mem>>) src(%dma_wait3A_211 : memref<10240x32xf32, #tpu.memory_space<vmem_shared>>) dst(%arg8 : memref<128x32xf32, #tpu.memory_space<vmem>>)
    %dma_wait3A_212 = arith.constant 161 : i32
    %dma_wait3A_213 = arith.constant 0 : i32
    %dma_wait3A_214 = tpu.memref_slice %arg6[%dma_wait3A_212, %dma_wait3A_213] : memref<165x128xi32, #tpu.memory_space<vmem>> -> memref<1x128xi32, #tpu.memory_space<vmem>>
    %dma_wait3A_215 = tpu.memref_squeeze %dma_wait3A_214 : memref<1x128xi32, #tpu.memory_space<vmem>> -> memref<128xi32, #tpu.memory_space<vmem>>
    %dma_wait3A_216 = arith.constant 0 : i32
    %dma_wait3A_217 = arith.constant 0 : i32
    %dma_wait3A_218 = tpu.memref_slice %arg14[%dma_wait3A_216, %dma_wait3A_217] : memref<10240x32xf32, #tpu.memory_space<vmem_shared>> -> memref<10240x32xf32, #tpu.memory_space<vmem_shared>>
    tpu.wait_indirect_dma semaphore(%arg17 : memref<!tpu.dma_semaphore, #tpu.memory_space<semaphore_mem>>) src(%dma_wait3A_218 : memref<10240x32xf32, #tpu.memory_space<vmem_shared>>) dst(%arg9 : memref<128x32xf32, #tpu.memory_space<vmem>>)
    %dma_wait3A_219 = arith.constant 162 : i32
    %dma_wait3A_220 = arith.constant 0 : i32
    %dma_wait3A_221 = tpu.memref_slice %arg6[%dma_wait3A_219, %dma_wait3A_220] : memref<165x128xi32, #tpu.memory_space<vmem>> -> memref<1x128xi32, #tpu.memory_space<vmem>>
    %dma_wait3A_222 = tpu.memref_squeeze %dma_wait3A_221 : memref<1x128xi32, #tpu.memory_space<vmem>> -> memref<128xi32, #tpu.memory_space<vmem>>
    %dma_wait3A_223 = arith.constant 0 : i32
    %dma_wait3A_224 = arith.constant 0 : i32
    %dma_wait3A_225 = tpu.memref_slice %arg14[%dma_wait3A_223, %dma_wait3A_224] : memref<10240x32xf32, #tpu.memory_space<vmem_shared>> -> memref<10240x32xf32, #tpu.memory_space<vmem_shared>>
    tpu.wait_indirect_dma semaphore(%arg18 : memref<!tpu.dma_semaphore, #tpu.memory_space<semaphore_mem>>) src(%dma_wait3A_225 : memref<10240x32xf32, #tpu.memory_space<vmem_shared>>) dst(%arg10 : memref<128x32xf32, #tpu.memory_space<vmem>>)
    %dma_wait3A_226 = arith.constant 0 : i32
    %dma_wait3A_227 = arith.constant 0 : i32
    %dma_wait3A_228 = tpu.memref_slice %arg7[%dma_wait3A_226, %dma_wait3A_227] : memref<160x128xi32, #tpu.memory_space<vmem>> -> memref<1x128xi32, #tpu.memory_space<vmem>>
    %dma_wait3A_229 = tpu.memref_squeeze %dma_wait3A_228 : memref<1x128xi32, #tpu.memory_space<vmem>> -> memref<128xi32, #tpu.memory_space<vmem>>
    %dma_wait3A_230 = arith.constant 0 : i32
    %dma_wait3A_231 = arith.constant 0 : i32
    %dma_wait3A_232 = tpu.memref_slice %arg15[%dma_wait3A_230, %dma_wait3A_231] : memref<10240x32xf32, #tpu.memory_space<vmem_shared>> -> memref<10240x32xf32, #tpu.memory_space<vmem_shared>>
    tpu.wait_indirect_dma semaphore(%arg24 : memref<!tpu.dma_semaphore, #tpu.memory_space<semaphore_mem>>) src(%arg11 : memref<128x32xf32, #tpu.memory_space<vmem>>) dst(%dma_wait3A_232 : memref<10240x32xf32, #tpu.memory_space<vmem_shared>>)
    %dma_wait3A_233 = arith.constant 0 : i32
    %dma_wait3A_234 = arith.constant 0 : i32
    %dma_wait3A_235 = tpu.memref_slice %arg7[%dma_wait3A_233, %dma_wait3A_234] : memref<160x128xi32, #tpu.memory_space<vmem>> -> memref<1x128xi32, #tpu.memory_space<vmem>>
    %dma_wait3A_236 = tpu.memref_squeeze %dma_wait3A_235 : memref<1x128xi32, #tpu.memory_space<vmem>> -> memref<128xi32, #tpu.memory_space<vmem>>
    %dma_wait3A_237 = arith.constant 0 : i32
    %dma_wait3A_238 = arith.constant 0 : i32
    %dma_wait3A_239 = tpu.memref_slice %arg15[%dma_wait3A_237, %dma_wait3A_238] : memref<10240x32xf32, #tpu.memory_space<vmem_shared>> -> memref<10240x32xf32, #tpu.memory_space<vmem_shared>>
    tpu.wait_indirect_dma semaphore(%arg25 : memref<!tpu.dma_semaphore, #tpu.memory_space<semaphore_mem>>) src(%arg12 : memref<128x32xf32, #tpu.memory_space<vmem>>) dst(%dma_wait3A_239 : memref<10240x32xf32, #tpu.memory_space<vmem_shared>>)
    %barrier3A_240 = arith.constant 0 : index
    tpu.barrier barrier_id(%barrier3A_240)
    %mul3A_241 = arith.constant 5 : i32
    %mul3A_242 = arith.muli %arg1, %mul3A_241 : i32
    %add3A_243 = arith.constant 0 : i32
    %add3A_244 = arith.addi %mul3A_242, %add3A_243 : i32
    %mul3A_245 = arith.constant 128 : i32
    %mul3A_246 = arith.muli %add3A_244, %mul3A_245 : i32
    %mul3A_247 = arith.constant 32 : i32
    %mul3A_248 = arith.muli %add3A_7, %mul3A_247 : i32
    "tpu.region"() ({
      %run_scoped3A = tpu.sem_alloc : memref<!tpu.dma_semaphore, #tpu.memory_space<semaphore_mem>>
      %dma_start3A_560 = tpu.memref_slice %arg5[%mul3A_246, %mul3A_248] : memref<10240x128xf32, #tpu.memory_space<hbm>> -> memref<128x32xf32, #tpu.memory_space<hbm>>
      %dma_start3A_561 = arith.constant 0 : i32
      %dma_start3A_562 = tpu.memref_slice %arg15[%mul3A_246, %dma_start3A_561] : memref<10240x32xf32, #tpu.memory_space<vmem_shared>> -> memref<128x32xf32, #tpu.memory_space<vmem_shared>>
      tpu.enqueue_dma source(%dma_start3A_562 : memref<128x32xf32, #tpu.memory_space<vmem_shared>>) target(%dma_start3A_560 : memref<128x32xf32, #tpu.memory_space<hbm>>) target_semaphore(%run_scoped3A : memref<!tpu.dma_semaphore, #tpu.memory_space<semaphore_mem>>)
      %dma_wait3A_563 = tpu.memref_slice %arg5[%mul3A_246, %mul3A_248] : memref<10240x128xf32, #tpu.memory_space<hbm>> -> memref<128x32xf32, #tpu.memory_space<hbm>>
      %dma_wait3A_564 = arith.constant 0 : i32
      %dma_wait3A_565 = tpu.memref_slice %arg15[%mul3A_246, %dma_wait3A_564] : memref<10240x32xf32, #tpu.memory_space<vmem_shared>> -> memref<128x32xf32, #tpu.memory_space<vmem_shared>>
      tpu.wait_dma2 semaphore(%run_scoped3A : memref<!tpu.dma_semaphore, #tpu.memory_space<semaphore_mem>>) src(%dma_wait3A_565 : memref<128x32xf32, #tpu.memory_space<vmem_shared>>) dst(%dma_wait3A_563 : memref<128x32xf32, #tpu.memory_space<hbm>>)
      tpu.yield
    }) : () -> ()
    %mul3A_249 = arith.constant 5 : i32
    %mul3A_250 = arith.muli %arg1, %mul3A_249 : i32
    %add3A_251 = arith.constant 1 : i32
    %add3A_252 = arith.addi %mul3A_250, %add3A_251 : i32
    %mul3A_253 = arith.constant 128 : i32
    %mul3A_254 = arith.muli %add3A_252, %mul3A_253 : i32
    %mul3A_255 = arith.constant 32 : i32
    %mul3A_256 = arith.muli %add3A_7, %mul3A_255 : i32
    "tpu.region"() ({
      %run_scoped3A = tpu.sem_alloc : memref<!tpu.dma_semaphore, #tpu.memory_space<semaphore_mem>>
      %dma_start3A_560 = tpu.memref_slice %arg5[%mul3A_254, %mul3A_256] : memref<10240x128xf32, #tpu.memory_space<hbm>> -> memref<128x32xf32, #tpu.memory_space<hbm>>
      %dma_start3A_561 = arith.constant 0 : i32
      %dma_start3A_562 = tpu.memref_slice %arg15[%mul3A_254, %dma_start3A_561] : memref<10240x32xf32, #tpu.memory_space<vmem_shared>> -> memref<128x32xf32, #tpu.memory_space<vmem_shared>>
      tpu.enqueue_dma source(%dma_start3A_562 : memref<128x32xf32, #tpu.memory_space<vmem_shared>>) target(%dma_start3A_560 : memref<128x32xf32, #tpu.memory_space<hbm>>) target_semaphore(%run_scoped3A : memref<!tpu.dma_semaphore, #tpu.memory_space<semaphore_mem>>)
      %dma_wait3A_563 = tpu.memref_slice %arg5[%mul3A_254, %mul3A_256] : memref<10240x128xf32, #tpu.memory_space<hbm>> -> memref<128x32xf32, #tpu.memory_space<hbm>>
      %dma_wait3A_564 = arith.constant 0 : i32
      %dma_wait3A_565 = tpu.memref_slice %arg15[%mul3A_254, %dma_wait3A_564] : memref<10240x32xf32, #tpu.memory_space<vmem_shared>> -> memref<128x32xf32, #tpu.memory_space<vmem_shared>>
      tpu.wait_dma2 semaphore(%run_scoped3A : memref<!tpu.dma_semaphore, #tpu.memory_space<semaphore_mem>>) src(%dma_wait3A_565 : memref<128x32xf32, #tpu.memory_space<vmem_shared>>) dst(%dma_wait3A_563 : memref<128x32xf32, #tpu.memory_space<hbm>>)
      tpu.yield
    }) : () -> ()
    %mul3A_257 = arith.constant 5 : i32
    %mul3A_258 = arith.muli %arg1, %mul3A_257 : i32
    %add3A_259 = arith.constant 2 : i32
    %add3A_260 = arith.addi %mul3A_258, %add3A_259 : i32
    %mul3A_261 = arith.constant 128 : i32
    %mul3A_262 = arith.muli %add3A_260, %mul3A_261 : i32
    %mul3A_263 = arith.constant 32 : i32
    %mul3A_264 = arith.muli %add3A_7, %mul3A_263 : i32
    "tpu.region"() ({
      %run_scoped3A = tpu.sem_alloc : memref<!tpu.dma_semaphore, #tpu.memory_space<semaphore_mem>>
      %dma_start3A_560 = tpu.memref_slice %arg5[%mul3A_262, %mul3A_264] : memref<10240x128xf32, #tpu.memory_space<hbm>> -> memref<128x32xf32, #tpu.memory_space<hbm>>
      %dma_start3A_561 = arith.constant 0 : i32
      %dma_start3A_562 = tpu.memref_slice %arg15[%mul3A_262, %dma_start3A_561] : memref<10240x32xf32, #tpu.memory_space<vmem_shared>> -> memref<128x32xf32, #tpu.memory_space<vmem_shared>>
      tpu.enqueue_dma source(%dma_start3A_562 : memref<128x32xf32, #tpu.memory_space<vmem_shared>>) target(%dma_start3A_560 : memref<128x32xf32, #tpu.memory_space<hbm>>) target_semaphore(%run_scoped3A : memref<!tpu.dma_semaphore, #tpu.memory_space<semaphore_mem>>)
      %dma_wait3A_563 = tpu.memref_slice %arg5[%mul3A_262, %mul3A_264] : memref<10240x128xf32, #tpu.memory_space<hbm>> -> memref<128x32xf32, #tpu.memory_space<hbm>>
      %dma_wait3A_564 = arith.constant 0 : i32
      %dma_wait3A_565 = tpu.memref_slice %arg15[%mul3A_262, %dma_wait3A_564] : memref<10240x32xf32, #tpu.memory_space<vmem_shared>> -> memref<128x32xf32, #tpu.memory_space<vmem_shared>>
      tpu.wait_dma2 semaphore(%run_scoped3A : memref<!tpu.dma_semaphore, #tpu.memory_space<semaphore_mem>>) src(%dma_wait3A_565 : memref<128x32xf32, #tpu.memory_space<vmem_shared>>) dst(%dma_wait3A_563 : memref<128x32xf32, #tpu.memory_space<hbm>>)
      tpu.yield
    }) : () -> ()
    %mul3A_265 = arith.constant 5 : i32
    %mul3A_266 = arith.muli %arg1, %mul3A_265 : i32
    %add3A_267 = arith.constant 3 : i32
    %add3A_268 = arith.addi %mul3A_266, %add3A_267 : i32
    %mul3A_269 = arith.constant 128 : i32
    %mul3A_270 = arith.muli %add3A_268, %mul3A_269 : i32
    %mul3A_271 = arith.constant 32 : i32
    %mul3A_272 = arith.muli %add3A_7, %mul3A_271 : i32
    "tpu.region"() ({
      %run_scoped3A = tpu.sem_alloc : memref<!tpu.dma_semaphore, #tpu.memory_space<semaphore_mem>>
      %dma_start3A_560 = tpu.memref_slice %arg5[%mul3A_270, %mul3A_272] : memref<10240x128xf32, #tpu.memory_space<hbm>> -> memref<128x32xf32, #tpu.memory_space<hbm>>
      %dma_start3A_561 = arith.constant 0 : i32
      %dma_start3A_562 = tpu.memref_slice %arg15[%mul3A_270, %dma_start3A_561] : memref<10240x32xf32, #tpu.memory_space<vmem_shared>> -> memref<128x32xf32, #tpu.memory_space<vmem_shared>>
      tpu.enqueue_dma source(%dma_start3A_562 : memref<128x32xf32, #tpu.memory_space<vmem_shared>>) target(%dma_start3A_560 : memref<128x32xf32, #tpu.memory_space<hbm>>) target_semaphore(%run_scoped3A : memref<!tpu.dma_semaphore, #tpu.memory_space<semaphore_mem>>)
      %dma_wait3A_563 = tpu.memref_slice %arg5[%mul3A_270, %mul3A_272] : memref<10240x128xf32, #tpu.memory_space<hbm>> -> memref<128x32xf32, #tpu.memory_space<hbm>>
      %dma_wait3A_564 = arith.constant 0 : i32
      %dma_wait3A_565 = tpu.memref_slice %arg15[%mul3A_270, %dma_wait3A_564] : memref<10240x32xf32, #tpu.memory_space<vmem_shared>> -> memref<128x32xf32, #tpu.memory_space<vmem_shared>>
      tpu.wait_dma2 semaphore(%run_scoped3A : memref<!tpu.dma_semaphore, #tpu.memory_space<semaphore_mem>>) src(%dma_wait3A_565 : memref<128x32xf32, #tpu.memory_space<vmem_shared>>) dst(%dma_wait3A_563 : memref<128x32xf32, #tpu.memory_space<hbm>>)
      tpu.yield
    }) : () -> ()
    %mul3A_273 = arith.constant 5 : i32
    %mul3A_274 = arith.muli %arg1, %mul3A_273 : i32
    %add3A_275 = arith.constant 4 : i32
    %add3A_276 = arith.addi %mul3A_274, %add3A_275 : i32
    %mul3A_277 = arith.constant 128 : i32
    %mul3A_278 = arith.muli %add3A_276, %mul3A_277 : i32
    %mul3A_279 = arith.constant 32 : i32
    %mul3A_280 = arith.muli %add3A_7, %mul3A_279 : i32
    "tpu.region"() ({
      %run_scoped3A = tpu.sem_alloc : memref<!tpu.dma_semaphore, #tpu.memory_space<semaphore_mem>>
      %dma_start3A_560 = tpu.memref_slice %arg5[%mul3A_278, %mul3A_280] : memref<10240x128xf32, #tpu.memory_space<hbm>> -> memref<128x32xf32, #tpu.memory_space<hbm>>
      %dma_start3A_561 = arith.constant 0 : i32
      %dma_start3A_562 = tpu.memref_slice %arg15[%mul3A_278, %dma_start3A_561] : memref<10240x32xf32, #tpu.memory_space<vmem_shared>> -> memref<128x32xf32, #tpu.memory_space<vmem_shared>>
      tpu.enqueue_dma source(%dma_start3A_562 : memref<128x32xf32, #tpu.memory_space<vmem_shared>>) target(%dma_start3A_560 : memref<128x32xf32, #tpu.memory_space<hbm>>) target_semaphore(%run_scoped3A : memref<!tpu.dma_semaphore, #tpu.memory_space<semaphore_mem>>)
      %dma_wait3A_563 = tpu.memref_slice %arg5[%mul3A_278, %mul3A_280] : memref<10240x128xf32, #tpu.memory_space<hbm>> -> memref<128x32xf32, #tpu.memory_space<hbm>>
      %dma_wait3A_564 = arith.constant 0 : i32
      %dma_wait3A_565 = tpu.memref_slice %arg15[%mul3A_278, %dma_wait3A_564] : memref<10240x32xf32, #tpu.memory_space<vmem_shared>> -> memref<128x32xf32, #tpu.memory_space<vmem_shared>>
      tpu.wait_dma2 semaphore(%run_scoped3A : memref<!tpu.dma_semaphore, #tpu.memory_space<semaphore_mem>>) src(%dma_wait3A_565 : memref<128x32xf32, #tpu.memory_space<vmem_shared>>) dst(%dma_wait3A_563 : memref<128x32xf32, #tpu.memory_space<hbm>>)
      tpu.yield
    }) : () -> ()
    %add3A_281 = arith.constant 2 : i32
    %add3A_282 = arith.addi %add3A_281, %arg0 : i32
    %mul3A_283 = arith.constant 640 : i32
    %mul3A_284 = arith.muli %arg1, %mul3A_283 : i32
    %add3A_285 = arith.constant 0 : i32
    %add3A_286 = arith.addi %mul3A_284, %add3A_285 : i32
    "tpu.region"() ({
      %run_scoped3A = tpu.sem_alloc : memref<!tpu.dma_semaphore, #tpu.memory_space<semaphore_mem>>
      %dma_start3A_560 = arith.constant 0 : i32
      %dma_start3A_561 = tpu.memref_slice %arg15[%add3A_286, %dma_start3A_560] : memref<10240x32xf32, #tpu.memory_space<vmem_shared>> -> memref<64x32xf32, #tpu.memory_space<vmem_shared>>
      %dma_start3A_562 = arith.constant 0 : i32
      %dma_start3A_563 = tpu.memref_slice %arg15[%add3A_286, %dma_start3A_562] : memref<10240x32xf32, #tpu.memory_space<vmem_shared>> -> memref<64x32xf32, #tpu.memory_space<vmem_shared>>
      tpu.enqueue_dma source(%arg13 : memref<64x32xf32, #tpu.memory_space<vmem>>) target(%dma_start3A_563 : memref<64x32xf32, #tpu.memory_space<vmem_shared>>) target_semaphore(%run_scoped3A : memref<!tpu.dma_semaphore, #tpu.memory_space<semaphore_mem>>)
      %dma_wait3A_564 = arith.constant 0 : i32
      %dma_wait3A_565 = tpu.memref_slice %arg15[%add3A_286, %dma_wait3A_564] : memref<10240x32xf32, #tpu.memory_space<vmem_shared>> -> memref<64x32xf32, #tpu.memory_space<vmem_shared>>
      %dma_wait3A_566 = arith.constant 0 : i32
      %dma_wait3A_567 = tpu.memref_slice %arg15[%add3A_286, %dma_wait3A_566] : memref<10240x32xf32, #tpu.memory_space<vmem_shared>> -> memref<64x32xf32, #tpu.memory_space<vmem_shared>>
      tpu.wait_dma2 semaphore(%run_scoped3A : memref<!tpu.dma_semaphore, #tpu.memory_space<semaphore_mem>>) src(%arg13 : memref<64x32xf32, #tpu.memory_space<vmem>>) dst(%dma_wait3A_567 : memref<64x32xf32, #tpu.memory_space<vmem_shared>>)
      tpu.yield
    }) : () -> ()
    %mul3A_287 = arith.constant 640 : i32
    %mul3A_288 = arith.muli %arg1, %mul3A_287 : i32
    %add3A_289 = arith.constant 64 : i32
    %add3A_290 = arith.addi %mul3A_288, %add3A_289 : i32
    "tpu.region"() ({
      %run_scoped3A = tpu.sem_alloc : memref<!tpu.dma_semaphore, #tpu.memory_space<semaphore_mem>>
      %dma_start3A_560 = arith.constant 0 : i32
      %dma_start3A_561 = tpu.memref_slice %arg15[%add3A_290, %dma_start3A_560] : memref<10240x32xf32, #tpu.memory_space<vmem_shared>> -> memref<64x32xf32, #tpu.memory_space<vmem_shared>>
      %dma_start3A_562 = arith.constant 0 : i32
      %dma_start3A_563 = tpu.memref_slice %arg15[%add3A_290, %dma_start3A_562] : memref<10240x32xf32, #tpu.memory_space<vmem_shared>> -> memref<64x32xf32, #tpu.memory_space<vmem_shared>>
      tpu.enqueue_dma source(%arg13 : memref<64x32xf32, #tpu.memory_space<vmem>>) target(%dma_start3A_563 : memref<64x32xf32, #tpu.memory_space<vmem_shared>>) target_semaphore(%run_scoped3A : memref<!tpu.dma_semaphore, #tpu.memory_space<semaphore_mem>>)
      %dma_wait3A_564 = arith.constant 0 : i32
      %dma_wait3A_565 = tpu.memref_slice %arg15[%add3A_290, %dma_wait3A_564] : memref<10240x32xf32, #tpu.memory_space<vmem_shared>> -> memref<64x32xf32, #tpu.memory_space<vmem_shared>>
      %dma_wait3A_566 = arith.constant 0 : i32
      %dma_wait3A_567 = tpu.memref_slice %arg15[%add3A_290, %dma_wait3A_566] : memref<10240x32xf32, #tpu.memory_space<vmem_shared>> -> memref<64x32xf32, #tpu.memory_space<vmem_shared>>
      tpu.wait_dma2 semaphore(%run_scoped3A : memref<!tpu.dma_semaphore, #tpu.memory_space<semaphore_mem>>) src(%arg13 : memref<64x32xf32, #tpu.memory_space<vmem>>) dst(%dma_wait3A_567 : memref<64x32xf32, #tpu.memory_space<vmem_shared>>)
      tpu.yield
    }) : () -> ()
    %mul3A_291 = arith.constant 640 : i32
    %mul3A_292 = arith.muli %arg1, %mul3A_291 : i32
    %add3A_293 = arith.constant 128 : i32
    %add3A_294 = arith.addi %mul3A_292, %add3A_293 : i32
    "tpu.region"() ({
      %run_scoped3A = tpu.sem_alloc : memref<!tpu.dma_semaphore, #tpu.memory_space<semaphore_mem>>
      %dma_start3A_560 = arith.constant 0 : i32
      %dma_start3A_561 = tpu.memref_slice %arg15[%add3A_294, %dma_start3A_560] : memref<10240x32xf32, #tpu.memory_space<vmem_shared>> -> memref<64x32xf32, #tpu.memory_space<vmem_shared>>
      %dma_start3A_562 = arith.constant 0 : i32
      %dma_start3A_563 = tpu.memref_slice %arg15[%add3A_294, %dma_start3A_562] : memref<10240x32xf32, #tpu.memory_space<vmem_shared>> -> memref<64x32xf32, #tpu.memory_space<vmem_shared>>
      tpu.enqueue_dma source(%arg13 : memref<64x32xf32, #tpu.memory_space<vmem>>) target(%dma_start3A_563 : memref<64x32xf32, #tpu.memory_space<vmem_shared>>) target_semaphore(%run_scoped3A : memref<!tpu.dma_semaphore, #tpu.memory_space<semaphore_mem>>)
      %dma_wait3A_564 = arith.constant 0 : i32
      %dma_wait3A_565 = tpu.memref_slice %arg15[%add3A_294, %dma_wait3A_564] : memref<10240x32xf32, #tpu.memory_space<vmem_shared>> -> memref<64x32xf32, #tpu.memory_space<vmem_shared>>
      %dma_wait3A_566 = arith.constant 0 : i32
      %dma_wait3A_567 = tpu.memref_slice %arg15[%add3A_294, %dma_wait3A_566] : memref<10240x32xf32, #tpu.memory_space<vmem_shared>> -> memref<64x32xf32, #tpu.memory_space<vmem_shared>>
      tpu.wait_dma2 semaphore(%run_scoped3A : memref<!tpu.dma_semaphore, #tpu.memory_space<semaphore_mem>>) src(%arg13 : memref<64x32xf32, #tpu.memory_space<vmem>>) dst(%dma_wait3A_567 : memref<64x32xf32, #tpu.memory_space<vmem_shared>>)
      tpu.yield
    }) : () -> ()
    %mul3A_295 = arith.constant 640 : i32
    %mul3A_296 = arith.muli %arg1, %mul3A_295 : i32
    %add3A_297 = arith.constant 192 : i32
    %add3A_298 = arith.addi %mul3A_296, %add3A_297 : i32
    "tpu.region"() ({
      %run_scoped3A = tpu.sem_alloc : memref<!tpu.dma_semaphore, #tpu.memory_space<semaphore_mem>>
      %dma_start3A_560 = arith.constant 0 : i32
      %dma_start3A_561 = tpu.memref_slice %arg15[%add3A_298, %dma_start3A_560] : memref<10240x32xf32, #tpu.memory_space<vmem_shared>> -> memref<64x32xf32, #tpu.memory_space<vmem_shared>>
      %dma_start3A_562 = arith.constant 0 : i32
      %dma_start3A_563 = tpu.memref_slice %arg15[%add3A_298, %dma_start3A_562] : memref<10240x32xf32, #tpu.memory_space<vmem_shared>> -> memref<64x32xf32, #tpu.memory_space<vmem_shared>>
      tpu.enqueue_dma source(%arg13 : memref<64x32xf32, #tpu.memory_space<vmem>>) target(%dma_start3A_563 : memref<64x32xf32, #tpu.memory_space<vmem_shared>>) target_semaphore(%run_scoped3A : memref<!tpu.dma_semaphore, #tpu.memory_space<semaphore_mem>>)
      %dma_wait3A_564 = arith.constant 0 : i32
      %dma_wait3A_565 = tpu.memref_slice %arg15[%add3A_298, %dma_wait3A_564] : memref<10240x32xf32, #tpu.memory_space<vmem_shared>> -> memref<64x32xf32, #tpu.memory_space<vmem_shared>>
      %dma_wait3A_566 = arith.constant 0 : i32
      %dma_wait3A_567 = tpu.memref_slice %arg15[%add3A_298, %dma_wait3A_566] : memref<10240x32xf32, #tpu.memory_space<vmem_shared>> -> memref<64x32xf32, #tpu.memory_space<vmem_shared>>
      tpu.wait_dma2 semaphore(%run_scoped3A : memref<!tpu.dma_semaphore, #tpu.memory_space<semaphore_mem>>) src(%arg13 : memref<64x32xf32, #tpu.memory_space<vmem>>) dst(%dma_wait3A_567 : memref<64x32xf32, #tpu.memory_space<vmem_shared>>)
      tpu.yield
    }) : () -> ()
    %mul3A_299 = arith.constant 640 : i32
    %mul3A_300 = arith.muli %arg1, %mul3A_299 : i32
    %add3A_301 = arith.constant 256 : i32
    %add3A_302 = arith.addi %mul3A_300, %add3A_301 : i32
    "tpu.region"() ({
      %run_scoped3A = tpu.sem_alloc : memref<!tpu.dma_semaphore, #tpu.memory_space<semaphore_mem>>
      %dma_start3A_560 = arith.constant 0 : i32
      %dma_start3A_561 = tpu.memref_slice %arg15[%add3A_302, %dma_start3A_560] : memref<10240x32xf32, #tpu.memory_space<vmem_shared>> -> memref<64x32xf32, #tpu.memory_space<vmem_shared>>
      %dma_start3A_562 = arith.constant 0 : i32
      %dma_start3A_563 = tpu.memref_slice %arg15[%add3A_302, %dma_start3A_562] : memref<10240x32xf32, #tpu.memory_space<vmem_shared>> -> memref<64x32xf32, #tpu.memory_space<vmem_shared>>
      tpu.enqueue_dma source(%arg13 : memref<64x32xf32, #tpu.memory_space<vmem>>) target(%dma_start3A_563 : memref<64x32xf32, #tpu.memory_space<vmem_shared>>) target_semaphore(%run_scoped3A : memref<!tpu.dma_semaphore, #tpu.memory_space<semaphore_mem>>)
      %dma_wait3A_564 = arith.constant 0 : i32
      %dma_wait3A_565 = tpu.memref_slice %arg15[%add3A_302, %dma_wait3A_564] : memref<10240x32xf32, #tpu.memory_space<vmem_shared>> -> memref<64x32xf32, #tpu.memory_space<vmem_shared>>
      %dma_wait3A_566 = arith.constant 0 : i32
      %dma_wait3A_567 = tpu.memref_slice %arg15[%add3A_302, %dma_wait3A_566] : memref<10240x32xf32, #tpu.memory_space<vmem_shared>> -> memref<64x32xf32, #tpu.memory_space<vmem_shared>>
      tpu.wait_dma2 semaphore(%run_scoped3A : memref<!tpu.dma_semaphore, #tpu.memory_space<semaphore_mem>>) src(%arg13 : memref<64x32xf32, #tpu.memory_space<vmem>>) dst(%dma_wait3A_567 : memref<64x32xf32, #tpu.memory_space<vmem_shared>>)
      tpu.yield
    }) : () -> ()
    %mul3A_303 = arith.constant 640 : i32
    %mul3A_304 = arith.muli %arg1, %mul3A_303 : i32
    %add3A_305 = arith.constant 320 : i32
    %add3A_306 = arith.addi %mul3A_304, %add3A_305 : i32
    "tpu.region"() ({
      %run_scoped3A = tpu.sem_alloc : memref<!tpu.dma_semaphore, #tpu.memory_space<semaphore_mem>>
      %dma_start3A_560 = arith.constant 0 : i32
      %dma_start3A_561 = tpu.memref_slice %arg15[%add3A_306, %dma_start3A_560] : memref<10240x32xf32, #tpu.memory_space<vmem_shared>> -> memref<64x32xf32, #tpu.memory_space<vmem_shared>>
      %dma_start3A_562 = arith.constant 0 : i32
      %dma_start3A_563 = tpu.memref_slice %arg15[%add3A_306, %dma_start3A_562] : memref<10240x32xf32, #tpu.memory_space<vmem_shared>> -> memref<64x32xf32, #tpu.memory_space<vmem_shared>>
      tpu.enqueue_dma source(%arg13 : memref<64x32xf32, #tpu.memory_space<vmem>>) target(%dma_start3A_563 : memref<64x32xf32, #tpu.memory_space<vmem_shared>>) target_semaphore(%run_scoped3A : memref<!tpu.dma_semaphore, #tpu.memory_space<semaphore_mem>>)
      %dma_wait3A_564 = arith.constant 0 : i32
      %dma_wait3A_565 = tpu.memref_slice %arg15[%add3A_306, %dma_wait3A_564] : memref<10240x32xf32, #tpu.memory_space<vmem_shared>> -> memref<64x32xf32, #tpu.memory_space<vmem_shared>>
      %dma_wait3A_566 = arith.constant 0 : i32
      %dma_wait3A_567 = tpu.memref_slice %arg15[%add3A_306, %dma_wait3A_566] : memref<10240x32xf32, #tpu.memory_space<vmem_shared>> -> memref<64x32xf32, #tpu.memory_space<vmem_shared>>
      tpu.wait_dma2 semaphore(%run_scoped3A : memref<!tpu.dma_semaphore, #tpu.memory_space<semaphore_mem>>) src(%arg13 : memref<64x32xf32, #tpu.memory_space<vmem>>) dst(%dma_wait3A_567 : memref<64x32xf32, #tpu.memory_space<vmem_shared>>)
      tpu.yield
    }) : () -> ()
    %mul3A_307 = arith.constant 640 : i32
    %mul3A_308 = arith.muli %arg1, %mul3A_307 : i32
    %add3A_309 = arith.constant 384 : i32
    %add3A_310 = arith.addi %mul3A_308, %add3A_309 : i32
    "tpu.region"() ({
      %run_scoped3A = tpu.sem_alloc : memref<!tpu.dma_semaphore, #tpu.memory_space<semaphore_mem>>
      %dma_start3A_560 = arith.constant 0 : i32
      %dma_start3A_561 = tpu.memref_slice %arg15[%add3A_310, %dma_start3A_560] : memref<10240x32xf32, #tpu.memory_space<vmem_shared>> -> memref<64x32xf32, #tpu.memory_space<vmem_shared>>
      %dma_start3A_562 = arith.constant 0 : i32
      %dma_start3A_563 = tpu.memref_slice %arg15[%add3A_310, %dma_start3A_562] : memref<10240x32xf32, #tpu.memory_space<vmem_shared>> -> memref<64x32xf32, #tpu.memory_space<vmem_shared>>
      tpu.enqueue_dma source(%arg13 : memref<64x32xf32, #tpu.memory_space<vmem>>) target(%dma_start3A_563 : memref<64x32xf32, #tpu.memory_space<vmem_shared>>) target_semaphore(%run_scoped3A : memref<!tpu.dma_semaphore, #tpu.memory_space<semaphore_mem>>)
      %dma_wait3A_564 = arith.constant 0 : i32
      %dma_wait3A_565 = tpu.memref_slice %arg15[%add3A_310, %dma_wait3A_564] : memref<10240x32xf32, #tpu.memory_space<vmem_shared>> -> memref<64x32xf32, #tpu.memory_space<vmem_shared>>
      %dma_wait3A_566 = arith.constant 0 : i32
      %dma_wait3A_567 = tpu.memref_slice %arg15[%add3A_310, %dma_wait3A_566] : memref<10240x32xf32, #tpu.memory_space<vmem_shared>> -> memref<64x32xf32, #tpu.memory_space<vmem_shared>>
      tpu.wait_dma2 semaphore(%run_scoped3A : memref<!tpu.dma_semaphore, #tpu.memory_space<semaphore_mem>>) src(%arg13 : memref<64x32xf32, #tpu.memory_space<vmem>>) dst(%dma_wait3A_567 : memref<64x32xf32, #tpu.memory_space<vmem_shared>>)
      tpu.yield
    }) : () -> ()
    %mul3A_311 = arith.constant 640 : i32
    %mul3A_312 = arith.muli %arg1, %mul3A_311 : i32
    %add3A_313 = arith.constant 448 : i32
    %add3A_314 = arith.addi %mul3A_312, %add3A_313 : i32
    "tpu.region"() ({
      %run_scoped3A = tpu.sem_alloc : memref<!tpu.dma_semaphore, #tpu.memory_space<semaphore_mem>>
      %dma_start3A_560 = arith.constant 0 : i32
      %dma_start3A_561 = tpu.memref_slice %arg15[%add3A_314, %dma_start3A_560] : memref<10240x32xf32, #tpu.memory_space<vmem_shared>> -> memref<64x32xf32, #tpu.memory_space<vmem_shared>>
      %dma_start3A_562 = arith.constant 0 : i32
      %dma_start3A_563 = tpu.memref_slice %arg15[%add3A_314, %dma_start3A_562] : memref<10240x32xf32, #tpu.memory_space<vmem_shared>> -> memref<64x32xf32, #tpu.memory_space<vmem_shared>>
      tpu.enqueue_dma source(%arg13 : memref<64x32xf32, #tpu.memory_space<vmem>>) target(%dma_start3A_563 : memref<64x32xf32, #tpu.memory_space<vmem_shared>>) target_semaphore(%run_scoped3A : memref<!tpu.dma_semaphore, #tpu.memory_space<semaphore_mem>>)
      %dma_wait3A_564 = arith.constant 0 : i32
      %dma_wait3A_565 = tpu.memref_slice %arg15[%add3A_314, %dma_wait3A_564] : memref<10240x32xf32, #tpu.memory_space<vmem_shared>> -> memref<64x32xf32, #tpu.memory_space<vmem_shared>>
      %dma_wait3A_566 = arith.constant 0 : i32
      %dma_wait3A_567 = tpu.memref_slice %arg15[%add3A_314, %dma_wait3A_566] : memref<10240x32xf32, #tpu.memory_space<vmem_shared>> -> memref<64x32xf32, #tpu.memory_space<vmem_shared>>
      tpu.wait_dma2 semaphore(%run_scoped3A : memref<!tpu.dma_semaphore, #tpu.memory_space<semaphore_mem>>) src(%arg13 : memref<64x32xf32, #tpu.memory_space<vmem>>) dst(%dma_wait3A_567 : memref<64x32xf32, #tpu.memory_space<vmem_shared>>)
      tpu.yield
    }) : () -> ()
    %mul3A_315 = arith.constant 640 : i32
    %mul3A_316 = arith.muli %arg1, %mul3A_315 : i32
    %add3A_317 = arith.constant 512 : i32
    %add3A_318 = arith.addi %mul3A_316, %add3A_317 : i32
    "tpu.region"() ({
      %run_scoped3A = tpu.sem_alloc : memref<!tpu.dma_semaphore, #tpu.memory_space<semaphore_mem>>
      %dma_start3A_560 = arith.constant 0 : i32
      %dma_start3A_561 = tpu.memref_slice %arg15[%add3A_318, %dma_start3A_560] : memref<10240x32xf32, #tpu.memory_space<vmem_shared>> -> memref<64x32xf32, #tpu.memory_space<vmem_shared>>
      %dma_start3A_562 = arith.constant 0 : i32
      %dma_start3A_563 = tpu.memref_slice %arg15[%add3A_318, %dma_start3A_562] : memref<10240x32xf32, #tpu.memory_space<vmem_shared>> -> memref<64x32xf32, #tpu.memory_space<vmem_shared>>
      tpu.enqueue_dma source(%arg13 : memref<64x32xf32, #tpu.memory_space<vmem>>) target(%dma_start3A_563 : memref<64x32xf32, #tpu.memory_space<vmem_shared>>) target_semaphore(%run_scoped3A : memref<!tpu.dma_semaphore, #tpu.memory_space<semaphore_mem>>)
      %dma_wait3A_564 = arith.constant 0 : i32
      %dma_wait3A_565 = tpu.memref_slice %arg15[%add3A_318, %dma_wait3A_564] : memref<10240x32xf32, #tpu.memory_space<vmem_shared>> -> memref<64x32xf32, #tpu.memory_space<vmem_shared>>
      %dma_wait3A_566 = arith.constant 0 : i32
      %dma_wait3A_567 = tpu.memref_slice %arg15[%add3A_318, %dma_wait3A_566] : memref<10240x32xf32, #tpu.memory_space<vmem_shared>> -> memref<64x32xf32, #tpu.memory_space<vmem_shared>>
      tpu.wait_dma2 semaphore(%run_scoped3A : memref<!tpu.dma_semaphore, #tpu.memory_space<semaphore_mem>>) src(%arg13 : memref<64x32xf32, #tpu.memory_space<vmem>>) dst(%dma_wait3A_567 : memref<64x32xf32, #tpu.memory_space<vmem_shared>>)
      tpu.yield
    }) : () -> ()
    %mul3A_319 = arith.constant 640 : i32
    %mul3A_320 = arith.muli %arg1, %mul3A_319 : i32
    %add3A_321 = arith.constant 576 : i32
    %add3A_322 = arith.addi %mul3A_320, %add3A_321 : i32
    "tpu.region"() ({
      %run_scoped3A = tpu.sem_alloc : memref<!tpu.dma_semaphore, #tpu.memory_space<semaphore_mem>>
      %dma_start3A_560 = arith.constant 0 : i32
      %dma_start3A_561 = tpu.memref_slice %arg15[%add3A_322, %dma_start3A_560] : memref<10240x32xf32, #tpu.memory_space<vmem_shared>> -> memref<64x32xf32, #tpu.memory_space<vmem_shared>>
      %dma_start3A_562 = arith.constant 0 : i32
      %dma_start3A_563 = tpu.memref_slice %arg15[%add3A_322, %dma_start3A_562] : memref<10240x32xf32, #tpu.memory_space<vmem_shared>> -> memref<64x32xf32, #tpu.memory_space<vmem_shared>>
      tpu.enqueue_dma source(%arg13 : memref<64x32xf32, #tpu.memory_space<vmem>>) target(%dma_start3A_563 : memref<64x32xf32, #tpu.memory_space<vmem_shared>>) target_semaphore(%run_scoped3A : memref<!tpu.dma_semaphore, #tpu.memory_space<semaphore_mem>>)
      %dma_wait3A_564 = arith.constant 0 : i32
      %dma_wait3A_565 = tpu.memref_slice %arg15[%add3A_322, %dma_wait3A_564] : memref<10240x32xf32, #tpu.memory_space<vmem_shared>> -> memref<64x32xf32, #tpu.memory_space<vmem_shared>>
      %dma_wait3A_566 = arith.constant 0 : i32
      %dma_wait3A_567 = tpu.memref_slice %arg15[%add3A_322, %dma_wait3A_566] : memref<10240x32xf32, #tpu.memory_space<vmem_shared>> -> memref<64x32xf32, #tpu.memory_space<vmem_shared>>
      tpu.wait_dma2 semaphore(%run_scoped3A : memref<!tpu.dma_semaphore, #tpu.memory_space<semaphore_mem>>) src(%arg13 : memref<64x32xf32, #tpu.memory_space<vmem>>) dst(%dma_wait3A_567 : memref<64x32xf32, #tpu.memory_space<vmem_shared>>)
      tpu.yield
    }) : () -> ()
    %mul3A_323 = arith.constant 640 : i32
    %mul3A_324 = arith.muli %arg1, %mul3A_323 : i32
    %mul3A_325 = arith.constant 32 : i32
    %mul3A_326 = arith.muli %add3A_282, %mul3A_325 : i32
    %mul3A_327 = arith.constant 640 : i32
    %mul3A_328 = arith.muli %arg1, %mul3A_327 : i32
    "tpu.region"() ({
      %run_scoped3A = tpu.sem_alloc : memref<!tpu.dma_semaphore, #tpu.memory_space<semaphore_mem>>
      %dma_start3A_560 = arith.constant 0 : i32
      %dma_start3A_561 = tpu.memref_slice %arg14[%mul3A_328, %dma_start3A_560] : memref<10240x32xf32, #tpu.memory_space<vmem_shared>> -> memref<640x32xf32, #tpu.memory_space<vmem_shared>>
      %dma_start3A_562 = tpu.memref_slice %arg2[%mul3A_324, %mul3A_326] : memref<10240x128xf32, #tpu.memory_space<hbm>> -> memref<640x32xf32, #tpu.memory_space<hbm>>
      tpu.enqueue_dma source(%dma_start3A_562 : memref<640x32xf32, #tpu.memory_space<hbm>>) target(%dma_start3A_561 : memref<640x32xf32, #tpu.memory_space<vmem_shared>>) target_semaphore(%run_scoped3A : memref<!tpu.dma_semaphore, #tpu.memory_space<semaphore_mem>>)
      %dma_wait3A_563 = arith.constant 0 : i32
      %dma_wait3A_564 = tpu.memref_slice %arg14[%mul3A_328, %dma_wait3A_563] : memref<10240x32xf32, #tpu.memory_space<vmem_shared>> -> memref<640x32xf32, #tpu.memory_space<vmem_shared>>
      %dma_wait3A_565 = tpu.memref_slice %arg2[%mul3A_324, %mul3A_326] : memref<10240x128xf32, #tpu.memory_space<hbm>> -> memref<640x32xf32, #tpu.memory_space<hbm>>
      tpu.wait_dma2 semaphore(%run_scoped3A : memref<!tpu.dma_semaphore, #tpu.memory_space<semaphore_mem>>) src(%dma_wait3A_565 : memref<640x32xf32, #tpu.memory_space<hbm>>) dst(%dma_wait3A_564 : memref<640x32xf32, #tpu.memory_space<vmem_shared>>)
      tpu.yield
    }) : () -> ()
    %barrier3A_329 = arith.constant 0 : index
    tpu.barrier barrier_id(%barrier3A_329)
    %dma_start3A_330 = arith.constant 0 : i32
    %dma_start3A_331 = arith.constant 0 : i32
    %dma_start3A_332 = tpu.memref_slice %arg6[%dma_start3A_330, %dma_start3A_331] : memref<165x128xi32, #tpu.memory_space<vmem>> -> memref<1x128xi32, #tpu.memory_space<vmem>>
    %dma_start3A_333 = tpu.memref_squeeze %dma_start3A_332 : memref<1x128xi32, #tpu.memory_space<vmem>> -> memref<128xi32, #tpu.memory_space<vmem>>
    %dma_start3A_334 = arith.constant 0 : i32
    %dma_start3A_335 = arith.constant 0 : i32
    %dma_start3A_336 = tpu.memref_slice %arg14[%dma_start3A_334, %dma_start3A_335] : memref<10240x32xf32, #tpu.memory_space<vmem_shared>> -> memref<10240x32xf32, #tpu.memory_space<vmem_shared>>
    tpu.enqueue_indirect_dma source(%dma_start3A_336 : memref<10240x32xf32, #tpu.memory_space<vmem_shared>>) target(%arg8 : memref<128x32xf32, #tpu.memory_space<vmem>>) offsets(%dma_start3A_333 : memref<128xi32, #tpu.memory_space<vmem>>) semaphore(%arg16 : memref<!tpu.dma_semaphore, #tpu.memory_space<semaphore_mem>>)
    %dma_start3A_337 = arith.constant 1 : i32
    %dma_start3A_338 = arith.constant 0 : i32
    %dma_start3A_339 = tpu.memref_slice %arg6[%dma_start3A_337, %dma_start3A_338] : memref<165x128xi32, #tpu.memory_space<vmem>> -> memref<1x128xi32, #tpu.memory_space<vmem>>
    %dma_start3A_340 = tpu.memref_squeeze %dma_start3A_339 : memref<1x128xi32, #tpu.memory_space<vmem>> -> memref<128xi32, #tpu.memory_space<vmem>>
    %dma_start3A_341 = arith.constant 0 : i32
    %dma_start3A_342 = arith.constant 0 : i32
    %dma_start3A_343 = tpu.memref_slice %arg14[%dma_start3A_341, %dma_start3A_342] : memref<10240x32xf32, #tpu.memory_space<vmem_shared>> -> memref<10240x32xf32, #tpu.memory_space<vmem_shared>>
    tpu.enqueue_indirect_dma source(%dma_start3A_343 : memref<10240x32xf32, #tpu.memory_space<vmem_shared>>) target(%arg9 : memref<128x32xf32, #tpu.memory_space<vmem>>) offsets(%dma_start3A_340 : memref<128xi32, #tpu.memory_space<vmem>>) semaphore(%arg17 : memref<!tpu.dma_semaphore, #tpu.memory_space<semaphore_mem>>)
    %dma_start3A_344 = arith.constant 2 : i32
    %dma_start3A_345 = arith.constant 0 : i32
    %dma_start3A_346 = tpu.memref_slice %arg6[%dma_start3A_344, %dma_start3A_345] : memref<165x128xi32, #tpu.memory_space<vmem>> -> memref<1x128xi32, #tpu.memory_space<vmem>>
    %dma_start3A_347 = tpu.memref_squeeze %dma_start3A_346 : memref<1x128xi32, #tpu.memory_space<vmem>> -> memref<128xi32, #tpu.memory_space<vmem>>
    %dma_start3A_348 = arith.constant 0 : i32
    %dma_start3A_349 = arith.constant 0 : i32
    %dma_start3A_350 = tpu.memref_slice %arg14[%dma_start3A_348, %dma_start3A_349] : memref<10240x32xf32, #tpu.memory_space<vmem_shared>> -> memref<10240x32xf32, #tpu.memory_space<vmem_shared>>
    tpu.enqueue_indirect_dma source(%dma_start3A_350 : memref<10240x32xf32, #tpu.memory_space<vmem_shared>>) target(%arg10 : memref<128x32xf32, #tpu.memory_space<vmem>>) offsets(%dma_start3A_347 : memref<128xi32, #tpu.memory_space<vmem>>) semaphore(%arg18 : memref<!tpu.dma_semaphore, #tpu.memory_space<semaphore_mem>>)
    %dma_wait3A_351 = arith.constant 0 : i32
    %dma_wait3A_352 = arith.constant 0 : i32
    %dma_wait3A_353 = tpu.memref_slice %arg6[%dma_wait3A_351, %dma_wait3A_352] : memref<165x128xi32, #tpu.memory_space<vmem>> -> memref<1x128xi32, #tpu.memory_space<vmem>>
    %dma_wait3A_354 = tpu.memref_squeeze %dma_wait3A_353 : memref<1x128xi32, #tpu.memory_space<vmem>> -> memref<128xi32, #tpu.memory_space<vmem>>
    %dma_wait3A_355 = arith.constant 0 : i32
    %dma_wait3A_356 = arith.constant 0 : i32
    %dma_wait3A_357 = tpu.memref_slice %arg14[%dma_wait3A_355, %dma_wait3A_356] : memref<10240x32xf32, #tpu.memory_space<vmem_shared>> -> memref<10240x32xf32, #tpu.memory_space<vmem_shared>>
    tpu.wait_indirect_dma semaphore(%arg16 : memref<!tpu.dma_semaphore, #tpu.memory_space<semaphore_mem>>) src(%dma_wait3A_357 : memref<10240x32xf32, #tpu.memory_space<vmem_shared>>) dst(%arg8 : memref<128x32xf32, #tpu.memory_space<vmem>>)
    %dma_start3A_358 = arith.constant 0 : i32
    %dma_start3A_359 = arith.constant 0 : i32
    %dma_start3A_360 = tpu.memref_slice %arg7[%dma_start3A_358, %dma_start3A_359] : memref<160x128xi32, #tpu.memory_space<vmem>> -> memref<1x128xi32, #tpu.memory_space<vmem>>
    %dma_start3A_361 = tpu.memref_squeeze %dma_start3A_360 : memref<1x128xi32, #tpu.memory_space<vmem>> -> memref<128xi32, #tpu.memory_space<vmem>>
    %dma_start3A_362 = arith.constant 0 : i32
    %dma_start3A_363 = arith.constant 0 : i32
    %dma_start3A_364 = tpu.memref_slice %arg15[%dma_start3A_362, %dma_start3A_363] : memref<10240x32xf32, #tpu.memory_space<vmem_shared>> -> memref<10240x32xf32, #tpu.memory_space<vmem_shared>>
    tpu.enqueue_indirect_dma source(%arg8 : memref<128x32xf32, #tpu.memory_space<vmem>>) target(%dma_start3A_364 : memref<10240x32xf32, #tpu.memory_space<vmem_shared>>) offsets(%dma_start3A_361 : memref<128xi32, #tpu.memory_space<vmem>>) semaphore(%arg21 : memref<!tpu.dma_semaphore, #tpu.memory_space<semaphore_mem>>) {add = true}
    %dma_start3A_365 = arith.constant 3 : i32
    %dma_start3A_366 = arith.constant 0 : i32
    %dma_start3A_367 = tpu.memref_slice %arg6[%dma_start3A_365, %dma_start3A_366] : memref<165x128xi32, #tpu.memory_space<vmem>> -> memref<1x128xi32, #tpu.memory_space<vmem>>
    %dma_start3A_368 = tpu.memref_squeeze %dma_start3A_367 : memref<1x128xi32, #tpu.memory_space<vmem>> -> memref<128xi32, #tpu.memory_space<vmem>>
    %dma_start3A_369 = arith.constant 0 : i32
    %dma_start3A_370 = arith.constant 0 : i32
    %dma_start3A_371 = tpu.memref_slice %arg14[%dma_start3A_369, %dma_start3A_370] : memref<10240x32xf32, #tpu.memory_space<vmem_shared>> -> memref<10240x32xf32, #tpu.memory_space<vmem_shared>>
    tpu.enqueue_indirect_dma source(%dma_start3A_371 : memref<10240x32xf32, #tpu.memory_space<vmem_shared>>) target(%arg11 : memref<128x32xf32, #tpu.memory_space<vmem>>) offsets(%dma_start3A_368 : memref<128xi32, #tpu.memory_space<vmem>>) semaphore(%arg19 : memref<!tpu.dma_semaphore, #tpu.memory_space<semaphore_mem>>)
    %dma_wait3A_372 = arith.constant 1 : i32
    %dma_wait3A_373 = arith.constant 0 : i32
    %dma_wait3A_374 = tpu.memref_slice %arg6[%dma_wait3A_372, %dma_wait3A_373] : memref<165x128xi32, #tpu.memory_space<vmem>> -> memref<1x128xi32, #tpu.memory_space<vmem>>
    %dma_wait3A_375 = tpu.memref_squeeze %dma_wait3A_374 : memref<1x128xi32, #tpu.memory_space<vmem>> -> memref<128xi32, #tpu.memory_space<vmem>>
    %dma_wait3A_376 = arith.constant 0 : i32
    %dma_wait3A_377 = arith.constant 0 : i32
    %dma_wait3A_378 = tpu.memref_slice %arg14[%dma_wait3A_376, %dma_wait3A_377] : memref<10240x32xf32, #tpu.memory_space<vmem_shared>> -> memref<10240x32xf32, #tpu.memory_space<vmem_shared>>
    tpu.wait_indirect_dma semaphore(%arg17 : memref<!tpu.dma_semaphore, #tpu.memory_space<semaphore_mem>>) src(%dma_wait3A_378 : memref<10240x32xf32, #tpu.memory_space<vmem_shared>>) dst(%arg9 : memref<128x32xf32, #tpu.memory_space<vmem>>)
    %dma_start3A_379 = arith.constant 1 : i32
    %dma_start3A_380 = arith.constant 0 : i32
    %dma_start3A_381 = tpu.memref_slice %arg7[%dma_start3A_379, %dma_start3A_380] : memref<160x128xi32, #tpu.memory_space<vmem>> -> memref<1x128xi32, #tpu.memory_space<vmem>>
    %dma_start3A_382 = tpu.memref_squeeze %dma_start3A_381 : memref<1x128xi32, #tpu.memory_space<vmem>> -> memref<128xi32, #tpu.memory_space<vmem>>
    %dma_start3A_383 = arith.constant 0 : i32
    %dma_start3A_384 = arith.constant 0 : i32
    %dma_start3A_385 = tpu.memref_slice %arg15[%dma_start3A_383, %dma_start3A_384] : memref<10240x32xf32, #tpu.memory_space<vmem_shared>> -> memref<10240x32xf32, #tpu.memory_space<vmem_shared>>
    tpu.enqueue_indirect_dma source(%arg9 : memref<128x32xf32, #tpu.memory_space<vmem>>) target(%dma_start3A_385 : memref<10240x32xf32, #tpu.memory_space<vmem_shared>>) offsets(%dma_start3A_382 : memref<128xi32, #tpu.memory_space<vmem>>) semaphore(%arg22 : memref<!tpu.dma_semaphore, #tpu.memory_space<semaphore_mem>>) {add = true}
    %dma_start3A_386 = arith.constant 4 : i32
    %dma_start3A_387 = arith.constant 0 : i32
    %dma_start3A_388 = tpu.memref_slice %arg6[%dma_start3A_386, %dma_start3A_387] : memref<165x128xi32, #tpu.memory_space<vmem>> -> memref<1x128xi32, #tpu.memory_space<vmem>>
    %dma_start3A_389 = tpu.memref_squeeze %dma_start3A_388 : memref<1x128xi32, #tpu.memory_space<vmem>> -> memref<128xi32, #tpu.memory_space<vmem>>
    %dma_start3A_390 = arith.constant 0 : i32
    %dma_start3A_391 = arith.constant 0 : i32
    %dma_start3A_392 = tpu.memref_slice %arg14[%dma_start3A_390, %dma_start3A_391] : memref<10240x32xf32, #tpu.memory_space<vmem_shared>> -> memref<10240x32xf32, #tpu.memory_space<vmem_shared>>
    tpu.enqueue_indirect_dma source(%dma_start3A_392 : memref<10240x32xf32, #tpu.memory_space<vmem_shared>>) target(%arg12 : memref<128x32xf32, #tpu.memory_space<vmem>>) offsets(%dma_start3A_389 : memref<128xi32, #tpu.memory_space<vmem>>) semaphore(%arg20 : memref<!tpu.dma_semaphore, #tpu.memory_space<semaphore_mem>>)
    %dma_wait3A_393 = arith.constant 2 : i32
    %dma_wait3A_394 = arith.constant 0 : i32
    %dma_wait3A_395 = tpu.memref_slice %arg6[%dma_wait3A_393, %dma_wait3A_394] : memref<165x128xi32, #tpu.memory_space<vmem>> -> memref<1x128xi32, #tpu.memory_space<vmem>>
    %dma_wait3A_396 = tpu.memref_squeeze %dma_wait3A_395 : memref<1x128xi32, #tpu.memory_space<vmem>> -> memref<128xi32, #tpu.memory_space<vmem>>
    %dma_wait3A_397 = arith.constant 0 : i32
    %dma_wait3A_398 = arith.constant 0 : i32
    %dma_wait3A_399 = tpu.memref_slice %arg14[%dma_wait3A_397, %dma_wait3A_398] : memref<10240x32xf32, #tpu.memory_space<vmem_shared>> -> memref<10240x32xf32, #tpu.memory_space<vmem_shared>>
    tpu.wait_indirect_dma semaphore(%arg18 : memref<!tpu.dma_semaphore, #tpu.memory_space<semaphore_mem>>) src(%dma_wait3A_399 : memref<10240x32xf32, #tpu.memory_space<vmem_shared>>) dst(%arg10 : memref<128x32xf32, #tpu.memory_space<vmem>>)
    %dma_start3A_400 = arith.constant 2 : i32
    %dma_start3A_401 = arith.constant 0 : i32
    %dma_start3A_402 = tpu.memref_slice %arg7[%dma_start3A_400, %dma_start3A_401] : memref<160x128xi32, #tpu.memory_space<vmem>> -> memref<1x128xi32, #tpu.memory_space<vmem>>
    %dma_start3A_403 = tpu.memref_squeeze %dma_start3A_402 : memref<1x128xi32, #tpu.memory_space<vmem>> -> memref<128xi32, #tpu.memory_space<vmem>>
    %dma_start3A_404 = arith.constant 0 : i32
    %dma_start3A_405 = arith.constant 0 : i32
    %dma_start3A_406 = tpu.memref_slice %arg15[%dma_start3A_404, %dma_start3A_405] : memref<10240x32xf32, #tpu.memory_space<vmem_shared>> -> memref<10240x32xf32, #tpu.memory_space<vmem_shared>>
    tpu.enqueue_indirect_dma source(%arg10 : memref<128x32xf32, #tpu.memory_space<vmem>>) target(%dma_start3A_406 : memref<10240x32xf32, #tpu.memory_space<vmem_shared>>) offsets(%dma_start3A_403 : memref<128xi32, #tpu.memory_space<vmem>>) semaphore(%arg23 : memref<!tpu.dma_semaphore, #tpu.memory_space<semaphore_mem>>) {add = true}
    %dma_wait3A_407 = arith.constant 0 : i32
    %dma_wait3A_408 = arith.constant 0 : i32
    %dma_wait3A_409 = tpu.memref_slice %arg7[%dma_wait3A_407, %dma_wait3A_408] : memref<160x128xi32, #tpu.memory_space<vmem>> -> memref<1x128xi32, #tpu.memory_space<vmem>>
    %dma_wait3A_410 = tpu.memref_squeeze %dma_wait3A_409 : memref<1x128xi32, #tpu.memory_space<vmem>> -> memref<128xi32, #tpu.memory_space<vmem>>
    %dma_wait3A_411 = arith.constant 0 : i32
    %dma_wait3A_412 = arith.constant 0 : i32
    %dma_wait3A_413 = tpu.memref_slice %arg15[%dma_wait3A_411, %dma_wait3A_412] : memref<10240x32xf32, #tpu.memory_space<vmem_shared>> -> memref<10240x32xf32, #tpu.memory_space<vmem_shared>>
    tpu.wait_indirect_dma semaphore(%arg21 : memref<!tpu.dma_semaphore, #tpu.memory_space<semaphore_mem>>) src(%arg8 : memref<128x32xf32, #tpu.memory_space<vmem>>) dst(%dma_wait3A_413 : memref<10240x32xf32, #tpu.memory_space<vmem_shared>>)
    %dma_start3A_414 = arith.constant 5 : i32
    %dma_start3A_415 = arith.constant 0 : i32
    %dma_start3A_416 = tpu.memref_slice %arg6[%dma_start3A_414, %dma_start3A_415] : memref<165x128xi32, #tpu.memory_space<vmem>> -> memref<1x128xi32, #tpu.memory_space<vmem>>
    %dma_start3A_417 = tpu.memref_squeeze %dma_start3A_416 : memref<1x128xi32, #tpu.memory_space<vmem>> -> memref<128xi32, #tpu.memory_space<vmem>>
    %dma_start3A_418 = arith.constant 0 : i32
    %dma_start3A_419 = arith.constant 0 : i32
    %dma_start3A_420 = tpu.memref_slice %arg14[%dma_start3A_418, %dma_start3A_419] : memref<10240x32xf32, #tpu.memory_space<vmem_shared>> -> memref<10240x32xf32, #tpu.memory_space<vmem_shared>>
    tpu.enqueue_indirect_dma source(%dma_start3A_420 : memref<10240x32xf32, #tpu.memory_space<vmem_shared>>) target(%arg8 : memref<128x32xf32, #tpu.memory_space<vmem>>) offsets(%dma_start3A_417 : memref<128xi32, #tpu.memory_space<vmem>>) semaphore(%arg16 : memref<!tpu.dma_semaphore, #tpu.memory_space<semaphore_mem>>)
    %dma_wait3A_421 = arith.constant 3 : i32
    %dma_wait3A_422 = arith.constant 0 : i32
    %dma_wait3A_423 = tpu.memref_slice %arg6[%dma_wait3A_421, %dma_wait3A_422] : memref<165x128xi32, #tpu.memory_space<vmem>> -> memref<1x128xi32, #tpu.memory_space<vmem>>
    %dma_wait3A_424 = tpu.memref_squeeze %dma_wait3A_423 : memref<1x128xi32, #tpu.memory_space<vmem>> -> memref<128xi32, #tpu.memory_space<vmem>>
    %dma_wait3A_425 = arith.constant 0 : i32
    %dma_wait3A_426 = arith.constant 0 : i32
    %dma_wait3A_427 = tpu.memref_slice %arg14[%dma_wait3A_425, %dma_wait3A_426] : memref<10240x32xf32, #tpu.memory_space<vmem_shared>> -> memref<10240x32xf32, #tpu.memory_space<vmem_shared>>
    tpu.wait_indirect_dma semaphore(%arg19 : memref<!tpu.dma_semaphore, #tpu.memory_space<semaphore_mem>>) src(%dma_wait3A_427 : memref<10240x32xf32, #tpu.memory_space<vmem_shared>>) dst(%arg11 : memref<128x32xf32, #tpu.memory_space<vmem>>)
    %dma_start3A_428 = arith.constant 3 : i32
    %dma_start3A_429 = arith.constant 0 : i32
    %dma_start3A_430 = tpu.memref_slice %arg7[%dma_start3A_428, %dma_start3A_429] : memref<160x128xi32, #tpu.memory_space<vmem>> -> memref<1x128xi32, #tpu.memory_space<vmem>>
    %dma_start3A_431 = tpu.memref_squeeze %dma_start3A_430 : memref<1x128xi32, #tpu.memory_space<vmem>> -> memref<128xi32, #tpu.memory_space<vmem>>
    %dma_start3A_432 = arith.constant 0 : i32
    %dma_start3A_433 = arith.constant 0 : i32
    %dma_start3A_434 = tpu.memref_slice %arg15[%dma_start3A_432, %dma_start3A_433] : memref<10240x32xf32, #tpu.memory_space<vmem_shared>> -> memref<10240x32xf32, #tpu.memory_space<vmem_shared>>
    tpu.enqueue_indirect_dma source(%arg11 : memref<128x32xf32, #tpu.memory_space<vmem>>) target(%dma_start3A_434 : memref<10240x32xf32, #tpu.memory_space<vmem_shared>>) offsets(%dma_start3A_431 : memref<128xi32, #tpu.memory_space<vmem>>) semaphore(%arg24 : memref<!tpu.dma_semaphore, #tpu.memory_space<semaphore_mem>>) {add = true}
    %dma_wait3A_435 = arith.constant 0 : i32
    %dma_wait3A_436 = arith.constant 0 : i32
    %dma_wait3A_437 = tpu.memref_slice %arg7[%dma_wait3A_435, %dma_wait3A_436] : memref<160x128xi32, #tpu.memory_space<vmem>> -> memref<1x128xi32, #tpu.memory_space<vmem>>
    %dma_wait3A_438 = tpu.memref_squeeze %dma_wait3A_437 : memref<1x128xi32, #tpu.memory_space<vmem>> -> memref<128xi32, #tpu.memory_space<vmem>>
    %dma_wait3A_439 = arith.constant 0 : i32
    %dma_wait3A_440 = arith.constant 0 : i32
    %dma_wait3A_441 = tpu.memref_slice %arg15[%dma_wait3A_439, %dma_wait3A_440] : memref<10240x32xf32, #tpu.memory_space<vmem_shared>> -> memref<10240x32xf32, #tpu.memory_space<vmem_shared>>
    tpu.wait_indirect_dma semaphore(%arg22 : memref<!tpu.dma_semaphore, #tpu.memory_space<semaphore_mem>>) src(%arg9 : memref<128x32xf32, #tpu.memory_space<vmem>>) dst(%dma_wait3A_441 : memref<10240x32xf32, #tpu.memory_space<vmem_shared>>)
    %dma_start3A_442 = arith.constant 6 : i32
    %dma_start3A_443 = arith.constant 0 : i32
    %dma_start3A_444 = tpu.memref_slice %arg6[%dma_start3A_442, %dma_start3A_443] : memref<165x128xi32, #tpu.memory_space<vmem>> -> memref<1x128xi32, #tpu.memory_space<vmem>>
    %dma_start3A_445 = tpu.memref_squeeze %dma_start3A_444 : memref<1x128xi32, #tpu.memory_space<vmem>> -> memref<128xi32, #tpu.memory_space<vmem>>
    %dma_start3A_446 = arith.constant 0 : i32
    %dma_start3A_447 = arith.constant 0 : i32
    %dma_start3A_448 = tpu.memref_slice %arg14[%dma_start3A_446, %dma_start3A_447] : memref<10240x32xf32, #tpu.memory_space<vmem_shared>> -> memref<10240x32xf32, #tpu.memory_space<vmem_shared>>
    tpu.enqueue_indirect_dma source(%dma_start3A_448 : memref<10240x32xf32, #tpu.memory_space<vmem_shared>>) target(%arg9 : memref<128x32xf32, #tpu.memory_space<vmem>>) offsets(%dma_start3A_445 : memref<128xi32, #tpu.memory_space<vmem>>) semaphore(%arg17 : memref<!tpu.dma_semaphore, #tpu.memory_space<semaphore_mem>>)
    %dma_wait3A_449 = arith.constant 4 : i32
    %dma_wait3A_450 = arith.constant 0 : i32
    %dma_wait3A_451 = tpu.memref_slice %arg6[%dma_wait3A_449, %dma_wait3A_450] : memref<165x128xi32, #tpu.memory_space<vmem>> -> memref<1x128xi32, #tpu.memory_space<vmem>>
    %dma_wait3A_452 = tpu.memref_squeeze %dma_wait3A_451 : memref<1x128xi32, #tpu.memory_space<vmem>> -> memref<128xi32, #tpu.memory_space<vmem>>
    %dma_wait3A_453 = arith.constant 0 : i32
    %dma_wait3A_454 = arith.constant 0 : i32
    %dma_wait3A_455 = tpu.memref_slice %arg14[%dma_wait3A_453, %dma_wait3A_454] : memref<10240x32xf32, #tpu.memory_space<vmem_shared>> -> memref<10240x32xf32, #tpu.memory_space<vmem_shared>>
    tpu.wait_indirect_dma semaphore(%arg20 : memref<!tpu.dma_semaphore, #tpu.memory_space<semaphore_mem>>) src(%dma_wait3A_455 : memref<10240x32xf32, #tpu.memory_space<vmem_shared>>) dst(%arg12 : memref<128x32xf32, #tpu.memory_space<vmem>>)
    %dma_start3A_456 = arith.constant 4 : i32
    %dma_start3A_457 = arith.constant 0 : i32
    %dma_start3A_458 = tpu.memref_slice %arg7[%dma_start3A_456, %dma_start3A_457] : memref<160x128xi32, #tpu.memory_space<vmem>> -> memref<1x128xi32, #tpu.memory_space<vmem>>
    %dma_start3A_459 = tpu.memref_squeeze %dma_start3A_458 : memref<1x128xi32, #tpu.memory_space<vmem>> -> memref<128xi32, #tpu.memory_space<vmem>>
    %dma_start3A_460 = arith.constant 0 : i32
    %dma_start3A_461 = arith.constant 0 : i32
    %dma_start3A_462 = tpu.memref_slice %arg15[%dma_start3A_460, %dma_start3A_461] : memref<10240x32xf32, #tpu.memory_space<vmem_shared>> -> memref<10240x32xf32, #tpu.memory_space<vmem_shared>>
    tpu.enqueue_indirect_dma source(%arg12 : memref<128x32xf32, #tpu.memory_space<vmem>>) target(%dma_start3A_462 : memref<10240x32xf32, #tpu.memory_space<vmem_shared>>) offsets(%dma_start3A_459 : memref<128xi32, #tpu.memory_space<vmem>>) semaphore(%arg25 : memref<!tpu.dma_semaphore, #tpu.memory_space<semaphore_mem>>) {add = true}
    %dma_wait3A_463 = arith.constant 0 : i32
    %dma_wait3A_464 = arith.constant 0 : i32
    %dma_wait3A_465 = tpu.memref_slice %arg7[%dma_wait3A_463, %dma_wait3A_464] : memref<160x128xi32, #tpu.memory_space<vmem>> -> memref<1x128xi32, #tpu.memory_space<vmem>>
    %dma_wait3A_466 = tpu.memref_squeeze %dma_wait3A_465 : memref<1x128xi32, #tpu.memory_space<vmem>> -> memref<128xi32, #tpu.memory_space<vmem>>
    %dma_wait3A_467 = arith.constant 0 : i32
    %dma_wait3A_468 = arith.constant 0 : i32
    %dma_wait3A_469 = tpu.memref_slice %arg15[%dma_wait3A_467, %dma_wait3A_468] : memref<10240x32xf32, #tpu.memory_space<vmem_shared>> -> memref<10240x32xf32, #tpu.memory_space<vmem_shared>>
    tpu.wait_indirect_dma semaphore(%arg23 : memref<!tpu.dma_semaphore, #tpu.memory_space<semaphore_mem>>) src(%arg10 : memref<128x32xf32, #tpu.memory_space<vmem>>) dst(%dma_wait3A_469 : memref<10240x32xf32, #tpu.memory_space<vmem_shared>>)
    %dma_start3A_470 = arith.constant 7 : i32
    %dma_start3A_471 = arith.constant 0 : i32
    %dma_start3A_472 = tpu.memref_slice %arg6[%dma_start3A_470, %dma_start3A_471] : memref<165x128xi32, #tpu.memory_space<vmem>> -> memref<1x128xi32, #tpu.memory_space<vmem>>
    %dma_start3A_473 = tpu.memref_squeeze %dma_start3A_472 : memref<1x128xi32, #tpu.memory_space<vmem>> -> memref<128xi32, #tpu.memory_space<vmem>>
    %dma_start3A_474 = arith.constant 0 : i32
    %dma_start3A_475 = arith.constant 0 : i32
    %dma_start3A_476 = tpu.memref_slice %arg14[%dma_start3A_474, %dma_start3A_475] : memref<10240x32xf32, #tpu.memory_space<vmem_shared>> -> memref<10240x32xf32, #tpu.memory_space<vmem_shared>>
    tpu.enqueue_indirect_dma source(%dma_start3A_476 : memref<10240x32xf32, #tpu.memory_space<vmem_shared>>) target(%arg10 : memref<128x32xf32, #tpu.memory_space<vmem>>) offsets(%dma_start3A_473 : memref<128xi32, #tpu.memory_space<vmem>>) semaphore(%arg18 : memref<!tpu.dma_semaphore, #tpu.memory_space<semaphore_mem>>)
    %scan3A_477 = arith.constant 0 : i32
    %scan3A_478 = arith.constant 1 : i32
    %scan3A_479 = arith.constant 31 : i32
    %scan3A_480 = arith.addi %scan3A_478, %scan3A_479 : i32
    %scan3A_481 = arith.constant 1 : i32
    %scan3A_482 = scf.for %scan3A_560 = %scan3A_478 to %scan3A_480 step %scan3A_481 iter_args(%scan3A_561 = %scan3A_477) -> (i32)  : i32 {
      %mul3A_562 = arith.constant 5 : i32
      %mul3A_563 = arith.muli %scan3A_560, %mul3A_562 : i32
      %add3A_564 = arith.constant 0 : i32
      %add3A_565 = arith.addi %mul3A_563, %add3A_564 : i32
      %dma_wait3A_566 = arith.constant 0 : i32
      %dma_wait3A_567 = tpu.memref_slice %arg6[%add3A_565, %dma_wait3A_566] : memref<165x128xi32, #tpu.memory_space<vmem>> -> memref<1x128xi32, #tpu.memory_space<vmem>>
      %dma_wait3A_568 = tpu.memref_squeeze %dma_wait3A_567 : memref<1x128xi32, #tpu.memory_space<vmem>> -> memref<128xi32, #tpu.memory_space<vmem>>
      %dma_wait3A_569 = arith.constant 0 : i32
      %dma_wait3A_570 = arith.constant 0 : i32
      %dma_wait3A_571 = tpu.memref_slice %arg14[%dma_wait3A_569, %dma_wait3A_570] : memref<10240x32xf32, #tpu.memory_space<vmem_shared>> -> memref<10240x32xf32, #tpu.memory_space<vmem_shared>>
      tpu.wait_indirect_dma semaphore(%arg16 : memref<!tpu.dma_semaphore, #tpu.memory_space<semaphore_mem>>) src(%dma_wait3A_571 : memref<10240x32xf32, #tpu.memory_space<vmem_shared>>) dst(%arg8 : memref<128x32xf32, #tpu.memory_space<vmem>>)
      %dma_start3A_572 = arith.constant 0 : i32
      %dma_start3A_573 = tpu.memref_slice %arg7[%add3A_565, %dma_start3A_572] : memref<160x128xi32, #tpu.memory_space<vmem>> -> memref<1x128xi32, #tpu.memory_space<vmem>>
      %dma_start3A_574 = tpu.memref_squeeze %dma_start3A_573 : memref<1x128xi32, #tpu.memory_space<vmem>> -> memref<128xi32, #tpu.memory_space<vmem>>
      %dma_start3A_575 = arith.constant 0 : i32
      %dma_start3A_576 = arith.constant 0 : i32
      %dma_start3A_577 = tpu.memref_slice %arg15[%dma_start3A_575, %dma_start3A_576] : memref<10240x32xf32, #tpu.memory_space<vmem_shared>> -> memref<10240x32xf32, #tpu.memory_space<vmem_shared>>
      tpu.enqueue_indirect_dma source(%arg8 : memref<128x32xf32, #tpu.memory_space<vmem>>) target(%dma_start3A_577 : memref<10240x32xf32, #tpu.memory_space<vmem_shared>>) offsets(%dma_start3A_574 : memref<128xi32, #tpu.memory_space<vmem>>) semaphore(%arg21 : memref<!tpu.dma_semaphore, #tpu.memory_space<semaphore_mem>>) {add = true}
      %dma_wait3A_578 = arith.constant 0 : i32
      %dma_wait3A_579 = arith.constant 0 : i32
      %dma_wait3A_580 = tpu.memref_slice %arg7[%dma_wait3A_578, %dma_wait3A_579] : memref<160x128xi32, #tpu.memory_space<vmem>> -> memref<1x128xi32, #tpu.memory_space<vmem>>
      %dma_wait3A_581 = tpu.memref_squeeze %dma_wait3A_580 : memref<1x128xi32, #tpu.memory_space<vmem>> -> memref<128xi32, #tpu.memory_space<vmem>>
      %dma_wait3A_582 = arith.constant 0 : i32
      %dma_wait3A_583 = arith.constant 0 : i32
      %dma_wait3A_584 = tpu.memref_slice %arg15[%dma_wait3A_582, %dma_wait3A_583] : memref<10240x32xf32, #tpu.memory_space<vmem_shared>> -> memref<10240x32xf32, #tpu.memory_space<vmem_shared>>
      tpu.wait_indirect_dma semaphore(%arg24 : memref<!tpu.dma_semaphore, #tpu.memory_space<semaphore_mem>>) src(%arg11 : memref<128x32xf32, #tpu.memory_space<vmem>>) dst(%dma_wait3A_584 : memref<10240x32xf32, #tpu.memory_space<vmem_shared>>)
      %add3A_585 = arith.constant 3 : i32
      %add3A_586 = arith.addi %add3A_565, %add3A_585 : i32
      %dma_start3A_587 = arith.constant 0 : i32
      %dma_start3A_588 = tpu.memref_slice %arg6[%add3A_586, %dma_start3A_587] : memref<165x128xi32, #tpu.memory_space<vmem>> -> memref<1x128xi32, #tpu.memory_space<vmem>>
      %dma_start3A_589 = tpu.memref_squeeze %dma_start3A_588 : memref<1x128xi32, #tpu.memory_space<vmem>> -> memref<128xi32, #tpu.memory_space<vmem>>
      %dma_start3A_590 = arith.constant 0 : i32
      %dma_start3A_591 = arith.constant 0 : i32
      %dma_start3A_592 = tpu.memref_slice %arg14[%dma_start3A_590, %dma_start3A_591] : memref<10240x32xf32, #tpu.memory_space<vmem_shared>> -> memref<10240x32xf32, #tpu.memory_space<vmem_shared>>
      tpu.enqueue_indirect_dma source(%dma_start3A_592 : memref<10240x32xf32, #tpu.memory_space<vmem_shared>>) target(%arg11 : memref<128x32xf32, #tpu.memory_space<vmem>>) offsets(%dma_start3A_589 : memref<128xi32, #tpu.memory_space<vmem>>) semaphore(%arg19 : memref<!tpu.dma_semaphore, #tpu.memory_space<semaphore_mem>>)
      %mul3A_593 = arith.constant 5 : i32
      %mul3A_594 = arith.muli %scan3A_560, %mul3A_593 : i32
      %add3A_595 = arith.constant 1 : i32
      %add3A_596 = arith.addi %mul3A_594, %add3A_595 : i32
      %dma_wait3A_597 = arith.constant 0 : i32
      %dma_wait3A_598 = tpu.memref_slice %arg6[%add3A_596, %dma_wait3A_597] : memref<165x128xi32, #tpu.memory_space<vmem>> -> memref<1x128xi32, #tpu.memory_space<vmem>>
      %dma_wait3A_599 = tpu.memref_squeeze %dma_wait3A_598 : memref<1x128xi32, #tpu.memory_space<vmem>> -> memref<128xi32, #tpu.memory_space<vmem>>
      %dma_wait3A_600 = arith.constant 0 : i32
      %dma_wait3A_601 = arith.constant 0 : i32
      %dma_wait3A_602 = tpu.memref_slice %arg14[%dma_wait3A_600, %dma_wait3A_601] : memref<10240x32xf32, #tpu.memory_space<vmem_shared>> -> memref<10240x32xf32, #tpu.memory_space<vmem_shared>>
      tpu.wait_indirect_dma semaphore(%arg17 : memref<!tpu.dma_semaphore, #tpu.memory_space<semaphore_mem>>) src(%dma_wait3A_602 : memref<10240x32xf32, #tpu.memory_space<vmem_shared>>) dst(%arg9 : memref<128x32xf32, #tpu.memory_space<vmem>>)
      %dma_start3A_603 = arith.constant 0 : i32
      %dma_start3A_604 = tpu.memref_slice %arg7[%add3A_596, %dma_start3A_603] : memref<160x128xi32, #tpu.memory_space<vmem>> -> memref<1x128xi32, #tpu.memory_space<vmem>>
      %dma_start3A_605 = tpu.memref_squeeze %dma_start3A_604 : memref<1x128xi32, #tpu.memory_space<vmem>> -> memref<128xi32, #tpu.memory_space<vmem>>
      %dma_start3A_606 = arith.constant 0 : i32
      %dma_start3A_607 = arith.constant 0 : i32
      %dma_start3A_608 = tpu.memref_slice %arg15[%dma_start3A_606, %dma_start3A_607] : memref<10240x32xf32, #tpu.memory_space<vmem_shared>> -> memref<10240x32xf32, #tpu.memory_space<vmem_shared>>
      tpu.enqueue_indirect_dma source(%arg9 : memref<128x32xf32, #tpu.memory_space<vmem>>) target(%dma_start3A_608 : memref<10240x32xf32, #tpu.memory_space<vmem_shared>>) offsets(%dma_start3A_605 : memref<128xi32, #tpu.memory_space<vmem>>) semaphore(%arg22 : memref<!tpu.dma_semaphore, #tpu.memory_space<semaphore_mem>>) {add = true}
      %dma_wait3A_609 = arith.constant 0 : i32
      %dma_wait3A_610 = arith.constant 0 : i32
      %dma_wait3A_611 = tpu.memref_slice %arg7[%dma_wait3A_609, %dma_wait3A_610] : memref<160x128xi32, #tpu.memory_space<vmem>> -> memref<1x128xi32, #tpu.memory_space<vmem>>
      %dma_wait3A_612 = tpu.memref_squeeze %dma_wait3A_611 : memref<1x128xi32, #tpu.memory_space<vmem>> -> memref<128xi32, #tpu.memory_space<vmem>>
      %dma_wait3A_613 = arith.constant 0 : i32
      %dma_wait3A_614 = arith.constant 0 : i32
      %dma_wait3A_615 = tpu.memref_slice %arg15[%dma_wait3A_613, %dma_wait3A_614] : memref<10240x32xf32, #tpu.memory_space<vmem_shared>> -> memref<10240x32xf32, #tpu.memory_space<vmem_shared>>
      tpu.wait_indirect_dma semaphore(%arg25 : memref<!tpu.dma_semaphore, #tpu.memory_space<semaphore_mem>>) src(%arg12 : memref<128x32xf32, #tpu.memory_space<vmem>>) dst(%dma_wait3A_615 : memref<10240x32xf32, #tpu.memory_space<vmem_shared>>)
      %add3A_616 = arith.constant 3 : i32
      %add3A_617 = arith.addi %add3A_596, %add3A_616 : i32
      %dma_start3A_618 = arith.constant 0 : i32
      %dma_start3A_619 = tpu.memref_slice %arg6[%add3A_617, %dma_start3A_618] : memref<165x128xi32, #tpu.memory_space<vmem>> -> memref<1x128xi32, #tpu.memory_space<vmem>>
      %dma_start3A_620 = tpu.memref_squeeze %dma_start3A_619 : memref<1x128xi32, #tpu.memory_space<vmem>> -> memref<128xi32, #tpu.memory_space<vmem>>
      %dma_start3A_621 = arith.constant 0 : i32
      %dma_start3A_622 = arith.constant 0 : i32
      %dma_start3A_623 = tpu.memref_slice %arg14[%dma_start3A_621, %dma_start3A_622] : memref<10240x32xf32, #tpu.memory_space<vmem_shared>> -> memref<10240x32xf32, #tpu.memory_space<vmem_shared>>
      tpu.enqueue_indirect_dma source(%dma_start3A_623 : memref<10240x32xf32, #tpu.memory_space<vmem_shared>>) target(%arg12 : memref<128x32xf32, #tpu.memory_space<vmem>>) offsets(%dma_start3A_620 : memref<128xi32, #tpu.memory_space<vmem>>) semaphore(%arg20 : memref<!tpu.dma_semaphore, #tpu.memory_space<semaphore_mem>>)
      %mul3A_624 = arith.constant 5 : i32
      %mul3A_625 = arith.muli %scan3A_560, %mul3A_624 : i32
      %add3A_626 = arith.constant 2 : i32
      %add3A_627 = arith.addi %mul3A_625, %add3A_626 : i32
      %dma_wait3A_628 = arith.constant 0 : i32
      %dma_wait3A_629 = tpu.memref_slice %arg6[%add3A_627, %dma_wait3A_628] : memref<165x128xi32, #tpu.memory_space<vmem>> -> memref<1x128xi32, #tpu.memory_space<vmem>>
      %dma_wait3A_630 = tpu.memref_squeeze %dma_wait3A_629 : memref<1x128xi32, #tpu.memory_space<vmem>> -> memref<128xi32, #tpu.memory_space<vmem>>
      %dma_wait3A_631 = arith.constant 0 : i32
      %dma_wait3A_632 = arith.constant 0 : i32
      %dma_wait3A_633 = tpu.memref_slice %arg14[%dma_wait3A_631, %dma_wait3A_632] : memref<10240x32xf32, #tpu.memory_space<vmem_shared>> -> memref<10240x32xf32, #tpu.memory_space<vmem_shared>>
      tpu.wait_indirect_dma semaphore(%arg18 : memref<!tpu.dma_semaphore, #tpu.memory_space<semaphore_mem>>) src(%dma_wait3A_633 : memref<10240x32xf32, #tpu.memory_space<vmem_shared>>) dst(%arg10 : memref<128x32xf32, #tpu.memory_space<vmem>>)
      %dma_start3A_634 = arith.constant 0 : i32
      %dma_start3A_635 = tpu.memref_slice %arg7[%add3A_627, %dma_start3A_634] : memref<160x128xi32, #tpu.memory_space<vmem>> -> memref<1x128xi32, #tpu.memory_space<vmem>>
      %dma_start3A_636 = tpu.memref_squeeze %dma_start3A_635 : memref<1x128xi32, #tpu.memory_space<vmem>> -> memref<128xi32, #tpu.memory_space<vmem>>
      %dma_start3A_637 = arith.constant 0 : i32
      %dma_start3A_638 = arith.constant 0 : i32
      %dma_start3A_639 = tpu.memref_slice %arg15[%dma_start3A_637, %dma_start3A_638] : memref<10240x32xf32, #tpu.memory_space<vmem_shared>> -> memref<10240x32xf32, #tpu.memory_space<vmem_shared>>
      tpu.enqueue_indirect_dma source(%arg10 : memref<128x32xf32, #tpu.memory_space<vmem>>) target(%dma_start3A_639 : memref<10240x32xf32, #tpu.memory_space<vmem_shared>>) offsets(%dma_start3A_636 : memref<128xi32, #tpu.memory_space<vmem>>) semaphore(%arg23 : memref<!tpu.dma_semaphore, #tpu.memory_space<semaphore_mem>>) {add = true}
      %dma_wait3A_640 = arith.constant 0 : i32
      %dma_wait3A_641 = arith.constant 0 : i32
      %dma_wait3A_642 = tpu.memref_slice %arg7[%dma_wait3A_640, %dma_wait3A_641] : memref<160x128xi32, #tpu.memory_space<vmem>> -> memref<1x128xi32, #tpu.memory_space<vmem>>
      %dma_wait3A_643 = tpu.memref_squeeze %dma_wait3A_642 : memref<1x128xi32, #tpu.memory_space<vmem>> -> memref<128xi32, #tpu.memory_space<vmem>>
      %dma_wait3A_644 = arith.constant 0 : i32
      %dma_wait3A_645 = arith.constant 0 : i32
      %dma_wait3A_646 = tpu.memref_slice %arg15[%dma_wait3A_644, %dma_wait3A_645] : memref<10240x32xf32, #tpu.memory_space<vmem_shared>> -> memref<10240x32xf32, #tpu.memory_space<vmem_shared>>
      tpu.wait_indirect_dma semaphore(%arg21 : memref<!tpu.dma_semaphore, #tpu.memory_space<semaphore_mem>>) src(%arg8 : memref<128x32xf32, #tpu.memory_space<vmem>>) dst(%dma_wait3A_646 : memref<10240x32xf32, #tpu.memory_space<vmem_shared>>)
      %add3A_647 = arith.constant 3 : i32
      %add3A_648 = arith.addi %add3A_627, %add3A_647 : i32
      %dma_start3A_649 = arith.constant 0 : i32
      %dma_start3A_650 = tpu.memref_slice %arg6[%add3A_648, %dma_start3A_649] : memref<165x128xi32, #tpu.memory_space<vmem>> -> memref<1x128xi32, #tpu.memory_space<vmem>>
      %dma_start3A_651 = tpu.memref_squeeze %dma_start3A_650 : memref<1x128xi32, #tpu.memory_space<vmem>> -> memref<128xi32, #tpu.memory_space<vmem>>
      %dma_start3A_652 = arith.constant 0 : i32
      %dma_start3A_653 = arith.constant 0 : i32
      %dma_start3A_654 = tpu.memref_slice %arg14[%dma_start3A_652, %dma_start3A_653] : memref<10240x32xf32, #tpu.memory_space<vmem_shared>> -> memref<10240x32xf32, #tpu.memory_space<vmem_shared>>
      tpu.enqueue_indirect_dma source(%dma_start3A_654 : memref<10240x32xf32, #tpu.memory_space<vmem_shared>>) target(%arg8 : memref<128x32xf32, #tpu.memory_space<vmem>>) offsets(%dma_start3A_651 : memref<128xi32, #tpu.memory_space<vmem>>) semaphore(%arg16 : memref<!tpu.dma_semaphore, #tpu.memory_space<semaphore_mem>>)
      %mul3A_655 = arith.constant 5 : i32
      %mul3A_656 = arith.muli %scan3A_560, %mul3A_655 : i32
      %add3A_657 = arith.constant 3 : i32
      %add3A_658 = arith.addi %mul3A_656, %add3A_657 : i32
      %dma_wait3A_659 = arith.constant 0 : i32
      %dma_wait3A_660 = tpu.memref_slice %arg6[%add3A_658, %dma_wait3A_659] : memref<165x128xi32, #tpu.memory_space<vmem>> -> memref<1x128xi32, #tpu.memory_space<vmem>>
      %dma_wait3A_661 = tpu.memref_squeeze %dma_wait3A_660 : memref<1x128xi32, #tpu.memory_space<vmem>> -> memref<128xi32, #tpu.memory_space<vmem>>
      %dma_wait3A_662 = arith.constant 0 : i32
      %dma_wait3A_663 = arith.constant 0 : i32
      %dma_wait3A_664 = tpu.memref_slice %arg14[%dma_wait3A_662, %dma_wait3A_663] : memref<10240x32xf32, #tpu.memory_space<vmem_shared>> -> memref<10240x32xf32, #tpu.memory_space<vmem_shared>>
      tpu.wait_indirect_dma semaphore(%arg19 : memref<!tpu.dma_semaphore, #tpu.memory_space<semaphore_mem>>) src(%dma_wait3A_664 : memref<10240x32xf32, #tpu.memory_space<vmem_shared>>) dst(%arg11 : memref<128x32xf32, #tpu.memory_space<vmem>>)
      %dma_start3A_665 = arith.constant 0 : i32
      %dma_start3A_666 = tpu.memref_slice %arg7[%add3A_658, %dma_start3A_665] : memref<160x128xi32, #tpu.memory_space<vmem>> -> memref<1x128xi32, #tpu.memory_space<vmem>>
      %dma_start3A_667 = tpu.memref_squeeze %dma_start3A_666 : memref<1x128xi32, #tpu.memory_space<vmem>> -> memref<128xi32, #tpu.memory_space<vmem>>
      %dma_start3A_668 = arith.constant 0 : i32
      %dma_start3A_669 = arith.constant 0 : i32
      %dma_start3A_670 = tpu.memref_slice %arg15[%dma_start3A_668, %dma_start3A_669] : memref<10240x32xf32, #tpu.memory_space<vmem_shared>> -> memref<10240x32xf32, #tpu.memory_space<vmem_shared>>
      tpu.enqueue_indirect_dma source(%arg11 : memref<128x32xf32, #tpu.memory_space<vmem>>) target(%dma_start3A_670 : memref<10240x32xf32, #tpu.memory_space<vmem_shared>>) offsets(%dma_start3A_667 : memref<128xi32, #tpu.memory_space<vmem>>) semaphore(%arg24 : memref<!tpu.dma_semaphore, #tpu.memory_space<semaphore_mem>>) {add = true}
      %dma_wait3A_671 = arith.constant 0 : i32
      %dma_wait3A_672 = arith.constant 0 : i32
      %dma_wait3A_673 = tpu.memref_slice %arg7[%dma_wait3A_671, %dma_wait3A_672] : memref<160x128xi32, #tpu.memory_space<vmem>> -> memref<1x128xi32, #tpu.memory_space<vmem>>
      %dma_wait3A_674 = tpu.memref_squeeze %dma_wait3A_673 : memref<1x128xi32, #tpu.memory_space<vmem>> -> memref<128xi32, #tpu.memory_space<vmem>>
      %dma_wait3A_675 = arith.constant 0 : i32
      %dma_wait3A_676 = arith.constant 0 : i32
      %dma_wait3A_677 = tpu.memref_slice %arg15[%dma_wait3A_675, %dma_wait3A_676] : memref<10240x32xf32, #tpu.memory_space<vmem_shared>> -> memref<10240x32xf32, #tpu.memory_space<vmem_shared>>
      tpu.wait_indirect_dma semaphore(%arg22 : memref<!tpu.dma_semaphore, #tpu.memory_space<semaphore_mem>>) src(%arg9 : memref<128x32xf32, #tpu.memory_space<vmem>>) dst(%dma_wait3A_677 : memref<10240x32xf32, #tpu.memory_space<vmem_shared>>)
      %add3A_678 = arith.constant 3 : i32
      %add3A_679 = arith.addi %add3A_658, %add3A_678 : i32
      %dma_start3A_680 = arith.constant 0 : i32
      %dma_start3A_681 = tpu.memref_slice %arg6[%add3A_679, %dma_start3A_680] : memref<165x128xi32, #tpu.memory_space<vmem>> -> memref<1x128xi32, #tpu.memory_space<vmem>>
      %dma_start3A_682 = tpu.memref_squeeze %dma_start3A_681 : memref<1x128xi32, #tpu.memory_space<vmem>> -> memref<128xi32, #tpu.memory_space<vmem>>
      %dma_start3A_683 = arith.constant 0 : i32
      %dma_start3A_684 = arith.constant 0 : i32
      %dma_start3A_685 = tpu.memref_slice %arg14[%dma_start3A_683, %dma_start3A_684] : memref<10240x32xf32, #tpu.memory_space<vmem_shared>> -> memref<10240x32xf32, #tpu.memory_space<vmem_shared>>
      tpu.enqueue_indirect_dma source(%dma_start3A_685 : memref<10240x32xf32, #tpu.memory_space<vmem_shared>>) target(%arg9 : memref<128x32xf32, #tpu.memory_space<vmem>>) offsets(%dma_start3A_682 : memref<128xi32, #tpu.memory_space<vmem>>) semaphore(%arg17 : memref<!tpu.dma_semaphore, #tpu.memory_space<semaphore_mem>>)
      %mul3A_686 = arith.constant 5 : i32
      %mul3A_687 = arith.muli %scan3A_560, %mul3A_686 : i32
      %add3A_688 = arith.constant 4 : i32
      %add3A_689 = arith.addi %mul3A_687, %add3A_688 : i32
      %dma_wait3A_690 = arith.constant 0 : i32
      %dma_wait3A_691 = tpu.memref_slice %arg6[%add3A_689, %dma_wait3A_690] : memref<165x128xi32, #tpu.memory_space<vmem>> -> memref<1x128xi32, #tpu.memory_space<vmem>>
      %dma_wait3A_692 = tpu.memref_squeeze %dma_wait3A_691 : memref<1x128xi32, #tpu.memory_space<vmem>> -> memref<128xi32, #tpu.memory_space<vmem>>
      %dma_wait3A_693 = arith.constant 0 : i32
      %dma_wait3A_694 = arith.constant 0 : i32
      %dma_wait3A_695 = tpu.memref_slice %arg14[%dma_wait3A_693, %dma_wait3A_694] : memref<10240x32xf32, #tpu.memory_space<vmem_shared>> -> memref<10240x32xf32, #tpu.memory_space<vmem_shared>>
      tpu.wait_indirect_dma semaphore(%arg20 : memref<!tpu.dma_semaphore, #tpu.memory_space<semaphore_mem>>) src(%dma_wait3A_695 : memref<10240x32xf32, #tpu.memory_space<vmem_shared>>) dst(%arg12 : memref<128x32xf32, #tpu.memory_space<vmem>>)
      %dma_start3A_696 = arith.constant 0 : i32
      %dma_start3A_697 = tpu.memref_slice %arg7[%add3A_689, %dma_start3A_696] : memref<160x128xi32, #tpu.memory_space<vmem>> -> memref<1x128xi32, #tpu.memory_space<vmem>>
      %dma_start3A_698 = tpu.memref_squeeze %dma_start3A_697 : memref<1x128xi32, #tpu.memory_space<vmem>> -> memref<128xi32, #tpu.memory_space<vmem>>
      %dma_start3A_699 = arith.constant 0 : i32
      %dma_start3A_700 = arith.constant 0 : i32
      %dma_start3A_701 = tpu.memref_slice %arg15[%dma_start3A_699, %dma_start3A_700] : memref<10240x32xf32, #tpu.memory_space<vmem_shared>> -> memref<10240x32xf32, #tpu.memory_space<vmem_shared>>
      tpu.enqueue_indirect_dma source(%arg12 : memref<128x32xf32, #tpu.memory_space<vmem>>) target(%dma_start3A_701 : memref<10240x32xf32, #tpu.memory_space<vmem_shared>>) offsets(%dma_start3A_698 : memref<128xi32, #tpu.memory_space<vmem>>) semaphore(%arg25 : memref<!tpu.dma_semaphore, #tpu.memory_space<semaphore_mem>>) {add = true}
      %dma_wait3A_702 = arith.constant 0 : i32
      %dma_wait3A_703 = arith.constant 0 : i32
      %dma_wait3A_704 = tpu.memref_slice %arg7[%dma_wait3A_702, %dma_wait3A_703] : memref<160x128xi32, #tpu.memory_space<vmem>> -> memref<1x128xi32, #tpu.memory_space<vmem>>
      %dma_wait3A_705 = tpu.memref_squeeze %dma_wait3A_704 : memref<1x128xi32, #tpu.memory_space<vmem>> -> memref<128xi32, #tpu.memory_space<vmem>>
      %dma_wait3A_706 = arith.constant 0 : i32
      %dma_wait3A_707 = arith.constant 0 : i32
      %dma_wait3A_708 = tpu.memref_slice %arg15[%dma_wait3A_706, %dma_wait3A_707] : memref<10240x32xf32, #tpu.memory_space<vmem_shared>> -> memref<10240x32xf32, #tpu.memory_space<vmem_shared>>
      tpu.wait_indirect_dma semaphore(%arg23 : memref<!tpu.dma_semaphore, #tpu.memory_space<semaphore_mem>>) src(%arg10 : memref<128x32xf32, #tpu.memory_space<vmem>>) dst(%dma_wait3A_708 : memref<10240x32xf32, #tpu.memory_space<vmem_shared>>)
      %add3A_709 = arith.constant 3 : i32
      %add3A_710 = arith.addi %add3A_689, %add3A_709 : i32
      %dma_start3A_711 = arith.constant 0 : i32
      %dma_start3A_712 = tpu.memref_slice %arg6[%add3A_710, %dma_start3A_711] : memref<165x128xi32, #tpu.memory_space<vmem>> -> memref<1x128xi32, #tpu.memory_space<vmem>>
      %dma_start3A_713 = tpu.memref_squeeze %dma_start3A_712 : memref<1x128xi32, #tpu.memory_space<vmem>> -> memref<128xi32, #tpu.memory_space<vmem>>
      %dma_start3A_714 = arith.constant 0 : i32
      %dma_start3A_715 = arith.constant 0 : i32
      %dma_start3A_716 = tpu.memref_slice %arg14[%dma_start3A_714, %dma_start3A_715] : memref<10240x32xf32, #tpu.memory_space<vmem_shared>> -> memref<10240x32xf32, #tpu.memory_space<vmem_shared>>
      tpu.enqueue_indirect_dma source(%dma_start3A_716 : memref<10240x32xf32, #tpu.memory_space<vmem_shared>>) target(%arg10 : memref<128x32xf32, #tpu.memory_space<vmem>>) offsets(%dma_start3A_713 : memref<128xi32, #tpu.memory_space<vmem>>) semaphore(%arg18 : memref<!tpu.dma_semaphore, #tpu.memory_space<semaphore_mem>>)
      %scan3A_717 = arith.constant 0 : i32
      scf.yield %scan3A_717 : i32
    }
    %scan3A_483 = arith.constant 31 : i32
    %dma_wait3A_484 = arith.constant 160 : i32
    %dma_wait3A_485 = arith.constant 0 : i32
    %dma_wait3A_486 = tpu.memref_slice %arg6[%dma_wait3A_484, %dma_wait3A_485] : memref<165x128xi32, #tpu.memory_space<vmem>> -> memref<1x128xi32, #tpu.memory_space<vmem>>
    %dma_wait3A_487 = tpu.memref_squeeze %dma_wait3A_486 : memref<1x128xi32, #tpu.memory_space<vmem>> -> memref<128xi32, #tpu.memory_space<vmem>>
    %dma_wait3A_488 = arith.constant 0 : i32
    %dma_wait3A_489 = arith.constant 0 : i32
    %dma_wait3A_490 = tpu.memref_slice %arg14[%dma_wait3A_488, %dma_wait3A_489] : memref<10240x32xf32, #tpu.memory_space<vmem_shared>> -> memref<10240x32xf32, #tpu.memory_space<vmem_shared>>
    tpu.wait_indirect_dma semaphore(%arg16 : memref<!tpu.dma_semaphore, #tpu.memory_space<semaphore_mem>>) src(%dma_wait3A_490 : memref<10240x32xf32, #tpu.memory_space<vmem_shared>>) dst(%arg8 : memref<128x32xf32, #tpu.memory_space<vmem>>)
    %dma_wait3A_491 = arith.constant 161 : i32
    %dma_wait3A_492 = arith.constant 0 : i32
    %dma_wait3A_493 = tpu.memref_slice %arg6[%dma_wait3A_491, %dma_wait3A_492] : memref<165x128xi32, #tpu.memory_space<vmem>> -> memref<1x128xi32, #tpu.memory_space<vmem>>
    %dma_wait3A_494 = tpu.memref_squeeze %dma_wait3A_493 : memref<1x128xi32, #tpu.memory_space<vmem>> -> memref<128xi32, #tpu.memory_space<vmem>>
    %dma_wait3A_495 = arith.constant 0 : i32
    %dma_wait3A_496 = arith.constant 0 : i32
    %dma_wait3A_497 = tpu.memref_slice %arg14[%dma_wait3A_495, %dma_wait3A_496] : memref<10240x32xf32, #tpu.memory_space<vmem_shared>> -> memref<10240x32xf32, #tpu.memory_space<vmem_shared>>
    tpu.wait_indirect_dma semaphore(%arg17 : memref<!tpu.dma_semaphore, #tpu.memory_space<semaphore_mem>>) src(%dma_wait3A_497 : memref<10240x32xf32, #tpu.memory_space<vmem_shared>>) dst(%arg9 : memref<128x32xf32, #tpu.memory_space<vmem>>)
    %dma_wait3A_498 = arith.constant 162 : i32
    %dma_wait3A_499 = arith.constant 0 : i32
    %dma_wait3A_500 = tpu.memref_slice %arg6[%dma_wait3A_498, %dma_wait3A_499] : memref<165x128xi32, #tpu.memory_space<vmem>> -> memref<1x128xi32, #tpu.memory_space<vmem>>
    %dma_wait3A_501 = tpu.memref_squeeze %dma_wait3A_500 : memref<1x128xi32, #tpu.memory_space<vmem>> -> memref<128xi32, #tpu.memory_space<vmem>>
    %dma_wait3A_502 = arith.constant 0 : i32
    %dma_wait3A_503 = arith.constant 0 : i32
    %dma_wait3A_504 = tpu.memref_slice %arg14[%dma_wait3A_502, %dma_wait3A_503] : memref<10240x32xf32, #tpu.memory_space<vmem_shared>> -> memref<10240x32xf32, #tpu.memory_space<vmem_shared>>
    tpu.wait_indirect_dma semaphore(%arg18 : memref<!tpu.dma_semaphore, #tpu.memory_space<semaphore_mem>>) src(%dma_wait3A_504 : memref<10240x32xf32, #tpu.memory_space<vmem_shared>>) dst(%arg10 : memref<128x32xf32, #tpu.memory_space<vmem>>)
    %dma_wait3A_505 = arith.constant 0 : i32
    %dma_wait3A_506 = arith.constant 0 : i32
    %dma_wait3A_507 = tpu.memref_slice %arg7[%dma_wait3A_505, %dma_wait3A_506] : memref<160x128xi32, #tpu.memory_space<vmem>> -> memref<1x128xi32, #tpu.memory_space<vmem>>
    %dma_wait3A_508 = tpu.memref_squeeze %dma_wait3A_507 : memref<1x128xi32, #tpu.memory_space<vmem>> -> memref<128xi32, #tpu.memory_space<vmem>>
    %dma_wait3A_509 = arith.constant 0 : i32
    %dma_wait3A_510 = arith.constant 0 : i32
    %dma_wait3A_511 = tpu.memref_slice %arg15[%dma_wait3A_509, %dma_wait3A_510] : memref<10240x32xf32, #tpu.memory_space<vmem_shared>> -> memref<10240x32xf32, #tpu.memory_space<vmem_shared>>
    tpu.wait_indirect_dma semaphore(%arg24 : memref<!tpu.dma_semaphore, #tpu.memory_space<semaphore_mem>>) src(%arg11 : memref<128x32xf32, #tpu.memory_space<vmem>>) dst(%dma_wait3A_511 : memref<10240x32xf32, #tpu.memory_space<vmem_shared>>)
    %dma_wait3A_512 = arith.constant 0 : i32
    %dma_wait3A_513 = arith.constant 0 : i32
    %dma_wait3A_514 = tpu.memref_slice %arg7[%dma_wait3A_512, %dma_wait3A_513] : memref<160x128xi32, #tpu.memory_space<vmem>> -> memref<1x128xi32, #tpu.memory_space<vmem>>
    %dma_wait3A_515 = tpu.memref_squeeze %dma_wait3A_514 : memref<1x128xi32, #tpu.memory_space<vmem>> -> memref<128xi32, #tpu.memory_space<vmem>>
    %dma_wait3A_516 = arith.constant 0 : i32
    %dma_wait3A_517 = arith.constant 0 : i32
    %dma_wait3A_518 = tpu.memref_slice %arg15[%dma_wait3A_516, %dma_wait3A_517] : memref<10240x32xf32, #tpu.memory_space<vmem_shared>> -> memref<10240x32xf32, #tpu.memory_space<vmem_shared>>
    tpu.wait_indirect_dma semaphore(%arg25 : memref<!tpu.dma_semaphore, #tpu.memory_space<semaphore_mem>>) src(%arg12 : memref<128x32xf32, #tpu.memory_space<vmem>>) dst(%dma_wait3A_518 : memref<10240x32xf32, #tpu.memory_space<vmem_shared>>)
    %barrier3A_519 = arith.constant 0 : index
    tpu.barrier barrier_id(%barrier3A_519)
    %mul3A_520 = arith.constant 5 : i32
    %mul3A_521 = arith.muli %arg1, %mul3A_520 : i32
    %add3A_522 = arith.constant 0 : i32
    %add3A_523 = arith.addi %mul3A_521, %add3A_522 : i32
    %mul3A_524 = arith.constant 128 : i32
    %mul3A_525 = arith.muli %add3A_523, %mul3A_524 : i32
    %mul3A_526 = arith.constant 32 : i32
    %mul3A_527 = arith.muli %add3A_282, %mul3A_526 : i32
    "tpu.region"() ({
      %run_scoped3A = tpu.sem_alloc : memref<!tpu.dma_semaphore, #tpu.memory_space<semaphore_mem>>
      %dma_start3A_560 = tpu.memref_slice %arg5[%mul3A_525, %mul3A_527] : memref<10240x128xf32, #tpu.memory_space<hbm>> -> memref<128x32xf32, #tpu.memory_space<hbm>>
      %dma_start3A_561 = arith.constant 0 : i32
      %dma_start3A_562 = tpu.memref_slice %arg15[%mul3A_525, %dma_start3A_561] : memref<10240x32xf32, #tpu.memory_space<vmem_shared>> -> memref<128x32xf32, #tpu.memory_space<vmem_shared>>
      tpu.enqueue_dma source(%dma_start3A_562 : memref<128x32xf32, #tpu.memory_space<vmem_shared>>) target(%dma_start3A_560 : memref<128x32xf32, #tpu.memory_space<hbm>>) target_semaphore(%run_scoped3A : memref<!tpu.dma_semaphore, #tpu.memory_space<semaphore_mem>>)
      %dma_wait3A_563 = tpu.memref_slice %arg5[%mul3A_525, %mul3A_527] : memref<10240x128xf32, #tpu.memory_space<hbm>> -> memref<128x32xf32, #tpu.memory_space<hbm>>
      %dma_wait3A_564 = arith.constant 0 : i32
      %dma_wait3A_565 = tpu.memref_slice %arg15[%mul3A_525, %dma_wait3A_564] : memref<10240x32xf32, #tpu.memory_space<vmem_shared>> -> memref<128x32xf32, #tpu.memory_space<vmem_shared>>
      tpu.wait_dma2 semaphore(%run_scoped3A : memref<!tpu.dma_semaphore, #tpu.memory_space<semaphore_mem>>) src(%dma_wait3A_565 : memref<128x32xf32, #tpu.memory_space<vmem_shared>>) dst(%dma_wait3A_563 : memref<128x32xf32, #tpu.memory_space<hbm>>)
      tpu.yield
    }) : () -> ()
    %mul3A_528 = arith.constant 5 : i32
    %mul3A_529 = arith.muli %arg1, %mul3A_528 : i32
    %add3A_530 = arith.constant 1 : i32
    %add3A_531 = arith.addi %mul3A_529, %add3A_530 : i32
    %mul3A_532 = arith.constant 128 : i32
    %mul3A_533 = arith.muli %add3A_531, %mul3A_532 : i32
    %mul3A_534 = arith.constant 32 : i32
    %mul3A_535 = arith.muli %add3A_282, %mul3A_534 : i32
    "tpu.region"() ({
      %run_scoped3A = tpu.sem_alloc : memref<!tpu.dma_semaphore, #tpu.memory_space<semaphore_mem>>
      %dma_start3A_560 = tpu.memref_slice %arg5[%mul3A_533, %mul3A_535] : memref<10240x128xf32, #tpu.memory_space<hbm>> -> memref<128x32xf32, #tpu.memory_space<hbm>>
      %dma_start3A_561 = arith.constant 0 : i32
      %dma_start3A_562 = tpu.memref_slice %arg15[%mul3A_533, %dma_start3A_561] : memref<10240x32xf32, #tpu.memory_space<vmem_shared>> -> memref<128x32xf32, #tpu.memory_space<vmem_shared>>
      tpu.enqueue_dma source(%dma_start3A_562 : memref<128x32xf32, #tpu.memory_space<vmem_shared>>) target(%dma_start3A_560 : memref<128x32xf32, #tpu.memory_space<hbm>>) target_semaphore(%run_scoped3A : memref<!tpu.dma_semaphore, #tpu.memory_space<semaphore_mem>>)
      %dma_wait3A_563 = tpu.memref_slice %arg5[%mul3A_533, %mul3A_535] : memref<10240x128xf32, #tpu.memory_space<hbm>> -> memref<128x32xf32, #tpu.memory_space<hbm>>
      %dma_wait3A_564 = arith.constant 0 : i32
      %dma_wait3A_565 = tpu.memref_slice %arg15[%mul3A_533, %dma_wait3A_564] : memref<10240x32xf32, #tpu.memory_space<vmem_shared>> -> memref<128x32xf32, #tpu.memory_space<vmem_shared>>
      tpu.wait_dma2 semaphore(%run_scoped3A : memref<!tpu.dma_semaphore, #tpu.memory_space<semaphore_mem>>) src(%dma_wait3A_565 : memref<128x32xf32, #tpu.memory_space<vmem_shared>>) dst(%dma_wait3A_563 : memref<128x32xf32, #tpu.memory_space<hbm>>)
      tpu.yield
    }) : () -> ()
    %mul3A_536 = arith.constant 5 : i32
    %mul3A_537 = arith.muli %arg1, %mul3A_536 : i32
    %add3A_538 = arith.constant 2 : i32
    %add3A_539 = arith.addi %mul3A_537, %add3A_538 : i32
    %mul3A_540 = arith.constant 128 : i32
    %mul3A_541 = arith.muli %add3A_539, %mul3A_540 : i32
    %mul3A_542 = arith.constant 32 : i32
    %mul3A_543 = arith.muli %add3A_282, %mul3A_542 : i32
    "tpu.region"() ({
      %run_scoped3A = tpu.sem_alloc : memref<!tpu.dma_semaphore, #tpu.memory_space<semaphore_mem>>
      %dma_start3A_560 = tpu.memref_slice %arg5[%mul3A_541, %mul3A_543] : memref<10240x128xf32, #tpu.memory_space<hbm>> -> memref<128x32xf32, #tpu.memory_space<hbm>>
      %dma_start3A_561 = arith.constant 0 : i32
      %dma_start3A_562 = tpu.memref_slice %arg15[%mul3A_541, %dma_start3A_561] : memref<10240x32xf32, #tpu.memory_space<vmem_shared>> -> memref<128x32xf32, #tpu.memory_space<vmem_shared>>
      tpu.enqueue_dma source(%dma_start3A_562 : memref<128x32xf32, #tpu.memory_space<vmem_shared>>) target(%dma_start3A_560 : memref<128x32xf32, #tpu.memory_space<hbm>>) target_semaphore(%run_scoped3A : memref<!tpu.dma_semaphore, #tpu.memory_space<semaphore_mem>>)
      %dma_wait3A_563 = tpu.memref_slice %arg5[%mul3A_541, %mul3A_543] : memref<10240x128xf32, #tpu.memory_space<hbm>> -> memref<128x32xf32, #tpu.memory_space<hbm>>
      %dma_wait3A_564 = arith.constant 0 : i32
      %dma_wait3A_565 = tpu.memref_slice %arg15[%mul3A_541, %dma_wait3A_564] : memref<10240x32xf32, #tpu.memory_space<vmem_shared>> -> memref<128x32xf32, #tpu.memory_space<vmem_shared>>
      tpu.wait_dma2 semaphore(%run_scoped3A : memref<!tpu.dma_semaphore, #tpu.memory_space<semaphore_mem>>) src(%dma_wait3A_565 : memref<128x32xf32, #tpu.memory_space<vmem_shared>>) dst(%dma_wait3A_563 : memref<128x32xf32, #tpu.memory_space<hbm>>)
      tpu.yield
    }) : () -> ()
    %mul3A_544 = arith.constant 5 : i32
    %mul3A_545 = arith.muli %arg1, %mul3A_544 : i32
    %add3A_546 = arith.constant 3 : i32
    %add3A_547 = arith.addi %mul3A_545, %add3A_546 : i32
    %mul3A_548 = arith.constant 128 : i32
    %mul3A_549 = arith.muli %add3A_547, %mul3A_548 : i32
    %mul3A_550 = arith.constant 32 : i32
    %mul3A_551 = arith.muli %add3A_282, %mul3A_550 : i32
    "tpu.region"() ({
      %run_scoped3A = tpu.sem_alloc : memref<!tpu.dma_semaphore, #tpu.memory_space<semaphore_mem>>
      %dma_start3A_560 = tpu.memref_slice %arg5[%mul3A_549, %mul3A_551] : memref<10240x128xf32, #tpu.memory_space<hbm>> -> memref<128x32xf32, #tpu.memory_space<hbm>>
      %dma_start3A_561 = arith.constant 0 : i32
      %dma_start3A_562 = tpu.memref_slice %arg15[%mul3A_549, %dma_start3A_561] : memref<10240x32xf32, #tpu.memory_space<vmem_shared>> -> memref<128x32xf32, #tpu.memory_space<vmem_shared>>
      tpu.enqueue_dma source(%dma_start3A_562 : memref<128x32xf32, #tpu.memory_space<vmem_shared>>) target(%dma_start3A_560 : memref<128x32xf32, #tpu.memory_space<hbm>>) target_semaphore(%run_scoped3A : memref<!tpu.dma_semaphore, #tpu.memory_space<semaphore_mem>>)
      %dma_wait3A_563 = tpu.memref_slice %arg5[%mul3A_549, %mul3A_551] : memref<10240x128xf32, #tpu.memory_space<hbm>> -> memref<128x32xf32, #tpu.memory_space<hbm>>
      %dma_wait3A_564 = arith.constant 0 : i32
      %dma_wait3A_565 = tpu.memref_slice %arg15[%mul3A_549, %dma_wait3A_564] : memref<10240x32xf32, #tpu.memory_space<vmem_shared>> -> memref<128x32xf32, #tpu.memory_space<vmem_shared>>
      tpu.wait_dma2 semaphore(%run_scoped3A : memref<!tpu.dma_semaphore, #tpu.memory_space<semaphore_mem>>) src(%dma_wait3A_565 : memref<128x32xf32, #tpu.memory_space<vmem_shared>>) dst(%dma_wait3A_563 : memref<128x32xf32, #tpu.memory_space<hbm>>)
      tpu.yield
    }) : () -> ()
    %mul3A_552 = arith.constant 5 : i32
    %mul3A_553 = arith.muli %arg1, %mul3A_552 : i32
    %add3A_554 = arith.constant 4 : i32
    %add3A_555 = arith.addi %mul3A_553, %add3A_554 : i32
    %mul3A_556 = arith.constant 128 : i32
    %mul3A_557 = arith.muli %add3A_555, %mul3A_556 : i32
    %mul3A_558 = arith.constant 32 : i32
    %mul3A_559 = arith.muli %add3A_282, %mul3A_558 : i32
    "tpu.region"() ({
      %run_scoped3A = tpu.sem_alloc : memref<!tpu.dma_semaphore, #tpu.memory_space<semaphore_mem>>
      %dma_start3A_560 = tpu.memref_slice %arg5[%mul3A_557, %mul3A_559] : memref<10240x128xf32, #tpu.memory_space<hbm>> -> memref<128x32xf32, #tpu.memory_space<hbm>>
      %dma_start3A_561 = arith.constant 0 : i32
      %dma_start3A_562 = tpu.memref_slice %arg15[%mul3A_557, %dma_start3A_561] : memref<10240x32xf32, #tpu.memory_space<vmem_shared>> -> memref<128x32xf32, #tpu.memory_space<vmem_shared>>
      tpu.enqueue_dma source(%dma_start3A_562 : memref<128x32xf32, #tpu.memory_space<vmem_shared>>) target(%dma_start3A_560 : memref<128x32xf32, #tpu.memory_space<hbm>>) target_semaphore(%run_scoped3A : memref<!tpu.dma_semaphore, #tpu.memory_space<semaphore_mem>>)
      %dma_wait3A_563 = tpu.memref_slice %arg5[%mul3A_557, %mul3A_559] : memref<10240x128xf32, #tpu.memory_space<hbm>> -> memref<128x32xf32, #tpu.memory_space<hbm>>
      %dma_wait3A_564 = arith.constant 0 : i32
      %dma_wait3A_565 = tpu.memref_slice %arg15[%mul3A_557, %dma_wait3A_564] : memref<10240x32xf32, #tpu.memory_space<vmem_shared>> -> memref<128x32xf32, #tpu.memory_space<vmem_shared>>
      tpu.wait_dma2 semaphore(%run_scoped3A : memref<!tpu.dma_semaphore, #tpu.memory_space<semaphore_mem>>) src(%dma_wait3A_565 : memref<128x32xf32, #tpu.memory_space<vmem_shared>>) dst(%dma_wait3A_563 : memref<128x32xf32, #tpu.memory_space<hbm>>)
      tpu.yield
    }) : () -> ()
    return
  }
}

module attributes {stable_mosaic.version = 14 : i64} {
  func.func @_tc1_body(%arg0: i32, %arg1: memref<1000x128xf32, #tpu.memory_space<vmem>>, %arg2: memref<128x128xf32, #tpu.memory_space<vmem>>, %arg3: memref<128x128xf32, #tpu.memory_space<vmem>>, %arg4: memref<1000x128xf32, #tpu.memory_space<vmem>>, %arg5: memref<1000x128xf32, #tpu.memory_space<vmem>>) attributes {dimension_semantics = [#tpu.dimension_semantics<arbitrary>], iteration_bounds = array<i64: 10>, scalar_prefetch = 0 : i64, scratch_operands = 0 : i64, tpu.core_type = #tpu.core_type<tc>, window_params = [{transform_indices = @transform_0, window_bounds = array<i64: 1000, 128>}, {pipeline_mode = #tpu.pipeline_mode<synchronous>, transform_indices = @transform_1, window_bounds = array<i64: 128, 128>}, {pipeline_mode = #tpu.pipeline_mode<synchronous>, transform_indices = @transform_2, window_bounds = array<i64: 128, 128>}, {transform_indices = @transform_3, window_bounds = array<i64: 1000, 128>}, {transform_indices = @transform_4, window_bounds = array<i64: 1000, 128>}]} {
    %get3A = arith.constant 0 : index
    %get3A_0 = arith.constant 0 : index
    %get3A_1 = vector.load %arg1[%get3A, %get3A_0] : memref<1000x128xf32, #tpu.memory_space<vmem>>, vector<1000x128xf32>
    %get3A_2 = arith.constant 0 : index
    %get3A_3 = arith.constant 0 : index
    %get3A_4 = vector.load %arg2[%get3A_2, %get3A_3] : memref<128x128xf32, #tpu.memory_space<vmem>>, vector<128x128xf32>
    %dot_general3A = arith.constant dense<0.000000e+00> : vector<1000x128xf32>
    %dot_general3A_5 = tpu.matmul %get3A_1, %get3A_4, %dot_general3A {dimension_numbers = #tpu.dot_dimension_numbers<[1], [0], [0], [1], [0, 0, 1, 1], [], []>, transpose_lhs_hint = false} : vector<1000x128xf32>, vector<128x128xf32>, vector<1000x128xf32> -> vector<1000x128xf32>
    %swap3A = arith.constant 0 : index
    %swap3A_6 = arith.constant 0 : index
    %swap3A_7 = vector.load %arg4[%swap3A, %swap3A_6] : memref<1000x128xf32, #tpu.memory_space<vmem>>, vector<1000x128xf32>
    tpu.vector_store %arg4[%swap3A, %swap3A_6], %dot_general3A_5 {strides = array<i32>} : memref<1000x128xf32, #tpu.memory_space<vmem>>, vector<1000x128xf32>,
    %get3A_8 = arith.constant 0 : index
    %get3A_9 = arith.constant 0 : index
    %get3A_10 = vector.load %arg3[%get3A_8, %get3A_9] : memref<128x128xf32, #tpu.memory_space<vmem>>, vector<128x128xf32>
    %dot_general3A_11 = arith.constant dense<0.000000e+00> : vector<1000x128xf32>
    %dot_general3A_12 = tpu.matmul %get3A_1, %get3A_10, %dot_general3A_11 {dimension_numbers = #tpu.dot_dimension_numbers<[1], [0], [0], [1], [0, 0, 1, 1], [], []>, transpose_lhs_hint = false} : vector<1000x128xf32>, vector<128x128xf32>, vector<1000x128xf32> -> vector<1000x128xf32>
    %swap3A_13 = arith.constant 0 : index
    %swap3A_14 = arith.constant 0 : index
    %swap3A_15 = vector.load %arg5[%swap3A_13, %swap3A_14] : memref<1000x128xf32, #tpu.memory_space<vmem>>, vector<1000x128xf32>
    tpu.vector_store %arg5[%swap3A_13, %swap3A_14], %dot_general3A_12 {strides = array<i32>} : memref<1000x128xf32, #tpu.memory_space<vmem>>, vector<1000x128xf32>,
    return
  }
  func.func @transform_0(%arg0: i32) -> (i32, i32) {
    %c0_i32 = arith.constant 0 : i32
    %c0_i32_0 = arith.constant 0 : i32
    return %arg0, %c0_i32 : i32, i32
  }
  func.func @transform_1(%arg0: i32) -> (i32, i32) {
    %c0_i32 = arith.constant 0 : i32
    %c0_i32_0 = arith.constant 0 : i32
    %c0_i32_1 = arith.constant 0 : i32
    return %c0_i32, %c0_i32_0 : i32, i32
  }
  func.func @transform_2(%arg0: i32) -> (i32, i32) {
    %c0_i32 = arith.constant 0 : i32
    %c0_i32_0 = arith.constant 0 : i32
    %c0_i32_1 = arith.constant 0 : i32
    return %c0_i32, %c0_i32_0 : i32, i32
  }
  func.func @transform_3(%arg0: i32) -> (i32, i32) {
    %c0_i32 = arith.constant 0 : i32
    %c0_i32_0 = arith.constant 0 : i32
    return %arg0, %c0_i32 : i32, i32
  }
  func.func @transform_4(%arg0: i32) -> (i32, i32) {
    %c0_i32 = arith.constant 0 : i32
    %c0_i32_0 = arith.constant 0 : i32
    return %arg0, %c0_i32 : i32, i32
  }
}

module attributes {stable_mosaic.version = 14 : i64} {
  func.func @_tc2_body(%arg0: i32, %arg1: memref<1000x128xf32, #tpu.memory_space<vmem>>, %arg2: memref<1000x128xf32, #tpu.memory_space<vmem>>, %arg3: memref<2x1000x16xf32, #tpu.memory_space<vmem>>, %arg4: memref<128x128xf32, #tpu.memory_space<vmem>>, %arg5: memref<128x128xf32, #tpu.memory_space<vmem>>, %arg6: memref<1000x128xf32, #tpu.memory_space<vmem>>, %arg7: memref<1000x128xf32, #tpu.memory_space<vmem>>) attributes {dimension_semantics = [#tpu.dimension_semantics<arbitrary>], iteration_bounds = array<i64: 10>, scalar_prefetch = 0 : i64, scratch_operands = 0 : i64, tpu.core_type = #tpu.core_type<tc>, window_params = [{transform_indices = @transform_0, window_bounds = array<i64: 1000, 128>}, {transform_indices = @transform_1, window_bounds = array<i64: 1000, 128>}, {transform_indices = @transform_2, window_bounds = array<i64: 2, 1000, 16>}, {pipeline_mode = #tpu.pipeline_mode<synchronous>, transform_indices = @transform_3, window_bounds = array<i64: 128, 128>}, {pipeline_mode = #tpu.pipeline_mode<synchronous>, transform_indices = @transform_4, window_bounds = array<i64: 128, 128>}, {transform_indices = @transform_5, window_bounds = array<i64: 1000, 128>}, {transform_indices = @transform_6, window_bounds = array<i64: 1000, 128>}]} {
    %get3A = arith.constant 0 : index
    %get3A_0 = arith.constant 0 : index
    %get3A_1 = arith.constant 0 : index
    %get3A_2 = vector.load %arg3[%get3A, %get3A_0, %get3A_1] : memref<2x1000x16xf32, #tpu.memory_space<vmem>>, vector<1x1000x1xf32>
    %get3A_3 = vector.shape_cast %get3A_2 : vector<1x1000x1xf32> to vector<1000x1xf32>
    %get3A_4 = arith.constant 1 : index
    %get3A_5 = arith.constant 0 : index
    %get3A_6 = arith.constant 0 : index
    %get3A_7 = vector.load %arg3[%get3A_4, %get3A_5, %get3A_6] : memref<2x1000x16xf32, #tpu.memory_space<vmem>>, vector<1x1000x1xf32>
    %get3A_8 = vector.shape_cast %get3A_7 : vector<1x1000x1xf32> to vector<1000x1xf32>
    %add3A = arith.addf %get3A_3, %get3A_8 : vector<1000x1xf32>
    %get3A_9 = arith.constant 0 : index
    %get3A_10 = arith.constant 0 : index
    %get3A_11 = vector.load %arg1[%get3A_9, %get3A_10] : memref<1000x128xf32, #tpu.memory_space<vmem>>, vector<1000x128xf32>
    %get3A_12 = arith.constant 0 : index
    %get3A_13 = arith.constant 0 : index
    %get3A_14 = vector.load %arg2[%get3A_12, %get3A_13] : memref<1000x128xf32, #tpu.memory_space<vmem>>, vector<1000x128xf32>
    %max3A = arith.constant 1.000000e+00 : f32
    %max3A_15 = vector.broadcast %max3A : f32 to vector<1000x1xf32>
    %max3A_16 = arith.maximumf %add3A, %max3A_15 : vector<1000x1xf32>
    %div3A = vector.broadcast %max3A_16 : vector<1000x1xf32> to vector<1000x128xf32>
    %div3A_17 = arith.divf %get3A_14, %div3A : vector<1000x128xf32>
    %add3A_18 = arith.addf %get3A_11, %div3A_17 : vector<1000x128xf32>
    %gt3A = arith.constant 0.000000e+00 : f32
    %gt3A_19 = vector.broadcast %gt3A : f32 to vector<1000x128xf32>
    %gt3A_20 = arith.cmpf ogt, %add3A_18, %gt3A_19 : vector<1000x128xf32>
    %exp3A = math.exp %add3A_18 : vector<1000x128xf32>
    %sub3A = arith.constant 1.000000e+00 : f32
    %sub3A_21 = vector.broadcast %sub3A : f32 to vector<1000x128xf32>
    %sub3A_22 = arith.subf %exp3A, %sub3A_21 : vector<1000x128xf32>
    %select_n3A = arith.select %gt3A_20, %add3A_18, %sub3A_22 : vector<1000x128xi1>, vector<1000x128xf32>
    %get3A_23 = arith.constant 0 : index
    %get3A_24 = arith.constant 0 : index
    %get3A_25 = vector.load %arg4[%get3A_23, %get3A_24] : memref<128x128xf32, #tpu.memory_space<vmem>>, vector<128x128xf32>
    %dot_general3A = arith.constant dense<0.000000e+00> : vector<1000x128xf32>
    %dot_general3A_26 = tpu.matmul %select_n3A, %get3A_25, %dot_general3A {dimension_numbers = #tpu.dot_dimension_numbers<[1], [0], [0], [1], [0, 0, 1, 1], [], []>, transpose_lhs_hint = false} : vector<1000x128xf32>, vector<128x128xf32>, vector<1000x128xf32> -> vector<1000x128xf32>
    %swap3A = arith.constant 0 : index
    %swap3A_27 = arith.constant 0 : index
    %swap3A_28 = vector.load %arg6[%swap3A, %swap3A_27] : memref<1000x128xf32, #tpu.memory_space<vmem>>, vector<1000x128xf32>
    tpu.vector_store %arg6[%swap3A, %swap3A_27], %dot_general3A_26 {strides = array<i32>} : memref<1000x128xf32, #tpu.memory_space<vmem>>, vector<1000x128xf32>,
    %get3A_29 = arith.constant 0 : index
    %get3A_30 = arith.constant 0 : index
    %get3A_31 = vector.load %arg5[%get3A_29, %get3A_30] : memref<128x128xf32, #tpu.memory_space<vmem>>, vector<128x128xf32>
    %dot_general3A_32 = arith.constant dense<0.000000e+00> : vector<1000x128xf32>
    %dot_general3A_33 = tpu.matmul %select_n3A, %get3A_31, %dot_general3A_32 {dimension_numbers = #tpu.dot_dimension_numbers<[1], [0], [0], [1], [0, 0, 1, 1], [], []>, transpose_lhs_hint = false} : vector<1000x128xf32>, vector<128x128xf32>, vector<1000x128xf32> -> vector<1000x128xf32>
    %swap3A_34 = arith.constant 0 : index
    %swap3A_35 = arith.constant 0 : index
    %swap3A_36 = vector.load %arg7[%swap3A_34, %swap3A_35] : memref<1000x128xf32, #tpu.memory_space<vmem>>, vector<1000x128xf32>
    tpu.vector_store %arg7[%swap3A_34, %swap3A_35], %dot_general3A_33 {strides = array<i32>} : memref<1000x128xf32, #tpu.memory_space<vmem>>, vector<1000x128xf32>,
    return
  }
  func.func @transform_0(%arg0: i32) -> (i32, i32) {
    %c0_i32 = arith.constant 0 : i32
    %c0_i32_0 = arith.constant 0 : i32
    return %arg0, %c0_i32 : i32, i32
  }
  func.func @transform_1(%arg0: i32) -> (i32, i32) {
    %c0_i32 = arith.constant 0 : i32
    %c0_i32_0 = arith.constant 0 : i32
    return %arg0, %c0_i32 : i32, i32
  }
  func.func @transform_2(%arg0: i32) -> (i32, i32, i32) {
    %c0_i32 = arith.constant 0 : i32
    %c0_i32_0 = arith.constant 0 : i32
    %c0_i32_1 = arith.constant 0 : i32
    return %c0_i32, %arg0, %c0_i32_0 : i32, i32, i32
  }
  func.func @transform_3(%arg0: i32) -> (i32, i32) {
    %c0_i32 = arith.constant 0 : i32
    %c0_i32_0 = arith.constant 0 : i32
    %c0_i32_1 = arith.constant 0 : i32
    return %c0_i32, %c0_i32_0 : i32, i32
  }
  func.func @transform_4(%arg0: i32) -> (i32, i32) {
    %c0_i32 = arith.constant 0 : i32
    %c0_i32_0 = arith.constant 0 : i32
    %c0_i32_1 = arith.constant 0 : i32
    return %c0_i32, %c0_i32_0 : i32, i32
  }
  func.func @transform_5(%arg0: i32) -> (i32, i32) {
    %c0_i32 = arith.constant 0 : i32
    %c0_i32_0 = arith.constant 0 : i32
    return %arg0, %c0_i32 : i32, i32
  }
  func.func @transform_6(%arg0: i32) -> (i32, i32) {
    %c0_i32 = arith.constant 0 : i32
    %c0_i32_0 = arith.constant 0 : i32
    return %arg0, %c0_i32 : i32, i32
  }
}

module attributes {stable_mosaic.version = 14 : i64} {
  func.func @_tc3_body(%arg0: i32, %arg1: memref<1000x1xi32, #tpu.memory_space<vmem>>, %arg2: memref<1000x128xf32, #tpu.memory_space<vmem>>, %arg3: memref<1000x128xf32, #tpu.memory_space<vmem>>, %arg4: memref<2x1000x16xf32, #tpu.memory_space<vmem>>, %arg5: memref<1000x128xf32, #tpu.memory_space<vmem>>, %arg6: memref<64x128xf32, #tpu.memory_space<vmem>>) attributes {dimension_semantics = [#tpu.dimension_semantics<arbitrary>], iteration_bounds = array<i64: 10>, scalar_prefetch = 0 : i64, scratch_operands = 0 : i64, tpu.core_type = #tpu.core_type<tc>, window_params = [{transform_indices = @transform_0, window_bounds = array<i64: 1000, 1>}, {transform_indices = @transform_1, window_bounds = array<i64: 1000, 128>}, {transform_indices = @transform_2, window_bounds = array<i64: 1000, 128>}, {transform_indices = @transform_3, window_bounds = array<i64: 2, 1000, 16>}, {transform_indices = @transform_4, window_bounds = array<i64: 1000, 128>}, {pipeline_mode = #tpu.pipeline_mode<synchronous>, transform_indices = @transform_5, window_bounds = array<i64: 64, 128>}]} {
    %get3A = arith.constant 0 : index
    %get3A_0 = arith.constant 0 : index
    %get3A_1 = arith.constant 0 : index
    %get3A_2 = vector.load %arg4[%get3A, %get3A_0, %get3A_1] : memref<2x1000x16xf32, #tpu.memory_space<vmem>>, vector<1x1000x1xf32>
    %get3A_3 = vector.shape_cast %get3A_2 : vector<1x1000x1xf32> to vector<1000x1xf32>
    %get3A_4 = arith.constant 1 : index
    %get3A_5 = arith.constant 0 : index
    %get3A_6 = arith.constant 0 : index
    %get3A_7 = vector.load %arg4[%get3A_4, %get3A_5, %get3A_6] : memref<2x1000x16xf32, #tpu.memory_space<vmem>>, vector<1x1000x1xf32>
    %get3A_8 = vector.shape_cast %get3A_7 : vector<1x1000x1xf32> to vector<1000x1xf32>
    %add3A = arith.addf %get3A_3, %get3A_8 : vector<1000x1xf32>
    %get3A_9 = arith.constant 0 : index
    %get3A_10 = arith.constant 0 : index
    %get3A_11 = vector.load %arg2[%get3A_9, %get3A_10] : memref<1000x128xf32, #tpu.memory_space<vmem>>, vector<1000x128xf32>
    %get3A_12 = arith.constant 0 : index
    %get3A_13 = arith.constant 0 : index
    %get3A_14 = vector.load %arg3[%get3A_12, %get3A_13] : memref<1000x128xf32, #tpu.memory_space<vmem>>, vector<1000x128xf32>
    %max3A = arith.constant 1.000000e+00 : f32
    %max3A_15 = vector.broadcast %max3A : f32 to vector<1000x1xf32>
    %max3A_16 = arith.maximumf %add3A, %max3A_15 : vector<1000x1xf32>
    %div3A = vector.broadcast %max3A_16 : vector<1000x1xf32> to vector<1000x128xf32>
    %div3A_17 = arith.divf %get3A_14, %div3A : vector<1000x128xf32>
    %add3A_18 = arith.addf %get3A_11, %div3A_17 : vector<1000x128xf32>
    %gt3A = arith.constant 0.000000e+00 : f32
    %gt3A_19 = vector.broadcast %gt3A : f32 to vector<1000x128xf32>
    %gt3A_20 = arith.cmpf ogt, %add3A_18, %gt3A_19 : vector<1000x128xf32>
    %exp3A = math.exp %add3A_18 : vector<1000x128xf32>
    %sub3A = arith.constant 1.000000e+00 : f32
    %sub3A_21 = vector.broadcast %sub3A : f32 to vector<1000x128xf32>
    %sub3A_22 = arith.subf %exp3A, %sub3A_21 : vector<1000x128xf32>
    %select_n3A = arith.select %gt3A_20, %add3A_18, %sub3A_22 : vector<1000x128xi1>, vector<1000x128xf32>
    %swap3A = arith.constant 0 : index
    %swap3A_23 = arith.constant 0 : index
    %swap3A_24 = vector.load %arg5[%swap3A, %swap3A_23] : memref<1000x128xf32, #tpu.memory_space<vmem>>, vector<1000x128xf32>
    tpu.vector_store %arg5[%swap3A, %swap3A_23], %select_n3A {strides = array<i32>} : memref<1000x128xf32, #tpu.memory_space<vmem>>, vector<1000x128xf32>,
    %eq3A = arith.constant 0 : i32
    %eq3A_25 = arith.cmpi eq, %arg0, %eq3A : i32
    %convert_element_type3A = arith.extui %eq3A_25 : i1 to i32
    %cond3A = arith.constant 0 : i32
    %cond3A_26 = arith.cmpi ne, %convert_element_type3A, %cond3A : i32
    scf.if %cond3A_26 {
      %broadcast_in_dim3A = arith.constant 0xFF800000 : f32
      %broadcast_in_dim3A_50 = vector.broadcast %broadcast_in_dim3A : f32 to vector<64x128xf32>
      %swap3A_51 = arith.constant 0 : index
      %swap3A_52 = arith.constant 0 : index
      %swap3A_53 = vector.load %arg6[%swap3A_51, %swap3A_52] : memref<64x128xf32, #tpu.memory_space<vmem>>, vector<64x128xf32>
      tpu.vector_store %arg6[%swap3A_51, %swap3A_52], %broadcast_in_dim3A_50 {strides = array<i32>} : memref<64x128xf32, #tpu.memory_space<vmem>>, vector<64x128xf32>,
    } else {
    }
    %get3A_27 = arith.constant 0 : index
    %get3A_28 = arith.constant 0 : index
    %get3A_29 = vector.load %arg1[%get3A_27, %get3A_28] : memref<1000x1xi32, #tpu.memory_space<vmem>>, vector<1000x1xi32>
    %reduce_min3A = vector.shape_cast %get3A_29 : vector<1000x1xi32> to vector<1x1000x1xi32>
    %reduce_min3A_30 = arith.constant dense<2147483647> : vector<1xi32>
    %reduce_min3A_31 = vector.multi_reduction <minsi>, %reduce_min3A, %reduce_min3A_30 [1, 2] : vector<1x1000x1xi32> to vector<1xi32>
    %reduce_min3A_32 = vector.shape_cast %reduce_min3A_31 : vector<1xi32> to vector<1x1x1xi32>
    %reduce_min3A_33 = vector.extract %reduce_min3A_32[0, 0, 0] : i32 from vector<1x1x1xi32>
    %reduce_max3A = vector.shape_cast %get3A_29 : vector<1000x1xi32> to vector<1x1000x1xi32>
    %reduce_max3A_34 = arith.constant dense<-2147483648> : vector<1xi32>
    %reduce_max3A_35 = vector.multi_reduction <maxsi>, %reduce_max3A, %reduce_max3A_34 [1, 2] : vector<1x1000x1xi32> to vector<1xi32>
    %reduce_max3A_36 = vector.shape_cast %reduce_max3A_35 : vector<1xi32> to vector<1x1x1xi32>
    %reduce_max3A_37 = vector.extract %reduce_max3A_36[0, 0, 0] : i32 from vector<1x1x1xi32>
    %add3A_38 = arith.constant 1 : i32
    %add3A_39 = arith.addi %reduce_max3A_37, %add3A_38 : i32
    %while3A = arith.constant 0 : i32
    %while3A_40 = arith.subi %add3A_39, %reduce_min3A_33 : i32
    %while3A_41 = arith.addi %reduce_min3A_33, %while3A_40 : i32
    %while3A_42 = arith.constant 1 : i32
    %while3A_43 = arith.divsi %while3A_40, %while3A_42 : i32
    %while3A_44 = arith.muli %while3A_43, %while3A_42 : i32
    %while3A_45 = arith.addi %reduce_min3A_33, %while3A_44 : i32
    %while3A_46 = arith.constant 1 : i32
    %while3A_47 = scf.for %while3A_50 = %reduce_min3A_33 to %while3A_45 step %while3A_46 iter_args(%while3A_51 = %while3A) -> (i32)  : i32 {
      %eq3A_52 = vector.broadcast %while3A_50 : i32 to vector<1000x1xi32>
      %eq3A_53 = arith.cmpi eq, %get3A_29, %eq3A_52 : vector<1000x1xi32>
      %jit3A = arith.constant 0xFF800000 : f32
      %broadcast_in_dim3A = vector.shape_cast %eq3A_53 : vector<1000x1xi1> to vector<1000x1xi1>
      %broadcast_in_dim3A_54 = vector.broadcast %broadcast_in_dim3A : vector<1000x1xi1> to vector<1000x128xi1>
      %broadcast_in_dim3A_55 = vector.broadcast %jit3A : f32 to vector<1000x128xf32>
      %select_n3A_56 = arith.select %broadcast_in_dim3A_54, %select_n3A, %broadcast_in_dim3A_55 : vector<1000x128xi1>, vector<1000x128xf32>
      %reduce_max3A_57 = arith.constant dense<0xFF800000> : vector<128xf32>
      %reduce_max3A_58 = vector.multi_reduction <maximumf>, %select_n3A_56, %reduce_max3A_57 [0] : vector<1000x128xf32> to vector<128xf32>
      %broadcast_in_dim3A_59 = vector.shape_cast %reduce_max3A_58 : vector<128xf32> to vector<1x128xf32>
      %get3A_60 = arith.index_cast %while3A_50 : i32 to index
      %get3A_61 = arith.constant 0 : index
      %get3A_62 = vector.load %arg6[%get3A_60, %get3A_61] : memref<64x128xf32, #tpu.memory_space<vmem>>, vector<1x128xf32>
      %max3A_63 = arith.maximumf %get3A_62, %broadcast_in_dim3A_59 : vector<1x128xf32>
      %swap3A_64 = arith.index_cast %while3A_50 : i32 to index
      %swap3A_65 = arith.constant 0 : index
      %swap3A_66 = vector.load %arg6[%swap3A_64, %swap3A_65] : memref<64x128xf32, #tpu.memory_space<vmem>>, vector<1x128xf32>
      tpu.vector_store %arg6[%swap3A_64, %swap3A_65], %max3A_63 {strides = array<i32>} : memref<64x128xf32, #tpu.memory_space<vmem>>, vector<1x128xf32>,
      %while3A_67 = arith.constant 0 : i32
      scf.yield %while3A_67 : i32
    }
    %while3A_48 = arith.constant 1 : i32
    %while3A_49 = scf.for %while3A_50 = %while3A_45 to %while3A_41 step %while3A_48 iter_args(%while3A_51 = %while3A_47) -> (i32)  : i32 {
      %eq3A_52 = vector.broadcast %while3A_50 : i32 to vector<1000x1xi32>
      %eq3A_53 = arith.cmpi eq, %get3A_29, %eq3A_52 : vector<1000x1xi32>
      %jit3A = arith.constant 0xFF800000 : f32
      %broadcast_in_dim3A = vector.shape_cast %eq3A_53 : vector<1000x1xi1> to vector<1000x1xi1>
      %broadcast_in_dim3A_54 = vector.broadcast %broadcast_in_dim3A : vector<1000x1xi1> to vector<1000x128xi1>
      %broadcast_in_dim3A_55 = vector.broadcast %jit3A : f32 to vector<1000x128xf32>
      %select_n3A_56 = arith.select %broadcast_in_dim3A_54, %select_n3A, %broadcast_in_dim3A_55 : vector<1000x128xi1>, vector<1000x128xf32>
      %reduce_max3A_57 = arith.constant dense<0xFF800000> : vector<128xf32>
      %reduce_max3A_58 = vector.multi_reduction <maximumf>, %select_n3A_56, %reduce_max3A_57 [0] : vector<1000x128xf32> to vector<128xf32>
      %broadcast_in_dim3A_59 = vector.shape_cast %reduce_max3A_58 : vector<128xf32> to vector<1x128xf32>
      %get3A_60 = arith.index_cast %while3A_50 : i32 to index
      %get3A_61 = arith.constant 0 : index
      %get3A_62 = vector.load %arg6[%get3A_60, %get3A_61] : memref<64x128xf32, #tpu.memory_space<vmem>>, vector<1x128xf32>
      %max3A_63 = arith.maximumf %get3A_62, %broadcast_in_dim3A_59 : vector<1x128xf32>
      %swap3A_64 = arith.index_cast %while3A_50 : i32 to index
      %swap3A_65 = arith.constant 0 : index
      %swap3A_66 = vector.load %arg6[%swap3A_64, %swap3A_65] : memref<64x128xf32, #tpu.memory_space<vmem>>, vector<1x128xf32>
      tpu.vector_store %arg6[%swap3A_64, %swap3A_65], %max3A_63 {strides = array<i32>} : memref<64x128xf32, #tpu.memory_space<vmem>>, vector<1x128xf32>,
      %while3A_67 = arith.constant 0 : i32
      scf.yield %while3A_67 : i32
    }
    return
  }
  func.func @transform_0(%arg0: i32) -> (i32, i32) {
    %c0_i32 = arith.constant 0 : i32
    %c0_i32_0 = arith.constant 0 : i32
    return %arg0, %c0_i32 : i32, i32
  }
  func.func @transform_1(%arg0: i32) -> (i32, i32) {
    %c0_i32 = arith.constant 0 : i32
    %c0_i32_0 = arith.constant 0 : i32
    return %arg0, %c0_i32 : i32, i32
  }
  func.func @transform_2(%arg0: i32) -> (i32, i32) {
    %c0_i32 = arith.constant 0 : i32
    %c0_i32_0 = arith.constant 0 : i32
    return %arg0, %c0_i32 : i32, i32
  }
  func.func @transform_3(%arg0: i32) -> (i32, i32, i32) {
    %c0_i32 = arith.constant 0 : i32
    %c0_i32_0 = arith.constant 0 : i32
    %c0_i32_1 = arith.constant 0 : i32
    return %c0_i32, %arg0, %c0_i32_0 : i32, i32, i32
  }
  func.func @transform_4(%arg0: i32) -> (i32, i32) {
    %c0_i32 = arith.constant 0 : i32
    %c0_i32_0 = arith.constant 0 : i32
    return %arg0, %c0_i32 : i32, i32
  }
  func.func @transform_5(%arg0: i32) -> (i32, i32) {
    %c0_i32 = arith.constant 0 : i32
    %c0_i32_0 = arith.constant 0 : i32
    %c0_i32_1 = arith.constant 0 : i32
    return %c0_i32, %c0_i32_0 : i32, i32
  }
}

module attributes {stable_mosaic.version = 14 : i64} {
  func.func @_tc4_body(%arg0: memref<64x1xi32, #tpu.memory_space<vmem>>, %arg1: memref<64x1xi32, #tpu.memory_space<vmem>>, %arg2: memref<64x128xf32, #tpu.memory_space<vmem>>, %arg3: memref<10000x128xf32, #tpu.memory_space<vmem>>, %arg4: memref<64x1xi32, #tpu.memory_space<vmem>>, %arg5: memref<384x19xf32, #tpu.memory_space<vmem>>, %arg6: memref<1x19xf32, #tpu.memory_space<vmem>>, %arg7: memref<64x1xi32, #tpu.memory_space<vmem>>, %arg8: memref<1x1xf32, #tpu.memory_space<vmem>>) attributes {dimension_semantics = [], scalar_prefetch = 0 : i64, scratch_operands = 0 : i64, tpu.core_type = #tpu.core_type<tc>} {
    %get3A = arith.constant 0 : index
    %get3A_0 = arith.constant 0 : index
    %get3A_1 = vector.load %arg3[%get3A, %get3A_0] : memref<10000x128xf32, #tpu.memory_space<vmem>>, vector<10000x128xf32>
    %iota3A = tpu.iota {dimensions = array<i32: 1>} : vector<64x10000xi32>
    %get3A_2 = arith.constant 0 : index
    %get3A_3 = arith.constant 0 : index
    %get3A_4 = vector.load %arg0[%get3A_2, %get3A_3] : memref<64x1xi32, #tpu.memory_space<vmem>>, vector<64x1xi32>
    %eq3A = vector.broadcast %get3A_4 : vector<64x1xi32> to vector<64x10000xi32>
    %eq3A_5 = arith.cmpi eq, %iota3A, %eq3A : vector<64x10000xi32>
    %convert_element_type3A = arith.extui %eq3A_5 : vector<64x10000xi1> to vector<64x10000xi32>
    %convert_element_type3A_6 = arith.sitofp %convert_element_type3A : vector<64x10000xi32> to vector<64x10000xf32>
    %get3A_7 = arith.constant 0 : index
    %get3A_8 = arith.constant 0 : index
    %get3A_9 = vector.load %arg1[%get3A_7, %get3A_8] : memref<64x1xi32, #tpu.memory_space<vmem>>, vector<64x1xi32>
    %eq3A_10 = vector.broadcast %get3A_9 : vector<64x1xi32> to vector<64x10000xi32>
    %eq3A_11 = arith.cmpi eq, %iota3A, %eq3A_10 : vector<64x10000xi32>
    %convert_element_type3A_12 = arith.extui %eq3A_11 : vector<64x10000xi1> to vector<64x10000xi32>
    %convert_element_type3A_13 = arith.sitofp %convert_element_type3A_12 : vector<64x10000xi32> to vector<64x10000xf32>
    %dot_general3A = arith.constant dense<0.000000e+00> : vector<64x128xf32>
    %dot_general3A_14 = tpu.matmul %convert_element_type3A_6, %get3A_1, %dot_general3A {dimension_numbers = #tpu.dot_dimension_numbers<[1], [0], [0], [1], [0, 0, 1, 1], [], []>, transpose_lhs_hint = false} : vector<64x10000xf32>, vector<10000x128xf32>, vector<64x128xf32> -> vector<64x128xf32>
    %dot_general3A_15 = arith.constant dense<0.000000e+00> : vector<64x128xf32>
    %dot_general3A_16 = tpu.matmul %convert_element_type3A_13, %get3A_1, %dot_general3A_15 {dimension_numbers = #tpu.dot_dimension_numbers<[1], [0], [0], [1], [0, 0, 1, 1], [], []>, transpose_lhs_hint = false} : vector<64x10000xf32>, vector<10000x128xf32>, vector<64x128xf32> -> vector<64x128xf32>
    %get3A_17 = arith.constant 0 : index
    %get3A_18 = arith.constant 0 : index
    %get3A_19 = vector.load %arg2[%get3A_17, %get3A_18] : memref<64x128xf32, #tpu.memory_space<vmem>>, vector<64x128xf32>
    %concatenate3A = tpu.concatenate %get3A_19, %dot_general3A_14, %dot_general3A_16 in 1 : vector<64x128xf32>, vector<64x128xf32>, vector<64x128xf32> -> vector<64x384xf32>
    %get3A_20 = arith.constant 0 : index
    %get3A_21 = arith.constant 0 : index
    %get3A_22 = vector.load %arg5[%get3A_20, %get3A_21] : memref<384x19xf32, #tpu.memory_space<vmem>>, vector<384x19xf32>
    %dot_general3A_23 = arith.constant dense<0.000000e+00> : vector<64x19xf32>
    %dot_general3A_24 = tpu.matmul %concatenate3A, %get3A_22, %dot_general3A_23 {dimension_numbers = #tpu.dot_dimension_numbers<[1], [0], [0], [1], [0, 0, 1, 1], [], []>, transpose_lhs_hint = false} : vector<64x384xf32>, vector<384x19xf32>, vector<64x19xf32> -> vector<64x19xf32>
    %get3A_25 = arith.constant 0 : index
    %get3A_26 = arith.constant 0 : index
    %get3A_27 = vector.load %arg6[%get3A_25, %get3A_26] : memref<1x19xf32, #tpu.memory_space<vmem>>, vector<1x19xf32>
    %add3A = vector.broadcast %get3A_27 : vector<1x19xf32> to vector<64x19xf32>
    %add3A_28 = arith.addf %dot_general3A_24, %add3A : vector<64x19xf32>
    %reduce_max3A = arith.constant dense<0xFF800000> : vector<64xf32>
    %reduce_max3A_29 = vector.multi_reduction <maximumf>, %add3A_28, %reduce_max3A [1] : vector<64x19xf32> to vector<64xf32>
    %broadcast_in_dim3A = vector.shape_cast %reduce_max3A_29 : vector<64xf32> to vector<64x1xf32>
    %sub3A = vector.broadcast %broadcast_in_dim3A : vector<64x1xf32> to vector<64x19xf32>
    %sub3A_30 = arith.subf %add3A_28, %sub3A : vector<64x19xf32>
    %exp3A = math.exp %sub3A_30 : vector<64x19xf32>
    %reduce_sum3A = arith.constant dense<0.000000e+00> : vector<64xf32>
    %reduce_sum3A_31 = vector.multi_reduction <add>, %exp3A, %reduce_sum3A [1] : vector<64x19xf32> to vector<64xf32>
    %broadcast_in_dim3A_32 = vector.shape_cast %reduce_sum3A_31 : vector<64xf32> to vector<64x1xf32>
    %log3A = math.log %broadcast_in_dim3A_32 : vector<64x1xf32>
    %add3A_33 = arith.addf %broadcast_in_dim3A, %log3A : vector<64x1xf32>
    %sub3A_34 = vector.broadcast %add3A_33 : vector<64x1xf32> to vector<64x19xf32>
    %sub3A_35 = arith.subf %add3A_28, %sub3A_34 : vector<64x19xf32>
    %iota3A_36 = tpu.iota {dimensions = array<i32: 1>} : vector<64x19xi32>
    %get3A_37 = arith.constant 0 : index
    %get3A_38 = arith.constant 0 : index
    %get3A_39 = vector.load %arg4[%get3A_37, %get3A_38] : memref<64x1xi32, #tpu.memory_space<vmem>>, vector<64x1xi32>
    %eq3A_40 = vector.broadcast %get3A_39 : vector<64x1xi32> to vector<64x19xi32>
    %eq3A_41 = arith.cmpi eq, %iota3A_36, %eq3A_40 : vector<64x19xi32>
    %jit3A = arith.constant 0.000000e+00 : f32
    %broadcast_in_dim3A_42 = vector.broadcast %jit3A : f32 to vector<64x19xf32>
    %select_n3A = arith.select %eq3A_41, %sub3A_35, %broadcast_in_dim3A_42 : vector<64x19xi1>, vector<64x19xf32>
    %reduce_sum3A_43 = arith.constant dense<0.000000e+00> : vector<64xf32>
    %reduce_sum3A_44 = vector.multi_reduction <add>, %select_n3A, %reduce_sum3A_43 [1] : vector<64x19xf32> to vector<64xf32>
    %reduce_sum3A_45 = vector.shape_cast %reduce_sum3A_44 : vector<64xf32> to vector<1x64xf32>
    %reduce_sum3A_46 = arith.constant dense<0.000000e+00> : vector<1xf32>
    %reduce_sum3A_47 = vector.multi_reduction <add>, %reduce_sum3A_45, %reduce_sum3A_46 [1] : vector<1x64xf32> to vector<1xf32>
    %reduce_sum3A_48 = vector.shape_cast %reduce_sum3A_47 : vector<1xf32> to vector<1x1xf32>
    %reduce_sum3A_49 = vector.extract %reduce_sum3A_48[0, 0] : f32 from vector<1x1xf32>
    %div3A = arith.constant 6.400000e+01 : f32
    %div3A_50 = arith.divf %reduce_sum3A_49, %div3A : f32
    %neg3A = arith.constant 0.000000e+00 : f32
    %neg3A_51 = arith.subf %neg3A, %div3A_50 : f32
    %mul3A = arith.mulf %concatenate3A, %concatenate3A : vector<64x384xf32>
    %reduce_sum3A_52 = arith.constant dense<0.000000e+00> : vector<64xf32>
    %reduce_sum3A_53 = vector.multi_reduction <add>, %mul3A, %reduce_sum3A_52 [1] : vector<64x384xf32> to vector<64xf32>
    %reduce_sum3A_54 = vector.shape_cast %reduce_sum3A_53 : vector<64xf32> to vector<1x64xf32>
    %reduce_sum3A_55 = arith.constant dense<0.000000e+00> : vector<1xf32>
    %reduce_sum3A_56 = vector.multi_reduction <add>, %reduce_sum3A_54, %reduce_sum3A_55 [1] : vector<1x64xf32> to vector<1xf32>
    %reduce_sum3A_57 = vector.shape_cast %reduce_sum3A_56 : vector<1xf32> to vector<1x1xf32>
    %reduce_sum3A_58 = vector.extract %reduce_sum3A_57[0, 0] : f32 from vector<1x1xf32>
    %div3A_59 = arith.constant 6.400000e+01 : f32
    %div3A_60 = arith.divf %reduce_sum3A_58, %div3A_59 : f32
    %mul3A_61 = arith.constant 3.000000e-03 : f32
    %mul3A_62 = arith.mulf %mul3A_61, %div3A_60 : f32
    %add3A_63 = arith.addf %neg3A_51, %mul3A_62 : f32
    %reshape3A = vector.broadcast %add3A_63 : f32 to vector<1x1xf32>
    %swap3A = arith.constant 0 : index
    %swap3A_64 = arith.constant 0 : index
    %swap3A_65 = vector.load %arg8[%swap3A, %swap3A_64] : memref<1x1xf32, #tpu.memory_space<vmem>>, vector<1x1xf32>
    tpu.vector_store %arg8[%swap3A, %swap3A_64], %reshape3A {strides = array<i32>} : memref<1x1xf32, #tpu.memory_space<vmem>>, vector<1x1xf32>,
    %eq3A_66 = vector.broadcast %broadcast_in_dim3A : vector<64x1xf32> to vector<64x19xf32>
    %eq3A_67 = arith.cmpf oeq, %add3A_28, %eq3A_66 : vector<64x19xf32>
    %jit3A_68 = arith.constant 19 : i32
    %broadcast_in_dim3A_69 = vector.broadcast %jit3A_68 : i32 to vector<64x19xi32>
    %select_n3A_70 = arith.select %eq3A_67, %iota3A_36, %broadcast_in_dim3A_69 : vector<64x19xi1>, vector<64x19xi32>
    %reduce_min3A = arith.constant dense<2147483647> : vector<64xi32>
    %reduce_min3A_71 = vector.multi_reduction <minsi>, %select_n3A_70, %reduce_min3A [1] : vector<64x19xi32> to vector<64xi32>
    %reshape3A_72 = vector.shape_cast %reduce_min3A_71 : vector<64xi32> to vector<64x1xi32>
    %swap3A_73 = arith.constant 0 : index
    %swap3A_74 = arith.constant 0 : index
    %swap3A_75 = vector.load %arg7[%swap3A_73, %swap3A_74] : memref<64x1xi32, #tpu.memory_space<vmem>>, vector<64x1xi32>
    tpu.vector_store %arg7[%swap3A_73, %swap3A_74], %reshape3A_72 {strides = array<i32>} : memref<64x1xi32, #tpu.memory_space<vmem>>, vector<64x1xi32>,
    return
  }
}

</mosaic_0001>

<sc_bundles>
// kernel: kernel.12.cloned.1.call-start
scs
__scs_entry_jumppad:
0x0: {  	(pc) =	sbr.rel $0x88, $3  }
0x1: {  	(tag) =	ssettag $0x0;
	lr =	simm.s32 $0x1  }
0x2: {  	[smem:$0x3F95] =	sst lr;
	_ =	strace $0xD0000000  }
0x3: {  	_ = 	snop  }
0x4: {  	_ = 	snop  }
0x5: {  	_ = 	snop  }
0x6: {  	_ = 	snop  }
0x7: {  	_ = 	snop  }
__scs_overlays_trampoline_lowered:
0x8: {  	[smem:$0x3FA4] =	sst s0  }
0x9: {  	[smem:$0x3FA5] =	sst s1  }
0xa: {  	[smem:$0x3FA6] =	sst s2  }
0xb: {  	[smem:$0x3FA7] =	sst s3  }
0xc: {  	[smem:$0x3FA8] =	sst s4  }
0xd: {  	[smem:$0x3FA9] =	sst s5  }
0xe: {  	[smem:$0x3FAA] =	sst s6  }
0xf: {  	[smem:$0x3FAB] =	sst s7  }
0x10: {  	[smem:$0x3FAC] =	sst s8  }
0x11: {  	[smem:$0x3FAD] =	sst s9;
	s0 =	simm.s32 @!p0 $0x0  }
0x12: {  	s1 =	sld [smem:$0x3F93];
	s0 =	simm.s32 @p0 $0x1  }
0x13: {  	[smem:$0x3FAE] =	sst s0;
	s0 =	simm.s32 @!p1 $0x0  }
0x14: {  	s2 =	sld [smem:$0x3F92];
	s0 =	simm.s32 @p1 $0x1  }
0x15: {  	[smem:$0x3FAF] =	sst s0;
	s0 =	simm.s32 @!p2 $0x0  }
0x16: {  	s3 =	sld [smem:$0x3FDB];
	s0 =	simm.s32 @p2 $0x1  }
0x17: {  	s4 =	simm.s32 $0x1BF5;
	[smem:$0x3FB1] =	sst s0  }
0x18: {  	s0 =	sld [smem:$0x3F94];
	_ =	swait.ge [sflag:s4], $0x0  }
0x19: {  	s7 =	sld [smem:$0x3F95]  }
0x1a: {  	s8 =	sadd.s32 $0xFFFFE003, lr  }
0x1b: {  	s9 =	sadd.s32 $0xFFFFFEF7, lr;
	s5 =	simm.s32 $0xFFFFFFFF;
	p2 =	slt.u32 s8, $0xFFFFF086  }
0x1c: {  	p1 =	slt.u32 s9, $0xF7A;
	s5 =	simm.s32 @!p2 $0x0  }
0x1d: {  	s5 =	simm.s32 @p1 $0x1;
	p0 =	seq.s32 s7, s2  }
0x1e: {  	s7 =	smul.u32 @!p0 $0xF7A, s2;
	p2 =	seq.s32 @!p0 s5, $0x0  }
0x1f: {  	s9 =	smul.u32 $0xF7A, s1;
	s8 =	simm.s32 @!p0 $0x1BF5;
	p2 =	por !p2, p0  }
0x20: {  	[sflag:s8] =	ssyncset.s32 @!p0 $0xFFFFF086;
	s6 =	sadd.s32 @!p0 s3, s7;
	s7 =	simm.s32 @!p0 $0x108  }
0x21: {  	s3 =	sadd.s32 s3, s9;
	s6 =	sadd.s32 @!p0 $0x88, s6;
	s7 =	simm.s32 @p2 $0x1082  }
0x22: {  	[simem:s7], [sflag:s8] =	dma.local @!p0 [hbm:s6], $0xF7A  }
0x23: {  	s9 =	sor.u32 $0xD0000000, s2;
	s6 =	simm.s32 $0x108;
	_ =	swait.ge @!p0 [sflag:s8], $0x0  }
0x24: {  	s3 =	sadd.s32 $0x88, s3;
	s6 =	simm.s32 @!p1 $0x1082;
	[sflag:s4] =	ssyncset.s32 $0xFFFFF086  }
0x25: {  	[simem:s6], [sflag:s4] =	dma.local [hbm:s3], $0xF7A  }
0x26: {  	[smem:$0x3F95] =	sst s1;
	(tag) =	ssettag s2;
	_ =	strace s9  }
0x27: {  	s1 =	sld [smem:$0x3FA5]  }
0x28: {  	s2 =	sld [smem:$0x3FA6]  }
0x29: {  	s4 =	sld [smem:$0x3FA8]  }
0x2a: {  	p0 =	seq.s32 s5, $0x0;
	s5 =	sld [smem:$0x3FA9]  }
0x2b: {  	s6 =	sld [smem:$0x3FAA]  }
0x2c: {  	s7 =	sld [smem:$0x3FAB]  }
0x2d: {  	s3 =	simm.s32 $0x108;
	s8 =	sld [smem:$0x3FAC]  }
0x2e: {  	s3 =	simm.s32 @!p0 $0x1082;
	s9 =	sld [smem:$0x3FAD]  }
0x2f: {  	lr =	sadd.s32 s0, s3;
	s0 =	sld [smem:$0x3FA4]  }
0x30: {  	s3 =	sld [smem:$0x3FA7]  }
0x31: {  	[smem:$0x3FB0] =	sst s10  }
0x32: {  	s10 =	sld [smem:$0x3FAE];
	_ =	sdelay $0x3  }
0x33: {  	p0 =	seq.s32 s10, $0x1;
	s10 =	sld [smem:$0x3FB0];
	_ =	sdelay $0x3  }
0x34: {  	[smem:$0x3FB0] =	sst s10  }
0x35: {  	s10 =	sld [smem:$0x3FAF];
	_ =	sdelay $0x3  }
0x36: {  	p1 =	seq.s32 s10, $0x1;
	s10 =	sld [smem:$0x3FB0];
	_ =	sdelay $0x3  }
0x37: {  	[smem:$0x3FB0] =	sst s10  }
0x38: {  	s10 =	sld [smem:$0x3FB1]  }
0x39: {  	_ = 	snop;
	(pc) =	sbr.ind lr, $3  }
0x3a: {  	_ = 	snop  }
0x3b: {  	_ = 	snop  }
0x3c: {  	p2 =	seq.s32 s10, $0x1;
	s10 =	sld [smem:$0x3FB0]  }
0x3d: {  	_ =	shalt  }
0x3e: {  	_ =	shalt  }
0x3f: {  	_ =	shalt  }
0x40: {  	_ =	shalt  }
0x41: {  	_ =	shalt  }
0x42: {  	_ =	shalt  }
0x43: {  	_ =	shalt  }
0x44: {  	_ =	shalt  }
0x45: {  	_ =	shalt  }
0x46: {  	_ =	shalt  }
0x47: {  	_ =	shalt  }
0x48: {  	_ =	shalt  }
0x49: {  	_ =	shalt  }
0x4a: {  	_ =	shalt  }
0x4b: {  	_ =	shalt  }
0x4c: {  	_ =	shalt  }
0x4d: {  	_ =	shalt  }
0x4e: {  	_ =	shalt  }
0x4f: {  	_ =	shalt  }
0x50: {  	_ =	shalt  }
0x51: {  	_ =	shalt  }
0x52: {  	_ =	shalt  }
0x53: {  	_ =	shalt  }
0x54: {  	_ =	shalt  }
0x55: {  	_ =	shalt  }
0x56: {  	_ =	shalt  }
0x57: {  	_ =	shalt  }
0x58: {  	_ =	shalt  }
0x59: {  	_ =	shalt  }
0x5a: {  	_ =	shalt  }
0x5b: {  	_ =	shalt  }
0x5c: {  	_ =	shalt  }
0x5d: {  	_ =	shalt  }
0x5e: {  	_ =	shalt  }
0x5f: {  	_ =	shalt  }
0x60: {  	_ =	shalt  }
0x61: {  	_ =	shalt  }
0x62: {  	_ =	shalt  }
0x63: {  	_ =	shalt  }
0x64: {  	_ =	shalt  }
0x65: {  	_ =	shalt  }
0x66: {  	_ =	shalt  }
0x67: {  	_ =	shalt  }
0x68: {  	_ =	shalt  }
0x69: {  	_ =	shalt  }
0x6a: {  	_ =	shalt  }
0x6b: {  	_ =	shalt  }
0x6c: {  	_ =	shalt  }
0x6d: {  	_ =	shalt  }
0x6e: {  	_ =	shalt  }
0x6f: {  	_ =	shalt  }
0x70: {  	_ =	shalt  }
0x71: {  	_ =	shalt  }
0x72: {  	_ =	shalt  }
0x73: {  	_ =	shalt  }
0x74: {  	_ =	shalt  }
0x75: {  	_ =	shalt  }
0x76: {  	_ =	shalt  }
0x77: {  	_ =	shalt  }
0x78: {  	_ =	shalt  }
0x79: {  	_ =	shalt  }
0x7a: {  	_ =	shalt  }
0x7b: {  	_ =	shalt  }
0x7c: {  	_ =	shalt  }
0x7d: {  	_ =	shalt  }
0x7e: {  	_ =	shalt  }
0x7f: {  	_ =	shalt  }
0x80: {  	_ =	shalt  }
0x81: {  	_ =	shalt  }
0x82: {  	_ =	shalt  }
0x83: {  	_ =	shalt  }
0x84: {  	_ =	shalt  }
0x85: {  	_ =	shalt  }
0x86: {  	_ =	shalt  }
0x87: {  	_ =	shalt  }
.Lfunc_end0:
.L_simem_size_0:
called_computation.1_lowered:
.L_overlay_start_0:
0x88: {  	s2 =	sld [smem:$0x3FD9]  }
0x89: {  	s3 =	sld [smem:$0x3FFE];
	_ =	sdelay $0x1  }
0x8a: {  	s1 =	srdreg.scid  }
0x8b: {  	s0 =	sand.u32 $0x1, s1  }
0x8c: {  	s17 =	sshll.u32 s0, $0xA;
	s2 =	sadd.s32 s3, s2  }
0x8d: {  	s2 =	sadd.s32 s2, s17  }
0x8e: {  	[smem:$0x3FBC] =	sst s2  }
0x8f: {  	_ = 	snop  }
0x90: {  	(tm) =	ssettm $0x1  }
0x91: {  	s18 =	sld [smem:$0x3FFB];
	_ =	sdelay $0x3  }
0x92: {  	_ =	strace s18  }
0x93: {  	s2 =	sld [smem:$0x3FFC];
	_ =	sdelay $0x3  }
0x94: {  	_ =	strace s2  }
0x95: {  	s2 =	sld [smem:$0x3FFD];
	_ =	sdelay $0x3  }
0x96: {  	_ =	strace s2  }
0x97: {  	_ =	strace $0x8FFFFFFF  }
0x98: {  	s19 =	sld [smem:$0x3FDB];
	_ =	sdelay $0x1  }
0x99: {  	s20 =	simm.s32 $_scs_section_size  }
0x9a: {  	s4 =	simm.s32 $_size__tile_overlayer_lowered;
	s5 =	simm.s32 $_tile_overlayer_lowered  }
0x9b: {  	s6 =	simm.s32 $0x1BFF;
	s21 =	sshll.u32 s5, $0x1;
	s3 =	sadd.s32 s20, s19  }
0x9c: {  	s22 =	simm.s32 $0x0;
	s4 =	sshll.u32 s4, $0x1;
	s5 =	sadd.s32 s21, s3  }
0x9d: {  	[timem:s22], [sflag:s6] =	dma.local [hbm:s5], s4  }
0x9e: {  	_ =	swait.ge [sflag:s6], s4  }
0x9f: {  	s4 =	ssub.s32 $0x0, s4;
	[sflag:s6] =	ssyncset.done $0x0  }
0xa0: {  	[sflag:s6] =	ssyncadd.s32 s4;
	_ =	sdelay $0x1  }
0xa1: {  	s23 =	simm.s32 $0x1B8B  }
0xa2: {  	_ =	swait.ge [sflag:s23], $0x1  }
0xa3: {  	[sflag:s23] =	ssyncset.done $0x0  }
0xa4: {  	[sflag:s23] =	ssyncadd.s32 $0xFFFFFFFF  }
0xa5: {  	s4 =	sld [smem:$0x0]  }
0xa6: {  	s5 =	sand.u32 $0xFFFFFFFE, s1  }
0xa7: {  	p0 =	sne.s32 s1, s5  }
0xa8: {  	s5 =	sshll.u32 @p0 s5, $0xE  }
0xa9: {  	s5 =	sadd.s32 @p0 $0x11B8D, s5;
	s6 =	sshll.u32 @p0 s4, $0x11  }
0xaa: {  	s5 =	sor.u32 @p0 s6, s5  }
0xab: {  	[sflag:s5] =	ssyncadd.remote.s32 @p0 $0x1;
	_ =	sdelay $0x1  }
0xac: {  	s5 =	simm.s32 @p0 $0x1B8D  }
0xad: {  	_ =	swait.eq @p0 [sflag:s5], $0x1  }
0xae: {  	[sflag:s5] =	ssyncadd.s32 @p0 $0xFFFFFFFF  }
0xaf: {  	s6 =	sshll.u32 @!p0 s1, $0xE  }
0xb0: {  	s6 =	sor.u32 @!p0 $0x4000, s6;
	s5 =	simm.s32 @!p0 $0x1B8D  }
0xb1: {  	s4 =	sshll.u32 @!p0 s4, $0x11;
	s6 =	sadd.s32 @!p0 $0x11B8D, s6;
	_ =	swait.eq @!p0 [sflag:s5], $0x1  }
0xb2: {  	s4 =	sor.u32 @!p0 s4, s6;
	[sflag:s5] =	ssyncadd.s32 @!p0 $0xFFFFFFFF  }
0xb3: {  	s25 =	simm.s32 $0x1B8E;
	s24 =	sld [smem:$0x3FFE];
	[sflag:s4] =	ssyncadd.remote.s32 @!p0 $0x1  }
0xb4: {  	s26 =	simm.s32 $execute0_lowered;
	[smem:$0x3FD2] =	sst s25  }
0xb5: {  	s5 =	sshll.u32 s26, $0x1;
	_ =	strace $0x80000049;
	[dreg:$0x1] =	wrdreg $0xFFFFFFFF  }
0xb6: {  	s28 =	simm.s32 $_size_execute0_lowered;
	s3 =	sadd.s32 s3, s5;
	[dreg:$0x0] =	wrdreg $0x0  }
0xb7: {  	s5 =	sshll.u32 s28, $0x1;
	[dreg:$0x2] =	wrdreg s3  }
0xb8: {  	[dreg:$0x3] =	wrdreg s5  }
0xb9: {  	[dreg:$0x4] =	wrdreg $0xC0  }
0xba: {  	_ =	task [dreg:s22], $0x5FFFF  }
0xbb: {  	[dreg:$0x1] =	wrdreg $0xFFFFFFFF  }
0xbc: {  	[dreg:$0x0] =	wrdreg $0x60  }
0xbd: {  	[dreg:$0x2] =	wrdreg s24  }
0xbe: {  	[dreg:$0x3] =	wrdreg $0x14A800  }
0xbf: {  	[dreg:$0x4] =	wrdreg $0xFA800  }
0xc0: {  	[dreg:$0x5] =	wrdreg $0xA  }
0xc1: {  	_ =	task.clear_ibuf [dreg:s22], $0x6FFFF;
	_ =	strace $0x90000049  }
0xc2: {  	s29 =	simm.s32 $0xA;
	_ =	strace $0x8000004B  }
0xc3: {  	_ =	swait.ge [sflag:s29], $0x1  }
0xc4: {  	[sflag:s29] =	ssyncadd.s32 $0xFFFFFFFF  }
0xc5: {  	_ =	strace $0x9000004B  }
0xc6: {  	_ =	sfence  }
0xc7: {  	s30 =	sld [smem:$0x0];
	_ =	sdelay $0x2  }
0xc8: {  	s31 =	sshll.u32 s1, $0xD;
	s1 =	sshrl.u32 s1, $0x2  }
0xc9: {  	s4 =	sand.u32 $0x4000, s31;
	s1 =	sadd.s32 s1, s30  }
0xca: {  	s0 =	sor.u32 s4, s0;
	s1 =	sshll.u32 s1, $0x11  }
0xcb: {  	s0 =	sor.u32 s1, s0  }
0xcc: {  	s0 =	sadd.s32 $0x8F2B, s0  }
0xcd: {  	[sflag:s0] =	ssyncadd.remote.s32 $0x1  }
0xce: {  	_ =	sfence.sel $0xFFFF  }
0xcf: {  	[dreg:$0x0] =	wrdreg $0xFFFFFFFF;
	(pc) =	sbr.abs _section_cstart, $3  }
0xd0: {  	[dreg:$0x1] =	wrdreg $0xFFFFFFFF  }
0xd1: {  	_ =	task.clear_ibuf [dreg:s22], $0x2FFFF;
	_ =	strace $0x9FFFFFFF  }
0xd2: {  	(tm) =	ssettm $0x7FFFFFFF  }
0xd3: {  	_ =	shalt  }
tec
execute0_lowered:
.L_overlay_start_1:
0x0: {  	(tag) =	ssettag $0x1  }
0x1: {  	s0 =	rddreg [dreg:$0x0]  }
0x2: {  	s1 =	rddreg [dreg:$0x1]  }
0x3: {  	s3 =	rddreg [dreg:$0x2]  }
0x4: {  	s2 =	simm.s32 $0x0;
	s14 =	stileid.u32;
	s4 =	srdreg.scid  }
0x5: {  	s28 =	simm.s32 $0x10;
	s30 =	simm.s32 $0x2;
	s11 =	smul.u32 $0xA50, s14  }
0x6: {  	s31 =	simm.s32 $0x9;
	[smem:$0x7FF] =	sst s2;
	s5 =	smul.u32 $0xA00, s14  }
0x7: {  	s4 =	sand.u32 $0x1, s4;
	s6 =	sadd.s32 $0x21000, s0;
	s9 =	smul.u32 $0x14000, s14  }
0x8: {  	s10 =	sadd.s32 $0x49000, s0;
	_ =	strace $0x8000004A;
	s7 =	ssub.s32 $0x2, s4  }
0x9: {  	s4 =	sshll.u32 s4, $0x5;
	s2 =	sadd.s32 s11, s0;
	s5 =	sadd.s32 s5, s0  }
0xa: {  	s8 =	sshrl.u32 s7, $0x1;
	s13 =	sor.u32 s4, s9;
	s11 =	sadd.s32 $0x8000, s9  }
0xb: {  	s0 =	ssub.s32 s7, s8;
	s2 =	sadd.s32 $0x16A00, s2;
	s12 =	sadd.s32 $0x2A00, s5  }
0xc: {  	s5 =	sshrl.u32 s9, $0x2;
	s7 =	sadd.s32 $0x4000, s9;
	[dreg:$0x4] =	wrdreg s2  }
0xd: {  	s18 =	sor.u32 s4, s11;
	s8 =	sadd.s32 $0xC000, s9;
	[dreg:$0x5] =	wrdreg s12  }
0xe: {  	s2 =	sshrl.u32 s13, $0x3;
	s16 =	sor.u32 s4, s7;
	s19 =	sshrl.u32 s18, $0x3  }
0xf: {  	s20 =	sor.u32 s4, s8;
	s12 =	sadd.s32 $0x10000, s9;
	s0 =	smax.u32 s0, $0x1  }
0x10: {  	s15 =	sadd.s32 s6, s2;
	s2 =	sadd.s32 s10, s2;
	[smem:$0x7FD] =	sst s0  }
0x11: {  	s17 =	sshrl.u32 s16, $0x3;
	s13 =	sor.u32 s4, s12;
	[dreg:$0x6] =	wrdreg s15  }
0x12: {  	s4 =	sor.u32 $0x40, s4;
	s0 =	simm.s32 $0x7;
	[dreg:$0x7] =	wrdreg s2  }
0x13: {  	s2 =	sadd.s32 s10, s17;
	s21 =	sshrl.u32 s13, $0x3;
	s9 =	sor.u32 s9, s4  }
0x14: {  	s23 =	sor.u32 s4, s7;
	s25 =	sor.u32 s4, s11;
	s26 =	sor.u32 s4, s8  }
0x15: {  	s4 =	sor.u32 s4, s12;
	s13 =	smul.u32 $0x5000, s14;
	s14 =	sadd.s32 s5, s1  }
0x16: {  	[dreg:$0x8] =	wrdreg s2;
	s2 =	sadd.s32 s10, s19;
	s22 =	sshrl.u32 s9, $0x3  }
0x17: {  	s24 =	sshrl.u32 s23, $0x3;
	s5 =	sadd.s32 $0x1000, s14;
	[dreg:$0x9] =	wrdreg s2  }
0x18: {  	s9 =	sshrl.u32 s4, $0x3;
	s15 =	sadd.s32 $0x1800, s14;
	[dreg:$0x13] =	wrdreg s5  }
0x19: {  	s29 =	sadd.s32 $0x800, s14;
	s16 =	sadd.s32 $0x2000, s14;
	[dreg:$0x14] =	wrdreg s15  }
0x1a: {  	s17 =	sadd.s32 $0x2800, s14;
	s18 =	sadd.s32 $0x3000, s14;
	[dreg:$0x15] =	wrdreg s16  }
0x1b: {  	s19 =	sadd.s32 $0x3800, s14;
	s4 =	sadd.s32 $0x4800, s14;
	[dreg:$0x16] =	wrdreg s17  }
0x1c: {  	s23 =	sshrl.u32 s11, $0x2;
	s2 =	sshrl.u32 s20, $0x3;
	[dreg:$0x17] =	wrdreg s18  }
0x1d: {  	s6 =	sadd.s32 s6, s22;
	[dreg:$0x18] =	wrdreg s19;
	s20 =	sadd.s32 $0x4000, s14  }
0x1e: {  	[dreg:$0x1a] =	wrdreg s4;
	s14 =	simm.s32 $0xB280;
	s16 =	simm.s32 $0xC280  }
0x1f: {  	s18 =	simm.s32 $0xD280;
	s4 =	simm.s32 $0x3;
	[dreg:$0x12] =	wrdreg s29  }
0x20: {  	s15 =	simm.s32 $0x6;
	s17 =	simm.s32 $0x5;
	[dreg:$0xc] =	wrdreg s6  }
0x21: {  	s5 =	simm.s32 $0x8;
	s2 =	sadd.s32 s10, s2;
	[dreg:$0x19] =	wrdreg s20  }
0x22: {  	s6 =	sshrl.u32 s26, $0x3;
	[dreg:$0xa] =	wrdreg s2;
	s2 =	sadd.s32 s10, s21  }
0x23: {  	s19 =	simm.s32 $0x0;
	s6 =	sadd.s32 s10, s6;
	[dreg:$0xb] =	wrdreg s2  }
0x24: {  	s26 =	sshrl.u32 s12, $0x2;
	s21 =	sadd.s32 s13, s1;
	[dreg:$0x10] =	wrdreg s6  }
0x25: {  	s12 =	simm.s32 $0x80;
	s2 =	sadd.s32 s10, s22;
	[dreg:$0x1b] =	wrdreg s21  }
0x26: {  	[dreg:$0xd] =	wrdreg s2;
	s2 =	sadd.s32 s10, s24;
	s24 =	sshrl.u32 s8, $0x2  }
0x27: {  	[dreg:$0xe] =	wrdreg s2;
	s2 =	sshrl.u32 s25, $0x3;
	s25 =	sadd.s32 s24, s1  }
0x28: {  	s22 =	sshrl.u32 s7, $0x2;
	s2 =	sadd.s32 s10, s2;
	[dreg:$0x1f] =	wrdreg s25  }
0x29: {  	s6 =	simm.s32 $0xB;
	[dreg:$0xf] =	wrdreg s2;
	s2 =	sadd.s32 s10, s9  }
0x2a: {  	s7 =	simm.s32 $0xA;
	[dreg:$0x11] =	wrdreg s2;
	s2 =	sadd.s32 s13, s3  }
0x2b: {  	s8 =	simm.s32 $0xF280;
	[dreg:$0x1c] =	wrdreg s2;
	s2 =	sadd.s32 s22, s1  }
0x2c: {  	s9 =	simm.s32 $0x1;
	[dreg:$0x1d] =	wrdreg s2;
	s2 =	sadd.s32 s23, s1  }
0x2d: {  	s10 =	simm.s32 $0x4;
	[dreg:$0x1e] =	wrdreg s2;
	s2 =	sadd.s32 s26, s1  }
0x2e: {  	v0 =	vimm.f32 $0.0e+00;
	s13 =	simm.s32 $0xA280;
	[smem:$0x7FC] =	sst s2;
	s2 =	simm.s32 $0xE280  }
.LBB2_1:
0x2f: {  	s20 =	simm.s32 $0x0;
	s21 =	rddreg [dreg:$0x4]  }
0x30: {  	[tilespmem:s20], [sflag:$0xB] =	stream.linear.gather [hbm4b:s21+s20], $0x5280, $0x38;
	[tilespmem:$0x19A80] =	vst v63  }
0x31: {  	_ =	swait.ge [sflag:s6], $0x5280  }
0x32: {  	[sflag:s6] =	ssyncset.done $0x0  }
0x33: {  	s11 =	simm.s32 $0x5280;
	s26 =	rddreg [dreg:$0x5];
	[sflag:s6] =	ssyncadd.s32 $0xFFFFAD80  }
0x34: {  	[tilespmem:s11], [sflag:$0xB] =	stream.linear.gather [hbm4b:s26+s20], $0x5000, $0x38;
	[tilespmem:$0x19A80] =	vst v63  }
0x35: {  	_ =	swait.ge [sflag:s6], $0x5000  }
0x36: {  	[sflag:s6] =	ssyncset.done $0x0  }
0x37: {  	s21 =	simm.s32 $0x0;
	s20 =	simm.s32 $0x80;
	[sflag:s6] =	ssyncadd.s32 $0xFFFFB000  }
.LBB2_2:
0x38: {  	p0 =	sne.s32 s20, $0x1F80;
	[tilespmem:s21+$0xF280] =	vst v0;
	s22 =	smov.u32 s20;
	s20 =	sadd.s32 $0x80, s20  }
.Ltmp0:
0x39: {  	[tilespmem:s21+$0xF290] =	vst v0;
	(pc) =	sbr.rel @p0 .LBB2_2-.Ltmp0, $2  }
0x3a: {  	_ =	sdelay $0x2  }
0x3b: {  	s21 =	sshra.s32 s22, $0x2  }
0x3c: {  	[tilespmem:s21+$0xF280] =	vst v0  }
0x3d: {  	[tilespmem:s21+$0xF290] =	vst v0;
	s20 =	rddreg [dreg:$0x1b]  }
0x3e: {  	[spmem:s20] =	stream.linear.scatter [tilespmem:s8], [sflag:$0xB], $0x800, $0x38;
	[tilespmem:$0x19A80] =	vst v63  }
0x3f: {  	_ =	swait.ge [sflag:s6], $0x800  }
0x40: {  	[sflag:s6] =	ssyncset.done $0x0  }
0x41: {  	[sflag:s6] =	ssyncadd.s32 $0xFFFFF800  }
0x42: {  	[spmem:s29] =	stream.linear.scatter [tilespmem:s8], [sflag:$0xB], $0x800, $0x38;
	[tilespmem:$0x19A80] =	vst v63  }
0x43: {  	_ =	swait.ge [sflag:s6], $0x800  }
0x44: {  	[sflag:s6] =	ssyncset.done $0x0  }
0x45: {  	s22 =	rddreg [dreg:$0x13];
	[sflag:s6] =	ssyncadd.s32 $0xFFFFF800  }
0x46: {  	[spmem:s22] =	stream.linear.scatter [tilespmem:s8], [sflag:$0xB], $0x800, $0x38;
	[tilespmem:$0x19A80] =	vst v63  }
0x47: {  	_ =	swait.ge [sflag:s6], $0x800  }
0x48: {  	[sflag:s6] =	ssyncset.done $0x0  }
0x49: {  	s23 =	rddreg [dreg:$0x14];
	[sflag:s6] =	ssyncadd.s32 $0xFFFFF800  }
0x4a: {  	[spmem:s23] =	stream.linear.scatter [tilespmem:s8], [sflag:$0xB], $0x800, $0x38;
	[tilespmem:$0x19A80] =	vst v63  }
0x4b: {  	_ =	swait.ge [sflag:s6], $0x800  }
0x4c: {  	[sflag:s6] =	ssyncset.done $0x0  }
0x4d: {  	s24 =	rddreg [dreg:$0x15];
	[sflag:s6] =	ssyncadd.s32 $0xFFFFF800  }
0x4e: {  	[spmem:s24] =	stream.linear.scatter [tilespmem:s8], [sflag:$0xB], $0x800, $0x38;
	[tilespmem:$0x19A80] =	vst v63  }
0x4f: {  	_ =	swait.ge [sflag:s6], $0x800  }
0x50: {  	[sflag:s6] =	ssyncset.done $0x0  }
0x51: {  	s25 =	rddreg [dreg:$0x16];
	[sflag:s6] =	ssyncadd.s32 $0xFFFFF800  }
0x52: {  	[spmem:s25] =	stream.linear.scatter [tilespmem:s8], [sflag:$0xB], $0x800, $0x38;
	[tilespmem:$0x19A80] =	vst v63  }
0x53: {  	_ =	swait.ge [sflag:s6], $0x800  }
0x54: {  	[sflag:s6] =	ssyncset.done $0x0  }
0x55: {  	s26 =	rddreg [dreg:$0x17];
	[sflag:s6] =	ssyncadd.s32 $0xFFFFF800  }
0x56: {  	[spmem:s26] =	stream.linear.scatter [tilespmem:s8], [sflag:$0xB], $0x800, $0x38;
	[tilespmem:$0x19A80] =	vst v63  }
0x57: {  	_ =	swait.ge [sflag:s6], $0x800  }
0x58: {  	[sflag:s6] =	ssyncset.done $0x0  }
0x59: {  	s11 =	rddreg [dreg:$0x18];
	[sflag:s6] =	ssyncadd.s32 $0xFFFFF800  }
0x5a: {  	[spmem:s11] =	stream.linear.scatter [tilespmem:s8], [sflag:$0xB], $0x800, $0x38;
	[tilespmem:$0x19A80] =	vst v63  }
0x5b: {  	_ =	swait.ge [sflag:s6], $0x800  }
0x5c: {  	[sflag:s6] =	ssyncset.done $0x0  }
0x5d: {  	s21 =	rddreg [dreg:$0x19];
	[sflag:s6] =	ssyncadd.s32 $0xFFFFF800  }
0x5e: {  	[spmem:s21] =	stream.linear.scatter [tilespmem:s8], [sflag:$0xB], $0x800, $0x38;
	[tilespmem:$0x19A80] =	vst v63  }
0x5f: {  	_ =	swait.ge [sflag:s6], $0x800  }
0x60: {  	[sflag:s6] =	ssyncset.done $0x0  }
0x61: {  	s22 =	rddreg [dreg:$0x1a];
	[sflag:s6] =	ssyncadd.s32 $0xFFFFF800  }
0x62: {  	[spmem:s22] =	stream.linear.scatter [tilespmem:s8], [sflag:$0xB], $0x800, $0x38;
	[tilespmem:$0x19A80] =	vst v63  }
0x63: {  	s23 =	stileid.u32;
	_ =	swait.ge [sflag:s6], $0x800  }
0x64: {  	s20 =	sshll.u32 s23, $0x6;
	s11 =	rddreg [dreg:$0x1c]  }
0x65: {  	[sflag:s6] =	ssyncset.done $0x0;
	s22 =	rddreg [dreg:$0x6];
	s11 =	sshrl.u32 s11, $0x3  }
0x66: {  	s20 =	sor.u32 $0x1C0B, s20;
	[sflag:s6] =	ssyncadd.s32 $0xFFFFF800;
	[smem:$0x7FB] =	sst s11  }
0x67: {  	[spmem:s11@s10], [sflag:s20] =	dma.strided [hbm:s22@s28], $0xA00, s9, $0x4   }
0x68: {  	_ =	swait.ge [sflag:s6], $0xA00  }
0x69: {  	[sflag:s6] =	ssyncset.done $0x0  }
0x6a: {  	[sflag:s6] =	ssyncadd.s32 $0xFFFFF600  }
0x6b: {  	s24 =	simm.s32 $0x0;
	[bflag:$0x0] =	sbarrier.arrive $0xFFFF  }
0x6c: {  	[tilespmem:s13], [sflag:$0x1] =	stream.indirect.gather [spmem:s3], $0x20, s24, s12, $0xb8;
	[tilespmem:$0x19A80] =	vst v63  }
0x6d: {  	_ = 	snop  }
0x6e: {  	[tilespmem:s14], [sflag:$0x2] =	stream.indirect.gather [spmem:s3], $0x20, s12, s12, $0xb8;
	[tilespmem:$0x19A80] =	vst v63  }
0x6f: {  	s25 =	simm.s32 $0x100  }
0x70: {  	[tilespmem:s16], [sflag:$0x3] =	stream.indirect.gather [spmem:s3], $0x20, s25, s12, $0xb8;
	[tilespmem:$0x19A80] =	vst v63  }
0x71: {  	_ =	swait.ge [sflag:s9], $0x1000  }
0x72: {  	[sflag:s9] =	ssyncset.done $0x0  }
0x73: {  	s26 =	simm.s32 $0x5280;
	[sflag:s9] =	ssyncadd.s32 $0xFFFFF000  }
0x74: {  	[spmem:s1] =	stream.indirect.scatter.add.f32 [tilespmem:s13], [sflag:$0x6], $0x20, s26, s12, $0xb8;
	[tilespmem:$0x19A80] =	vst v63  }
0x75: {  	s21 =	simm.s32 $0x180  }
0x76: {  	[tilespmem:s18], [sflag:$0x4] =	stream.indirect.gather [spmem:s3], $0x20, s21, s12, $0xb8;
	[tilespmem:$0x19A80] =	vst v63  }
0x77: {  	_ =	swait.ge [sflag:s30], $0x1000  }
0x78: {  	[sflag:s30] =	ssyncset.done $0x0  }
0x79: {  	s22 =	simm.s32 $0x5300;
	[sflag:s30] =	ssyncadd.s32 $0xFFFFF000  }
0x7a: {  	[spmem:s1] =	stream.indirect.scatter.add.f32 [tilespmem:s14], [sflag:$0x7], $0x20, s22, s12, $0xb8;
	[tilespmem:$0x19A80] =	vst v63  }
0x7b: {  	s23 =	simm.s32 $0x200  }
0x7c: {  	[tilespmem:s2], [sflag:$0x5] =	stream.indirect.gather [spmem:s3], $0x20, s23, s12, $0xb8;
	[tilespmem:$0x19A80] =	vst v63  }
0x7d: {  	_ =	swait.ge [sflag:s4], $0x1000  }
0x7e: {  	[sflag:s4] =	ssyncset.done $0x0  }
0x7f: {  	s24 =	simm.s32 $0x5380;
	[sflag:s4] =	ssyncadd.s32 $0xFFFFF000  }
0x80: {  	[spmem:s1] =	stream.indirect.scatter.add.f32 [tilespmem:s16], [sflag:$0x8], $0x20, s24, s12, $0xb8;
	[tilespmem:$0x19A80] =	vst v63  }
0x81: {  	_ =	swait.ge [sflag:s15], $0x1000  }
0x82: {  	[sflag:s15] =	ssyncset.done $0x0  }
0x83: {  	s25 =	simm.s32 $0x280;
	[sflag:s15] =	ssyncadd.s32 $0xFFFFF000  }
0x84: {  	[tilespmem:s13], [sflag:$0x1] =	stream.indirect.gather [spmem:s3], $0x20, s25, s12, $0xb8;
	[tilespmem:$0x19A80] =	vst v63  }
0x85: {  	_ =	swait.ge [sflag:s10], $0x1000  }
0x86: {  	[sflag:s10] =	ssyncset.done $0x0  }
0x87: {  	s26 =	simm.s32 $0x5400;
	[sflag:s10] =	ssyncadd.s32 $0xFFFFF000  }
0x88: {  	[spmem:s1] =	stream.indirect.scatter.add.f32 [tilespmem:s18], [sflag:$0x9], $0x20, s26, s12, $0xb8;
	[tilespmem:$0x19A80] =	vst v63  }
0x89: {  	_ =	swait.ge [sflag:s0], $0x1000  }
0x8a: {  	[sflag:s0] =	ssyncset.done $0x0  }
0x8b: {  	s21 =	simm.s32 $0x300;
	[sflag:s0] =	ssyncadd.s32 $0xFFFFF000  }
0x8c: {  	[tilespmem:s14], [sflag:$0x2] =	stream.indirect.gather [spmem:s3], $0x20, s21, s12, $0xb8;
	[tilespmem:$0x19A80] =	vst v63  }
0x8d: {  	_ =	swait.ge [sflag:s17], $0x1000  }
0x8e: {  	[sflag:s17] =	ssyncset.done $0x0  }
0x8f: {  	s22 =	simm.s32 $0x5480;
	[sflag:s17] =	ssyncadd.s32 $0xFFFFF000  }
0x90: {  	[spmem:s1] =	stream.indirect.scatter.add.f32 [tilespmem:s2], [sflag:$0xA], $0x20, s22, s12, $0xb8;
	[tilespmem:$0x19A80] =	vst v63  }
0x91: {  	_ =	swait.ge [sflag:s5], $0x1000  }
0x92: {  	[sflag:s5] =	ssyncset.done $0x0  }
0x93: {  	s23 =	simm.s32 $0x380;
	[sflag:s5] =	ssyncadd.s32 $0xFFFFF000  }
0x94: {  	[tilespmem:s16], [sflag:$0x3] =	stream.indirect.gather [spmem:s3], $0x20, s23, s12, $0xb8;
	[tilespmem:$0x19A80] =	vst v63  }
0x95: {  	_ =	swait.ge [sflag:s9], $0x1000  }
0x96: {  	[sflag:s9] =	ssyncset.done $0x0  }
0x97: {  	s24 =	simm.s32 $0x5500;
	[sflag:s9] =	ssyncadd.s32 $0xFFFFF000  }
0x98: {  	[spmem:s1] =	stream.indirect.scatter.add.f32 [tilespmem:s13], [sflag:$0x6], $0x20, s24, s12, $0xb8;
	[tilespmem:$0x19A80] =	vst v63  }
0x99: {  	_ =	swait.ge [sflag:s31], $0x1000  }
0x9a: {  	[sflag:s31] =	ssyncset.done $0x0  }
0x9b: {  	s25 =	simm.s32 $0x400;
	[sflag:s31] =	ssyncadd.s32 $0xFFFFF000  }
0x9c: {  	[tilespmem:s18], [sflag:$0x4] =	stream.indirect.gather [spmem:s3], $0x20, s25, s12, $0xb8;
	[tilespmem:$0x19A80] =	vst v63  }
0x9d: {  	_ =	swait.ge [sflag:s30], $0x1000  }
0x9e: {  	[sflag:s30] =	ssyncset.done $0x0  }
0x9f: {  	s26 =	simm.s32 $0x5580;
	[sflag:s30] =	ssyncadd.s32 $0xFFFFF000  }
0xa0: {  	[spmem:s1] =	stream.indirect.scatter.add.f32 [tilespmem:s14], [sflag:$0x7], $0x20, s26, s12, $0xb8;
	[tilespmem:$0x19A80] =	vst v63  }
0xa1: {  	_ =	swait.ge [sflag:s7], $0x1000  }
0xa2: {  	[sflag:s7] =	ssyncset.done $0x0  }
0xa3: {  	s11 =	simm.s32 $0x480;
	[sflag:s7] =	ssyncadd.s32 $0xFFFFF000  }
0xa4: {  	[tilespmem:s2], [sflag:$0x5] =	stream.indirect.gather [spmem:s3], $0x20, s11, s12, $0xb8;
	[tilespmem:$0x19A80] =	vst v63  }
0xa5: {  	_ =	swait.ge [sflag:s4], $0x1000  }
0xa6: {  	[sflag:s4] =	ssyncset.done $0x0  }
0xa7: {  	s21 =	simm.s32 $0x5600;
	[sflag:s4] =	ssyncadd.s32 $0xFFFFF000  }
0xa8: {  	[spmem:s1] =	stream.indirect.scatter.add.f32 [tilespmem:s16], [sflag:$0x8], $0x20, s21, s12, $0xb8;
	[tilespmem:$0x19A80] =	vst v63  }
0xa9: {  	_ =	swait.ge [sflag:s15], $0x1000  }
0xaa: {  	[sflag:s15] =	ssyncset.done $0x0  }
0xab: {  	s23 =	simm.s32 $0x500;
	[sflag:s15] =	ssyncadd.s32 $0xFFFFF000  }
0xac: {  	[tilespmem:s13], [sflag:$0x1] =	stream.indirect.gather [spmem:s3], $0x20, s23, s12, $0xb8;
	[tilespmem:$0x19A80] =	vst v63  }
0xad: {  	_ =	swait.ge [sflag:s10], $0x1000  }
0xae: {  	[sflag:s10] =	ssyncset.done $0x0  }
0xaf: {  	s24 =	simm.s32 $0x5680;
	[sflag:s10] =	ssyncadd.s32 $0xFFFFF000  }
0xb0: {  	[spmem:s1] =	stream.indirect.scatter.add.f32 [tilespmem:s18], [sflag:$0x9], $0x20, s24, s12, $0xb8;
	[tilespmem:$0x19A80] =	vst v63  }
0xb1: {  	_ =	swait.ge [sflag:s0], $0x1000  }
0xb2: {  	[sflag:s0] =	ssyncset.done $0x0  }
0xb3: {  	s25 =	simm.s32 $0x580;
	[sflag:s0] =	ssyncadd.s32 $0xFFFFF000  }
0xb4: {  	[tilespmem:s14], [sflag:$0x2] =	stream.indirect.gather [spmem:s3], $0x20, s25, s12, $0xb8;
	[tilespmem:$0x19A80] =	vst v63  }
0xb5: {  	_ =	swait.ge [sflag:s17], $0x1000  }
0xb6: {  	[sflag:s17] =	ssyncset.done $0x0  }
0xb7: {  	s26 =	simm.s32 $0x5700;
	[sflag:s17] =	ssyncadd.s32 $0xFFFFF000  }
0xb8: {  	[spmem:s1] =	stream.indirect.scatter.add.f32 [tilespmem:s2], [sflag:$0xA], $0x20, s26, s12, $0xb8;
	[tilespmem:$0x19A80] =	vst v63  }
0xb9: {  	_ =	swait.ge [sflag:s5], $0x1000  }
0xba: {  	[sflag:s5] =	ssyncset.done $0x0  }
0xbb: {  	s22 =	simm.s32 $0xA00;
	s23 =	simm.s32 $0x600;
	[sflag:s5] =	ssyncadd.s32 $0xFFFFF000  }
.LBB2_4:
0xbc: {  	[tilespmem:s16], [sflag:$0x3] =	stream.indirect.gather [spmem:s3], $0x20, s23, s12, $0xb8;
	[tilespmem:$0x19A80] =	vst v63  }
0xbd: {  	s23 =	smov.u32 s22  }
0xbe: {  	p0 =	sne.s32 s22, $0x12C00;
	s22 =	sadd.s32 $0xA00, s22;
	_ =	swait.ge [sflag:s9], $0x1000  }
0xbf: {  	s23 =	sshra.s32 s23, $0x2;
	[sflag:s9] =	ssyncset.done $0x0  }
0xc0: {  	s24 =	sadd.s32 $0x5500, s23;
	[sflag:s9] =	ssyncadd.s32 $0xFFFFF000  }
0xc1: {  	[spmem:s1] =	stream.indirect.scatter.add.f32 [tilespmem:s13], [sflag:$0x6], $0x20, s24, s12, $0xb8;
	[tilespmem:$0x19A80] =	vst v63  }
0xc2: {  	_ =	swait.ge [sflag:s31], $0x1000  }
0xc3: {  	[sflag:s31] =	ssyncset.done $0x0  }
0xc4: {  	s24 =	sadd.s32 $0x400, s23;
	[sflag:s31] =	ssyncadd.s32 $0xFFFFF000  }
0xc5: {  	[tilespmem:s18], [sflag:$0x4] =	stream.indirect.gather [spmem:s3], $0x20, s24, s12, $0xb8;
	[tilespmem:$0x19A80] =	vst v63  }
0xc6: {  	_ =	swait.ge [sflag:s30], $0x1000  }
0xc7: {  	[sflag:s30] =	ssyncset.done $0x0  }
0xc8: {  	s24 =	sadd.s32 $0x5580, s23;
	[sflag:s30] =	ssyncadd.s32 $0xFFFFF000  }
0xc9: {  	[spmem:s1] =	stream.indirect.scatter.add.f32 [tilespmem:s14], [sflag:$0x7], $0x20, s24, s12, $0xb8;
	[tilespmem:$0x19A80] =	vst v63  }
0xca: {  	_ =	swait.ge [sflag:s7], $0x1000  }
0xcb: {  	[sflag:s7] =	ssyncset.done $0x0  }
0xcc: {  	s24 =	sadd.s32 $0x480, s23;
	[sflag:s7] =	ssyncadd.s32 $0xFFFFF000  }
0xcd: {  	[tilespmem:s2], [sflag:$0x5] =	stream.indirect.gather [spmem:s3], $0x20, s24, s12, $0xb8;
	[tilespmem:$0x19A80] =	vst v63  }
0xce: {  	_ =	swait.ge [sflag:s4], $0x1000  }
0xcf: {  	[sflag:s4] =	ssyncset.done $0x0  }
0xd0: {  	s24 =	sadd.s32 $0x5600, s23;
	[sflag:s4] =	ssyncadd.s32 $0xFFFFF000  }
0xd1: {  	[spmem:s1] =	stream.indirect.scatter.add.f32 [tilespmem:s16], [sflag:$0x8], $0x20, s24, s12, $0xb8;
	[tilespmem:$0x19A80] =	vst v63  }
0xd2: {  	_ =	swait.ge [sflag:s15], $0x1000  }
0xd3: {  	[sflag:s15] =	ssyncset.done $0x0  }
0xd4: {  	s24 =	sadd.s32 $0x500, s23;
	[sflag:s15] =	ssyncadd.s32 $0xFFFFF000  }
0xd5: {  	[tilespmem:s13], [sflag:$0x1] =	stream.indirect.gather [spmem:s3], $0x20, s24, s12, $0xb8;
	[tilespmem:$0x19A80] =	vst v63  }
0xd6: {  	_ =	swait.ge [sflag:s10], $0x1000  }
0xd7: {  	[sflag:s10] =	ssyncset.done $0x0  }
0xd8: {  	s24 =	sadd.s32 $0x5680, s23;
	[sflag:s10] =	ssyncadd.s32 $0xFFFFF000  }
0xd9: {  	[spmem:s1] =	stream.indirect.scatter.add.f32 [tilespmem:s18], [sflag:$0x9], $0x20, s24, s12, $0xb8;
	[tilespmem:$0x19A80] =	vst v63  }
0xda: {  	_ =	swait.ge [sflag:s0], $0x1000  }
0xdb: {  	[sflag:s0] =	ssyncset.done $0x0  }
0xdc: {  	s24 =	sadd.s32 $0x580, s23;
	[sflag:s0] =	ssyncadd.s32 $0xFFFFF000  }
0xdd: {  	[tilespmem:s14], [sflag:$0x2] =	stream.indirect.gather [spmem:s3], $0x20, s24, s12, $0xb8;
	[tilespmem:$0x19A80] =	vst v63  }
0xde: {  	_ =	swait.ge [sflag:s17], $0x1000  }
0xdf: {  	[sflag:s17] =	ssyncset.done $0x0  }
.Ltmp1:
0xe0: {  	s24 =	sadd.s32 $0x5700, s23;
	[sflag:s17] =	ssyncadd.s32 $0xFFFFF000;
	(pc) =	sbr.rel @p0 .LBB2_4-.Ltmp1, $4  }
0xe1: {  	[spmem:s1] =	stream.indirect.scatter.add.f32 [tilespmem:s2], [sflag:$0xA], $0x20, s24, s12, $0xb8;
	[tilespmem:$0x19A80] =	vst v63  }
0xe2: {  	_ =	swait.ge [sflag:s5], $0x1000  }
0xe3: {  	[sflag:s5] =	ssyncset.done $0x0  }
0xe4: {  	s23 =	sadd.s32 $0x600, s23;
	[sflag:s5] =	ssyncadd.s32 $0xFFFFF000  }
0xe5: {  	[tilespmem:s16], [sflag:$0x3] =	stream.indirect.gather [spmem:s3], $0x20, s23, s12, $0xb8;
	[tilespmem:$0x19A80] =	vst v63  }
0xe6: {  	_ =	swait.ge [sflag:s9], $0x1000  }
0xe7: {  	[sflag:s9] =	ssyncset.done $0x0  }
0xe8: {  	[sflag:s9] =	ssyncadd.s32 $0xFFFFF000  }
0xe9: {  	_ =	swait.ge [sflag:s30], $0x1000  }
0xea: {  	[sflag:s30] =	ssyncset.done $0x0  }
0xeb: {  	[sflag:s30] =	ssyncadd.s32 $0xFFFFF000  }
0xec: {  	_ =	swait.ge [sflag:s4], $0x1000  }
0xed: {  	[sflag:s4] =	ssyncset.done $0x0  }
0xee: {  	[sflag:s4] =	ssyncadd.s32 $0xFFFFF000  }
0xef: {  	_ =	swait.ge [sflag:s31], $0x1000  }
0xf0: {  	[sflag:s31] =	ssyncset.done $0x0  }
0xf1: {  	[sflag:s31] =	ssyncadd.s32 $0xFFFFF000  }
0xf2: {  	_ =	swait.ge [sflag:s7], $0x1000  }
0xf3: {  	[sflag:s7] =	ssyncset.done $0x0  }
0xf4: {  	[sflag:s7] =	ssyncadd.s32 $0xFFFFF000  }
0xf5: {  	[bflag:$0x0] =	sbarrier.arrive $0xFFFF  }
0xf6: {  	s11 =	rddreg [dreg:$0x1b]  }
0xf7: {  	s21 =	rddreg [dreg:$0x7];
	s22 =	sshrl.u32 s11, $0x3  }
0xf8: {  	[hbm:s21@s28], [sflag:s20] =	dma.strided [spmem:s22@s10], $0x200, s9, $0x4   }
0xf9: {  	_ =	swait.ge [sflag:s6], $0x200  }
0xfa: {  	[sflag:s6] =	ssyncset.done $0x0;
	s24 =	rddreg [dreg:$0x1d]  }
0xfb: {  	[sflag:s6] =	ssyncadd.s32 $0xFFFFFE00;
	s23 =	sshrl.u32 s24, $0x3;
	s24 =	rddreg [dreg:$0x8]  }
0xfc: {  	[hbm:s24@s28], [sflag:s20] =	dma.strided [spmem:s23@s10], $0x200, s9, $0x4   }
0xfd: {  	_ =	swait.ge [sflag:s6], $0x200  }
0xfe: {  	[sflag:s6] =	ssyncset.done $0x0;
	s25 =	rddreg [dreg:$0x1e]  }
0xff: {  	[sflag:s6] =	ssyncadd.s32 $0xFFFFFE00;
	s24 =	sshrl.u32 s25, $0x3;
	s25 =	rddreg [dreg:$0x9]  }
0x100: {  	[hbm:s25@s28], [sflag:s20] =	dma.strided [spmem:s24@s10], $0x200, s9, $0x4   }
0x101: {  	_ =	swait.ge [sflag:s6], $0x200  }
0x102: {  	[sflag:s6] =	ssyncset.done $0x0;
	s26 =	rddreg [dreg:$0x1f]  }
0x103: {  	[sflag:s6] =	ssyncadd.s32 $0xFFFFFE00;
	s25 =	sshrl.u32 s26, $0x3;
	s26 =	rddreg [dreg:$0xa]  }
0x104: {  	[hbm:s26@s28], [sflag:s20] =	dma.strided [spmem:s25@s10], $0x200, s9, $0x4   }
0x105: {  	_ =	swait.ge [sflag:s6], $0x200  }
0x106: {  	s21 =	sld [smem:$0x7FC];
	_ =	sdelay $0x1  }
0x107: {  	[sflag:s6] =	ssyncset.done $0x0;
	s28 =	rddreg [dreg:$0xb]  }
0x108: {  	[sflag:s6] =	ssyncadd.s32 $0xFFFFFE00;
	s26 =	sshrl.u32 s21, $0x3;
	s21 =	simm.s32 $0x10  }
0x109: {  	[hbm:s28@s21], [sflag:s20] =	dma.strided [spmem:s26@s10], $0x200, s9, $0x4   }
0x10a: {  	_ =	swait.ge [sflag:s6], $0x200  }
0x10b: {  	[sflag:s6] =	ssyncset.done $0x0  }
0x10c: {  	[sflag:s6] =	ssyncadd.s32 $0xFFFFFE00  }
0x10d: {  	[spmem:s11] =	stream.linear.scatter [tilespmem:s8], [sflag:$0xB], $0x800, $0x38;
	[tilespmem:$0x19A80] =	vst v63  }
0x10e: {  	_ =	swait.ge [sflag:s6], $0x800  }
0x10f: {  	[sflag:s6] =	ssyncset.done $0x0  }
0x110: {  	[sflag:s6] =	ssyncadd.s32 $0xFFFFF800  }
0x111: {  	[spmem:s29] =	stream.linear.scatter [tilespmem:s8], [sflag:$0xB], $0x800, $0x38;
	[tilespmem:$0x19A80] =	vst v63  }
0x112: {  	_ =	swait.ge [sflag:s6], $0x800  }
0x113: {  	[sflag:s6] =	ssyncset.done $0x0  }
0x114: {  	s28 =	rddreg [dreg:$0x13];
	[sflag:s6] =	ssyncadd.s32 $0xFFFFF800  }
0x115: {  	[spmem:s28] =	stream.linear.scatter [tilespmem:s8], [sflag:$0xB], $0x800, $0x38;
	[tilespmem:$0x19A80] =	vst v63  }
0x116: {  	_ =	swait.ge [sflag:s6], $0x800  }
0x117: {  	[sflag:s6] =	ssyncset.done $0x0  }
0x118: {  	s28 =	rddreg [dreg:$0x14];
	[sflag:s6] =	ssyncadd.s32 $0xFFFFF800  }
0x119: {  	[spmem:s28] =	stream.linear.scatter [tilespmem:s8], [sflag:$0xB], $0x800, $0x38;
	[tilespmem:$0x19A80] =	vst v63  }
0x11a: {  	_ =	swait.ge [sflag:s6], $0x800  }
0x11b: {  	[sflag:s6] =	ssyncset.done $0x0  }
0x11c: {  	s28 =	rddreg [dreg:$0x15];
	[sflag:s6] =	ssyncadd.s32 $0xFFFFF800  }
0x11d: {  	[spmem:s28] =	stream.linear.scatter [tilespmem:s8], [sflag:$0xB], $0x800, $0x38;
	[tilespmem:$0x19A80] =	vst v63  }
0x11e: {  	_ =	swait.ge [sflag:s6], $0x800  }
0x11f: {  	[sflag:s6] =	ssyncset.done $0x0  }
0x120: {  	s28 =	rddreg [dreg:$0x16];
	[sflag:s6] =	ssyncadd.s32 $0xFFFFF800  }
0x121: {  	[spmem:s28] =	stream.linear.scatter [tilespmem:s8], [sflag:$0xB], $0x800, $0x38;
	[tilespmem:$0x19A80] =	vst v63  }
0x122: {  	_ =	swait.ge [sflag:s6], $0x800  }
0x123: {  	[sflag:s6] =	ssyncset.done $0x0  }
0x124: {  	s28 =	rddreg [dreg:$0x17];
	[sflag:s6] =	ssyncadd.s32 $0xFFFFF800  }
0x125: {  	[spmem:s28] =	stream.linear.scatter [tilespmem:s8], [sflag:$0xB], $0x800, $0x38;
	[tilespmem:$0x19A80] =	vst v63  }
0x126: {  	_ =	swait.ge [sflag:s6], $0x800  }
0x127: {  	[sflag:s6] =	ssyncset.done $0x0  }
0x128: {  	s28 =	rddreg [dreg:$0x18];
	[sflag:s6] =	ssyncadd.s32 $0xFFFFF800  }
0x129: {  	[spmem:s28] =	stream.linear.scatter [tilespmem:s8], [sflag:$0xB], $0x800, $0x38;
	[tilespmem:$0x19A80] =	vst v63  }
0x12a: {  	_ =	swait.ge [sflag:s6], $0x800  }
0x12b: {  	[sflag:s6] =	ssyncset.done $0x0  }
0x12c: {  	s28 =	rddreg [dreg:$0x19];
	[sflag:s6] =	ssyncadd.s32 $0xFFFFF800  }
0x12d: {  	[spmem:s28] =	stream.linear.scatter [tilespmem:s8], [sflag:$0xB], $0x800, $0x38;
	[tilespmem:$0x19A80] =	vst v63  }
0x12e: {  	_ =	swait.ge [sflag:s6], $0x800  }
0x12f: {  	[sflag:s6] =	ssyncset.done $0x0  }
0x130: {  	s28 =	rddreg [dreg:$0x1a];
	[sflag:s6] =	ssyncadd.s32 $0xFFFFF800  }
0x131: {  	[spmem:s28] =	stream.linear.scatter [tilespmem:s8], [sflag:$0xB], $0x800, $0x38;
	[tilespmem:$0x19A80] =	vst v63  }
0x132: {  	_ =	swait.ge [sflag:s6], $0x800  }
0x133: {  	s29 =	sld [smem:$0x7FB]  }
0x134: {  	[sflag:s6] =	ssyncset.done $0x0  }
0x135: {  	s28 =	rddreg [dreg:$0xc];
	[sflag:s6] =	ssyncadd.s32 $0xFFFFF800  }
0x136: {  	[spmem:s29@s10], [sflag:s20] =	dma.strided [hbm:s28@s21], $0xA00, s9, $0x4   }
0x137: {  	_ =	swait.ge [sflag:s6], $0xA00  }
0x138: {  	[sflag:s6] =	ssyncset.done $0x0  }
0x139: {  	[sflag:s6] =	ssyncadd.s32 $0xFFFFF600  }
0x13a: {  	s11 =	simm.s32 $0x0;
	[bflag:$0x0] =	sbarrier.arrive $0xFFFF  }
0x13b: {  	[tilespmem:s13], [sflag:$0x1] =	stream.indirect.gather [spmem:s3], $0x20, s11, s12, $0xb8;
	[tilespmem:$0x19A80] =	vst v63  }
0x13c: {  	_ = 	snop  }
0x13d: {  	[tilespmem:s14], [sflag:$0x2] =	stream.indirect.gather [spmem:s3], $0x20, s12, s12, $0xb8;
	[tilespmem:$0x19A80] =	vst v63  }
0x13e: {  	s21 =	simm.s32 $0x100  }
0x13f: {  	[tilespmem:s16], [sflag:$0x3] =	stream.indirect.gather [spmem:s3], $0x20, s21, s12, $0xb8;
	[tilespmem:$0x19A80] =	vst v63  }
0x140: {  	_ =	swait.ge [sflag:s9], $0x1000  }
0x141: {  	[sflag:s9] =	ssyncset.done $0x0  }
0x142: {  	s29 =	simm.s32 $0x5280;
	[sflag:s9] =	ssyncadd.s32 $0xFFFFF000  }
0x143: {  	[spmem:s1] =	stream.indirect.scatter.add.f32 [tilespmem:s13], [sflag:$0x6], $0x20, s29, s12, $0xb8;
	[tilespmem:$0x19A80] =	vst v63  }
0x144: {  	s21 =	simm.s32 $0x180  }
0x145: {  	[tilespmem:s18], [sflag:$0x4] =	stream.indirect.gather [spmem:s3], $0x20, s21, s12, $0xb8;
	[tilespmem:$0x19A80] =	vst v63  }
0x146: {  	_ =	swait.ge [sflag:s30], $0x1000  }
0x147: {  	[sflag:s30] =	ssyncset.done $0x0  }
0x148: {  	s29 =	simm.s32 $0x5300;
	[sflag:s30] =	ssyncadd.s32 $0xFFFFF000  }
0x149: {  	[spmem:s1] =	stream.indirect.scatter.add.f32 [tilespmem:s14], [sflag:$0x7], $0x20, s29, s12, $0xb8;
	[tilespmem:$0x19A80] =	vst v63  }
0x14a: {  	s21 =	simm.s32 $0x200  }
0x14b: {  	[tilespmem:s2], [sflag:$0x5] =	stream.indirect.gather [spmem:s3], $0x20, s21, s12, $0xb8;
	[tilespmem:$0x19A80] =	vst v63  }
0x14c: {  	_ =	swait.ge [sflag:s4], $0x1000  }
0x14d: {  	[sflag:s4] =	ssyncset.done $0x0  }
0x14e: {  	s29 =	simm.s32 $0x5380;
	[sflag:s4] =	ssyncadd.s32 $0xFFFFF000  }
0x14f: {  	[spmem:s1] =	stream.indirect.scatter.add.f32 [tilespmem:s16], [sflag:$0x8], $0x20, s29, s12, $0xb8;
	[tilespmem:$0x19A80] =	vst v63  }
0x150: {  	_ =	swait.ge [sflag:s15], $0x1000  }
0x151: {  	[sflag:s15] =	ssyncset.done $0x0  }
0x152: {  	s21 =	simm.s32 $0x280;
	[sflag:s15] =	ssyncadd.s32 $0xFFFFF000  }
0x153: {  	[tilespmem:s13], [sflag:$0x1] =	stream.indirect.gather [spmem:s3], $0x20, s21, s12, $0xb8;
	[tilespmem:$0x19A80] =	vst v63  }
0x154: {  	_ =	swait.ge [sflag:s10], $0x1000  }
0x155: {  	[sflag:s10] =	ssyncset.done $0x0  }
0x156: {  	s29 =	simm.s32 $0x5400;
	[sflag:s10] =	ssyncadd.s32 $0xFFFFF000  }
0x157: {  	[spmem:s1] =	stream.indirect.scatter.add.f32 [tilespmem:s18], [sflag:$0x9], $0x20, s29, s12, $0xb8;
	[tilespmem:$0x19A80] =	vst v63  }
0x158: {  	_ =	swait.ge [sflag:s0], $0x1000  }
0x159: {  	[sflag:s0] =	ssyncset.done $0x0  }
0x15a: {  	s21 =	simm.s32 $0x300;
	[sflag:s0] =	ssyncadd.s32 $0xFFFFF000  }
0x15b: {  	[tilespmem:s14], [sflag:$0x2] =	stream.indirect.gather [spmem:s3], $0x20, s21, s12, $0xb8;
	[tilespmem:$0x19A80] =	vst v63  }
0x15c: {  	_ =	swait.ge [sflag:s17], $0x1000  }
0x15d: {  	[sflag:s17] =	ssyncset.done $0x0  }
0x15e: {  	s29 =	simm.s32 $0x5480;
	[sflag:s17] =	ssyncadd.s32 $0xFFFFF000  }
0x15f: {  	[spmem:s1] =	stream.indirect.scatter.add.f32 [tilespmem:s2], [sflag:$0xA], $0x20, s29, s12, $0xb8;
	[tilespmem:$0x19A80] =	vst v63  }
0x160: {  	_ =	swait.ge [sflag:s5], $0x1000  }
0x161: {  	[sflag:s5] =	ssyncset.done $0x0  }
0x162: {  	s21 =	simm.s32 $0x380;
	[sflag:s5] =	ssyncadd.s32 $0xFFFFF000  }
0x163: {  	[tilespmem:s16], [sflag:$0x3] =	stream.indirect.gather [spmem:s3], $0x20, s21, s12, $0xb8;
	[tilespmem:$0x19A80] =	vst v63  }
0x164: {  	_ =	swait.ge [sflag:s9], $0x1000  }
0x165: {  	[sflag:s9] =	ssyncset.done $0x0  }
0x166: {  	s29 =	simm.s32 $0x5500;
	[sflag:s9] =	ssyncadd.s32 $0xFFFFF000  }
0x167: {  	[spmem:s1] =	stream.indirect.scatter.add.f32 [tilespmem:s13], [sflag:$0x6], $0x20, s29, s12, $0xb8;
	[tilespmem:$0x19A80] =	vst v63  }
0x168: {  	_ =	swait.ge [sflag:s31], $0x1000  }
0x169: {  	[sflag:s31] =	ssyncset.done $0x0  }
0x16a: {  	s11 =	simm.s32 $0x400;
	[sflag:s31] =	ssyncadd.s32 $0xFFFFF000  }
0x16b: {  	[tilespmem:s18], [sflag:$0x4] =	stream.indirect.gather [spmem:s3], $0x20, s11, s12, $0xb8;
	[tilespmem:$0x19A80] =	vst v63  }
0x16c: {  	_ =	swait.ge [sflag:s30], $0x1000  }
0x16d: {  	[sflag:s30] =	ssyncset.done $0x0  }
0x16e: {  	s29 =	simm.s32 $0x5580;
	[sflag:s30] =	ssyncadd.s32 $0xFFFFF000  }
0x16f: {  	[spmem:s1] =	stream.indirect.scatter.add.f32 [tilespmem:s14], [sflag:$0x7], $0x20, s29, s12, $0xb8;
	[tilespmem:$0x19A80] =	vst v63  }
0x170: {  	_ =	swait.ge [sflag:s7], $0x1000  }
0x171: {  	[sflag:s7] =	ssyncset.done $0x0  }
0x172: {  	s11 =	simm.s32 $0x480;
	[sflag:s7] =	ssyncadd.s32 $0xFFFFF000  }
0x173: {  	[tilespmem:s2], [sflag:$0x5] =	stream.indirect.gather [spmem:s3], $0x20, s11, s12, $0xb8;
	[tilespmem:$0x19A80] =	vst v63  }
0x174: {  	_ =	swait.ge [sflag:s4], $0x1000  }
0x175: {  	[sflag:s4] =	ssyncset.done $0x0  }
0x176: {  	s29 =	simm.s32 $0x5600;
	[sflag:s4] =	ssyncadd.s32 $0xFFFFF000  }
0x177: {  	[spmem:s1] =	stream.indirect.scatter.add.f32 [tilespmem:s16], [sflag:$0x8], $0x20, s29, s12, $0xb8;
	[tilespmem:$0x19A80] =	vst v63  }
0x178: {  	_ =	swait.ge [sflag:s15], $0x1000  }
0x179: {  	[sflag:s15] =	ssyncset.done $0x0  }
0x17a: {  	s11 =	simm.s32 $0x500;
	[sflag:s15] =	ssyncadd.s32 $0xFFFFF000  }
0x17b: {  	[tilespmem:s13], [sflag:$0x1] =	stream.indirect.gather [spmem:s3], $0x20, s11, s12, $0xb8;
	[tilespmem:$0x19A80] =	vst v63  }
0x17c: {  	_ =	swait.ge [sflag:s10], $0x1000  }
0x17d: {  	[sflag:s10] =	ssyncset.done $0x0  }
0x17e: {  	s29 =	simm.s32 $0x5680;
	[sflag:s10] =	ssyncadd.s32 $0xFFFFF000  }
0x17f: {  	[spmem:s1] =	stream.indirect.scatter.add.f32 [tilespmem:s18], [sflag:$0x9], $0x20, s29, s12, $0xb8;
	[tilespmem:$0x19A80] =	vst v63  }
0x180: {  	_ =	swait.ge [sflag:s0], $0x1000  }
0x181: {  	[sflag:s0] =	ssyncset.done $0x0  }
0x182: {  	s11 =	simm.s32 $0x580;
	[sflag:s0] =	ssyncadd.s32 $0xFFFFF000  }
0x183: {  	[tilespmem:s14], [sflag:$0x2] =	stream.indirect.gather [spmem:s3], $0x20, s11, s12, $0xb8;
	[tilespmem:$0x19A80] =	vst v63  }
0x184: {  	_ =	swait.ge [sflag:s17], $0x1000  }
0x185: {  	[sflag:s17] =	ssyncset.done $0x0  }
0x186: {  	s29 =	simm.s32 $0x5700;
	[sflag:s17] =	ssyncadd.s32 $0xFFFFF000  }
0x187: {  	[spmem:s1] =	stream.indirect.scatter.add.f32 [tilespmem:s2], [sflag:$0xA], $0x20, s29, s12, $0xb8;
	[tilespmem:$0x19A80] =	vst v63  }
0x188: {  	_ =	swait.ge [sflag:s5], $0x1000  }
0x189: {  	[sflag:s5] =	ssyncset.done $0x0  }
0x18a: {  	s28 =	simm.s32 $0x600;
	s21 =	simm.s32 $0xA00;
	[sflag:s5] =	ssyncadd.s32 $0xFFFFF000  }
.LBB2_6:
0x18b: {  	[tilespmem:s16], [sflag:$0x3] =	stream.indirect.gather [spmem:s3], $0x20, s28, s12, $0xb8;
	[tilespmem:$0x19A80] =	vst v63  }
0x18c: {  	s28 =	smov.u32 s21  }
0x18d: {  	p0 =	sne.s32 s21, $0x12C00;
	s21 =	sadd.s32 $0xA00, s21;
	_ =	swait.ge [sflag:s9], $0x1000  }
0x18e: {  	s28 =	sshra.s32 s28, $0x2;
	[sflag:s9] =	ssyncset.done $0x0  }
0x18f: {  	s29 =	sadd.s32 $0x5500, s28;
	[sflag:s9] =	ssyncadd.s32 $0xFFFFF000  }
0x190: {  	[spmem:s1] =	stream.indirect.scatter.add.f32 [tilespmem:s13], [sflag:$0x6], $0x20, s29, s12, $0xb8;
	[tilespmem:$0x19A80] =	vst v63  }
0x191: {  	_ =	swait.ge [sflag:s31], $0x1000  }
0x192: {  	[sflag:s31] =	ssyncset.done $0x0  }
0x193: {  	s29 =	sadd.s32 $0x400, s28;
	[sflag:s31] =	ssyncadd.s32 $0xFFFFF000  }
0x194: {  	[tilespmem:s18], [sflag:$0x4] =	stream.indirect.gather [spmem:s3], $0x20, s29, s12, $0xb8;
	[tilespmem:$0x19A80] =	vst v63  }
0x195: {  	_ =	swait.ge [sflag:s30], $0x1000  }
0x196: {  	[sflag:s30] =	ssyncset.done $0x0  }
0x197: {  	s29 =	sadd.s32 $0x5580, s28;
	[sflag:s30] =	ssyncadd.s32 $0xFFFFF000  }
0x198: {  	[spmem:s1] =	stream.indirect.scatter.add.f32 [tilespmem:s14], [sflag:$0x7], $0x20, s29, s12, $0xb8;
	[tilespmem:$0x19A80] =	vst v63  }
0x199: {  	_ =	swait.ge [sflag:s7], $0x1000  }
0x19a: {  	[sflag:s7] =	ssyncset.done $0x0  }
0x19b: {  	s29 =	sadd.s32 $0x480, s28;
	[sflag:s7] =	ssyncadd.s32 $0xFFFFF000  }
0x19c: {  	[tilespmem:s2], [sflag:$0x5] =	stream.indirect.gather [spmem:s3], $0x20, s29, s12, $0xb8;
	[tilespmem:$0x19A80] =	vst v63  }
0x19d: {  	_ =	swait.ge [sflag:s4], $0x1000  }
0x19e: {  	[sflag:s4] =	ssyncset.done $0x0  }
0x19f: {  	s29 =	sadd.s32 $0x5600, s28;
	[sflag:s4] =	ssyncadd.s32 $0xFFFFF000  }
0x1a0: {  	[spmem:s1] =	stream.indirect.scatter.add.f32 [tilespmem:s16], [sflag:$0x8], $0x20, s29, s12, $0xb8;
	[tilespmem:$0x19A80] =	vst v63  }
0x1a1: {  	_ =	swait.ge [sflag:s15], $0x1000  }
0x1a2: {  	[sflag:s15] =	ssyncset.done $0x0  }
0x1a3: {  	s29 =	sadd.s32 $0x500, s28;
	[sflag:s15] =	ssyncadd.s32 $0xFFFFF000  }
0x1a4: {  	[tilespmem:s13], [sflag:$0x1] =	stream.indirect.gather [spmem:s3], $0x20, s29, s12, $0xb8;
	[tilespmem:$0x19A80] =	vst v63  }
0x1a5: {  	_ =	swait.ge [sflag:s10], $0x1000  }
0x1a6: {  	[sflag:s10] =	ssyncset.done $0x0  }
0x1a7: {  	s29 =	sadd.s32 $0x5680, s28;
	[sflag:s10] =	ssyncadd.s32 $0xFFFFF000  }
0x1a8: {  	[spmem:s1] =	stream.indirect.scatter.add.f32 [tilespmem:s18], [sflag:$0x9], $0x20, s29, s12, $0xb8;
	[tilespmem:$0x19A80] =	vst v63  }
0x1a9: {  	_ =	swait.ge [sflag:s0], $0x1000  }
0x1aa: {  	[sflag:s0] =	ssyncset.done $0x0  }
0x1ab: {  	s29 =	sadd.s32 $0x580, s28;
	[sflag:s0] =	ssyncadd.s32 $0xFFFFF000  }
0x1ac: {  	[tilespmem:s14], [sflag:$0x2] =	stream.indirect.gather [spmem:s3], $0x20, s29, s12, $0xb8;
	[tilespmem:$0x19A80] =	vst v63  }
0x1ad: {  	_ =	swait.ge [sflag:s17], $0x1000  }
0x1ae: {  	[sflag:s17] =	ssyncset.done $0x0  }
.Ltmp2:
0x1af: {  	s29 =	sadd.s32 $0x5700, s28;
	[sflag:s17] =	ssyncadd.s32 $0xFFFFF000;
	(pc) =	sbr.rel @p0 .LBB2_6-.Ltmp2, $4  }
0x1b0: {  	[spmem:s1] =	stream.indirect.scatter.add.f32 [tilespmem:s2], [sflag:$0xA], $0x20, s29, s12, $0xb8;
	[tilespmem:$0x19A80] =	vst v63  }
0x1b1: {  	_ =	swait.ge [sflag:s5], $0x1000  }
0x1b2: {  	[sflag:s5] =	ssyncset.done $0x0  }
0x1b3: {  	s28 =	sadd.s32 $0x600, s28;
	[sflag:s5] =	ssyncadd.s32 $0xFFFFF000  }
0x1b4: {  	[tilespmem:s16], [sflag:$0x3] =	stream.indirect.gather [spmem:s3], $0x20, s28, s12, $0xb8;
	[tilespmem:$0x19A80] =	vst v63  }
0x1b5: {  	_ =	swait.ge [sflag:s9], $0x1000  }
0x1b6: {  	[sflag:s9] =	ssyncset.done $0x0  }
0x1b7: {  	[sflag:s9] =	ssyncadd.s32 $0xFFFFF000  }
0x1b8: {  	_ =	swait.ge [sflag:s30], $0x1000  }
0x1b9: {  	[sflag:s30] =	ssyncset.done $0x0  }
0x1ba: {  	[sflag:s30] =	ssyncadd.s32 $0xFFFFF000  }
0x1bb: {  	_ =	swait.ge [sflag:s4], $0x1000  }
0x1bc: {  	[sflag:s4] =	ssyncset.done $0x0  }
0x1bd: {  	[sflag:s4] =	ssyncadd.s32 $0xFFFFF000  }
0x1be: {  	_ =	swait.ge [sflag:s31], $0x1000  }
0x1bf: {  	[sflag:s31] =	ssyncset.done $0x0  }
0x1c0: {  	[sflag:s31] =	ssyncadd.s32 $0xFFFFF000  }
0x1c1: {  	_ =	swait.ge [sflag:s7], $0x1000  }
0x1c2: {  	[sflag:s7] =	ssyncset.done $0x0  }
0x1c3: {  	[sflag:s7] =	ssyncadd.s32 $0xFFFFF000  }
0x1c4: {  	[bflag:$0x0] =	sbarrier.arrive $0xFFFF  }
0x1c5: {  	s28 =	simm.s32 $0x10;
	s21 =	rddreg [dreg:$0xd]  }
0x1c6: {  	[hbm:s21@s28], [sflag:s20] =	dma.strided [spmem:s22@s10], $0x200, s9, $0x4   }
0x1c7: {  	_ =	swait.ge [sflag:s6], $0x200  }
0x1c8: {  	[sflag:s6] =	ssyncset.done $0x0  }
0x1c9: {  	s22 =	rddreg [dreg:$0xe];
	[sflag:s6] =	ssyncadd.s32 $0xFFFFFE00  }
0x1ca: {  	[hbm:s22@s28], [sflag:s20] =	dma.strided [spmem:s23@s10], $0x200, s9, $0x4   }
0x1cb: {  	_ =	swait.ge [sflag:s6], $0x200  }
0x1cc: {  	[sflag:s6] =	ssyncset.done $0x0  }
0x1cd: {  	s23 =	rddreg [dreg:$0xf];
	[sflag:s6] =	ssyncadd.s32 $0xFFFFFE00  }
0x1ce: {  	[hbm:s23@s28], [sflag:s20] =	dma.strided [spmem:s24@s10], $0x200, s9, $0x4   }
0x1cf: {  	_ =	swait.ge [sflag:s6], $0x200  }
0x1d0: {  	[sflag:s6] =	ssyncset.done $0x0  }
0x1d1: {  	s24 =	rddreg [dreg:$0x10];
	[sflag:s6] =	ssyncadd.s32 $0xFFFFFE00  }
0x1d2: {  	[hbm:s24@s28], [sflag:s20] =	dma.strided [spmem:s25@s10], $0x200, s9, $0x4   }
0x1d3: {  	_ =	swait.ge [sflag:s6], $0x200  }
0x1d4: {  	[sflag:s6] =	ssyncset.done $0x0  }
0x1d5: {  	s25 =	rddreg [dreg:$0x11];
	[sflag:s6] =	ssyncadd.s32 $0xFFFFFE00  }
0x1d6: {  	[hbm:s25@s28], [sflag:s20] =	dma.strided [spmem:s26@s10], $0x200, s9, $0x4   }
0x1d7: {  	_ =	swait.ge [sflag:s6], $0x200  }
0x1d8: {  	s11 =	sld [smem:$0x7FD];
	_ =	sdelay $0x1  }
0x1d9: {  	s19 =	sadd.s32 $0x1, s19  }
0x1da: {  	p0 =	sne.s32 s19, s11  }
.Ltmp3:
0x1db: {  	_ = 	snop;
	(pc) =	sbr.rel @p0 .LBB2_1-.Ltmp3, $3  }
0x1dc: {  	_ =	sdelay $0x1  }
0x1dd: {  	[sflag:s6] =	ssyncset.done $0x0  }
0x1de: {  	s29 =	rddreg [dreg:$0x12];
	[sflag:s6] =	ssyncadd.s32 $0xFFFFFE00  }
0x1df: {  	_ =	sfence.sel $0x180000  }
0x1e0: {  	[bflag:$0x0] =	sbarrier.arrive $0xFFFF  }
0x1e1: {  	_ =	strace $0x9000004A  }
0x1e2: {  	s0 =	stileid.u32;
	[bflag:$0x2] =	sbarrier.arrive $0xFFFF  }
0x1e3: {  	p0 =	sne.s32 s0, $0x0;
	s0 =	rddreg [dreg:$0x3]  }
0x1e4: {  	s0 =	sadd.s32 @!p0 $0x100000, s0  }
0x1e5: {  	[sflag:s0] =	ssyncadd.tile.s32 @!p0 $0x1;
	_ =	shalt  }
.Lfunc_end2:
_tile_overlayer_lowered:
.L_overlay_start_2:
0x1e6: {  	(tag) =	ssettag $0x2  }
0x1e7: {  	s0 =	rddreg [dreg:$0x0];
	s2 =	stileid.u32  }
0x1e8: {  	s1 =	rddreg [dreg:$0x1];
	p0 =	sne.s32 s2, $0x0  }
0x1e9: {  	s3 =	rddreg [dreg:$0x2];
	[bflag:$0x3] =	sbarrier.arrive $0xFFFF;
	s2 =	simm.s32 @!p0 $0x1C0B  }
0x1ea: {  	[timem:s3], [sflag:s2] =	dma.local @!p0 [hbm:s0], s1  }
0x1eb: {  	s0 =	simm.s32 @!p0 $0xB  }
0x1ec: {  	_ =	swait.ge @!p0 [sflag:s0], s1  }
0x1ed: {  	s1 =	ssub.s32 @!p0 $0x0, s1;
	[sflag:s0] =	ssyncset.done @!p0 $0x0  }
0x1ee: {  	[sflag:s0] =	ssyncadd.s32 @!p0 s1  }
0x1ef: {  	[bflag:$0x3] =	sbarrier.arrive $0xFFFF  }
0x1f0: {  	_ =	shalt  }

// kernel: kernel.15.cloned.1.call-start
scs
__scs_entry_jumppad:
0x0: {  	(pc) =	sbr.rel $0x88, $3  }
0x1: {  	(tag) =	ssettag $0x0;
	lr =	simm.s32 $0x1  }
0x2: {  	[smem:$0x3F95] =	sst lr;
	_ =	strace $0xD0000000  }
0x3: {  	_ = 	snop  }
0x4: {  	_ = 	snop  }
0x5: {  	_ = 	snop  }
0x6: {  	_ = 	snop  }
0x7: {  	_ = 	snop  }
__scs_overlays_trampoline_lowered:
0x8: {  	[smem:$0x3FA4] =	sst s0  }
0x9: {  	[smem:$0x3FA5] =	sst s1  }
0xa: {  	[smem:$0x3FA6] =	sst s2  }
0xb: {  	[smem:$0x3FA7] =	sst s3  }
0xc: {  	[smem:$0x3FA8] =	sst s4  }
0xd: {  	[smem:$0x3FA9] =	sst s5  }
0xe: {  	[smem:$0x3FAA] =	sst s6  }
0xf: {  	[smem:$0x3FAB] =	sst s7  }
0x10: {  	[smem:$0x3FAC] =	sst s8  }
0x11: {  	[smem:$0x3FAD] =	sst s9;
	s0 =	simm.s32 @!p0 $0x0  }
0x12: {  	s1 =	sld [smem:$0x3F93];
	s0 =	simm.s32 @p0 $0x1  }
0x13: {  	[smem:$0x3FAE] =	sst s0;
	s0 =	simm.s32 @!p1 $0x0  }
0x14: {  	s2 =	sld [smem:$0x3F92];
	s0 =	simm.s32 @p1 $0x1  }
0x15: {  	[smem:$0x3FAF] =	sst s0;
	s0 =	simm.s32 @!p2 $0x0  }
0x16: {  	s3 =	sld [smem:$0x3FDB];
	s0 =	simm.s32 @p2 $0x1  }
0x17: {  	s4 =	simm.s32 $0x1BF5;
	[smem:$0x3FB1] =	sst s0  }
0x18: {  	s0 =	sld [smem:$0x3F94];
	_ =	swait.ge [sflag:s4], $0x0  }
0x19: {  	s7 =	sld [smem:$0x3F95]  }
0x1a: {  	s8 =	sadd.s32 $0xFFFFE003, lr  }
0x1b: {  	s9 =	sadd.s32 $0xFFFFFEF7, lr;
	s5 =	simm.s32 $0xFFFFFFFF;
	p2 =	slt.u32 s8, $0xFFFFF086  }
0x1c: {  	p1 =	slt.u32 s9, $0xF7A;
	s5 =	simm.s32 @!p2 $0x0  }
0x1d: {  	s5 =	simm.s32 @p1 $0x1;
	p0 =	seq.s32 s7, s2  }
0x1e: {  	s7 =	smul.u32 @!p0 $0xF7A, s2;
	p2 =	seq.s32 @!p0 s5, $0x0  }
0x1f: {  	s9 =	smul.u32 $0xF7A, s1;
	s8 =	simm.s32 @!p0 $0x1BF5;
	p2 =	por !p2, p0  }
0x20: {  	[sflag:s8] =	ssyncset.s32 @!p0 $0xFFFFF086;
	s6 =	sadd.s32 @!p0 s3, s7;
	s7 =	simm.s32 @!p0 $0x108  }
0x21: {  	s3 =	sadd.s32 s3, s9;
	s6 =	sadd.s32 @!p0 $0x88, s6;
	s7 =	simm.s32 @p2 $0x1082  }
0x22: {  	[simem:s7], [sflag:s8] =	dma.local @!p0 [hbm:s6], $0xF7A  }
0x23: {  	s9 =	sor.u32 $0xD0000000, s2;
	s6 =	simm.s32 $0x108;
	_ =	swait.ge @!p0 [sflag:s8], $0x0  }
0x24: {  	s3 =	sadd.s32 $0x88, s3;
	s6 =	simm.s32 @!p1 $0x1082;
	[sflag:s4] =	ssyncset.s32 $0xFFFFF086  }
0x25: {  	[simem:s6], [sflag:s4] =	dma.local [hbm:s3], $0xF7A  }
0x26: {  	[smem:$0x3F95] =	sst s1;
	(tag) =	ssettag s2;
	_ =	strace s9  }
0x27: {  	s1 =	sld [smem:$0x3FA5]  }
0x28: {  	s2 =	sld [smem:$0x3FA6]  }
0x29: {  	s4 =	sld [smem:$0x3FA8]  }
0x2a: {  	p0 =	seq.s32 s5, $0x0;
	s5 =	sld [smem:$0x3FA9]  }
0x2b: {  	s6 =	sld [smem:$0x3FAA]  }
0x2c: {  	s7 =	sld [smem:$0x3FAB]  }
0x2d: {  	s3 =	simm.s32 $0x108;
	s8 =	sld [smem:$0x3FAC]  }
0x2e: {  	s3 =	simm.s32 @!p0 $0x1082;
	s9 =	sld [smem:$0x3FAD]  }
0x2f: {  	lr =	sadd.s32 s0, s3;
	s0 =	sld [smem:$0x3FA4]  }
0x30: {  	s3 =	sld [smem:$0x3FA7]  }
0x31: {  	[smem:$0x3FB0] =	sst s10  }
0x32: {  	s10 =	sld [smem:$0x3FAE];
	_ =	sdelay $0x3  }
0x33: {  	p0 =	seq.s32 s10, $0x1;
	s10 =	sld [smem:$0x3FB0];
	_ =	sdelay $0x3  }
0x34: {  	[smem:$0x3FB0] =	sst s10  }
0x35: {  	s10 =	sld [smem:$0x3FAF];
	_ =	sdelay $0x3  }
0x36: {  	p1 =	seq.s32 s10, $0x1;
	s10 =	sld [smem:$0x3FB0];
	_ =	sdelay $0x3  }
0x37: {  	[smem:$0x3FB0] =	sst s10  }
0x38: {  	s10 =	sld [smem:$0x3FB1]  }
0x39: {  	_ = 	snop;
	(pc) =	sbr.ind lr, $3  }
0x3a: {  	_ = 	snop  }
0x3b: {  	_ = 	snop  }
0x3c: {  	p2 =	seq.s32 s10, $0x1;
	s10 =	sld [smem:$0x3FB0]  }
0x3d: {  	_ =	shalt  }
0x3e: {  	_ =	shalt  }
0x3f: {  	_ =	shalt  }
0x40: {  	_ =	shalt  }
0x41: {  	_ =	shalt  }
0x42: {  	_ =	shalt  }
0x43: {  	_ =	shalt  }
0x44: {  	_ =	shalt  }
0x45: {  	_ =	shalt  }
0x46: {  	_ =	shalt  }
0x47: {  	_ =	shalt  }
0x48: {  	_ =	shalt  }
0x49: {  	_ =	shalt  }
0x4a: {  	_ =	shalt  }
0x4b: {  	_ =	shalt  }
0x4c: {  	_ =	shalt  }
0x4d: {  	_ =	shalt  }
0x4e: {  	_ =	shalt  }
0x4f: {  	_ =	shalt  }
0x50: {  	_ =	shalt  }
0x51: {  	_ =	shalt  }
0x52: {  	_ =	shalt  }
0x53: {  	_ =	shalt  }
0x54: {  	_ =	shalt  }
0x55: {  	_ =	shalt  }
0x56: {  	_ =	shalt  }
0x57: {  	_ =	shalt  }
0x58: {  	_ =	shalt  }
0x59: {  	_ =	shalt  }
0x5a: {  	_ =	shalt  }
0x5b: {  	_ =	shalt  }
0x5c: {  	_ =	shalt  }
0x5d: {  	_ =	shalt  }
0x5e: {  	_ =	shalt  }
0x5f: {  	_ =	shalt  }
0x60: {  	_ =	shalt  }
0x61: {  	_ =	shalt  }
0x62: {  	_ =	shalt  }
0x63: {  	_ =	shalt  }
0x64: {  	_ =	shalt  }
0x65: {  	_ =	shalt  }
0x66: {  	_ =	shalt  }
0x67: {  	_ =	shalt  }
0x68: {  	_ =	shalt  }
0x69: {  	_ =	shalt  }
0x6a: {  	_ =	shalt  }
0x6b: {  	_ =	shalt  }
0x6c: {  	_ =	shalt  }
0x6d: {  	_ =	shalt  }
0x6e: {  	_ =	shalt  }
0x6f: {  	_ =	shalt  }
0x70: {  	_ =	shalt  }
0x71: {  	_ =	shalt  }
0x72: {  	_ =	shalt  }
0x73: {  	_ =	shalt  }
0x74: {  	_ =	shalt  }
0x75: {  	_ =	shalt  }
0x76: {  	_ =	shalt  }
0x77: {  	_ =	shalt  }
0x78: {  	_ =	shalt  }
0x79: {  	_ =	shalt  }
0x7a: {  	_ =	shalt  }
0x7b: {  	_ =	shalt  }
0x7c: {  	_ =	shalt  }
0x7d: {  	_ =	shalt  }
0x7e: {  	_ =	shalt  }
0x7f: {  	_ =	shalt  }
0x80: {  	_ =	shalt  }
0x81: {  	_ =	shalt  }
0x82: {  	_ =	shalt  }
0x83: {  	_ =	shalt  }
0x84: {  	_ =	shalt  }
0x85: {  	_ =	shalt  }
0x86: {  	_ =	shalt  }
0x87: {  	_ =	shalt  }
.Lfunc_end0:
.L_simem_size_0:
called_computation.2_lowered:
.L_overlay_start_0:
0x88: {  	s2 =	sld [smem:$0x3FD9]  }
0x89: {  	s3 =	sld [smem:$0x3FFE];
	_ =	sdelay $0x1  }
0x8a: {  	s1 =	srdreg.scid  }
0x8b: {  	s0 =	sand.u32 $0x1, s1  }
0x8c: {  	s16 =	sshll.u32 s0, $0xA;
	s2 =	sadd.s32 s3, s2  }
0x8d: {  	s2 =	sadd.s32 s2, s16  }
0x8e: {  	[smem:$0x3FBC] =	sst s2  }
0x8f: {  	_ = 	snop  }
0x90: {  	(tm) =	ssettm $0x1  }
0x91: {  	s17 =	sld [smem:$0x3FFB];
	_ =	sdelay $0x3  }
0x92: {  	_ =	strace s17  }
0x93: {  	s2 =	sld [smem:$0x3FFC];
	_ =	sdelay $0x3  }
0x94: {  	_ =	strace s2  }
0x95: {  	s2 =	sld [smem:$0x3FFD];
	_ =	sdelay $0x3  }
0x96: {  	_ =	strace s2  }
0x97: {  	_ =	strace $0x8FFFFFFF  }
0x98: {  	s18 =	sld [smem:$0x3FDB];
	_ =	sdelay $0x1  }
0x99: {  	s19 =	simm.s32 $_scs_section_size  }
0x9a: {  	s4 =	simm.s32 $_size__tile_overlayer_lowered;
	s5 =	simm.s32 $_tile_overlayer_lowered  }
0x9b: {  	s22 =	simm.s32 $0x1BFF;
	s21 =	sshll.u32 s5, $0x1;
	s2 =	sadd.s32 s19, s18  }
0x9c: {  	s6 =	simm.s32 $0x0;
	s20 =	sshll.u32 s4, $0x1;
	s4 =	sadd.s32 s21, s2  }
0x9d: {  	[timem:s6], [sflag:s22] =	dma.local [hbm:s4], s20  }
0x9e: {  	_ =	swait.ge [sflag:s22], s20  }
0x9f: {  	s3 =	ssub.s32 $0x0, s20;
	[sflag:s22] =	ssyncset.done $0x0  }
0xa0: {  	[sflag:s22] =	ssyncadd.s32 s3;
	_ =	sdelay $0x1  }
0xa1: {  	s23 =	simm.s32 $0x1B8B  }
0xa2: {  	_ =	swait.ge [sflag:s23], $0x1  }
0xa3: {  	[sflag:s23] =	ssyncset.done $0x0  }
0xa4: {  	s25 =	simm.s32 $0x1B8E;
	s24 =	sld [smem:$0x3FFE];
	[sflag:s23] =	ssyncadd.s32 $0xFFFFFFFF  }
0xa5: {  	s26 =	simm.s32 $execute0_lowered;
	[smem:$0x3FD2] =	sst s25  }
0xa6: {  	s4 =	sshll.u32 s26, $0x1;
	_ =	strace $0x8000004C;
	[dreg:$0x1] =	wrdreg $0xFFFFFFFF  }
0xa7: {  	s28 =	simm.s32 $_size_execute0_lowered;
	s2 =	sadd.s32 s2, s4;
	[dreg:$0x0] =	wrdreg $0x0  }
0xa8: {  	s4 =	sshll.u32 s28, $0x1;
	[dreg:$0x2] =	wrdreg s2  }
0xa9: {  	[dreg:$0x3] =	wrdreg s4  }
0xaa: {  	[dreg:$0x4] =	wrdreg $0xC0  }
0xab: {  	_ =	task [dreg:s6], $0x5FFFF  }
0xac: {  	[dreg:$0x1] =	wrdreg $0xFFFFFFFF  }
0xad: {  	[dreg:$0x0] =	wrdreg $0x60  }
0xae: {  	[dreg:$0x2] =	wrdreg s24  }
0xaf: {  	[dreg:$0x3] =	wrdreg $0x14A800  }
0xb0: {  	[dreg:$0x4] =	wrdreg $0xFA800  }
0xb1: {  	[dreg:$0x5] =	wrdreg $0x9  }
0xb2: {  	_ =	task.clear_ibuf [dreg:s6], $0x6FFFF;
	_ =	strace $0x9000004C  }
0xb3: {  	s29 =	simm.s32 $0x9;
	_ =	strace $0x8000004E  }
0xb4: {  	_ =	swait.ge [sflag:s29], $0x1  }
0xb5: {  	[sflag:s29] =	ssyncadd.s32 $0xFFFFFFFF  }
0xb6: {  	_ =	strace $0x9000004E  }
0xb7: {  	_ =	sfence  }
0xb8: {  	s30 =	sld [smem:$0x0];
	_ =	sdelay $0x2  }
0xb9: {  	s31 =	sshll.u32 s1, $0xD;
	s1 =	sshrl.u32 s1, $0x2  }
0xba: {  	s3 =	sand.u32 $0x4000, s31;
	s1 =	sadd.s32 s1, s30  }
0xbb: {  	s0 =	sor.u32 s3, s0;
	s1 =	sshll.u32 s1, $0x11  }
0xbc: {  	s0 =	sor.u32 s1, s0  }
0xbd: {  	s0 =	sadd.s32 $0x8F2B, s0  }
0xbe: {  	[sflag:s0] =	ssyncadd.remote.s32 $0x1  }
0xbf: {  	_ =	sfence.sel $0xFFFF  }
0xc0: {  	[dreg:$0x0] =	wrdreg $0xFFFFFFFF;
	(pc) =	sbr.abs _section_cstart, $3  }
0xc1: {  	[dreg:$0x1] =	wrdreg $0xFFFFFFFF  }
0xc2: {  	_ =	task.clear_ibuf [dreg:s6], $0x2FFFF;
	_ =	strace $0x9FFFFFFF  }
0xc3: {  	(tm) =	ssettm $0x7FFFFFFF  }
tec
execute0_lowered:
.L_overlay_start_1:
0x0: {  	(tag) =	ssettag $0x1  }
0x1: {  	s0 =	rddreg [dreg:$0x0]  }
0x2: {  	s1 =	rddreg [dreg:$0x1]  }
0x3: {  	s3 =	rddreg [dreg:$0x2]  }
0x4: {  	s2 =	simm.s32 $0x0;
	s14 =	stileid.u32;
	s4 =	srdreg.scid  }
0x5: {  	s28 =	simm.s32 $0x10;
	s30 =	simm.s32 $0x2;
	s11 =	smul.u32 $0xA50, s14  }
0x6: {  	s31 =	simm.s32 $0x9;
	[smem:$0x7FF] =	sst s2;
	s5 =	smul.u32 $0xA00, s14  }
0x7: {  	s4 =	sand.u32 $0x1, s4;
	s6 =	sadd.s32 $0x21000, s0;
	s9 =	smul.u32 $0x14000, s14  }
0x8: {  	s10 =	sadd.s32 $0x49000, s0;
	_ =	strace $0x8000004D;
	s7 =	ssub.s32 $0x2, s4  }
0x9: {  	s4 =	sshll.u32 s4, $0x5;
	s2 =	sadd.s32 s11, s0;
	s5 =	sadd.s32 s5, s0  }
0xa: {  	s8 =	sshrl.u32 s7, $0x1;
	s13 =	sor.u32 s4, s9;
	s11 =	sadd.s32 $0x8000, s9  }
0xb: {  	s0 =	ssub.s32 s7, s8;
	s2 =	sadd.s32 $0x16A00, s2;
	s12 =	sadd.s32 $0x2A00, s5  }
0xc: {  	s5 =	sshrl.u32 s9, $0x2;
	s7 =	sadd.s32 $0x4000, s9;
	[dreg:$0x4] =	wrdreg s2  }
0xd: {  	s18 =	sor.u32 s4, s11;
	s8 =	sadd.s32 $0xC000, s9;
	[dreg:$0x5] =	wrdreg s12  }
0xe: {  	s2 =	sshrl.u32 s13, $0x3;
	s16 =	sor.u32 s4, s7;
	s19 =	sshrl.u32 s18, $0x3  }
0xf: {  	s20 =	sor.u32 s4, s8;
	s12 =	sadd.s32 $0x10000, s9;
	s0 =	smax.u32 s0, $0x1  }
0x10: {  	s15 =	sadd.s32 s6, s2;
	s2 =	sadd.s32 s10, s2;
	[smem:$0x7FD] =	sst s0  }
0x11: {  	s17 =	sshrl.u32 s16, $0x3;
	s13 =	sor.u32 s4, s12;
	[dreg:$0x6] =	wrdreg s15  }
0x12: {  	s4 =	sor.u32 $0x40, s4;
	s0 =	simm.s32 $0x7;
	[dreg:$0x7] =	wrdreg s2  }
0x13: {  	s2 =	sadd.s32 s10, s17;
	s21 =	sshrl.u32 s13, $0x3;
	s9 =	sor.u32 s9, s4  }
0x14: {  	s23 =	sor.u32 s4, s7;
	s25 =	sor.u32 s4, s11;
	s26 =	sor.u32 s4, s8  }
0x15: {  	s4 =	sor.u32 s4, s12;
	s13 =	smul.u32 $0x5000, s14;
	s14 =	sadd.s32 s5, s1  }
0x16: {  	[dreg:$0x8] =	wrdreg s2;
	s2 =	sadd.s32 s10, s19;
	s22 =	sshrl.u32 s9, $0x3  }
0x17: {  	s24 =	sshrl.u32 s23, $0x3;
	s5 =	sadd.s32 $0x1000, s14;
	[dreg:$0x9] =	wrdreg s2  }
0x18: {  	s9 =	sshrl.u32 s4, $0x3;
	s15 =	sadd.s32 $0x1800, s14;
	[dreg:$0x13] =	wrdreg s5  }
0x19: {  	s29 =	sadd.s32 $0x800, s14;
	s16 =	sadd.s32 $0x2000, s14;
	[dreg:$0x14] =	wrdreg s15  }
0x1a: {  	s17 =	sadd.s32 $0x2800, s14;
	s18 =	sadd.s32 $0x3000, s14;
	[dreg:$0x15] =	wrdreg s16  }
0x1b: {  	s19 =	sadd.s32 $0x3800, s14;
	s4 =	sadd.s32 $0x4800, s14;
	[dreg:$0x16] =	wrdreg s17  }
0x1c: {  	s23 =	sshrl.u32 s11, $0x2;
	s2 =	sshrl.u32 s20, $0x3;
	[dreg:$0x17] =	wrdreg s18  }
0x1d: {  	s6 =	sadd.s32 s6, s22;
	[dreg:$0x18] =	wrdreg s19;
	s20 =	sadd.s32 $0x4000, s14  }
0x1e: {  	[dreg:$0x1a] =	wrdreg s4;
	s14 =	simm.s32 $0xB280;
	s16 =	simm.s32 $0xC280  }
0x1f: {  	s18 =	simm.s32 $0xD280;
	s4 =	simm.s32 $0x3;
	[dreg:$0x12] =	wrdreg s29  }
0x20: {  	s15 =	simm.s32 $0x6;
	s17 =	simm.s32 $0x5;
	[dreg:$0xc] =	wrdreg s6  }
0x21: {  	s5 =	simm.s32 $0x8;
	s2 =	sadd.s32 s10, s2;
	[dreg:$0x19] =	wrdreg s20  }
0x22: {  	s6 =	sshrl.u32 s26, $0x3;
	[dreg:$0xa] =	wrdreg s2;
	s2 =	sadd.s32 s10, s21  }
0x23: {  	s19 =	simm.s32 $0x0;
	s6 =	sadd.s32 s10, s6;
	[dreg:$0xb] =	wrdreg s2  }
0x24: {  	s26 =	sshrl.u32 s12, $0x2;
	s21 =	sadd.s32 s13, s1;
	[dreg:$0x10] =	wrdreg s6  }
0x25: {  	s12 =	simm.s32 $0x80;
	s2 =	sadd.s32 s10, s22;
	[dreg:$0x1b] =	wrdreg s21  }
0x26: {  	[dreg:$0xd] =	wrdreg s2;
	s2 =	sadd.s32 s10, s24;
	s24 =	sshrl.u32 s8, $0x2  }
0x27: {  	[dreg:$0xe] =	wrdreg s2;
	s2 =	sshrl.u32 s25, $0x3;
	s25 =	sadd.s32 s24, s1  }
0x28: {  	s22 =	sshrl.u32 s7, $0x2;
	s2 =	sadd.s32 s10, s2;
	[dreg:$0x1f] =	wrdreg s25  }
0x29: {  	s6 =	simm.s32 $0xB;
	[dreg:$0xf] =	wrdreg s2;
	s2 =	sadd.s32 s10, s9  }
0x2a: {  	s7 =	simm.s32 $0xA;
	[dreg:$0x11] =	wrdreg s2;
	s2 =	sadd.s32 s13, s3  }
0x2b: {  	s8 =	simm.s32 $0xF280;
	[dreg:$0x1c] =	wrdreg s2;
	s2 =	sadd.s32 s22, s1  }
0x2c: {  	s9 =	simm.s32 $0x1;
	[dreg:$0x1d] =	wrdreg s2;
	s2 =	sadd.s32 s23, s1  }
0x2d: {  	s10 =	simm.s32 $0x4;
	[dreg:$0x1e] =	wrdreg s2;
	s2 =	sadd.s32 s26, s1  }
0x2e: {  	v0 =	vimm.f32 $0.0e+00;
	s13 =	simm.s32 $0xA280;
	[smem:$0x7FC] =	sst s2;
	s2 =	simm.s32 $0xE280  }
.LBB2_1:
0x2f: {  	s20 =	simm.s32 $0x0;
	s21 =	rddreg [dreg:$0x4]  }
0x30: {  	[tilespmem:s20], [sflag:$0xB] =	stream.linear.gather [hbm4b:s21+s20], $0x5280, $0x38;
	[tilespmem:$0x19A80] =	vst v63  }
0x31: {  	_ =	swait.ge [sflag:s6], $0x5280  }
0x32: {  	[sflag:s6] =	ssyncset.done $0x0  }
0x33: {  	s11 =	simm.s32 $0x5280;
	s26 =	rddreg [dreg:$0x5];
	[sflag:s6] =	ssyncadd.s32 $0xFFFFAD80  }
0x34: {  	[tilespmem:s11], [sflag:$0xB] =	stream.linear.gather [hbm4b:s26+s20], $0x5000, $0x38;
	[tilespmem:$0x19A80] =	vst v63  }
0x35: {  	_ =	swait.ge [sflag:s6], $0x5000  }
0x36: {  	[sflag:s6] =	ssyncset.done $0x0  }
0x37: {  	s21 =	simm.s32 $0x0;
	s20 =	simm.s32 $0x80;
	[sflag:s6] =	ssyncadd.s32 $0xFFFFB000  }
.LBB2_2:
0x38: {  	p0 =	sne.s32 s20, $0x1F80;
	[tilespmem:s21+$0xF280] =	vst v0;
	s22 =	smov.u32 s20;
	s20 =	sadd.s32 $0x80, s20  }
.Ltmp0:
0x39: {  	[tilespmem:s21+$0xF290] =	vst v0;
	(pc) =	sbr.rel @p0 .LBB2_2-.Ltmp0, $2  }
0x3a: {  	_ =	sdelay $0x2  }
0x3b: {  	s21 =	sshra.s32 s22, $0x2  }
0x3c: {  	[tilespmem:s21+$0xF280] =	vst v0  }
0x3d: {  	[tilespmem:s21+$0xF290] =	vst v0;
	s20 =	rddreg [dreg:$0x1b]  }
0x3e: {  	[spmem:s20] =	stream.linear.scatter [tilespmem:s8], [sflag:$0xB], $0x800, $0x38;
	[tilespmem:$0x19A80] =	vst v63  }
0x3f: {  	_ =	swait.ge [sflag:s6], $0x800  }
0x40: {  	[sflag:s6] =	ssyncset.done $0x0  }
0x41: {  	[sflag:s6] =	ssyncadd.s32 $0xFFFFF800  }
0x42: {  	[spmem:s29] =	stream.linear.scatter [tilespmem:s8], [sflag:$0xB], $0x800, $0x38;
	[tilespmem:$0x19A80] =	vst v63  }
0x43: {  	_ =	swait.ge [sflag:s6], $0x800  }
0x44: {  	[sflag:s6] =	ssyncset.done $0x0  }
0x45: {  	s22 =	rddreg [dreg:$0x13];
	[sflag:s6] =	ssyncadd.s32 $0xFFFFF800  }
0x46: {  	[spmem:s22] =	stream.linear.scatter [tilespmem:s8], [sflag:$0xB], $0x800, $0x38;
	[tilespmem:$0x19A80] =	vst v63  }
0x47: {  	_ =	swait.ge [sflag:s6], $0x800  }
0x48: {  	[sflag:s6] =	ssyncset.done $0x0  }
0x49: {  	s23 =	rddreg [dreg:$0x14];
	[sflag:s6] =	ssyncadd.s32 $0xFFFFF800  }
0x4a: {  	[spmem:s23] =	stream.linear.scatter [tilespmem:s8], [sflag:$0xB], $0x800, $0x38;
	[tilespmem:$0x19A80] =	vst v63  }
0x4b: {  	_ =	swait.ge [sflag:s6], $0x800  }
0x4c: {  	[sflag:s6] =	ssyncset.done $0x0  }
0x4d: {  	s24 =	rddreg [dreg:$0x15];
	[sflag:s6] =	ssyncadd.s32 $0xFFFFF800  }
0x4e: {  	[spmem:s24] =	stream.linear.scatter [tilespmem:s8], [sflag:$0xB], $0x800, $0x38;
	[tilespmem:$0x19A80] =	vst v63  }
0x4f: {  	_ =	swait.ge [sflag:s6], $0x800  }
0x50: {  	[sflag:s6] =	ssyncset.done $0x0  }
0x51: {  	s25 =	rddreg [dreg:$0x16];
	[sflag:s6] =	ssyncadd.s32 $0xFFFFF800  }
0x52: {  	[spmem:s25] =	stream.linear.scatter [tilespmem:s8], [sflag:$0xB], $0x800, $0x38;
	[tilespmem:$0x19A80] =	vst v63  }
0x53: {  	_ =	swait.ge [sflag:s6], $0x800  }
0x54: {  	[sflag:s6] =	ssyncset.done $0x0  }
0x55: {  	s26 =	rddreg [dreg:$0x17];
	[sflag:s6] =	ssyncadd.s32 $0xFFFFF800  }
0x56: {  	[spmem:s26] =	stream.linear.scatter [tilespmem:s8], [sflag:$0xB], $0x800, $0x38;
	[tilespmem:$0x19A80] =	vst v63  }
0x57: {  	_ =	swait.ge [sflag:s6], $0x800  }
0x58: {  	[sflag:s6] =	ssyncset.done $0x0  }
0x59: {  	s11 =	rddreg [dreg:$0x18];
	[sflag:s6] =	ssyncadd.s32 $0xFFFFF800  }
0x5a: {  	[spmem:s11] =	stream.linear.scatter [tilespmem:s8], [sflag:$0xB], $0x800, $0x38;
	[tilespmem:$0x19A80] =	vst v63  }
0x5b: {  	_ =	swait.ge [sflag:s6], $0x800  }
0x5c: {  	[sflag:s6] =	ssyncset.done $0x0  }
0x5d: {  	s21 =	rddreg [dreg:$0x19];
	[sflag:s6] =	ssyncadd.s32 $0xFFFFF800  }
0x5e: {  	[spmem:s21] =	stream.linear.scatter [tilespmem:s8], [sflag:$0xB], $0x800, $0x38;
	[tilespmem:$0x19A80] =	vst v63  }
0x5f: {  	_ =	swait.ge [sflag:s6], $0x800  }
0x60: {  	[sflag:s6] =	ssyncset.done $0x0  }
0x61: {  	s22 =	rddreg [dreg:$0x1a];
	[sflag:s6] =	ssyncadd.s32 $0xFFFFF800  }
0x62: {  	[spmem:s22] =	stream.linear.scatter [tilespmem:s8], [sflag:$0xB], $0x800, $0x38;
	[tilespmem:$0x19A80] =	vst v63  }
0x63: {  	s23 =	stileid.u32;
	_ =	swait.ge [sflag:s6], $0x800  }
0x64: {  	s20 =	sshll.u32 s23, $0x6;
	s11 =	rddreg [dreg:$0x1c]  }
0x65: {  	[sflag:s6] =	ssyncset.done $0x0;
	s22 =	rddreg [dreg:$0x6];
	s11 =	sshrl.u32 s11, $0x3  }
0x66: {  	s20 =	sor.u32 $0x1C0B, s20;
	[sflag:s6] =	ssyncadd.s32 $0xFFFFF800;
	[smem:$0x7FB] =	sst s11  }
0x67: {  	[spmem:s11@s10], [sflag:s20] =	dma.strided [hbm:s22@s28], $0xA00, s9, $0x4   }
0x68: {  	_ =	swait.ge [sflag:s6], $0xA00  }
0x69: {  	[sflag:s6] =	ssyncset.done $0x0  }
0x6a: {  	[sflag:s6] =	ssyncadd.s32 $0xFFFFF600  }
0x6b: {  	s24 =	simm.s32 $0x0;
	[bflag:$0x0] =	sbarrier.arrive $0xFFFF  }
0x6c: {  	[tilespmem:s13], [sflag:$0x1] =	stream.indirect.gather [spmem:s3], $0x20, s24, s12, $0xb8;
	[tilespmem:$0x19A80] =	vst v63  }
0x6d: {  	_ = 	snop  }
0x6e: {  	[tilespmem:s14], [sflag:$0x2] =	stream.indirect.gather [spmem:s3], $0x20, s12, s12, $0xb8;
	[tilespmem:$0x19A80] =	vst v63  }
0x6f: {  	s25 =	simm.s32 $0x100  }
0x70: {  	[tilespmem:s16], [sflag:$0x3] =	stream.indirect.gather [spmem:s3], $0x20, s25, s12, $0xb8;
	[tilespmem:$0x19A80] =	vst v63  }
0x71: {  	_ =	swait.ge [sflag:s9], $0x1000  }
0x72: {  	[sflag:s9] =	ssyncset.done $0x0  }
0x73: {  	s26 =	simm.s32 $0x5280;
	[sflag:s9] =	ssyncadd.s32 $0xFFFFF000  }
0x74: {  	[spmem:s1] =	stream.indirect.scatter.add.f32 [tilespmem:s13], [sflag:$0x6], $0x20, s26, s12, $0xb8;
	[tilespmem:$0x19A80] =	vst v63  }
0x75: {  	s21 =	simm.s32 $0x180  }
0x76: {  	[tilespmem:s18], [sflag:$0x4] =	stream.indirect.gather [spmem:s3], $0x20, s21, s12, $0xb8;
	[tilespmem:$0x19A80] =	vst v63  }
0x77: {  	_ =	swait.ge [sflag:s30], $0x1000  }
0x78: {  	[sflag:s30] =	ssyncset.done $0x0  }
0x79: {  	s22 =	simm.s32 $0x5300;
	[sflag:s30] =	ssyncadd.s32 $0xFFFFF000  }
0x7a: {  	[spmem:s1] =	stream.indirect.scatter.add.f32 [tilespmem:s14], [sflag:$0x7], $0x20, s22, s12, $0xb8;
	[tilespmem:$0x19A80] =	vst v63  }
0x7b: {  	s23 =	simm.s32 $0x200  }
0x7c: {  	[tilespmem:s2], [sflag:$0x5] =	stream.indirect.gather [spmem:s3], $0x20, s23, s12, $0xb8;
	[tilespmem:$0x19A80] =	vst v63  }
0x7d: {  	_ =	swait.ge [sflag:s4], $0x1000  }
0x7e: {  	[sflag:s4] =	ssyncset.done $0x0  }
0x7f: {  	s24 =	simm.s32 $0x5380;
	[sflag:s4] =	ssyncadd.s32 $0xFFFFF000  }
0x80: {  	[spmem:s1] =	stream.indirect.scatter.add.f32 [tilespmem:s16], [sflag:$0x8], $0x20, s24, s12, $0xb8;
	[tilespmem:$0x19A80] =	vst v63  }
0x81: {  	_ =	swait.ge [sflag:s15], $0x1000  }
0x82: {  	[sflag:s15] =	ssyncset.done $0x0  }
0x83: {  	s25 =	simm.s32 $0x280;
	[sflag:s15] =	ssyncadd.s32 $0xFFFFF000  }
0x84: {  	[tilespmem:s13], [sflag:$0x1] =	stream.indirect.gather [spmem:s3], $0x20, s25, s12, $0xb8;
	[tilespmem:$0x19A80] =	vst v63  }
0x85: {  	_ =	swait.ge [sflag:s10], $0x1000  }
0x86: {  	[sflag:s10] =	ssyncset.done $0x0  }
0x87: {  	s26 =	simm.s32 $0x5400;
	[sflag:s10] =	ssyncadd.s32 $0xFFFFF000  }
0x88: {  	[spmem:s1] =	stream.indirect.scatter.add.f32 [tilespmem:s18], [sflag:$0x9], $0x20, s26, s12, $0xb8;
	[tilespmem:$0x19A80] =	vst v63  }
0x89: {  	_ =	swait.ge [sflag:s0], $0x1000  }
0x8a: {  	[sflag:s0] =	ssyncset.done $0x0  }
0x8b: {  	s21 =	simm.s32 $0x300;
	[sflag:s0] =	ssyncadd.s32 $0xFFFFF000  }
0x8c: {  	[tilespmem:s14], [sflag:$0x2] =	stream.indirect.gather [spmem:s3], $0x20, s21, s12, $0xb8;
	[tilespmem:$0x19A80] =	vst v63  }
0x8d: {  	_ =	swait.ge [sflag:s17], $0x1000  }
0x8e: {  	[sflag:s17] =	ssyncset.done $0x0  }
0x8f: {  	s22 =	simm.s32 $0x5480;
	[sflag:s17] =	ssyncadd.s32 $0xFFFFF000  }
0x90: {  	[spmem:s1] =	stream.indirect.scatter.add.f32 [tilespmem:s2], [sflag:$0xA], $0x20, s22, s12, $0xb8;
	[tilespmem:$0x19A80] =	vst v63  }
0x91: {  	_ =	swait.ge [sflag:s5], $0x1000  }
0x92: {  	[sflag:s5] =	ssyncset.done $0x0  }
0x93: {  	s23 =	simm.s32 $0x380;
	[sflag:s5] =	ssyncadd.s32 $0xFFFFF000  }
0x94: {  	[tilespmem:s16], [sflag:$0x3] =	stream.indirect.gather [spmem:s3], $0x20, s23, s12, $0xb8;
	[tilespmem:$0x19A80] =	vst v63  }
0x95: {  	_ =	swait.ge [sflag:s9], $0x1000  }
0x96: {  	[sflag:s9] =	ssyncset.done $0x0  }
0x97: {  	s24 =	simm.s32 $0x5500;
	[sflag:s9] =	ssyncadd.s32 $0xFFFFF000  }
0x98: {  	[spmem:s1] =	stream.indirect.scatter.add.f32 [tilespmem:s13], [sflag:$0x6], $0x20, s24, s12, $0xb8;
	[tilespmem:$0x19A80] =	vst v63  }
0x99: {  	_ =	swait.ge [sflag:s31], $0x1000  }
0x9a: {  	[sflag:s31] =	ssyncset.done $0x0  }
0x9b: {  	s25 =	simm.s32 $0x400;
	[sflag:s31] =	ssyncadd.s32 $0xFFFFF000  }
0x9c: {  	[tilespmem:s18], [sflag:$0x4] =	stream.indirect.gather [spmem:s3], $0x20, s25, s12, $0xb8;
	[tilespmem:$0x19A80] =	vst v63  }
0x9d: {  	_ =	swait.ge [sflag:s30], $0x1000  }
0x9e: {  	[sflag:s30] =	ssyncset.done $0x0  }
0x9f: {  	s26 =	simm.s32 $0x5580;
	[sflag:s30] =	ssyncadd.s32 $0xFFFFF000  }
0xa0: {  	[spmem:s1] =	stream.indirect.scatter.add.f32 [tilespmem:s14], [sflag:$0x7], $0x20, s26, s12, $0xb8;
	[tilespmem:$0x19A80] =	vst v63  }
0xa1: {  	_ =	swait.ge [sflag:s7], $0x1000  }
0xa2: {  	[sflag:s7] =	ssyncset.done $0x0  }
0xa3: {  	s11 =	simm.s32 $0x480;
	[sflag:s7] =	ssyncadd.s32 $0xFFFFF000  }
0xa4: {  	[tilespmem:s2], [sflag:$0x5] =	stream.indirect.gather [spmem:s3], $0x20, s11, s12, $0xb8;
	[tilespmem:$0x19A80] =	vst v63  }
0xa5: {  	_ =	swait.ge [sflag:s4], $0x1000  }
0xa6: {  	[sflag:s4] =	ssyncset.done $0x0  }
0xa7: {  	s21 =	simm.s32 $0x5600;
	[sflag:s4] =	ssyncadd.s32 $0xFFFFF000  }
0xa8: {  	[spmem:s1] =	stream.indirect.scatter.add.f32 [tilespmem:s16], [sflag:$0x8], $0x20, s21, s12, $0xb8;
	[tilespmem:$0x19A80] =	vst v63  }
0xa9: {  	_ =	swait.ge [sflag:s15], $0x1000  }
0xaa: {  	[sflag:s15] =	ssyncset.done $0x0  }
0xab: {  	s23 =	simm.s32 $0x500;
	[sflag:s15] =	ssyncadd.s32 $0xFFFFF000  }
0xac: {  	[tilespmem:s13], [sflag:$0x1] =	stream.indirect.gather [spmem:s3], $0x20, s23, s12, $0xb8;
	[tilespmem:$0x19A80] =	vst v63  }
0xad: {  	_ =	swait.ge [sflag:s10], $0x1000  }
0xae: {  	[sflag:s10] =	ssyncset.done $0x0  }
0xaf: {  	s24 =	simm.s32 $0x5680;
	[sflag:s10] =	ssyncadd.s32 $0xFFFFF000  }
0xb0: {  	[spmem:s1] =	stream.indirect.scatter.add.f32 [tilespmem:s18], [sflag:$0x9], $0x20, s24, s12, $0xb8;
	[tilespmem:$0x19A80] =	vst v63  }
0xb1: {  	_ =	swait.ge [sflag:s0], $0x1000  }
0xb2: {  	[sflag:s0] =	ssyncset.done $0x0  }
0xb3: {  	s25 =	simm.s32 $0x580;
	[sflag:s0] =	ssyncadd.s32 $0xFFFFF000  }
0xb4: {  	[tilespmem:s14], [sflag:$0x2] =	stream.indirect.gather [spmem:s3], $0x20, s25, s12, $0xb8;
	[tilespmem:$0x19A80] =	vst v63  }
0xb5: {  	_ =	swait.ge [sflag:s17], $0x1000  }
0xb6: {  	[sflag:s17] =	ssyncset.done $0x0  }
0xb7: {  	s26 =	simm.s32 $0x5700;
	[sflag:s17] =	ssyncadd.s32 $0xFFFFF000  }
0xb8: {  	[spmem:s1] =	stream.indirect.scatter.add.f32 [tilespmem:s2], [sflag:$0xA], $0x20, s26, s12, $0xb8;
	[tilespmem:$0x19A80] =	vst v63  }
0xb9: {  	_ =	swait.ge [sflag:s5], $0x1000  }
0xba: {  	[sflag:s5] =	ssyncset.done $0x0  }
0xbb: {  	s22 =	simm.s32 $0xA00;
	s23 =	simm.s32 $0x600;
	[sflag:s5] =	ssyncadd.s32 $0xFFFFF000  }
.LBB2_4:
0xbc: {  	[tilespmem:s16], [sflag:$0x3] =	stream.indirect.gather [spmem:s3], $0x20, s23, s12, $0xb8;
	[tilespmem:$0x19A80] =	vst v63  }
0xbd: {  	s23 =	smov.u32 s22  }
0xbe: {  	p0 =	sne.s32 s22, $0x12C00;
	s22 =	sadd.s32 $0xA00, s22;
	_ =	swait.ge [sflag:s9], $0x1000  }
0xbf: {  	s23 =	sshra.s32 s23, $0x2;
	[sflag:s9] =	ssyncset.done $0x0  }
0xc0: {  	s24 =	sadd.s32 $0x5500, s23;
	[sflag:s9] =	ssyncadd.s32 $0xFFFFF000  }
0xc1: {  	[spmem:s1] =	stream.indirect.scatter.add.f32 [tilespmem:s13], [sflag:$0x6], $0x20, s24, s12, $0xb8;
	[tilespmem:$0x19A80] =	vst v63  }
0xc2: {  	_ =	swait.ge [sflag:s31], $0x1000  }
0xc3: {  	[sflag:s31] =	ssyncset.done $0x0  }
0xc4: {  	s24 =	sadd.s32 $0x400, s23;
	[sflag:s31] =	ssyncadd.s32 $0xFFFFF000  }
0xc5: {  	[tilespmem:s18], [sflag:$0x4] =	stream.indirect.gather [spmem:s3], $0x20, s24, s12, $0xb8;
	[tilespmem:$0x19A80] =	vst v63  }
0xc6: {  	_ =	swait.ge [sflag:s30], $0x1000  }
0xc7: {  	[sflag:s30] =	ssyncset.done $0x0  }
0xc8: {  	s24 =	sadd.s32 $0x5580, s23;
	[sflag:s30] =	ssyncadd.s32 $0xFFFFF000  }
0xc9: {  	[spmem:s1] =	stream.indirect.scatter.add.f32 [tilespmem:s14], [sflag:$0x7], $0x20, s24, s12, $0xb8;
	[tilespmem:$0x19A80] =	vst v63  }
0xca: {  	_ =	swait.ge [sflag:s7], $0x1000  }
0xcb: {  	[sflag:s7] =	ssyncset.done $0x0  }
0xcc: {  	s24 =	sadd.s32 $0x480, s23;
	[sflag:s7] =	ssyncadd.s32 $0xFFFFF000  }
0xcd: {  	[tilespmem:s2], [sflag:$0x5] =	stream.indirect.gather [spmem:s3], $0x20, s24, s12, $0xb8;
	[tilespmem:$0x19A80] =	vst v63  }
0xce: {  	_ =	swait.ge [sflag:s4], $0x1000  }
0xcf: {  	[sflag:s4] =	ssyncset.done $0x0  }
0xd0: {  	s24 =	sadd.s32 $0x5600, s23;
	[sflag:s4] =	ssyncadd.s32 $0xFFFFF000  }
0xd1: {  	[spmem:s1] =	stream.indirect.scatter.add.f32 [tilespmem:s16], [sflag:$0x8], $0x20, s24, s12, $0xb8;
	[tilespmem:$0x19A80] =	vst v63  }
0xd2: {  	_ =	swait.ge [sflag:s15], $0x1000  }
0xd3: {  	[sflag:s15] =	ssyncset.done $0x0  }
0xd4: {  	s24 =	sadd.s32 $0x500, s23;
	[sflag:s15] =	ssyncadd.s32 $0xFFFFF000  }
0xd5: {  	[tilespmem:s13], [sflag:$0x1] =	stream.indirect.gather [spmem:s3], $0x20, s24, s12, $0xb8;
	[tilespmem:$0x19A80] =	vst v63  }
0xd6: {  	_ =	swait.ge [sflag:s10], $0x1000  }
0xd7: {  	[sflag:s10] =	ssyncset.done $0x0  }
0xd8: {  	s24 =	sadd.s32 $0x5680, s23;
	[sflag:s10] =	ssyncadd.s32 $0xFFFFF000  }
0xd9: {  	[spmem:s1] =	stream.indirect.scatter.add.f32 [tilespmem:s18], [sflag:$0x9], $0x20, s24, s12, $0xb8;
	[tilespmem:$0x19A80] =	vst v63  }
0xda: {  	_ =	swait.ge [sflag:s0], $0x1000  }
0xdb: {  	[sflag:s0] =	ssyncset.done $0x0  }
0xdc: {  	s24 =	sadd.s32 $0x580, s23;
	[sflag:s0] =	ssyncadd.s32 $0xFFFFF000  }
0xdd: {  	[tilespmem:s14], [sflag:$0x2] =	stream.indirect.gather [spmem:s3], $0x20, s24, s12, $0xb8;
	[tilespmem:$0x19A80] =	vst v63  }
0xde: {  	_ =	swait.ge [sflag:s17], $0x1000  }
0xdf: {  	[sflag:s17] =	ssyncset.done $0x0  }
.Ltmp1:
0xe0: {  	s24 =	sadd.s32 $0x5700, s23;
	[sflag:s17] =	ssyncadd.s32 $0xFFFFF000;
	(pc) =	sbr.rel @p0 .LBB2_4-.Ltmp1, $4  }
0xe1: {  	[spmem:s1] =	stream.indirect.scatter.add.f32 [tilespmem:s2], [sflag:$0xA], $0x20, s24, s12, $0xb8;
	[tilespmem:$0x19A80] =	vst v63  }
0xe2: {  	_ =	swait.ge [sflag:s5], $0x1000  }
0xe3: {  	[sflag:s5] =	ssyncset.done $0x0  }
0xe4: {  	s23 =	sadd.s32 $0x600, s23;
	[sflag:s5] =	ssyncadd.s32 $0xFFFFF000  }
0xe5: {  	[tilespmem:s16], [sflag:$0x3] =	stream.indirect.gather [spmem:s3], $0x20, s23, s12, $0xb8;
	[tilespmem:$0x19A80] =	vst v63  }
0xe6: {  	_ =	swait.ge [sflag:s9], $0x1000  }
0xe7: {  	[sflag:s9] =	ssyncset.done $0x0  }
0xe8: {  	[sflag:s9] =	ssyncadd.s32 $0xFFFFF000  }
0xe9: {  	_ =	swait.ge [sflag:s30], $0x1000  }
0xea: {  	[sflag:s30] =	ssyncset.done $0x0  }
0xeb: {  	[sflag:s30] =	ssyncadd.s32 $0xFFFFF000  }
0xec: {  	_ =	swait.ge [sflag:s4], $0x1000  }
0xed: {  	[sflag:s4] =	ssyncset.done $0x0  }
0xee: {  	[sflag:s4] =	ssyncadd.s32 $0xFFFFF000  }
0xef: {  	_ =	swait.ge [sflag:s31], $0x1000  }
0xf0: {  	[sflag:s31] =	ssyncset.done $0x0  }
0xf1: {  	[sflag:s31] =	ssyncadd.s32 $0xFFFFF000  }
0xf2: {  	_ =	swait.ge [sflag:s7], $0x1000  }
0xf3: {  	[sflag:s7] =	ssyncset.done $0x0  }
0xf4: {  	[sflag:s7] =	ssyncadd.s32 $0xFFFFF000  }
0xf5: {  	[bflag:$0x0] =	sbarrier.arrive $0xFFFF  }
0xf6: {  	s11 =	rddreg [dreg:$0x1b]  }
0xf7: {  	s21 =	rddreg [dreg:$0x7];
	s22 =	sshrl.u32 s11, $0x3  }
0xf8: {  	[hbm:s21@s28], [sflag:s20] =	dma.strided [spmem:s22@s10], $0x200, s9, $0x4   }
0xf9: {  	_ =	swait.ge [sflag:s6], $0x200  }
0xfa: {  	[sflag:s6] =	ssyncset.done $0x0;
	s24 =	rddreg [dreg:$0x1d]  }
0xfb: {  	[sflag:s6] =	ssyncadd.s32 $0xFFFFFE00;
	s23 =	sshrl.u32 s24, $0x3;
	s24 =	rddreg [dreg:$0x8]  }
0xfc: {  	[hbm:s24@s28], [sflag:s20] =	dma.strided [spmem:s23@s10], $0x200, s9, $0x4   }
0xfd: {  	_ =	swait.ge [sflag:s6], $0x200  }
0xfe: {  	[sflag:s6] =	ssyncset.done $0x0;
	s25 =	rddreg [dreg:$0x1e]  }
0xff: {  	[sflag:s6] =	ssyncadd.s32 $0xFFFFFE00;
	s24 =	sshrl.u32 s25, $0x3;
	s25 =	rddreg [dreg:$0x9]  }
0x100: {  	[hbm:s25@s28], [sflag:s20] =	dma.strided [spmem:s24@s10], $0x200, s9, $0x4   }
0x101: {  	_ =	swait.ge [sflag:s6], $0x200  }
0x102: {  	[sflag:s6] =	ssyncset.done $0x0;
	s26 =	rddreg [dreg:$0x1f]  }
0x103: {  	[sflag:s6] =	ssyncadd.s32 $0xFFFFFE00;
	s25 =	sshrl.u32 s26, $0x3;
	s26 =	rddreg [dreg:$0xa]  }
0x104: {  	[hbm:s26@s28], [sflag:s20] =	dma.strided [spmem:s25@s10], $0x200, s9, $0x4   }
0x105: {  	_ =	swait.ge [sflag:s6], $0x200  }
0x106: {  	s21 =	sld [smem:$0x7FC];
	_ =	sdelay $0x1  }
0x107: {  	[sflag:s6] =	ssyncset.done $0x0;
	s28 =	rddreg [dreg:$0xb]  }
0x108: {  	[sflag:s6] =	ssyncadd.s32 $0xFFFFFE00;
	s26 =	sshrl.u32 s21, $0x3;
	s21 =	simm.s32 $0x10  }
0x109: {  	[hbm:s28@s21], [sflag:s20] =	dma.strided [spmem:s26@s10], $0x200, s9, $0x4   }
0x10a: {  	_ =	swait.ge [sflag:s6], $0x200  }
0x10b: {  	[sflag:s6] =	ssyncset.done $0x0  }
0x10c: {  	[sflag:s6] =	ssyncadd.s32 $0xFFFFFE00  }
0x10d: {  	[spmem:s11] =	stream.linear.scatter [tilespmem:s8], [sflag:$0xB], $0x800, $0x38;
	[tilespmem:$0x19A80] =	vst v63  }
0x10e: {  	_ =	swait.ge [sflag:s6], $0x800  }
0x10f: {  	[sflag:s6] =	ssyncset.done $0x0  }
0x110: {  	[sflag:s6] =	ssyncadd.s32 $0xFFFFF800  }
0x111: {  	[spmem:s29] =	stream.linear.scatter [tilespmem:s8], [sflag:$0xB], $0x800, $0x38;
	[tilespmem:$0x19A80] =	vst v63  }
0x112: {  	_ =	swait.ge [sflag:s6], $0x800  }
0x113: {  	[sflag:s6] =	ssyncset.done $0x0  }
0x114: {  	s28 =	rddreg [dreg:$0x13];
	[sflag:s6] =	ssyncadd.s32 $0xFFFFF800  }
0x115: {  	[spmem:s28] =	stream.linear.scatter [tilespmem:s8], [sflag:$0xB], $0x800, $0x38;
	[tilespmem:$0x19A80] =	vst v63  }
0x116: {  	_ =	swait.ge [sflag:s6], $0x800  }
0x117: {  	[sflag:s6] =	ssyncset.done $0x0  }
0x118: {  	s28 =	rddreg [dreg:$0x14];
	[sflag:s6] =	ssyncadd.s32 $0xFFFFF800  }
0x119: {  	[spmem:s28] =	stream.linear.scatter [tilespmem:s8], [sflag:$0xB], $0x800, $0x38;
	[tilespmem:$0x19A80] =	vst v63  }
0x11a: {  	_ =	swait.ge [sflag:s6], $0x800  }
0x11b: {  	[sflag:s6] =	ssyncset.done $0x0  }
0x11c: {  	s28 =	rddreg [dreg:$0x15];
	[sflag:s6] =	ssyncadd.s32 $0xFFFFF800  }
0x11d: {  	[spmem:s28] =	stream.linear.scatter [tilespmem:s8], [sflag:$0xB], $0x800, $0x38;
	[tilespmem:$0x19A80] =	vst v63  }
0x11e: {  	_ =	swait.ge [sflag:s6], $0x800  }
0x11f: {  	[sflag:s6] =	ssyncset.done $0x0  }
0x120: {  	s28 =	rddreg [dreg:$0x16];
	[sflag:s6] =	ssyncadd.s32 $0xFFFFF800  }
0x121: {  	[spmem:s28] =	stream.linear.scatter [tilespmem:s8], [sflag:$0xB], $0x800, $0x38;
	[tilespmem:$0x19A80] =	vst v63  }
0x122: {  	_ =	swait.ge [sflag:s6], $0x800  }
0x123: {  	[sflag:s6] =	ssyncset.done $0x0  }
0x124: {  	s28 =	rddreg [dreg:$0x17];
	[sflag:s6] =	ssyncadd.s32 $0xFFFFF800  }
0x125: {  	[spmem:s28] =	stream.linear.scatter [tilespmem:s8], [sflag:$0xB], $0x800, $0x38;
	[tilespmem:$0x19A80] =	vst v63  }
0x126: {  	_ =	swait.ge [sflag:s6], $0x800  }
0x127: {  	[sflag:s6] =	ssyncset.done $0x0  }
0x128: {  	s28 =	rddreg [dreg:$0x18];
	[sflag:s6] =	ssyncadd.s32 $0xFFFFF800  }
0x129: {  	[spmem:s28] =	stream.linear.scatter [tilespmem:s8], [sflag:$0xB], $0x800, $0x38;
	[tilespmem:$0x19A80] =	vst v63  }
0x12a: {  	_ =	swait.ge [sflag:s6], $0x800  }
0x12b: {  	[sflag:s6] =	ssyncset.done $0x0  }
0x12c: {  	s28 =	rddreg [dreg:$0x19];
	[sflag:s6] =	ssyncadd.s32 $0xFFFFF800  }
0x12d: {  	[spmem:s28] =	stream.linear.scatter [tilespmem:s8], [sflag:$0xB], $0x800, $0x38;
	[tilespmem:$0x19A80] =	vst v63  }
0x12e: {  	_ =	swait.ge [sflag:s6], $0x800  }
0x12f: {  	[sflag:s6] =	ssyncset.done $0x0  }
0x130: {  	s28 =	rddreg [dreg:$0x1a];
	[sflag:s6] =	ssyncadd.s32 $0xFFFFF800  }
0x131: {  	[spmem:s28] =	stream.linear.scatter [tilespmem:s8], [sflag:$0xB], $0x800, $0x38;
	[tilespmem:$0x19A80] =	vst v63  }
0x132: {  	_ =	swait.ge [sflag:s6], $0x800  }
0x133: {  	s29 =	sld [smem:$0x7FB]  }
0x134: {  	[sflag:s6] =	ssyncset.done $0x0  }
0x135: {  	s28 =	rddreg [dreg:$0xc];
	[sflag:s6] =	ssyncadd.s32 $0xFFFFF800  }
0x136: {  	[spmem:s29@s10], [sflag:s20] =	dma.strided [hbm:s28@s21], $0xA00, s9, $0x4   }
0x137: {  	_ =	swait.ge [sflag:s6], $0xA00  }
0x138: {  	[sflag:s6] =	ssyncset.done $0x0  }
0x139: {  	[sflag:s6] =	ssyncadd.s32 $0xFFFFF600  }
0x13a: {  	s11 =	simm.s32 $0x0;
	[bflag:$0x0] =	sbarrier.arrive $0xFFFF  }
0x13b: {  	[tilespmem:s13], [sflag:$0x1] =	stream.indirect.gather [spmem:s3], $0x20, s11, s12, $0xb8;
	[tilespmem:$0x19A80] =	vst v63  }
0x13c: {  	_ = 	snop  }
0x13d: {  	[tilespmem:s14], [sflag:$0x2] =	stream.indirect.gather [spmem:s3], $0x20, s12, s12, $0xb8;
	[tilespmem:$0x19A80] =	vst v63  }
0x13e: {  	s21 =	simm.s32 $0x100  }
0x13f: {  	[tilespmem:s16], [sflag:$0x3] =	stream.indirect.gather [spmem:s3], $0x20, s21, s12, $0xb8;
	[tilespmem:$0x19A80] =	vst v63  }
0x140: {  	_ =	swait.ge [sflag:s9], $0x1000  }
0x141: {  	[sflag:s9] =	ssyncset.done $0x0  }
0x142: {  	s29 =	simm.s32 $0x5280;
	[sflag:s9] =	ssyncadd.s32 $0xFFFFF000  }
0x143: {  	[spmem:s1] =	stream.indirect.scatter.add.f32 [tilespmem:s13], [sflag:$0x6], $0x20, s29, s12, $0xb8;
	[tilespmem:$0x19A80] =	vst v63  }
0x144: {  	s21 =	simm.s32 $0x180  }
0x145: {  	[tilespmem:s18], [sflag:$0x4] =	stream.indirect.gather [spmem:s3], $0x20, s21, s12, $0xb8;
	[tilespmem:$0x19A80] =	vst v63  }
0x146: {  	_ =	swait.ge [sflag:s30], $0x1000  }
0x147: {  	[sflag:s30] =	ssyncset.done $0x0  }
0x148: {  	s29 =	simm.s32 $0x5300;
	[sflag:s30] =	ssyncadd.s32 $0xFFFFF000  }
0x149: {  	[spmem:s1] =	stream.indirect.scatter.add.f32 [tilespmem:s14], [sflag:$0x7], $0x20, s29, s12, $0xb8;
	[tilespmem:$0x19A80] =	vst v63  }
0x14a: {  	s21 =	simm.s32 $0x200  }
0x14b: {  	[tilespmem:s2], [sflag:$0x5] =	stream.indirect.gather [spmem:s3], $0x20, s21, s12, $0xb8;
	[tilespmem:$0x19A80] =	vst v63  }
0x14c: {  	_ =	swait.ge [sflag:s4], $0x1000  }
0x14d: {  	[sflag:s4] =	ssyncset.done $0x0  }
0x14e: {  	s29 =	simm.s32 $0x5380;
	[sflag:s4] =	ssyncadd.s32 $0xFFFFF000  }
0x14f: {  	[spmem:s1] =	stream.indirect.scatter.add.f32 [tilespmem:s16], [sflag:$0x8], $0x20, s29, s12, $0xb8;
	[tilespmem:$0x19A80] =	vst v63  }
0x150: {  	_ =	swait.ge [sflag:s15], $0x1000  }
0x151: {  	[sflag:s15] =	ssyncset.done $0x0  }
0x152: {  	s21 =	simm.s32 $0x280;
	[sflag:s15] =	ssyncadd.s32 $0xFFFFF000  }
0x153: {  	[tilespmem:s13], [sflag:$0x1] =	stream.indirect.gather [spmem:s3], $0x20, s21, s12, $0xb8;
	[tilespmem:$0x19A80] =	vst v63  }
0x154: {  	_ =	swait.ge [sflag:s10], $0x1000  }
0x155: {  	[sflag:s10] =	ssyncset.done $0x0  }
0x156: {  	s29 =	simm.s32 $0x5400;
	[sflag:s10] =	ssyncadd.s32 $0xFFFFF000  }
0x157: {  	[spmem:s1] =	stream.indirect.scatter.add.f32 [tilespmem:s18], [sflag:$0x9], $0x20, s29, s12, $0xb8;
	[tilespmem:$0x19A80] =	vst v63  }
0x158: {  	_ =	swait.ge [sflag:s0], $0x1000  }
0x159: {  	[sflag:s0] =	ssyncset.done $0x0  }
0x15a: {  	s21 =	simm.s32 $0x300;
	[sflag:s0] =	ssyncadd.s32 $0xFFFFF000  }
0x15b: {  	[tilespmem:s14], [sflag:$0x2] =	stream.indirect.gather [spmem:s3], $0x20, s21, s12, $0xb8;
	[tilespmem:$0x19A80] =	vst v63  }
0x15c: {  	_ =	swait.ge [sflag:s17], $0x1000  }
0x15d: {  	[sflag:s17] =	ssyncset.done $0x0  }
0x15e: {  	s29 =	simm.s32 $0x5480;
	[sflag:s17] =	ssyncadd.s32 $0xFFFFF000  }
0x15f: {  	[spmem:s1] =	stream.indirect.scatter.add.f32 [tilespmem:s2], [sflag:$0xA], $0x20, s29, s12, $0xb8;
	[tilespmem:$0x19A80] =	vst v63  }
0x160: {  	_ =	swait.ge [sflag:s5], $0x1000  }
0x161: {  	[sflag:s5] =	ssyncset.done $0x0  }
0x162: {  	s21 =	simm.s32 $0x380;
	[sflag:s5] =	ssyncadd.s32 $0xFFFFF000  }
0x163: {  	[tilespmem:s16], [sflag:$0x3] =	stream.indirect.gather [spmem:s3], $0x20, s21, s12, $0xb8;
	[tilespmem:$0x19A80] =	vst v63  }
0x164: {  	_ =	swait.ge [sflag:s9], $0x1000  }
0x165: {  	[sflag:s9] =	ssyncset.done $0x0  }
0x166: {  	s29 =	simm.s32 $0x5500;
	[sflag:s9] =	ssyncadd.s32 $0xFFFFF000  }
0x167: {  	[spmem:s1] =	stream.indirect.scatter.add.f32 [tilespmem:s13], [sflag:$0x6], $0x20, s29, s12, $0xb8;
	[tilespmem:$0x19A80] =	vst v63  }
0x168: {  	_ =	swait.ge [sflag:s31], $0x1000  }
0x169: {  	[sflag:s31] =	ssyncset.done $0x0  }
0x16a: {  	s11 =	simm.s32 $0x400;
	[sflag:s31] =	ssyncadd.s32 $0xFFFFF000  }
0x16b: {  	[tilespmem:s18], [sflag:$0x4] =	stream.indirect.gather [spmem:s3], $0x20, s11, s12, $0xb8;
	[tilespmem:$0x19A80] =	vst v63  }
0x16c: {  	_ =	swait.ge [sflag:s30], $0x1000  }
0x16d: {  	[sflag:s30] =	ssyncset.done $0x0  }
0x16e: {  	s29 =	simm.s32 $0x5580;
	[sflag:s30] =	ssyncadd.s32 $0xFFFFF000  }
0x16f: {  	[spmem:s1] =	stream.indirect.scatter.add.f32 [tilespmem:s14], [sflag:$0x7], $0x20, s29, s12, $0xb8;
	[tilespmem:$0x19A80] =	vst v63  }
0x170: {  	_ =	swait.ge [sflag:s7], $0x1000  }
0x171: {  	[sflag:s7] =	ssyncset.done $0x0  }
0x172: {  	s11 =	simm.s32 $0x480;
	[sflag:s7] =	ssyncadd.s32 $0xFFFFF000  }
0x173: {  	[tilespmem:s2], [sflag:$0x5] =	stream.indirect.gather [spmem:s3], $0x20, s11, s12, $0xb8;
	[tilespmem:$0x19A80] =	vst v63  }
0x174: {  	_ =	swait.ge [sflag:s4], $0x1000  }
0x175: {  	[sflag:s4] =	ssyncset.done $0x0  }
0x176: {  	s29 =	simm.s32 $0x5600;
	[sflag:s4] =	ssyncadd.s32 $0xFFFFF000  }
0x177: {  	[spmem:s1] =	stream.indirect.scatter.add.f32 [tilespmem:s16], [sflag:$0x8], $0x20, s29, s12, $0xb8;
	[tilespmem:$0x19A80] =	vst v63  }
0x178: {  	_ =	swait.ge [sflag:s15], $0x1000  }
0x179: {  	[sflag:s15] =	ssyncset.done $0x0  }
0x17a: {  	s11 =	simm.s32 $0x500;
	[sflag:s15] =	ssyncadd.s32 $0xFFFFF000  }
0x17b: {  	[tilespmem:s13], [sflag:$0x1] =	stream.indirect.gather [spmem:s3], $0x20, s11, s12, $0xb8;
	[tilespmem:$0x19A80] =	vst v63  }
0x17c: {  	_ =	swait.ge [sflag:s10], $0x1000  }
0x17d: {  	[sflag:s10] =	ssyncset.done $0x0  }
0x17e: {  	s29 =	simm.s32 $0x5680;
	[sflag:s10] =	ssyncadd.s32 $0xFFFFF000  }
0x17f: {  	[spmem:s1] =	stream.indirect.scatter.add.f32 [tilespmem:s18], [sflag:$0x9], $0x20, s29, s12, $0xb8;
	[tilespmem:$0x19A80] =	vst v63  }
0x180: {  	_ =	swait.ge [sflag:s0], $0x1000  }
0x181: {  	[sflag:s0] =	ssyncset.done $0x0  }
0x182: {  	s11 =	simm.s32 $0x580;
	[sflag:s0] =	ssyncadd.s32 $0xFFFFF000  }
0x183: {  	[tilespmem:s14], [sflag:$0x2] =	stream.indirect.gather [spmem:s3], $0x20, s11, s12, $0xb8;
	[tilespmem:$0x19A80] =	vst v63  }
0x184: {  	_ =	swait.ge [sflag:s17], $0x1000  }
0x185: {  	[sflag:s17] =	ssyncset.done $0x0  }
0x186: {  	s29 =	simm.s32 $0x5700;
	[sflag:s17] =	ssyncadd.s32 $0xFFFFF000  }
0x187: {  	[spmem:s1] =	stream.indirect.scatter.add.f32 [tilespmem:s2], [sflag:$0xA], $0x20, s29, s12, $0xb8;
	[tilespmem:$0x19A80] =	vst v63  }
0x188: {  	_ =	swait.ge [sflag:s5], $0x1000  }
0x189: {  	[sflag:s5] =	ssyncset.done $0x0  }
0x18a: {  	s28 =	simm.s32 $0x600;
	s21 =	simm.s32 $0xA00;
	[sflag:s5] =	ssyncadd.s32 $0xFFFFF000  }
.LBB2_6:
0x18b: {  	[tilespmem:s16], [sflag:$0x3] =	stream.indirect.gather [spmem:s3], $0x20, s28, s12, $0xb8;
	[tilespmem:$0x19A80] =	vst v63  }
0x18c: {  	s28 =	smov.u32 s21  }
0x18d: {  	p0 =	sne.s32 s21, $0x12C00;
	s21 =	sadd.s32 $0xA00, s21;
	_ =	swait.ge [sflag:s9], $0x1000  }
0x18e: {  	s28 =	sshra.s32 s28, $0x2;
	[sflag:s9] =	ssyncset.done $0x0  }
0x18f: {  	s29 =	sadd.s32 $0x5500, s28;
	[sflag:s9] =	ssyncadd.s32 $0xFFFFF000  }
0x190: {  	[spmem:s1] =	stream.indirect.scatter.add.f32 [tilespmem:s13], [sflag:$0x6], $0x20, s29, s12, $0xb8;
	[tilespmem:$0x19A80] =	vst v63  }
0x191: {  	_ =	swait.ge [sflag:s31], $0x1000  }
0x192: {  	[sflag:s31] =	ssyncset.done $0x0  }
0x193: {  	s29 =	sadd.s32 $0x400, s28;
	[sflag:s31] =	ssyncadd.s32 $0xFFFFF000  }
0x194: {  	[tilespmem:s18], [sflag:$0x4] =	stream.indirect.gather [spmem:s3], $0x20, s29, s12, $0xb8;
	[tilespmem:$0x19A80] =	vst v63  }
0x195: {  	_ =	swait.ge [sflag:s30], $0x1000  }
0x196: {  	[sflag:s30] =	ssyncset.done $0x0  }
0x197: {  	s29 =	sadd.s32 $0x5580, s28;
	[sflag:s30] =	ssyncadd.s32 $0xFFFFF000  }
0x198: {  	[spmem:s1] =	stream.indirect.scatter.add.f32 [tilespmem:s14], [sflag:$0x7], $0x20, s29, s12, $0xb8;
	[tilespmem:$0x19A80] =	vst v63  }
0x199: {  	_ =	swait.ge [sflag:s7], $0x1000  }
0x19a: {  	[sflag:s7] =	ssyncset.done $0x0  }
0x19b: {  	s29 =	sadd.s32 $0x480, s28;
	[sflag:s7] =	ssyncadd.s32 $0xFFFFF000  }
0x19c: {  	[tilespmem:s2], [sflag:$0x5] =	stream.indirect.gather [spmem:s3], $0x20, s29, s12, $0xb8;
	[tilespmem:$0x19A80] =	vst v63  }
0x19d: {  	_ =	swait.ge [sflag:s4], $0x1000  }
0x19e: {  	[sflag:s4] =	ssyncset.done $0x0  }
0x19f: {  	s29 =	sadd.s32 $0x5600, s28;
	[sflag:s4] =	ssyncadd.s32 $0xFFFFF000  }
0x1a0: {  	[spmem:s1] =	stream.indirect.scatter.add.f32 [tilespmem:s16], [sflag:$0x8], $0x20, s29, s12, $0xb8;
	[tilespmem:$0x19A80] =	vst v63  }
0x1a1: {  	_ =	swait.ge [sflag:s15], $0x1000  }
0x1a2: {  	[sflag:s15] =	ssyncset.done $0x0  }
0x1a3: {  	s29 =	sadd.s32 $0x500, s28;
	[sflag:s15] =	ssyncadd.s32 $0xFFFFF000  }
0x1a4: {  	[tilespmem:s13], [sflag:$0x1] =	stream.indirect.gather [spmem:s3], $0x20, s29, s12, $0xb8;
	[tilespmem:$0x19A80] =	vst v63  }
0x1a5: {  	_ =	swait.ge [sflag:s10], $0x1000  }
0x1a6: {  	[sflag:s10] =	ssyncset.done $0x0  }
0x1a7: {  	s29 =	sadd.s32 $0x5680, s28;
	[sflag:s10] =	ssyncadd.s32 $0xFFFFF000  }
0x1a8: {  	[spmem:s1] =	stream.indirect.scatter.add.f32 [tilespmem:s18], [sflag:$0x9], $0x20, s29, s12, $0xb8;
	[tilespmem:$0x19A80] =	vst v63  }
0x1a9: {  	_ =	swait.ge [sflag:s0], $0x1000  }
0x1aa: {  	[sflag:s0] =	ssyncset.done $0x0  }
0x1ab: {  	s29 =	sadd.s32 $0x580, s28;
	[sflag:s0] =	ssyncadd.s32 $0xFFFFF000  }
0x1ac: {  	[tilespmem:s14], [sflag:$0x2] =	stream.indirect.gather [spmem:s3], $0x20, s29, s12, $0xb8;
	[tilespmem:$0x19A80] =	vst v63  }
0x1ad: {  	_ =	swait.ge [sflag:s17], $0x1000  }
0x1ae: {  	[sflag:s17] =	ssyncset.done $0x0  }
.Ltmp2:
0x1af: {  	s29 =	sadd.s32 $0x5700, s28;
	[sflag:s17] =	ssyncadd.s32 $0xFFFFF000;
	(pc) =	sbr.rel @p0 .LBB2_6-.Ltmp2, $4  }
0x1b0: {  	[spmem:s1] =	stream.indirect.scatter.add.f32 [tilespmem:s2], [sflag:$0xA], $0x20, s29, s12, $0xb8;
	[tilespmem:$0x19A80] =	vst v63  }
0x1b1: {  	_ =	swait.ge [sflag:s5], $0x1000  }
0x1b2: {  	[sflag:s5] =	ssyncset.done $0x0  }
0x1b3: {  	s28 =	sadd.s32 $0x600, s28;
	[sflag:s5] =	ssyncadd.s32 $0xFFFFF000  }
0x1b4: {  	[tilespmem:s16], [sflag:$0x3] =	stream.indirect.gather [spmem:s3], $0x20, s28, s12, $0xb8;
	[tilespmem:$0x19A80] =	vst v63  }
0x1b5: {  	_ =	swait.ge [sflag:s9], $0x1000  }
0x1b6: {  	[sflag:s9] =	ssyncset.done $0x0  }
0x1b7: {  	[sflag:s9] =	ssyncadd.s32 $0xFFFFF000  }
0x1b8: {  	_ =	swait.ge [sflag:s30], $0x1000  }
0x1b9: {  	[sflag:s30] =	ssyncset.done $0x0  }
0x1ba: {  	[sflag:s30] =	ssyncadd.s32 $0xFFFFF000  }
0x1bb: {  	_ =	swait.ge [sflag:s4], $0x1000  }
0x1bc: {  	[sflag:s4] =	ssyncset.done $0x0  }
0x1bd: {  	[sflag:s4] =	ssyncadd.s32 $0xFFFFF000  }
0x1be: {  	_ =	swait.ge [sflag:s31], $0x1000  }
0x1bf: {  	[sflag:s31] =	ssyncset.done $0x0  }
0x1c0: {  	[sflag:s31] =	ssyncadd.s32 $0xFFFFF000  }
0x1c1: {  	_ =	swait.ge [sflag:s7], $0x1000  }
0x1c2: {  	[sflag:s7] =	ssyncset.done $0x0  }
0x1c3: {  	[sflag:s7] =	ssyncadd.s32 $0xFFFFF000  }
0x1c4: {  	[bflag:$0x0] =	sbarrier.arrive $0xFFFF  }
0x1c5: {  	s28 =	simm.s32 $0x10;
	s21 =	rddreg [dreg:$0xd]  }
0x1c6: {  	[hbm:s21@s28], [sflag:s20] =	dma.strided [spmem:s22@s10], $0x200, s9, $0x4   }
0x1c7: {  	_ =	swait.ge [sflag:s6], $0x200  }
0x1c8: {  	[sflag:s6] =	ssyncset.done $0x0  }
0x1c9: {  	s22 =	rddreg [dreg:$0xe];
	[sflag:s6] =	ssyncadd.s32 $0xFFFFFE00  }
0x1ca: {  	[hbm:s22@s28], [sflag:s20] =	dma.strided [spmem:s23@s10], $0x200, s9, $0x4   }
0x1cb: {  	_ =	swait.ge [sflag:s6], $0x200  }
0x1cc: {  	[sflag:s6] =	ssyncset.done $0x0  }
0x1cd: {  	s23 =	rddreg [dreg:$0xf];
	[sflag:s6] =	ssyncadd.s32 $0xFFFFFE00  }
0x1ce: {  	[hbm:s23@s28], [sflag:s20] =	dma.strided [spmem:s24@s10], $0x200, s9, $0x4   }
0x1cf: {  	_ =	swait.ge [sflag:s6], $0x200  }
0x1d0: {  	[sflag:s6] =	ssyncset.done $0x0  }
0x1d1: {  	s24 =	rddreg [dreg:$0x10];
	[sflag:s6] =	ssyncadd.s32 $0xFFFFFE00  }
0x1d2: {  	[hbm:s24@s28], [sflag:s20] =	dma.strided [spmem:s25@s10], $0x200, s9, $0x4   }
0x1d3: {  	_ =	swait.ge [sflag:s6], $0x200  }
0x1d4: {  	[sflag:s6] =	ssyncset.done $0x0  }
0x1d5: {  	s25 =	rddreg [dreg:$0x11];
	[sflag:s6] =	ssyncadd.s32 $0xFFFFFE00  }
0x1d6: {  	[hbm:s25@s28], [sflag:s20] =	dma.strided [spmem:s26@s10], $0x200, s9, $0x4   }
0x1d7: {  	_ =	swait.ge [sflag:s6], $0x200  }
0x1d8: {  	s11 =	sld [smem:$0x7FD];
	_ =	sdelay $0x1  }
0x1d9: {  	s19 =	sadd.s32 $0x1, s19  }
0x1da: {  	p0 =	sne.s32 s19, s11  }
.Ltmp3:
0x1db: {  	_ = 	snop;
	(pc) =	sbr.rel @p0 .LBB2_1-.Ltmp3, $3  }
0x1dc: {  	_ =	sdelay $0x1  }
0x1dd: {  	[sflag:s6] =	ssyncset.done $0x0  }
0x1de: {  	s29 =	rddreg [dreg:$0x12];
	[sflag:s6] =	ssyncadd.s32 $0xFFFFFE00  }
0x1df: {  	_ =	sfence.sel $0x180000  }
0x1e0: {  	[bflag:$0x0] =	sbarrier.arrive $0xFFFF  }
0x1e1: {  	_ =	strace $0x9000004D  }
0x1e2: {  	s0 =	stileid.u32;
	[bflag:$0x2] =	sbarrier.arrive $0xFFFF  }
0x1e3: {  	p0 =	sne.s32 s0, $0x0;
	s0 =	rddreg [dreg:$0x3]  }
0x1e4: {  	s0 =	sadd.s32 @!p0 $0x100000, s0  }
0x1e5: {  	[sflag:s0] =	ssyncadd.tile.s32 @!p0 $0x1;
	_ =	shalt  }
.Lfunc_end2:
_tile_overlayer_lowered:
.L_overlay_start_2:
0x1e6: {  	(tag) =	ssettag $0x2  }
0x1e7: {  	s0 =	rddreg [dreg:$0x0];
	s2 =	stileid.u32  }
0x1e8: {  	s1 =	rddreg [dreg:$0x1];
	p0 =	sne.s32 s2, $0x0  }
0x1e9: {  	s3 =	rddreg [dreg:$0x2];
	[bflag:$0x3] =	sbarrier.arrive $0xFFFF;
	s2 =	simm.s32 @!p0 $0x1C0B  }
0x1ea: {  	[timem:s3], [sflag:s2] =	dma.local @!p0 [hbm:s0], s1  }
0x1eb: {  	s0 =	simm.s32 @!p0 $0xB  }
0x1ec: {  	_ =	swait.ge @!p0 [sflag:s0], s1  }
0x1ed: {  	s1 =	ssub.s32 @!p0 $0x0, s1;
	[sflag:s0] =	ssyncset.done @!p0 $0x0  }
0x1ee: {  	[sflag:s0] =	ssyncadd.s32 @!p0 s1  }
0x1ef: {  	[bflag:$0x3] =	sbarrier.arrive $0xFFFF  }
0x1f0: {  	_ =	shalt  }

// kernel: kernel.9.cloned.1.call-start
scs
__scs_entry_jumppad:
0x0: {  	(pc) =	sbr.rel $0x88, $3  }
0x1: {  	(tag) =	ssettag $0x0;
	lr =	simm.s32 $0x1  }
0x2: {  	[smem:$0x3F95] =	sst lr;
	_ =	strace $0xD0000000  }
0x3: {  	_ = 	snop  }
0x4: {  	_ = 	snop  }
0x5: {  	_ = 	snop  }
0x6: {  	_ = 	snop  }
0x7: {  	_ = 	snop  }
__scs_overlays_trampoline_lowered:
0x8: {  	[smem:$0x3FA4] =	sst s0  }
0x9: {  	[smem:$0x3FA5] =	sst s1  }
0xa: {  	[smem:$0x3FA6] =	sst s2  }
0xb: {  	[smem:$0x3FA7] =	sst s3  }
0xc: {  	[smem:$0x3FA8] =	sst s4  }
0xd: {  	[smem:$0x3FA9] =	sst s5  }
0xe: {  	[smem:$0x3FAA] =	sst s6  }
0xf: {  	[smem:$0x3FAB] =	sst s7  }
0x10: {  	[smem:$0x3FAC] =	sst s8  }
0x11: {  	[smem:$0x3FAD] =	sst s9;
	s0 =	simm.s32 @!p0 $0x0  }
0x12: {  	s1 =	sld [smem:$0x3F93];
	s0 =	simm.s32 @p0 $0x1  }
0x13: {  	[smem:$0x3FAE] =	sst s0;
	s0 =	simm.s32 @!p1 $0x0  }
0x14: {  	s2 =	sld [smem:$0x3F92];
	s0 =	simm.s32 @p1 $0x1  }
0x15: {  	[smem:$0x3FAF] =	sst s0;
	s0 =	simm.s32 @!p2 $0x0  }
0x16: {  	s3 =	sld [smem:$0x3FDB];
	s0 =	simm.s32 @p2 $0x1  }
0x17: {  	s4 =	simm.s32 $0x1BF5;
	[smem:$0x3FB1] =	sst s0  }
0x18: {  	s0 =	sld [smem:$0x3F94];
	_ =	swait.ge [sflag:s4], $0x0  }
0x19: {  	s7 =	sld [smem:$0x3F95]  }
0x1a: {  	s8 =	sadd.s32 $0xFFFFE003, lr  }
0x1b: {  	s9 =	sadd.s32 $0xFFFFFEF7, lr;
	s5 =	simm.s32 $0xFFFFFFFF;
	p2 =	slt.u32 s8, $0xFFFFF086  }
0x1c: {  	p1 =	slt.u32 s9, $0xF7A;
	s5 =	simm.s32 @!p2 $0x0  }
0x1d: {  	s5 =	simm.s32 @p1 $0x1;
	p0 =	seq.s32 s7, s2  }
0x1e: {  	s7 =	smul.u32 @!p0 $0xF7A, s2;
	p2 =	seq.s32 @!p0 s5, $0x0  }
0x1f: {  	s9 =	smul.u32 $0xF7A, s1;
	s8 =	simm.s32 @!p0 $0x1BF5;
	p2 =	por !p2, p0  }
0x20: {  	[sflag:s8] =	ssyncset.s32 @!p0 $0xFFFFF086;
	s6 =	sadd.s32 @!p0 s3, s7;
	s7 =	simm.s32 @!p0 $0x108  }
0x21: {  	s3 =	sadd.s32 s3, s9;
	s6 =	sadd.s32 @!p0 $0x88, s6;
	s7 =	simm.s32 @p2 $0x1082  }
0x22: {  	[simem:s7], [sflag:s8] =	dma.local @!p0 [hbm:s6], $0xF7A  }
0x23: {  	s9 =	sor.u32 $0xD0000000, s2;
	s6 =	simm.s32 $0x108;
	_ =	swait.ge @!p0 [sflag:s8], $0x0  }
0x24: {  	s3 =	sadd.s32 $0x88, s3;
	s6 =	simm.s32 @!p1 $0x1082;
	[sflag:s4] =	ssyncset.s32 $0xFFFFF086  }
0x25: {  	[simem:s6], [sflag:s4] =	dma.local [hbm:s3], $0xF7A  }
0x26: {  	[smem:$0x3F95] =	sst s1;
	(tag) =	ssettag s2;
	_ =	strace s9  }
0x27: {  	s1 =	sld [smem:$0x3FA5]  }
0x28: {  	s2 =	sld [smem:$0x3FA6]  }
0x29: {  	s4 =	sld [smem:$0x3FA8]  }
0x2a: {  	p0 =	seq.s32 s5, $0x0;
	s5 =	sld [smem:$0x3FA9]  }
0x2b: {  	s6 =	sld [smem:$0x3FAA]  }
0x2c: {  	s7 =	sld [smem:$0x3FAB]  }
0x2d: {  	s3 =	simm.s32 $0x108;
	s8 =	sld [smem:$0x3FAC]  }
0x2e: {  	s3 =	simm.s32 @!p0 $0x1082;
	s9 =	sld [smem:$0x3FAD]  }
0x2f: {  	lr =	sadd.s32 s0, s3;
	s0 =	sld [smem:$0x3FA4]  }
0x30: {  	s3 =	sld [smem:$0x3FA7]  }
0x31: {  	[smem:$0x3FB0] =	sst s10  }
0x32: {  	s10 =	sld [smem:$0x3FAE];
	_ =	sdelay $0x3  }
0x33: {  	p0 =	seq.s32 s10, $0x1;
	s10 =	sld [smem:$0x3FB0];
	_ =	sdelay $0x3  }
0x34: {  	[smem:$0x3FB0] =	sst s10  }
0x35: {  	s10 =	sld [smem:$0x3FAF];
	_ =	sdelay $0x3  }
0x36: {  	p1 =	seq.s32 s10, $0x1;
	s10 =	sld [smem:$0x3FB0];
	_ =	sdelay $0x3  }
0x37: {  	[smem:$0x3FB0] =	sst s10  }
0x38: {  	s10 =	sld [smem:$0x3FB1]  }
0x39: {  	_ = 	snop;
	(pc) =	sbr.ind lr, $3  }
0x3a: {  	_ = 	snop  }
0x3b: {  	_ = 	snop  }
0x3c: {  	p2 =	seq.s32 s10, $0x1;
	s10 =	sld [smem:$0x3FB0]  }
0x3d: {  	_ =	shalt  }
0x3e: {  	_ =	shalt  }
0x3f: {  	_ =	shalt  }
0x40: {  	_ =	shalt  }
0x41: {  	_ =	shalt  }
0x42: {  	_ =	shalt  }
0x43: {  	_ =	shalt  }
0x44: {  	_ =	shalt  }
0x45: {  	_ =	shalt  }
0x46: {  	_ =	shalt  }
0x47: {  	_ =	shalt  }
0x48: {  	_ =	shalt  }
0x49: {  	_ =	shalt  }
0x4a: {  	_ =	shalt  }
0x4b: {  	_ =	shalt  }
0x4c: {  	_ =	shalt  }
0x4d: {  	_ =	shalt  }
0x4e: {  	_ =	shalt  }
0x4f: {  	_ =	shalt  }
0x50: {  	_ =	shalt  }
0x51: {  	_ =	shalt  }
0x52: {  	_ =	shalt  }
0x53: {  	_ =	shalt  }
0x54: {  	_ =	shalt  }
0x55: {  	_ =	shalt  }
0x56: {  	_ =	shalt  }
0x57: {  	_ =	shalt  }
0x58: {  	_ =	shalt  }
0x59: {  	_ =	shalt  }
0x5a: {  	_ =	shalt  }
0x5b: {  	_ =	shalt  }
0x5c: {  	_ =	shalt  }
0x5d: {  	_ =	shalt  }
0x5e: {  	_ =	shalt  }
0x5f: {  	_ =	shalt  }
0x60: {  	_ =	shalt  }
0x61: {  	_ =	shalt  }
0x62: {  	_ =	shalt  }
0x63: {  	_ =	shalt  }
0x64: {  	_ =	shalt  }
0x65: {  	_ =	shalt  }
0x66: {  	_ =	shalt  }
0x67: {  	_ =	shalt  }
0x68: {  	_ =	shalt  }
0x69: {  	_ =	shalt  }
0x6a: {  	_ =	shalt  }
0x6b: {  	_ =	shalt  }
0x6c: {  	_ =	shalt  }
0x6d: {  	_ =	shalt  }
0x6e: {  	_ =	shalt  }
0x6f: {  	_ =	shalt  }
0x70: {  	_ =	shalt  }
0x71: {  	_ =	shalt  }
0x72: {  	_ =	shalt  }
0x73: {  	_ =	shalt  }
0x74: {  	_ =	shalt  }
0x75: {  	_ =	shalt  }
0x76: {  	_ =	shalt  }
0x77: {  	_ =	shalt  }
0x78: {  	_ =	shalt  }
0x79: {  	_ =	shalt  }
0x7a: {  	_ =	shalt  }
0x7b: {  	_ =	shalt  }
0x7c: {  	_ =	shalt  }
0x7d: {  	_ =	shalt  }
0x7e: {  	_ =	shalt  }
0x7f: {  	_ =	shalt  }
0x80: {  	_ =	shalt  }
0x81: {  	_ =	shalt  }
0x82: {  	_ =	shalt  }
0x83: {  	_ =	shalt  }
0x84: {  	_ =	shalt  }
0x85: {  	_ =	shalt  }
0x86: {  	_ =	shalt  }
0x87: {  	_ =	shalt  }
.Lfunc_end0:
.L_simem_size_0:
called_computation_lowered:
.L_overlay_start_0:
0x88: {  	s2 =	sld [smem:$0x3FD9]  }
0x89: {  	s3 =	sld [smem:$0x3FFE];
	_ =	sdelay $0x1  }
0x8a: {  	s1 =	srdreg.scid  }
0x8b: {  	s0 =	sand.u32 $0x1, s1  }
0x8c: {  	s16 =	sshll.u32 s0, $0xA;
	s2 =	sadd.s32 s3, s2  }
0x8d: {  	s2 =	sadd.s32 s2, s16  }
0x8e: {  	[smem:$0x3FBC] =	sst s2  }
0x8f: {  	_ = 	snop  }
0x90: {  	(tm) =	ssettm $0x1  }
0x91: {  	s17 =	sld [smem:$0x3FFB];
	_ =	sdelay $0x3  }
0x92: {  	_ =	strace s17  }
0x93: {  	s2 =	sld [smem:$0x3FFC];
	_ =	sdelay $0x3  }
0x94: {  	_ =	strace s2  }
0x95: {  	s2 =	sld [smem:$0x3FFD];
	_ =	sdelay $0x3  }
0x96: {  	_ =	strace s2  }
0x97: {  	_ =	strace $0x8FFFFFFF  }
0x98: {  	s18 =	sld [smem:$0x3FDB];
	_ =	sdelay $0x1  }
0x99: {  	s19 =	simm.s32 $_scs_section_size  }
0x9a: {  	s4 =	simm.s32 $_size__tile_overlayer_lowered;
	s5 =	simm.s32 $_tile_overlayer_lowered  }
0x9b: {  	s22 =	simm.s32 $0x1BFF;
	s21 =	sshll.u32 s5, $0x1;
	s2 =	sadd.s32 s19, s18  }
0x9c: {  	s6 =	simm.s32 $0x0;
	s20 =	sshll.u32 s4, $0x1;
	s4 =	sadd.s32 s21, s2  }
0x9d: {  	[timem:s6], [sflag:s22] =	dma.local [hbm:s4], s20  }
0x9e: {  	_ =	swait.ge [sflag:s22], s20  }
0x9f: {  	s3 =	ssub.s32 $0x0, s20;
	[sflag:s22] =	ssyncset.done $0x0  }
0xa0: {  	[sflag:s22] =	ssyncadd.s32 s3;
	_ =	sdelay $0x1  }
0xa1: {  	s23 =	simm.s32 $0x1B8B  }
0xa2: {  	_ =	swait.ge [sflag:s23], $0x1  }
0xa3: {  	[sflag:s23] =	ssyncset.done $0x0  }
0xa4: {  	s25 =	simm.s32 $0x1B8E;
	s24 =	sld [smem:$0x3FFE];
	[sflag:s23] =	ssyncadd.s32 $0xFFFFFFFF  }
0xa5: {  	s26 =	simm.s32 $execute0_lowered;
	[smem:$0x3FD2] =	sst s25  }
0xa6: {  	s4 =	sshll.u32 s26, $0x1;
	_ =	strace $0x80000046;
	[dreg:$0x1] =	wrdreg $0xFFFFFFFF  }
0xa7: {  	s28 =	simm.s32 $_size_execute0_lowered;
	s2 =	sadd.s32 s2, s4;
	[dreg:$0x0] =	wrdreg $0x0  }
0xa8: {  	s4 =	sshll.u32 s28, $0x1;
	[dreg:$0x2] =	wrdreg s2  }
0xa9: {  	[dreg:$0x3] =	wrdreg s4  }
0xaa: {  	[dreg:$0x4] =	wrdreg $0xC0  }
0xab: {  	_ =	task [dreg:s6], $0x5FFFF  }
0xac: {  	[dreg:$0x1] =	wrdreg $0xFFFFFFFF  }
0xad: {  	[dreg:$0x0] =	wrdreg $0x60  }
0xae: {  	[dreg:$0x2] =	wrdreg s24  }
0xaf: {  	[dreg:$0x3] =	wrdreg $0x38000  }
0xb0: {  	[dreg:$0x4] =	wrdreg $0x9  }
0xb1: {  	_ =	task.clear_ibuf [dreg:s6], $0x5FFFF;
	_ =	strace $0x90000046  }
0xb2: {  	s29 =	simm.s32 $0x9;
	_ =	strace $0x80000048  }
0xb3: {  	_ =	swait.ge [sflag:s29], $0x1  }
0xb4: {  	[sflag:s29] =	ssyncadd.s32 $0xFFFFFFFF  }
0xb5: {  	_ =	strace $0x90000048  }
0xb6: {  	_ =	sfence  }
0xb7: {  	s30 =	sld [smem:$0x0];
	_ =	sdelay $0x2  }
0xb8: {  	s31 =	sshll.u32 s1, $0xD;
	s1 =	sshrl.u32 s1, $0x2  }
0xb9: {  	s3 =	sand.u32 $0x4000, s31;
	s1 =	sadd.s32 s1, s30  }
0xba: {  	s0 =	sor.u32 s3, s0;
	s1 =	sshll.u32 s1, $0x11  }
0xbb: {  	s0 =	sor.u32 s1, s0  }
0xbc: {  	s0 =	sadd.s32 $0x8F2B, s0  }
0xbd: {  	[sflag:s0] =	ssyncadd.remote.s32 $0x1  }
0xbe: {  	_ =	sfence.sel $0xFFFF  }
0xbf: {  	[dreg:$0x0] =	wrdreg $0xFFFFFFFF;
	(pc) =	sbr.abs _section_cstart, $3  }
0xc0: {  	[dreg:$0x1] =	wrdreg $0xFFFFFFFF  }
0xc1: {  	_ =	task.clear_ibuf [dreg:s6], $0x2FFFF;
	_ =	strace $0x9FFFFFFF  }
0xc2: {  	(tm) =	ssettm $0x7FFFFFFF  }
0xc3: {  	_ =	shalt  }
tec
execute0_lowered:
.L_overlay_start_1:
0x0: {  	(tag) =	ssettag $0x1  }
0x1: {  	s0 =	srdreg.scid;
	s4 =	rddreg [dreg:$0x0]  }
0x2: {  	s2 =	rddreg [dreg:$0x1];
	s1 =	stileid.u32;
	s3 =	simm.s32 $0x0  }
0x3: {  	s19 =	simm.s32 $0x2800;
	s6 =	sand.u32 $0x1, s0;
	s0 =	rddreg [dreg:$0x2]  }
0x4: {  	s20 =	simm.s32 $0x0;
	[smem:$0x7FF] =	sst s3;
	s9 =	smul.u32 $0x2800, s1  }
0x5: {  	s14 =	sadd.s32 $0xCA00, s4;
	s5 =	sshll.u32 s6, $0x4;
	_ =	strace $0x80000047  }
0x6: {  	s7 =	ssub.s32 $0x2, s6;
	s13 =	smul.u32 $0x28000, s6;
	s5 =	sor.u32 s1, s5  }
0x7: {  	s31 =	sshrl.u32 s7, $0x1;
	s10 =	sadd.s32 $0x800, s9;
	s12 =	sadd.s32 $0x1000, s9  }
0x8: {  	s16 =	sadd.s32 $0x1800, s9;
	s17 =	sadd.s32 $0x2000, s9;
	s5 =	smul.u32 $0x500, s5  }
0x9: {  	s15 =	ssub.s32 s7, s31;
	s6 =	sadd.s32 s10, s2;
	s7 =	sadd.s32 s12, s2  }
0xa: {  	s8 =	sadd.s32 s16, s2;
	s11 =	sadd.s32 s9, s13;
	s10 =	sadd.s32 s13, s10  }
0xb: {  	s12 =	sadd.s32 s13, s12;
	s16 =	sadd.s32 s13, s16;
	s13 =	sadd.s32 s13, s17  }
0xc: {  	s11 =	sshrl.u32 s11, $0x3;
	s18 =	sshrl.u32 s10, $0x3;
	s12 =	sshrl.u32 s12, $0x3  }
0xd: {  	s16 =	sshrl.u32 s16, $0x3;
	s15 =	smax.u32 s15, $0x1;
	s5 =	sadd.s32 s5, s4  }
0xe: {  	s10 =	sadd.s32 s14, s11;
	s11 =	sadd.s32 s14, s18;
	s12 =	sadd.s32 s14, s12  }
0xf: {  	s18 =	simm.s32 $0x80;
	s4 =	sadd.s32 $0x2A00, s5;
	s5 =	sadd.s32 s9, s2  }
0x10: {  	s9 =	sadd.s32 s17, s2;
	s17 =	sshrl.u32 s13, $0x3;
	s13 =	sadd.s32 s14, s16  }
0x11: {  	v0 =	vimm.f32 $1.000000000e+00;
	v1 =	vimm.f32 $0.0e+00;
	s16 =	simm.s32 $0x1;
	s14 =	sadd.s32 s14, s17;
	s17 =	simm.s32 $0x3000  }
.LBB2_1:
0x12: {  	[tilespmem:s3], [sflag:$0x1] =	stream.linear.gather [hbm4b:s4+s3], $0x2800, $0x38;
	[tilespmem:$0x6000] =	vst v63  }
0x13: {  	_ =	swait.ge [sflag:s16], $0x2800  }
0x14: {  	[sflag:s16] =	ssyncset.done $0x0  }
0x15: {  	s21 =	simm.s32 $0x0;
	[sflag:s16] =	ssyncadd.s32 $0xFFFFD800  }
.LBB2_2:
0x16: {  	p0 =	sne.s32 s21, $0x1FC0  }
.Ltmp0:
0x17: {  	_ = 	snop;
	(pc) =	sbr.rel @p0 .LBB2_2-.Ltmp0, $3  }
0x18: {  	_ =	sdelay $0x1  }
0x19: {  	s22 =	sshra.s32 s21, $0x2  }
0x1a: {  	s21 =	sadd.s32 $0x40, s21;
	[tilespmem:s22+$0x2800] =	vst v0  }
0x1b: {  	s21 =	simm.s32 $0x40;
	s22 =	simm.s32 $0x0  }
.LBB2_4:
0x1c: {  	p0 =	sne.s32 s21, $0x1FC0;
	[tilespmem:s22+$0x3000] =	vst v1;
	s22 =	smov.u32 s21;
	s21 =	sadd.s32 $0x40, s21  }
.Ltmp1:
0x1d: {  	(pc) =	sbr.rel @p0 .LBB2_4-.Ltmp1, $2  }
0x1e: {  	_ =	sdelay $0x2  }
0x1f: {  	s22 =	sshra.s32 s22, $0x2  }
0x20: {  	[tilespmem:s22+$0x3000] =	vst v1  }
0x21: {  	[spmem:s5] =	stream.linear.scatter [tilespmem:s17], [sflag:$0x1], $0x800, $0x38;
	[tilespmem:$0x6000] =	vst v63  }
0x22: {  	_ =	swait.ge [sflag:s16], $0x800  }
0x23: {  	[sflag:s16] =	ssyncset.done $0x0  }
0x24: {  	[sflag:s16] =	ssyncadd.s32 $0xFFFFF800  }
0x25: {  	[spmem:s6] =	stream.linear.scatter [tilespmem:s17], [sflag:$0x1], $0x800, $0x38;
	[tilespmem:$0x6000] =	vst v63  }
0x26: {  	_ =	swait.ge [sflag:s16], $0x800  }
0x27: {  	[sflag:s16] =	ssyncset.done $0x0  }
0x28: {  	[sflag:s16] =	ssyncadd.s32 $0xFFFFF800  }
0x29: {  	[spmem:s7] =	stream.linear.scatter [tilespmem:s17], [sflag:$0x1], $0x800, $0x38;
	[tilespmem:$0x6000] =	vst v63  }
0x2a: {  	_ =	swait.ge [sflag:s16], $0x800  }
0x2b: {  	[sflag:s16] =	ssyncset.done $0x0  }
0x2c: {  	[sflag:s16] =	ssyncadd.s32 $0xFFFFF800  }
0x2d: {  	[spmem:s8] =	stream.linear.scatter [tilespmem:s17], [sflag:$0x1], $0x800, $0x38;
	[tilespmem:$0x6000] =	vst v63  }
0x2e: {  	_ =	swait.ge [sflag:s16], $0x800  }
0x2f: {  	[sflag:s16] =	ssyncset.done $0x0  }
0x30: {  	[sflag:s16] =	ssyncadd.s32 $0xFFFFF800  }
0x31: {  	[spmem:s9] =	stream.linear.scatter [tilespmem:s17], [sflag:$0x1], $0x800, $0x38;
	[tilespmem:$0x6000] =	vst v63  }
0x32: {  	_ =	swait.ge [sflag:s16], $0x800  }
0x33: {  	[sflag:s16] =	ssyncset.done $0x0  }
0x34: {  	[sflag:s16] =	ssyncadd.s32 $0xFFFFF800  }
0x35: {  	s21 =	simm.s32 $0x0;
	[bflag:$0x0] =	sbarrier.arrive $0xFFFF  }
0x36: {  	[spmem:s2] =	stream.indirect.scatter.add.f32 [tilespmem:s19], [sflag:$0x1], $0x10, s21, s18, $0xb8;
	[tilespmem:$0x6000] =	vst v63  }
0x37: {  	_ =	swait.ge [sflag:s16], $0x800  }
0x38: {  	s21 =	simm.s32 $0x200;
	[sflag:s16] =	ssyncset.done $0x0  }
.LBB2_6:
0x39: {  	s22 =	sshra.s32 s21, $0x2;
	[sflag:s16] =	ssyncadd.s32 $0xFFFFF800;
	p0 =	sne.s32 s21, $0x9E00  }
0x3a: {  	[spmem:s2] =	stream.indirect.scatter.add.f32 [tilespmem:s19], [sflag:$0x1], $0x10, s22, s18, $0xb8;
	[tilespmem:$0x6000] =	vst v63  }
.Ltmp2:
0x3b: {  	_ = 	snop;
	(pc) =	sbr.rel @p0 .LBB2_6-.Ltmp2, $4  }
0x3c: {  	_ = 	snop  }
0x3d: {  	s21 =	sadd.s32 $0x200, s21  }
0x3e: {  	_ =	swait.ge [sflag:s16], $0x800  }
0x3f: {  	[sflag:s16] =	ssyncset.done $0x0  }
0x40: {  	[sflag:s16] =	ssyncadd.s32 $0xFFFFF800;
	s21 =	sshll.u32 s1, $0x6  }
0x41: {  	s22 =	sshrl.u32 s5, $0x3;
	[bflag:$0x0] =	sbarrier.arrive $0xFFFF;
	s21 =	sor.u32 $0x1C01, s21  }
0x42: {  	[hbm:s10], [sflag:s21] =	dma.local [spmem:s22], $0x100  }
0x43: {  	_ =	swait.ge [sflag:s16], $0x100  }
0x44: {  	[sflag:s16] =	ssyncset.done $0x0  }
0x45: {  	s28 =	sshrl.u32 s6, $0x3;
	[sflag:s16] =	ssyncadd.s32 $0xFFFFFF00  }
0x46: {  	[hbm:s11], [sflag:s21] =	dma.local [spmem:s28], $0x100  }
0x47: {  	_ =	swait.ge [sflag:s16], $0x100  }
0x48: {  	[sflag:s16] =	ssyncset.done $0x0  }
0x49: {  	s29 =	sshrl.u32 s7, $0x3;
	[sflag:s16] =	ssyncadd.s32 $0xFFFFFF00  }
0x4a: {  	[hbm:s12], [sflag:s21] =	dma.local [spmem:s29], $0x100  }
0x4b: {  	_ =	swait.ge [sflag:s16], $0x100  }
0x4c: {  	[sflag:s16] =	ssyncset.done $0x0  }
0x4d: {  	s30 =	sshrl.u32 s8, $0x3;
	[sflag:s16] =	ssyncadd.s32 $0xFFFFFF00  }
0x4e: {  	[hbm:s13], [sflag:s21] =	dma.local [spmem:s30], $0x100  }
0x4f: {  	s20 =	sadd.s32 $0x1, s20;
	_ =	swait.ge [sflag:s16], $0x100  }
0x50: {  	p0 =	sne.s32 s20, s15;
	[sflag:s16] =	ssyncset.done $0x0  }
.Ltmp3:
0x51: {  	s31 =	sshrl.u32 s9, $0x3;
	[sflag:s16] =	ssyncadd.s32 $0xFFFFFF00;
	(pc) =	sbr.rel @p0 .LBB2_1-.Ltmp3, $4  }
0x52: {  	[hbm:s14], [sflag:s21] =	dma.local [spmem:s31], $0x100  }
0x53: {  	_ =	swait.ge [sflag:s16], $0x100  }
0x54: {  	[sflag:s16] =	ssyncset.done $0x0  }
0x55: {  	[sflag:s16] =	ssyncadd.s32 $0xFFFFFF00  }
0x56: {  	_ =	sfence.sel $0x180000  }
0x57: {  	[bflag:$0x0] =	sbarrier.arrive $0xFFFF  }
0x58: {  	p0 =	sne.s32 s1, $0x0;
	_ =	strace $0x90000047  }
0x59: {  	s0 =	sadd.s32 @!p0 $0x100000, s0;
	[bflag:$0x2] =	sbarrier.arrive $0xFFFF  }
0x5a: {  	[sflag:s0] =	ssyncadd.tile.s32 @!p0 $0x1;
	_ =	shalt  }
.Lfunc_end2:
_tile_overlayer_lowered:
.L_overlay_start_2:
0x5b: {  	(tag) =	ssettag $0x2  }
0x5c: {  	s0 =	rddreg [dreg:$0x0];
	s2 =	stileid.u32  }
0x5d: {  	s1 =	rddreg [dreg:$0x1];
	p0 =	sne.s32 s2, $0x0  }
0x5e: {  	s3 =	rddreg [dreg:$0x2];
	[bflag:$0x3] =	sbarrier.arrive $0xFFFF;
	s2 =	simm.s32 @!p0 $0x1C01  }
0x5f: {  	[timem:s3], [sflag:s2] =	dma.local @!p0 [hbm:s0], s1  }
0x60: {  	s0 =	simm.s32 @!p0 $0x1  }
0x61: {  	_ =	swait.ge @!p0 [sflag:s0], s1  }
0x62: {  	s1 =	ssub.s32 @!p0 $0x0, s1;
	[sflag:s0] =	ssyncset.done @!p0 $0x0  }
0x63: {  	[sflag:s0] =	ssyncadd.s32 @!p0 s1  }
0x64: {  	[bflag:$0x3] =	sbarrier.arrive $0xFFFF  }
0x65: {  	_ =	shalt  }

</sc_bundles>
